<compile_context>
chip_gen: v7x
topology: tpu7x:2x2x1
jax: 0.10.2.dev20260603
libtpu: 0.0.44.dev20260713+nightly
codegen_flags: <defaults>
</compile_context>

<pallas_src>
import jax
import jax.numpy as jnp
from jax import lax
from jax.experimental import pallas as pl
from jax.experimental.pallas import tpu as pltpu
from jax.experimental.pallas import tpu_sc as plsc

B = 4
IN_SZ = 40962
OUT_SZ = 163842
D = 128
W = B * D
NEW = OUT_SZ - IN_SZ
NC, NS = 2, 16
NW = NC * NS

GPW = NEW // NW
K = 48
T = GPW // K

IPW = 1280
IK = 16
IC = IPW // IK
ITAIL = IN_SZ - NW * IPW

_mesh = plsc.VectorSubcoreMesh(
    core_axis_name="c", subcore_axis_name="s", num_cores=NC, num_subcores=NS)
_params = pltpu.CompilerParams(use_tc_tiling_on_sc=False)


def _upsample_body(xv_hbm, li_hbm, ri_hbm, out_hbm,
                   idx_l, idx_r, rl0, rr0, rl1, rr1, id0, id1,
                   s_g0, s_g1, s_o0, s_o1, s_ii0, s_ii1, s_io0, s_io1):
    wid = lax.axis_index("s") * NC + lax.axis_index("c")
    rls = (rl0, rl1)
    rrs = (rr0, rr1)
    ids = (id0, id1)
    gsems = (s_g0, s_g1)
    osems = (s_o0, s_o1)
    iisems = (s_ii0, s_ii1)
    iosems = (s_io0, s_io1)

    cl = pltpu.async_copy(li_hbm.at[pl.ds(wid * GPW, GPW)], idx_l, s_g0)
    cr = pltpu.async_copy(ri_hbm.at[pl.ds(wid * GPW, GPW)], idx_r, s_g1)
    cl.wait()
    cr.wait()

    def issue_gather(t, p):
        off = t * K
        pltpu.async_copy(xv_hbm.at[idx_l.at[pl.ds(off, K)]], rls[p], gsems[p])
        pltpu.async_copy(xv_hbm.at[idx_r.at[pl.ds(off, K)]], rrs[p], gsems[p])

    def wait_gather(p):
        pltpu.make_async_copy(xv_hbm.at[pl.ds(0, K)], rls[p], gsems[p]).wait()
        pltpu.make_async_copy(xv_hbm.at[pl.ds(0, K)], rrs[p], gsems[p]).wait()

    def issue_out(t, p):
        pltpu.async_copy(rls[p],
                         out_hbm.at[pl.ds(IN_SZ + wid * GPW + t * K, K)],
                         osems[p])

    def wait_out(p):
        pltpu.make_async_copy(xv_hbm.at[pl.ds(0, K)], rls[p], osems[p]).wait()

    def avg(p):
        rl, rr = rls[p], rrs[p]

        def row(i, carry):
            for j in range(W // 16):
                s = pl.ds(j * 16, 16)
                rl[i, s] = (rl[i, s] + rr[i, s]) * 0.5
            return carry

        lax.fori_loop(0, K, row, 0)

    def issue_id_in(c, p):
        pltpu.async_copy(xv_hbm.at[pl.ds(wid * IPW + c * IK, IK)], ids[p],
                         iisems[p])

    def wait_id_in(p):
        pltpu.make_async_copy(xv_hbm.at[pl.ds(0, IK)], ids[p],
                              iisems[p]).wait()

    def issue_id_out(c, p):
        pltpu.async_copy(ids[p], out_hbm.at[pl.ds(wid * IPW + c * IK, IK)],
                         iosems[p])

    def wait_id_out(p):
        pltpu.make_async_copy(xv_hbm.at[pl.ds(0, IK)], ids[p],
                              iosems[p]).wait()

    def step(t, p, first=False, last=None):
        q = 1 - p
        if not first:
            wait_out(q)
            wait_id_out(q)
        if last is None:
            issue_gather(t + 1, q)
            issue_id_in(t + 1, q)
        else:
            def _issue_next():
                issue_gather(t + 1, q)
                issue_id_in(t + 1, q)

            pl.when(jnp.logical_not(last))(_issue_next)
        wait_gather(p)
        avg(p)
        issue_out(t, p)
        wait_id_in(p)
        issue_id_out(t, p)

    issue_gather(0, 0)
    issue_id_in(0, 0)
    step(0, 0, first=True)
    step(1, 1)

    def two_steps(k, carry):
        t0 = 2 * k
        step(t0, 0)
        step(t0 + 1, 1, last=(k == T // 2 - 1))
        return carry

    lax.fori_loop(1, T // 2, two_steps, 0)

    wait_out(1)
    wait_id_out(1)

    @pl.when(wid == 0)
    def _tails():
        r0 = NW * IPW
        pltpu.sync_copy(xv_hbm.at[pl.ds(r0, ITAIL)], id0.at[pl.ds(0, ITAIL)])
        pltpu.sync_copy(id0.at[pl.ds(0, ITAIL)],
                        out_hbm.at[pl.ds(r0, ITAIL)])

_upsample = pl.kernel(
    _upsample_body,
    out_type=jax.ShapeDtypeStruct((OUT_SZ, W), jnp.float32),
    mesh=_mesh,
    compiler_params=_params,
    scratch_types=[
        pltpu.VMEM((GPW,), jnp.int32),
        pltpu.VMEM((GPW,), jnp.int32),
        pltpu.VMEM((K, W), jnp.float32),
        pltpu.VMEM((K, W), jnp.float32),
        pltpu.VMEM((K, W), jnp.float32),
        pltpu.VMEM((K, W), jnp.float32),
        pltpu.VMEM((IK, W), jnp.float32),
        pltpu.VMEM((IK, W), jnp.float32),
        pltpu.SemaphoreType.DMA,
        pltpu.SemaphoreType.DMA,
        pltpu.SemaphoreType.DMA,
        pltpu.SemaphoreType.DMA,
        pltpu.SemaphoreType.DMA,
        pltpu.SemaphoreType.DMA,
        pltpu.SemaphoreType.DMA,
        pltpu.SemaphoreType.DMA,
    ],
)


def kernel(x, left_idx, right_idx):
    xv = jnp.transpose(x, (1, 0, 2)).reshape(IN_SZ, W)
    li = left_idx[IN_SZ:].astype(jnp.int32)
    ri = right_idx[IN_SZ:].astype(jnp.int32)
    outv = _upsample(xv, li, ri)
    return jnp.transpose(outv.reshape(OUT_SZ, B, D), (1, 0, 2))

# --- scband reference (transcript-rebuilt; emitter-appended) ---
"""Pipeline reference for scband-interpolate-upsample-44272522887500 (READ-ONLY COPY).

The authoritative reference and input builder live on the scoring server;
editing this copy changes nothing except your own understanding.
"""

import jax, jax.numpy as jnp
import numpy as np

IN_RANK = 6
OUT_RANK = 7
IN_SIZE = 10 * 4**IN_RANK + 2   # 40962 vertices on rank-6 icosphere
OUT_SIZE = 10 * 4**OUT_RANK + 2  # 163842 vertices on rank-7 icosphere
BATCH = 4
D_FEAT = 128


def setup_inputs(seed: int = 0) -> dict:
    key = jax.random.key(seed)
    kx, _ = jax.random.split(key)
    x = jax.random.normal(kx, (BATCH, IN_SIZE, D_FEAT), dtype=jnp.float32)
    # Emulate icosphere midpoint-subdivision interpolation indices:
    # first IN_SIZE output vertices map to themselves; new vertices average two
    # coarse-level neighbor vertices (indices < IN_SIZE).
    rng = np.random.default_rng(0)
    left = np.arange(OUT_SIZE, dtype=np.int64)
    right = np.arange(OUT_SIZE, dtype=np.int64)
    left[IN_SIZE:] = rng.integers(0, IN_SIZE, size=OUT_SIZE - IN_SIZE, dtype=np.int64)
    right[IN_SIZE:] = rng.integers(0, IN_SIZE, size=OUT_SIZE - IN_SIZE, dtype=np.int64)
    return {"x": x, "left_idx": jnp.asarray(left), "right_idx": jnp.asarray(right)}


def reference(x, left_idx, right_idx):
    # (x[:, left_idx] + x[:, right_idx]) / 2
    return (jnp.take(x, left_idx, axis=1) + jnp.take(x, right_idx, axis=1)) / 2.0

if __name__ == "__main__":
    import jax
    _d = setup_inputs()
    print(jax.jit(kernel)(*tuple(_d.values())))

</pallas_src>

<mosaic_0001>
#map = affine_map<(d0, d1) -> (0, 0)>
#map1 = affine_map<(d0, d1) -> (0)>
module attributes {stable_mosaic.version = 14 : i64} {
  func.func @_upsample_body(%arg0: i32, %arg1: i32, %arg2: memref<40962x512xf32, #tpu.memory_space<hbm>>, %arg3: memref<122880xi32, #tpu.memory_space<hbm>>, %arg4: memref<122880xi32, #tpu.memory_space<hbm>>, %arg5: memref<163842x512xf32, #tpu.memory_space<hbm>>, %arg6: memref<3840xi32, #tpu.memory_space<vmem>>, %arg7: memref<3840xi32, #tpu.memory_space<vmem>>, %arg8: memref<48x512xf32, #tpu.memory_space<vmem>>, %arg9: memref<48x512xf32, #tpu.memory_space<vmem>>, %arg10: memref<48x512xf32, #tpu.memory_space<vmem>>, %arg11: memref<48x512xf32, #tpu.memory_space<vmem>>, %arg12: memref<16x512xf32, #tpu.memory_space<vmem>>, %arg13: memref<16x512xf32, #tpu.memory_space<vmem>>, %arg14: memref<!tpu.dma_semaphore, #tpu.memory_space<semaphore_mem>>, %arg15: memref<!tpu.dma_semaphore, #tpu.memory_space<semaphore_mem>>, %arg16: memref<!tpu.dma_semaphore, #tpu.memory_space<semaphore_mem>>, %arg17: memref<!tpu.dma_semaphore, #tpu.memory_space<semaphore_mem>>, %arg18: memref<!tpu.dma_semaphore, #tpu.memory_space<semaphore_mem>>, %arg19: memref<!tpu.dma_semaphore, #tpu.memory_space<semaphore_mem>>, %arg20: memref<!tpu.dma_semaphore, #tpu.memory_space<semaphore_mem>>, %arg21: memref<!tpu.dma_semaphore, #tpu.memory_space<semaphore_mem>>) attributes {dimension_semantics = [#tpu.dimension_semantics<core_parallel>, #tpu.dimension_semantics<subcore_parallel>], iteration_bounds = array<i64: 2, 16>, scalar_prefetch = 0 : i64, scratch_operands = 16 : i64, tpu.core_type = #tpu.core_type<sc_vector_subcore>, window_params = [{transform_indices = #map}, {transform_indices = #map1}, {transform_indices = #map1}, {transform_indices = #map}]} {
    %mul3A = arith.constant 2 : i32
    %mul3A_0 = arith.muli %arg1, %mul3A : i32
    %add3A = arith.addi %mul3A_0, %arg0 : i32
    %mul3A_1 = arith.constant 3840 : i32
    %mul3A_2 = arith.muli %add3A, %mul3A_1 : i32
    %dma_start3A = tpu.memref_slice %arg3[%mul3A_2] : memref<122880xi32, #tpu.memory_space<hbm>> -> memref<3840xi32, #tpu.memory_space<hbm>>
    %dma_start3A_3 = tpu.memref_slice %arg3[%mul3A_2] : memref<122880xi32, #tpu.memory_space<hbm>> -> memref<3840xi32, #tpu.memory_space<hbm>>
    tpu.enqueue_dma source(%dma_start3A_3 : memref<3840xi32, #tpu.memory_space<hbm>>) target(%arg6 : memref<3840xi32, #tpu.memory_space<vmem>>) target_semaphore(%arg14 : memref<!tpu.dma_semaphore, #tpu.memory_space<semaphore_mem>>)
    %mul3A_4 = arith.constant 3840 : i32
    %mul3A_5 = arith.muli %add3A, %mul3A_4 : i32
    %dma_start3A_6 = tpu.memref_slice %arg4[%mul3A_5] : memref<122880xi32, #tpu.memory_space<hbm>> -> memref<3840xi32, #tpu.memory_space<hbm>>
    %dma_start3A_7 = tpu.memref_slice %arg4[%mul3A_5] : memref<122880xi32, #tpu.memory_space<hbm>> -> memref<3840xi32, #tpu.memory_space<hbm>>
    tpu.enqueue_dma source(%dma_start3A_7 : memref<3840xi32, #tpu.memory_space<hbm>>) target(%arg7 : memref<3840xi32, #tpu.memory_space<vmem>>) target_semaphore(%arg15 : memref<!tpu.dma_semaphore, #tpu.memory_space<semaphore_mem>>)
    %dma_wait3A = tpu.memref_slice %arg3[%mul3A_2] : memref<122880xi32, #tpu.memory_space<hbm>> -> memref<3840xi32, #tpu.memory_space<hbm>>
    %dma_wait3A_8 = tpu.memref_slice %arg3[%mul3A_2] : memref<122880xi32, #tpu.memory_space<hbm>> -> memref<3840xi32, #tpu.memory_space<hbm>>
    tpu.wait_dma2 semaphore(%arg14 : memref<!tpu.dma_semaphore, #tpu.memory_space<semaphore_mem>>) src(%dma_wait3A_8 : memref<3840xi32, #tpu.memory_space<hbm>>) dst(%arg6 : memref<3840xi32, #tpu.memory_space<vmem>>)
    %dma_wait3A_9 = tpu.memref_slice %arg4[%mul3A_5] : memref<122880xi32, #tpu.memory_space<hbm>> -> memref<3840xi32, #tpu.memory_space<hbm>>
    %dma_wait3A_10 = tpu.memref_slice %arg4[%mul3A_5] : memref<122880xi32, #tpu.memory_space<hbm>> -> memref<3840xi32, #tpu.memory_space<hbm>>
    tpu.wait_dma2 semaphore(%arg15 : memref<!tpu.dma_semaphore, #tpu.memory_space<semaphore_mem>>) src(%dma_wait3A_10 : memref<3840xi32, #tpu.memory_space<hbm>>) dst(%arg7 : memref<3840xi32, #tpu.memory_space<vmem>>)
    %dma_start3A_11 = arith.constant 0 : i32
    %dma_start3A_12 = tpu.memref_slice %arg6[%dma_start3A_11] : memref<3840xi32, #tpu.memory_space<vmem>> -> memref<48xi32, #tpu.memory_space<vmem>>
    %dma_start3A_13 = arith.constant 0 : i32
    %dma_start3A_14 = arith.constant 0 : i32
    %dma_start3A_15 = tpu.memref_slice %arg2[%dma_start3A_13, %dma_start3A_14] : memref<40962x512xf32, #tpu.memory_space<hbm>> -> memref<40962x512xf32, #tpu.memory_space<hbm>>
    tpu.enqueue_indirect_dma source(%dma_start3A_15 : memref<40962x512xf32, #tpu.memory_space<hbm>>) target(%arg8 : memref<48x512xf32, #tpu.memory_space<vmem>>) offsets(%dma_start3A_12 : memref<48xi32, #tpu.memory_space<vmem>>) semaphore(%arg14 : memref<!tpu.dma_semaphore, #tpu.memory_space<semaphore_mem>>)
    %dma_start3A_16 = arith.constant 0 : i32
    %dma_start3A_17 = tpu.memref_slice %arg7[%dma_start3A_16] : memref<3840xi32, #tpu.memory_space<vmem>> -> memref<48xi32, #tpu.memory_space<vmem>>
    %dma_start3A_18 = arith.constant 0 : i32
    %dma_start3A_19 = arith.constant 0 : i32
    %dma_start3A_20 = tpu.memref_slice %arg2[%dma_start3A_18, %dma_start3A_19] : memref<40962x512xf32, #tpu.memory_space<hbm>> -> memref<40962x512xf32, #tpu.memory_space<hbm>>
    tpu.enqueue_indirect_dma source(%dma_start3A_20 : memref<40962x512xf32, #tpu.memory_space<hbm>>) target(%arg9 : memref<48x512xf32, #tpu.memory_space<vmem>>) offsets(%dma_start3A_17 : memref<48xi32, #tpu.memory_space<vmem>>) semaphore(%arg14 : memref<!tpu.dma_semaphore, #tpu.memory_space<semaphore_mem>>)
    %mul3A_21 = arith.constant 1280 : i32
    %mul3A_22 = arith.muli %add3A, %mul3A_21 : i32
    %add3A_23 = arith.constant 0 : i32
    %add3A_24 = arith.addi %mul3A_22, %add3A_23 : i32
    %dma_start3A_25 = arith.constant 0 : i32
    %dma_start3A_26 = tpu.memref_slice %arg2[%add3A_24, %dma_start3A_25] : memref<40962x512xf32, #tpu.memory_space<hbm>> -> memref<16x512xf32, #tpu.memory_space<hbm>>
    %dma_start3A_27 = arith.constant 0 : i32
    %dma_start3A_28 = tpu.memref_slice %arg2[%add3A_24, %dma_start3A_27] : memref<40962x512xf32, #tpu.memory_space<hbm>> -> memref<16x512xf32, #tpu.memory_space<hbm>>
    tpu.enqueue_dma source(%dma_start3A_28 : memref<16x512xf32, #tpu.memory_space<hbm>>) target(%arg12 : memref<16x512xf32, #tpu.memory_space<vmem>>) target_semaphore(%arg18 : memref<!tpu.dma_semaphore, #tpu.memory_space<semaphore_mem>>)
    %dma_start3A_29 = arith.constant 48 : i32
    %dma_start3A_30 = tpu.memref_slice %arg6[%dma_start3A_29] : memref<3840xi32, #tpu.memory_space<vmem>> -> memref<48xi32, #tpu.memory_space<vmem>>
    %dma_start3A_31 = arith.constant 0 : i32
    %dma_start3A_32 = arith.constant 0 : i32
    %dma_start3A_33 = tpu.memref_slice %arg2[%dma_start3A_31, %dma_start3A_32] : memref<40962x512xf32, #tpu.memory_space<hbm>> -> memref<40962x512xf32, #tpu.memory_space<hbm>>
    tpu.enqueue_indirect_dma source(%dma_start3A_33 : memref<40962x512xf32, #tpu.memory_space<hbm>>) target(%arg10 : memref<48x512xf32, #tpu.memory_space<vmem>>) offsets(%dma_start3A_30 : memref<48xi32, #tpu.memory_space<vmem>>) semaphore(%arg15 : memref<!tpu.dma_semaphore, #tpu.memory_space<semaphore_mem>>)
    %dma_start3A_34 = arith.constant 48 : i32
    %dma_start3A_35 = tpu.memref_slice %arg7[%dma_start3A_34] : memref<3840xi32, #tpu.memory_space<vmem>> -> memref<48xi32, #tpu.memory_space<vmem>>
    %dma_start3A_36 = arith.constant 0 : i32
    %dma_start3A_37 = arith.constant 0 : i32
    %dma_start3A_38 = tpu.memref_slice %arg2[%dma_start3A_36, %dma_start3A_37] : memref<40962x512xf32, #tpu.memory_space<hbm>> -> memref<40962x512xf32, #tpu.memory_space<hbm>>
    tpu.enqueue_indirect_dma source(%dma_start3A_38 : memref<40962x512xf32, #tpu.memory_space<hbm>>) target(%arg11 : memref<48x512xf32, #tpu.memory_space<vmem>>) offsets(%dma_start3A_35 : memref<48xi32, #tpu.memory_space<vmem>>) semaphore(%arg15 : memref<!tpu.dma_semaphore, #tpu.memory_space<semaphore_mem>>)
    %mul3A_39 = arith.constant 1280 : i32
    %mul3A_40 = arith.muli %add3A, %mul3A_39 : i32
    %add3A_41 = arith.constant 16 : i32
    %add3A_42 = arith.addi %mul3A_40, %add3A_41 : i32
    %dma_start3A_43 = arith.constant 0 : i32
    %dma_start3A_44 = tpu.memref_slice %arg2[%add3A_42, %dma_start3A_43] : memref<40962x512xf32, #tpu.memory_space<hbm>> -> memref<16x512xf32, #tpu.memory_space<hbm>>
    %dma_start3A_45 = arith.constant 0 : i32
    %dma_start3A_46 = tpu.memref_slice %arg2[%add3A_42, %dma_start3A_45] : memref<40962x512xf32, #tpu.memory_space<hbm>> -> memref<16x512xf32, #tpu.memory_space<hbm>>
    tpu.enqueue_dma source(%dma_start3A_46 : memref<16x512xf32, #tpu.memory_space<hbm>>) target(%arg13 : memref<16x512xf32, #tpu.memory_space<vmem>>) target_semaphore(%arg19 : memref<!tpu.dma_semaphore, #tpu.memory_space<semaphore_mem>>)
    %dma_wait3A_47 = arith.constant 0 : i32
    %dma_wait3A_48 = arith.constant 0 : i32
    %dma_wait3A_49 = tpu.memref_slice %arg2[%dma_wait3A_47, %dma_wait3A_48] : memref<40962x512xf32, #tpu.memory_space<hbm>> -> memref<48x512xf32, #tpu.memory_space<hbm>>
    %dma_wait3A_50 = arith.constant 0 : i32
    %dma_wait3A_51 = arith.constant 0 : i32
    %dma_wait3A_52 = tpu.memref_slice %arg2[%dma_wait3A_50, %dma_wait3A_51] : memref<40962x512xf32, #tpu.memory_space<hbm>> -> memref<48x512xf32, #tpu.memory_space<hbm>>
    tpu.wait_dma2 semaphore(%arg14 : memref<!tpu.dma_semaphore, #tpu.memory_space<semaphore_mem>>) src(%dma_wait3A_52 : memref<48x512xf32, #tpu.memory_space<hbm>>) dst(%arg8 : memref<48x512xf32, #tpu.memory_space<vmem>>)
    %dma_wait3A_53 = arith.constant 0 : i32
    %dma_wait3A_54 = arith.constant 0 : i32
    %dma_wait3A_55 = tpu.memref_slice %arg2[%dma_wait3A_53, %dma_wait3A_54] : memref<40962x512xf32, #tpu.memory_space<hbm>> -> memref<48x512xf32, #tpu.memory_space<hbm>>
    %dma_wait3A_56 = arith.constant 0 : i32
    %dma_wait3A_57 = arith.constant 0 : i32
    %dma_wait3A_58 = tpu.memref_slice %arg2[%dma_wait3A_56, %dma_wait3A_57] : memref<40962x512xf32, #tpu.memory_space<hbm>> -> memref<48x512xf32, #tpu.memory_space<hbm>>
    tpu.wait_dma2 semaphore(%arg14 : memref<!tpu.dma_semaphore, #tpu.memory_space<semaphore_mem>>) src(%dma_wait3A_58 : memref<48x512xf32, #tpu.memory_space<hbm>>) dst(%arg9 : memref<48x512xf32, #tpu.memory_space<vmem>>)
    %scan3A = arith.constant 0 : i32
    %scan3A_59 = arith.constant 0 : i32
    %scan3A_60 = arith.constant 48 : i32
    %scan3A_61 = arith.addi %scan3A_59, %scan3A_60 : i32
    %scan3A_62 = arith.constant 1 : i32
    scf.for %scan3A_180 = %scan3A_59 to %scan3A_61 step %scan3A_62  : i32 {
      %get3A = arith.index_cast %scan3A_180 : i32 to index
      %get3A_181 = arith.constant 0 : index
      %get3A_182 = tpu.vector_load %arg8[%get3A, %get3A_181] {strides = array<i32>} : memref<48x512xf32, #tpu.memory_space<vmem>>, vector<1x16xf32>,
      %get3A_183 = vector.shape_cast %get3A_182 : vector<1x16xf32> to vector<16xf32>
      %get3A_184 = arith.index_cast %scan3A_180 : i32 to index
      %get3A_185 = arith.constant 0 : index
      %get3A_186 = tpu.vector_load %arg9[%get3A_184, %get3A_185] {strides = array<i32>} : memref<48x512xf32, #tpu.memory_space<vmem>>, vector<1x16xf32>,
      %get3A_187 = vector.shape_cast %get3A_186 : vector<1x16xf32> to vector<16xf32>
      %add3A_188 = arith.addf %get3A_183, %get3A_187 : vector<16xf32>
      %mul3A_189 = arith.constant 5.000000e-01 : f32
      %mul3A_190 = vector.broadcast %mul3A_189 : f32 to vector<16xf32>
      %mul3A_191 = arith.mulf %add3A_188, %mul3A_190 : vector<16xf32>
      %swap3A = arith.index_cast %scan3A_180 : i32 to index
      %swap3A_192 = arith.constant 0 : index
      %swap3A_193 = tpu.vector_load %arg8[%swap3A, %swap3A_192] {strides = array<i32>} : memref<48x512xf32, #tpu.memory_space<vmem>>, vector<1x16xf32>,
      %swap3A_194 = vector.shape_cast %swap3A_193 : vector<1x16xf32> to vector<16xf32>
      %swap3A_195 = vector.shape_cast %mul3A_191 : vector<16xf32> to vector<1x16xf32>
      tpu.vector_store %arg8[%swap3A, %swap3A_192], %swap3A_195 {strides = array<i32>} : memref<48x512xf32, #tpu.memory_space<vmem>>, vector<1x16xf32>,
      %get3A_196 = arith.index_cast %scan3A_180 : i32 to index
      %get3A_197 = arith.constant 16 : index
      %get3A_198 = tpu.vector_load %arg8[%get3A_196, %get3A_197] {strides = array<i32>} : memref<48x512xf32, #tpu.memory_space<vmem>>, vector<1x16xf32>,
      %get3A_199 = vector.shape_cast %get3A_198 : vector<1x16xf32> to vector<16xf32>
      %get3A_200 = arith.index_cast %scan3A_180 : i32 to index
      %get3A_201 = arith.constant 16 : index
      %get3A_202 = tpu.vector_load %arg9[%get3A_200, %get3A_201] {strides = array<i32>} : memref<48x512xf32, #tpu.memory_space<vmem>>, vector<1x16xf32>,
      %get3A_203 = vector.shape_cast %get3A_202 : vector<1x16xf32> to vector<16xf32>
      %add3A_204 = arith.addf %get3A_199, %get3A_203 : vector<16xf32>
      %mul3A_205 = arith.constant 5.000000e-01 : f32
      %mul3A_206 = vector.broadcast %mul3A_205 : f32 to vector<16xf32>
      %mul3A_207 = arith.mulf %add3A_204, %mul3A_206 : vector<16xf32>
      %swap3A_208 = arith.index_cast %scan3A_180 : i32 to index
      %swap3A_209 = arith.constant 16 : index
      %swap3A_210 = tpu.vector_load %arg8[%swap3A_208, %swap3A_209] {strides = array<i32>} : memref<48x512xf32, #tpu.memory_space<vmem>>, vector<1x16xf32>,
      %swap3A_211 = vector.shape_cast %swap3A_210 : vector<1x16xf32> to vector<16xf32>
      %swap3A_212 = vector.shape_cast %mul3A_207 : vector<16xf32> to vector<1x16xf32>
      tpu.vector_store %arg8[%swap3A_208, %swap3A_209], %swap3A_212 {strides = array<i32>} : memref<48x512xf32, #tpu.memory_space<vmem>>, vector<1x16xf32>,
      %get3A_213 = arith.index_cast %scan3A_180 : i32 to index
      %get3A_214 = arith.constant 32 : index
      %get3A_215 = tpu.vector_load %arg8[%get3A_213, %get3A_214] {strides = array<i32>} : memref<48x512xf32, #tpu.memory_space<vmem>>, vector<1x16xf32>,
      %get3A_216 = vector.shape_cast %get3A_215 : vector<1x16xf32> to vector<16xf32>
      %get3A_217 = arith.index_cast %scan3A_180 : i32 to index
      %get3A_218 = arith.constant 32 : index
      %get3A_219 = tpu.vector_load %arg9[%get3A_217, %get3A_218] {strides = array<i32>} : memref<48x512xf32, #tpu.memory_space<vmem>>, vector<1x16xf32>,
      %get3A_220 = vector.shape_cast %get3A_219 : vector<1x16xf32> to vector<16xf32>
      %add3A_221 = arith.addf %get3A_216, %get3A_220 : vector<16xf32>
      %mul3A_222 = arith.constant 5.000000e-01 : f32
      %mul3A_223 = vector.broadcast %mul3A_222 : f32 to vector<16xf32>
      %mul3A_224 = arith.mulf %add3A_221, %mul3A_223 : vector<16xf32>
      %swap3A_225 = arith.index_cast %scan3A_180 : i32 to index
      %swap3A_226 = arith.constant 32 : index
      %swap3A_227 = tpu.vector_load %arg8[%swap3A_225, %swap3A_226] {strides = array<i32>} : memref<48x512xf32, #tpu.memory_space<vmem>>, vector<1x16xf32>,
      %swap3A_228 = vector.shape_cast %swap3A_227 : vector<1x16xf32> to vector<16xf32>
      %swap3A_229 = vector.shape_cast %mul3A_224 : vector<16xf32> to vector<1x16xf32>
      tpu.vector_store %arg8[%swap3A_225, %swap3A_226], %swap3A_229 {strides = array<i32>} : memref<48x512xf32, #tpu.memory_space<vmem>>, vector<1x16xf32>,
      %get3A_230 = arith.index_cast %scan3A_180 : i32 to index
      %get3A_231 = arith.constant 48 : index
      %get3A_232 = tpu.vector_load %arg8[%get3A_230, %get3A_231] {strides = array<i32>} : memref<48x512xf32, #tpu.memory_space<vmem>>, vector<1x16xf32>,
      %get3A_233 = vector.shape_cast %get3A_232 : vector<1x16xf32> to vector<16xf32>
      %get3A_234 = arith.index_cast %scan3A_180 : i32 to index
      %get3A_235 = arith.constant 48 : index
      %get3A_236 = tpu.vector_load %arg9[%get3A_234, %get3A_235] {strides = array<i32>} : memref<48x512xf32, #tpu.memory_space<vmem>>, vector<1x16xf32>,
      %get3A_237 = vector.shape_cast %get3A_236 : vector<1x16xf32> to vector<16xf32>
      %add3A_238 = arith.addf %get3A_233, %get3A_237 : vector<16xf32>
      %mul3A_239 = arith.constant 5.000000e-01 : f32
      %mul3A_240 = vector.broadcast %mul3A_239 : f32 to vector<16xf32>
      %mul3A_241 = arith.mulf %add3A_238, %mul3A_240 : vector<16xf32>
      %swap3A_242 = arith.index_cast %scan3A_180 : i32 to index
      %swap3A_243 = arith.constant 48 : index
      %swap3A_244 = tpu.vector_load %arg8[%swap3A_242, %swap3A_243] {strides = array<i32>} : memref<48x512xf32, #tpu.memory_space<vmem>>, vector<1x16xf32>,
      %swap3A_245 = vector.shape_cast %swap3A_244 : vector<1x16xf32> to vector<16xf32>
      %swap3A_246 = vector.shape_cast %mul3A_241 : vector<16xf32> to vector<1x16xf32>
      tpu.vector_store %arg8[%swap3A_242, %swap3A_243], %swap3A_246 {strides = array<i32>} : memref<48x512xf32, #tpu.memory_space<vmem>>, vector<1x16xf32>,
      %get3A_247 = arith.index_cast %scan3A_180 : i32 to index
      %get3A_248 = arith.constant 64 : index
      %get3A_249 = tpu.vector_load %arg8[%get3A_247, %get3A_248] {strides = array<i32>} : memref<48x512xf32, #tpu.memory_space<vmem>>, vector<1x16xf32>,
      %get3A_250 = vector.shape_cast %get3A_249 : vector<1x16xf32> to vector<16xf32>
      %get3A_251 = arith.index_cast %scan3A_180 : i32 to index
      %get3A_252 = arith.constant 64 : index
      %get3A_253 = tpu.vector_load %arg9[%get3A_251, %get3A_252] {strides = array<i32>} : memref<48x512xf32, #tpu.memory_space<vmem>>, vector<1x16xf32>,
      %get3A_254 = vector.shape_cast %get3A_253 : vector<1x16xf32> to vector<16xf32>
      %add3A_255 = arith.addf %get3A_250, %get3A_254 : vector<16xf32>
      %mul3A_256 = arith.constant 5.000000e-01 : f32
      %mul3A_257 = vector.broadcast %mul3A_256 : f32 to vector<16xf32>
      %mul3A_258 = arith.mulf %add3A_255, %mul3A_257 : vector<16xf32>
      %swap3A_259 = arith.index_cast %scan3A_180 : i32 to index
      %swap3A_260 = arith.constant 64 : index
      %swap3A_261 = tpu.vector_load %arg8[%swap3A_259, %swap3A_260] {strides = array<i32>} : memref<48x512xf32, #tpu.memory_space<vmem>>, vector<1x16xf32>,
      %swap3A_262 = vector.shape_cast %swap3A_261 : vector<1x16xf32> to vector<16xf32>
      %swap3A_263 = vector.shape_cast %mul3A_258 : vector<16xf32> to vector<1x16xf32>
      tpu.vector_store %arg8[%swap3A_259, %swap3A_260], %swap3A_263 {strides = array<i32>} : memref<48x512xf32, #tpu.memory_space<vmem>>, vector<1x16xf32>,
      %get3A_264 = arith.index_cast %scan3A_180 : i32 to index
      %get3A_265 = arith.constant 80 : index
      %get3A_266 = tpu.vector_load %arg8[%get3A_264, %get3A_265] {strides = array<i32>} : memref<48x512xf32, #tpu.memory_space<vmem>>, vector<1x16xf32>,
      %get3A_267 = vector.shape_cast %get3A_266 : vector<1x16xf32> to vector<16xf32>
      %get3A_268 = arith.index_cast %scan3A_180 : i32 to index
      %get3A_269 = arith.constant 80 : index
      %get3A_270 = tpu.vector_load %arg9[%get3A_268, %get3A_269] {strides = array<i32>} : memref<48x512xf32, #tpu.memory_space<vmem>>, vector<1x16xf32>,
      %get3A_271 = vector.shape_cast %get3A_270 : vector<1x16xf32> to vector<16xf32>
      %add3A_272 = arith.addf %get3A_267, %get3A_271 : vector<16xf32>
      %mul3A_273 = arith.constant 5.000000e-01 : f32
      %mul3A_274 = vector.broadcast %mul3A_273 : f32 to vector<16xf32>
      %mul3A_275 = arith.mulf %add3A_272, %mul3A_274 : vector<16xf32>
      %swap3A_276 = arith.index_cast %scan3A_180 : i32 to index
      %swap3A_277 = arith.constant 80 : index
      %swap3A_278 = tpu.vector_load %arg8[%swap3A_276, %swap3A_277] {strides = array<i32>} : memref<48x512xf32, #tpu.memory_space<vmem>>, vector<1x16xf32>,
      %swap3A_279 = vector.shape_cast %swap3A_278 : vector<1x16xf32> to vector<16xf32>
      %swap3A_280 = vector.shape_cast %mul3A_275 : vector<16xf32> to vector<1x16xf32>
      tpu.vector_store %arg8[%swap3A_276, %swap3A_277], %swap3A_280 {strides = array<i32>} : memref<48x512xf32, #tpu.memory_space<vmem>>, vector<1x16xf32>,
      %get3A_281 = arith.index_cast %scan3A_180 : i32 to index
      %get3A_282 = arith.constant 96 : index
      %get3A_283 = tpu.vector_load %arg8[%get3A_281, %get3A_282] {strides = array<i32>} : memref<48x512xf32, #tpu.memory_space<vmem>>, vector<1x16xf32>,
      %get3A_284 = vector.shape_cast %get3A_283 : vector<1x16xf32> to vector<16xf32>
      %get3A_285 = arith.index_cast %scan3A_180 : i32 to index
      %get3A_286 = arith.constant 96 : index
      %get3A_287 = tpu.vector_load %arg9[%get3A_285, %get3A_286] {strides = array<i32>} : memref<48x512xf32, #tpu.memory_space<vmem>>, vector<1x16xf32>,
      %get3A_288 = vector.shape_cast %get3A_287 : vector<1x16xf32> to vector<16xf32>
      %add3A_289 = arith.addf %get3A_284, %get3A_288 : vector<16xf32>
      %mul3A_290 = arith.constant 5.000000e-01 : f32
      %mul3A_291 = vector.broadcast %mul3A_290 : f32 to vector<16xf32>
      %mul3A_292 = arith.mulf %add3A_289, %mul3A_291 : vector<16xf32>
      %swap3A_293 = arith.index_cast %scan3A_180 : i32 to index
      %swap3A_294 = arith.constant 96 : index
      %swap3A_295 = tpu.vector_load %arg8[%swap3A_293, %swap3A_294] {strides = array<i32>} : memref<48x512xf32, #tpu.memory_space<vmem>>, vector<1x16xf32>,
      %swap3A_296 = vector.shape_cast %swap3A_295 : vector<1x16xf32> to vector<16xf32>
      %swap3A_297 = vector.shape_cast %mul3A_292 : vector<16xf32> to vector<1x16xf32>
      tpu.vector_store %arg8[%swap3A_293, %swap3A_294], %swap3A_297 {strides = array<i32>} : memref<48x512xf32, #tpu.memory_space<vmem>>, vector<1x16xf32>,
      %get3A_298 = arith.index_cast %scan3A_180 : i32 to index
      %get3A_299 = arith.constant 112 : index
      %get3A_300 = tpu.vector_load %arg8[%get3A_298, %get3A_299] {strides = array<i32>} : memref<48x512xf32, #tpu.memory_space<vmem>>, vector<1x16xf32>,
      %get3A_301 = vector.shape_cast %get3A_300 : vector<1x16xf32> to vector<16xf32>
      %get3A_302 = arith.index_cast %scan3A_180 : i32 to index
      %get3A_303 = arith.constant 112 : index
      %get3A_304 = tpu.vector_load %arg9[%get3A_302, %get3A_303] {strides = array<i32>} : memref<48x512xf32, #tpu.memory_space<vmem>>, vector<1x16xf32>,
      %get3A_305 = vector.shape_cast %get3A_304 : vector<1x16xf32> to vector<16xf32>
      %add3A_306 = arith.addf %get3A_301, %get3A_305 : vector<16xf32>
      %mul3A_307 = arith.constant 5.000000e-01 : f32
      %mul3A_308 = vector.broadcast %mul3A_307 : f32 to vector<16xf32>
      %mul3A_309 = arith.mulf %add3A_306, %mul3A_308 : vector<16xf32>
      %swap3A_310 = arith.index_cast %scan3A_180 : i32 to index
      %swap3A_311 = arith.constant 112 : index
      %swap3A_312 = tpu.vector_load %arg8[%swap3A_310, %swap3A_311] {strides = array<i32>} : memref<48x512xf32, #tpu.memory_space<vmem>>, vector<1x16xf32>,
      %swap3A_313 = vector.shape_cast %swap3A_312 : vector<1x16xf32> to vector<16xf32>
      %swap3A_314 = vector.shape_cast %mul3A_309 : vector<16xf32> to vector<1x16xf32>
      tpu.vector_store %arg8[%swap3A_310, %swap3A_311], %swap3A_314 {strides = array<i32>} : memref<48x512xf32, #tpu.memory_space<vmem>>, vector<1x16xf32>,
      %get3A_315 = arith.index_cast %scan3A_180 : i32 to index
      %get3A_316 = arith.constant 128 : index
      %get3A_317 = tpu.vector_load %arg8[%get3A_315, %get3A_316] {strides = array<i32>} : memref<48x512xf32, #tpu.memory_space<vmem>>, vector<1x16xf32>,
      %get3A_318 = vector.shape_cast %get3A_317 : vector<1x16xf32> to vector<16xf32>
      %get3A_319 = arith.index_cast %scan3A_180 : i32 to index
      %get3A_320 = arith.constant 128 : index
      %get3A_321 = tpu.vector_load %arg9[%get3A_319, %get3A_320] {strides = array<i32>} : memref<48x512xf32, #tpu.memory_space<vmem>>, vector<1x16xf32>,
      %get3A_322 = vector.shape_cast %get3A_321 : vector<1x16xf32> to vector<16xf32>
      %add3A_323 = arith.addf %get3A_318, %get3A_322 : vector<16xf32>
      %mul3A_324 = arith.constant 5.000000e-01 : f32
      %mul3A_325 = vector.broadcast %mul3A_324 : f32 to vector<16xf32>
      %mul3A_326 = arith.mulf %add3A_323, %mul3A_325 : vector<16xf32>
      %swap3A_327 = arith.index_cast %scan3A_180 : i32 to index
      %swap3A_328 = arith.constant 128 : index
      %swap3A_329 = tpu.vector_load %arg8[%swap3A_327, %swap3A_328] {strides = array<i32>} : memref<48x512xf32, #tpu.memory_space<vmem>>, vector<1x16xf32>,
      %swap3A_330 = vector.shape_cast %swap3A_329 : vector<1x16xf32> to vector<16xf32>
      %swap3A_331 = vector.shape_cast %mul3A_326 : vector<16xf32> to vector<1x16xf32>
      tpu.vector_store %arg8[%swap3A_327, %swap3A_328], %swap3A_331 {strides = array<i32>} : memref<48x512xf32, #tpu.memory_space<vmem>>, vector<1x16xf32>,
      %get3A_332 = arith.index_cast %scan3A_180 : i32 to index
      %get3A_333 = arith.constant 144 : index
      %get3A_334 = tpu.vector_load %arg8[%get3A_332, %get3A_333] {strides = array<i32>} : memref<48x512xf32, #tpu.memory_space<vmem>>, vector<1x16xf32>,
      %get3A_335 = vector.shape_cast %get3A_334 : vector<1x16xf32> to vector<16xf32>
      %get3A_336 = arith.index_cast %scan3A_180 : i32 to index
      %get3A_337 = arith.constant 144 : index
      %get3A_338 = tpu.vector_load %arg9[%get3A_336, %get3A_337] {strides = array<i32>} : memref<48x512xf32, #tpu.memory_space<vmem>>, vector<1x16xf32>,
      %get3A_339 = vector.shape_cast %get3A_338 : vector<1x16xf32> to vector<16xf32>
      %add3A_340 = arith.addf %get3A_335, %get3A_339 : vector<16xf32>
      %mul3A_341 = arith.constant 5.000000e-01 : f32
      %mul3A_342 = vector.broadcast %mul3A_341 : f32 to vector<16xf32>
      %mul3A_343 = arith.mulf %add3A_340, %mul3A_342 : vector<16xf32>
      %swap3A_344 = arith.index_cast %scan3A_180 : i32 to index
      %swap3A_345 = arith.constant 144 : index
      %swap3A_346 = tpu.vector_load %arg8[%swap3A_344, %swap3A_345] {strides = array<i32>} : memref<48x512xf32, #tpu.memory_space<vmem>>, vector<1x16xf32>,
      %swap3A_347 = vector.shape_cast %swap3A_346 : vector<1x16xf32> to vector<16xf32>
      %swap3A_348 = vector.shape_cast %mul3A_343 : vector<16xf32> to vector<1x16xf32>
      tpu.vector_store %arg8[%swap3A_344, %swap3A_345], %swap3A_348 {strides = array<i32>} : memref<48x512xf32, #tpu.memory_space<vmem>>, vector<1x16xf32>,
      %get3A_349 = arith.index_cast %scan3A_180 : i32 to index
      %get3A_350 = arith.constant 160 : index
      %get3A_351 = tpu.vector_load %arg8[%get3A_349, %get3A_350] {strides = array<i32>} : memref<48x512xf32, #tpu.memory_space<vmem>>, vector<1x16xf32>,
      %get3A_352 = vector.shape_cast %get3A_351 : vector<1x16xf32> to vector<16xf32>
      %get3A_353 = arith.index_cast %scan3A_180 : i32 to index
      %get3A_354 = arith.constant 160 : index
      %get3A_355 = tpu.vector_load %arg9[%get3A_353, %get3A_354] {strides = array<i32>} : memref<48x512xf32, #tpu.memory_space<vmem>>, vector<1x16xf32>,
      %get3A_356 = vector.shape_cast %get3A_355 : vector<1x16xf32> to vector<16xf32>
      %add3A_357 = arith.addf %get3A_352, %get3A_356 : vector<16xf32>
      %mul3A_358 = arith.constant 5.000000e-01 : f32
      %mul3A_359 = vector.broadcast %mul3A_358 : f32 to vector<16xf32>
      %mul3A_360 = arith.mulf %add3A_357, %mul3A_359 : vector<16xf32>
      %swap3A_361 = arith.index_cast %scan3A_180 : i32 to index
      %swap3A_362 = arith.constant 160 : index
      %swap3A_363 = tpu.vector_load %arg8[%swap3A_361, %swap3A_362] {strides = array<i32>} : memref<48x512xf32, #tpu.memory_space<vmem>>, vector<1x16xf32>,
      %swap3A_364 = vector.shape_cast %swap3A_363 : vector<1x16xf32> to vector<16xf32>
      %swap3A_365 = vector.shape_cast %mul3A_360 : vector<16xf32> to vector<1x16xf32>
      tpu.vector_store %arg8[%swap3A_361, %swap3A_362], %swap3A_365 {strides = array<i32>} : memref<48x512xf32, #tpu.memory_space<vmem>>, vector<1x16xf32>,
      %get3A_366 = arith.index_cast %scan3A_180 : i32 to index
      %get3A_367 = arith.constant 176 : index
      %get3A_368 = tpu.vector_load %arg8[%get3A_366, %get3A_367] {strides = array<i32>} : memref<48x512xf32, #tpu.memory_space<vmem>>, vector<1x16xf32>,
      %get3A_369 = vector.shape_cast %get3A_368 : vector<1x16xf32> to vector<16xf32>
      %get3A_370 = arith.index_cast %scan3A_180 : i32 to index
      %get3A_371 = arith.constant 176 : index
      %get3A_372 = tpu.vector_load %arg9[%get3A_370, %get3A_371] {strides = array<i32>} : memref<48x512xf32, #tpu.memory_space<vmem>>, vector<1x16xf32>,
      %get3A_373 = vector.shape_cast %get3A_372 : vector<1x16xf32> to vector<16xf32>
      %add3A_374 = arith.addf %get3A_369, %get3A_373 : vector<16xf32>
      %mul3A_375 = arith.constant 5.000000e-01 : f32
      %mul3A_376 = vector.broadcast %mul3A_375 : f32 to vector<16xf32>
      %mul3A_377 = arith.mulf %add3A_374, %mul3A_376 : vector<16xf32>
      %swap3A_378 = arith.index_cast %scan3A_180 : i32 to index
      %swap3A_379 = arith.constant 176 : index
      %swap3A_380 = tpu.vector_load %arg8[%swap3A_378, %swap3A_379] {strides = array<i32>} : memref<48x512xf32, #tpu.memory_space<vmem>>, vector<1x16xf32>,
      %swap3A_381 = vector.shape_cast %swap3A_380 : vector<1x16xf32> to vector<16xf32>
      %swap3A_382 = vector.shape_cast %mul3A_377 : vector<16xf32> to vector<1x16xf32>
      tpu.vector_store %arg8[%swap3A_378, %swap3A_379], %swap3A_382 {strides = array<i32>} : memref<48x512xf32, #tpu.memory_space<vmem>>, vector<1x16xf32>,
      %get3A_383 = arith.index_cast %scan3A_180 : i32 to index
      %get3A_384 = arith.constant 192 : index
      %get3A_385 = tpu.vector_load %arg8[%get3A_383, %get3A_384] {strides = array<i32>} : memref<48x512xf32, #tpu.memory_space<vmem>>, vector<1x16xf32>,
      %get3A_386 = vector.shape_cast %get3A_385 : vector<1x16xf32> to vector<16xf32>
      %get3A_387 = arith.index_cast %scan3A_180 : i32 to index
      %get3A_388 = arith.constant 192 : index
      %get3A_389 = tpu.vector_load %arg9[%get3A_387, %get3A_388] {strides = array<i32>} : memref<48x512xf32, #tpu.memory_space<vmem>>, vector<1x16xf32>,
      %get3A_390 = vector.shape_cast %get3A_389 : vector<1x16xf32> to vector<16xf32>
      %add3A_391 = arith.addf %get3A_386, %get3A_390 : vector<16xf32>
      %mul3A_392 = arith.constant 5.000000e-01 : f32
      %mul3A_393 = vector.broadcast %mul3A_392 : f32 to vector<16xf32>
      %mul3A_394 = arith.mulf %add3A_391, %mul3A_393 : vector<16xf32>
      %swap3A_395 = arith.index_cast %scan3A_180 : i32 to index
      %swap3A_396 = arith.constant 192 : index
      %swap3A_397 = tpu.vector_load %arg8[%swap3A_395, %swap3A_396] {strides = array<i32>} : memref<48x512xf32, #tpu.memory_space<vmem>>, vector<1x16xf32>,
      %swap3A_398 = vector.shape_cast %swap3A_397 : vector<1x16xf32> to vector<16xf32>
      %swap3A_399 = vector.shape_cast %mul3A_394 : vector<16xf32> to vector<1x16xf32>
      tpu.vector_store %arg8[%swap3A_395, %swap3A_396], %swap3A_399 {strides = array<i32>} : memref<48x512xf32, #tpu.memory_space<vmem>>, vector<1x16xf32>,
      %get3A_400 = arith.index_cast %scan3A_180 : i32 to index
      %get3A_401 = arith.constant 208 : index
      %get3A_402 = tpu.vector_load %arg8[%get3A_400, %get3A_401] {strides = array<i32>} : memref<48x512xf32, #tpu.memory_space<vmem>>, vector<1x16xf32>,
      %get3A_403 = vector.shape_cast %get3A_402 : vector<1x16xf32> to vector<16xf32>
      %get3A_404 = arith.index_cast %scan3A_180 : i32 to index
      %get3A_405 = arith.constant 208 : index
      %get3A_406 = tpu.vector_load %arg9[%get3A_404, %get3A_405] {strides = array<i32>} : memref<48x512xf32, #tpu.memory_space<vmem>>, vector<1x16xf32>,
      %get3A_407 = vector.shape_cast %get3A_406 : vector<1x16xf32> to vector<16xf32>
      %add3A_408 = arith.addf %get3A_403, %get3A_407 : vector<16xf32>
      %mul3A_409 = arith.constant 5.000000e-01 : f32
      %mul3A_410 = vector.broadcast %mul3A_409 : f32 to vector<16xf32>
      %mul3A_411 = arith.mulf %add3A_408, %mul3A_410 : vector<16xf32>
      %swap3A_412 = arith.index_cast %scan3A_180 : i32 to index
      %swap3A_413 = arith.constant 208 : index
      %swap3A_414 = tpu.vector_load %arg8[%swap3A_412, %swap3A_413] {strides = array<i32>} : memref<48x512xf32, #tpu.memory_space<vmem>>, vector<1x16xf32>,
      %swap3A_415 = vector.shape_cast %swap3A_414 : vector<1x16xf32> to vector<16xf32>
      %swap3A_416 = vector.shape_cast %mul3A_411 : vector<16xf32> to vector<1x16xf32>
      tpu.vector_store %arg8[%swap3A_412, %swap3A_413], %swap3A_416 {strides = array<i32>} : memref<48x512xf32, #tpu.memory_space<vmem>>, vector<1x16xf32>,
      %get3A_417 = arith.index_cast %scan3A_180 : i32 to index
      %get3A_418 = arith.constant 224 : index
      %get3A_419 = tpu.vector_load %arg8[%get3A_417, %get3A_418] {strides = array<i32>} : memref<48x512xf32, #tpu.memory_space<vmem>>, vector<1x16xf32>,
      %get3A_420 = vector.shape_cast %get3A_419 : vector<1x16xf32> to vector<16xf32>
      %get3A_421 = arith.index_cast %scan3A_180 : i32 to index
      %get3A_422 = arith.constant 224 : index
      %get3A_423 = tpu.vector_load %arg9[%get3A_421, %get3A_422] {strides = array<i32>} : memref<48x512xf32, #tpu.memory_space<vmem>>, vector<1x16xf32>,
      %get3A_424 = vector.shape_cast %get3A_423 : vector<1x16xf32> to vector<16xf32>
      %add3A_425 = arith.addf %get3A_420, %get3A_424 : vector<16xf32>
      %mul3A_426 = arith.constant 5.000000e-01 : f32
      %mul3A_427 = vector.broadcast %mul3A_426 : f32 to vector<16xf32>
      %mul3A_428 = arith.mulf %add3A_425, %mul3A_427 : vector<16xf32>
      %swap3A_429 = arith.index_cast %scan3A_180 : i32 to index
      %swap3A_430 = arith.constant 224 : index
      %swap3A_431 = tpu.vector_load %arg8[%swap3A_429, %swap3A_430] {strides = array<i32>} : memref<48x512xf32, #tpu.memory_space<vmem>>, vector<1x16xf32>,
      %swap3A_432 = vector.shape_cast %swap3A_431 : vector<1x16xf32> to vector<16xf32>
      %swap3A_433 = vector.shape_cast %mul3A_428 : vector<16xf32> to vector<1x16xf32>
      tpu.vector_store %arg8[%swap3A_429, %swap3A_430], %swap3A_433 {strides = array<i32>} : memref<48x512xf32, #tpu.memory_space<vmem>>, vector<1x16xf32>,
      %get3A_434 = arith.index_cast %scan3A_180 : i32 to index
      %get3A_435 = arith.constant 240 : index
      %get3A_436 = tpu.vector_load %arg8[%get3A_434, %get3A_435] {strides = array<i32>} : memref<48x512xf32, #tpu.memory_space<vmem>>, vector<1x16xf32>,
      %get3A_437 = vector.shape_cast %get3A_436 : vector<1x16xf32> to vector<16xf32>
      %get3A_438 = arith.index_cast %scan3A_180 : i32 to index
      %get3A_439 = arith.constant 240 : index
      %get3A_440 = tpu.vector_load %arg9[%get3A_438, %get3A_439] {strides = array<i32>} : memref<48x512xf32, #tpu.memory_space<vmem>>, vector<1x16xf32>,
      %get3A_441 = vector.shape_cast %get3A_440 : vector<1x16xf32> to vector<16xf32>
      %add3A_442 = arith.addf %get3A_437, %get3A_441 : vector<16xf32>
      %mul3A_443 = arith.constant 5.000000e-01 : f32
      %mul3A_444 = vector.broadcast %mul3A_443 : f32 to vector<16xf32>
      %mul3A_445 = arith.mulf %add3A_442, %mul3A_444 : vector<16xf32>
      %swap3A_446 = arith.index_cast %scan3A_180 : i32 to index
      %swap3A_447 = arith.constant 240 : index
      %swap3A_448 = tpu.vector_load %arg8[%swap3A_446, %swap3A_447] {strides = array<i32>} : memref<48x512xf32, #tpu.memory_space<vmem>>, vector<1x16xf32>,
      %swap3A_449 = vector.shape_cast %swap3A_448 : vector<1x16xf32> to vector<16xf32>
      %swap3A_450 = vector.shape_cast %mul3A_445 : vector<16xf32> to vector<1x16xf32>
      tpu.vector_store %arg8[%swap3A_446, %swap3A_447], %swap3A_450 {strides = array<i32>} : memref<48x512xf32, #tpu.memory_space<vmem>>, vector<1x16xf32>,
      %get3A_451 = arith.index_cast %scan3A_180 : i32 to index
      %get3A_452 = arith.constant 256 : index
      %get3A_453 = tpu.vector_load %arg8[%get3A_451, %get3A_452] {strides = array<i32>} : memref<48x512xf32, #tpu.memory_space<vmem>>, vector<1x16xf32>,
      %get3A_454 = vector.shape_cast %get3A_453 : vector<1x16xf32> to vector<16xf32>
      %get3A_455 = arith.index_cast %scan3A_180 : i32 to index
      %get3A_456 = arith.constant 256 : index
      %get3A_457 = tpu.vector_load %arg9[%get3A_455, %get3A_456] {strides = array<i32>} : memref<48x512xf32, #tpu.memory_space<vmem>>, vector<1x16xf32>,
      %get3A_458 = vector.shape_cast %get3A_457 : vector<1x16xf32> to vector<16xf32>
      %add3A_459 = arith.addf %get3A_454, %get3A_458 : vector<16xf32>
      %mul3A_460 = arith.constant 5.000000e-01 : f32
      %mul3A_461 = vector.broadcast %mul3A_460 : f32 to vector<16xf32>
      %mul3A_462 = arith.mulf %add3A_459, %mul3A_461 : vector<16xf32>
      %swap3A_463 = arith.index_cast %scan3A_180 : i32 to index
      %swap3A_464 = arith.constant 256 : index
      %swap3A_465 = tpu.vector_load %arg8[%swap3A_463, %swap3A_464] {strides = array<i32>} : memref<48x512xf32, #tpu.memory_space<vmem>>, vector<1x16xf32>,
      %swap3A_466 = vector.shape_cast %swap3A_465 : vector<1x16xf32> to vector<16xf32>
      %swap3A_467 = vector.shape_cast %mul3A_462 : vector<16xf32> to vector<1x16xf32>
      tpu.vector_store %arg8[%swap3A_463, %swap3A_464], %swap3A_467 {strides = array<i32>} : memref<48x512xf32, #tpu.memory_space<vmem>>, vector<1x16xf32>,
      %get3A_468 = arith.index_cast %scan3A_180 : i32 to index
      %get3A_469 = arith.constant 272 : index
      %get3A_470 = tpu.vector_load %arg8[%get3A_468, %get3A_469] {strides = array<i32>} : memref<48x512xf32, #tpu.memory_space<vmem>>, vector<1x16xf32>,
      %get3A_471 = vector.shape_cast %get3A_470 : vector<1x16xf32> to vector<16xf32>
      %get3A_472 = arith.index_cast %scan3A_180 : i32 to index
      %get3A_473 = arith.constant 272 : index
      %get3A_474 = tpu.vector_load %arg9[%get3A_472, %get3A_473] {strides = array<i32>} : memref<48x512xf32, #tpu.memory_space<vmem>>, vector<1x16xf32>,
      %get3A_475 = vector.shape_cast %get3A_474 : vector<1x16xf32> to vector<16xf32>
      %add3A_476 = arith.addf %get3A_471, %get3A_475 : vector<16xf32>
      %mul3A_477 = arith.constant 5.000000e-01 : f32
      %mul3A_478 = vector.broadcast %mul3A_477 : f32 to vector<16xf32>
      %mul3A_479 = arith.mulf %add3A_476, %mul3A_478 : vector<16xf32>
      %swap3A_480 = arith.index_cast %scan3A_180 : i32 to index
      %swap3A_481 = arith.constant 272 : index
      %swap3A_482 = tpu.vector_load %arg8[%swap3A_480, %swap3A_481] {strides = array<i32>} : memref<48x512xf32, #tpu.memory_space<vmem>>, vector<1x16xf32>,
      %swap3A_483 = vector.shape_cast %swap3A_482 : vector<1x16xf32> to vector<16xf32>
      %swap3A_484 = vector.shape_cast %mul3A_479 : vector<16xf32> to vector<1x16xf32>
      tpu.vector_store %arg8[%swap3A_480, %swap3A_481], %swap3A_484 {strides = array<i32>} : memref<48x512xf32, #tpu.memory_space<vmem>>, vector<1x16xf32>,
      %get3A_485 = arith.index_cast %scan3A_180 : i32 to index
      %get3A_486 = arith.constant 288 : index
      %get3A_487 = tpu.vector_load %arg8[%get3A_485, %get3A_486] {strides = array<i32>} : memref<48x512xf32, #tpu.memory_space<vmem>>, vector<1x16xf32>,
      %get3A_488 = vector.shape_cast %get3A_487 : vector<1x16xf32> to vector<16xf32>
      %get3A_489 = arith.index_cast %scan3A_180 : i32 to index
      %get3A_490 = arith.constant 288 : index
      %get3A_491 = tpu.vector_load %arg9[%get3A_489, %get3A_490] {strides = array<i32>} : memref<48x512xf32, #tpu.memory_space<vmem>>, vector<1x16xf32>,
      %get3A_492 = vector.shape_cast %get3A_491 : vector<1x16xf32> to vector<16xf32>
      %add3A_493 = arith.addf %get3A_488, %get3A_492 : vector<16xf32>
      %mul3A_494 = arith.constant 5.000000e-01 : f32
      %mul3A_495 = vector.broadcast %mul3A_494 : f32 to vector<16xf32>
      %mul3A_496 = arith.mulf %add3A_493, %mul3A_495 : vector<16xf32>
      %swap3A_497 = arith.index_cast %scan3A_180 : i32 to index
      %swap3A_498 = arith.constant 288 : index
      %swap3A_499 = tpu.vector_load %arg8[%swap3A_497, %swap3A_498] {strides = array<i32>} : memref<48x512xf32, #tpu.memory_space<vmem>>, vector<1x16xf32>,
      %swap3A_500 = vector.shape_cast %swap3A_499 : vector<1x16xf32> to vector<16xf32>
      %swap3A_501 = vector.shape_cast %mul3A_496 : vector<16xf32> to vector<1x16xf32>
      tpu.vector_store %arg8[%swap3A_497, %swap3A_498], %swap3A_501 {strides = array<i32>} : memref<48x512xf32, #tpu.memory_space<vmem>>, vector<1x16xf32>,
      %get3A_502 = arith.index_cast %scan3A_180 : i32 to index
      %get3A_503 = arith.constant 304 : index
      %get3A_504 = tpu.vector_load %arg8[%get3A_502, %get3A_503] {strides = array<i32>} : memref<48x512xf32, #tpu.memory_space<vmem>>, vector<1x16xf32>,
      %get3A_505 = vector.shape_cast %get3A_504 : vector<1x16xf32> to vector<16xf32>
      %get3A_506 = arith.index_cast %scan3A_180 : i32 to index
      %get3A_507 = arith.constant 304 : index
      %get3A_508 = tpu.vector_load %arg9[%get3A_506, %get3A_507] {strides = array<i32>} : memref<48x512xf32, #tpu.memory_space<vmem>>, vector<1x16xf32>,
      %get3A_509 = vector.shape_cast %get3A_508 : vector<1x16xf32> to vector<16xf32>
      %add3A_510 = arith.addf %get3A_505, %get3A_509 : vector<16xf32>
      %mul3A_511 = arith.constant 5.000000e-01 : f32
      %mul3A_512 = vector.broadcast %mul3A_511 : f32 to vector<16xf32>
      %mul3A_513 = arith.mulf %add3A_510, %mul3A_512 : vector<16xf32>
      %swap3A_514 = arith.index_cast %scan3A_180 : i32 to index
      %swap3A_515 = arith.constant 304 : index
      %swap3A_516 = tpu.vector_load %arg8[%swap3A_514, %swap3A_515] {strides = array<i32>} : memref<48x512xf32, #tpu.memory_space<vmem>>, vector<1x16xf32>,
      %swap3A_517 = vector.shape_cast %swap3A_516 : vector<1x16xf32> to vector<16xf32>
      %swap3A_518 = vector.shape_cast %mul3A_513 : vector<16xf32> to vector<1x16xf32>
      tpu.vector_store %arg8[%swap3A_514, %swap3A_515], %swap3A_518 {strides = array<i32>} : memref<48x512xf32, #tpu.memory_space<vmem>>, vector<1x16xf32>,
      %get3A_519 = arith.index_cast %scan3A_180 : i32 to index
      %get3A_520 = arith.constant 320 : index
      %get3A_521 = tpu.vector_load %arg8[%get3A_519, %get3A_520] {strides = array<i32>} : memref<48x512xf32, #tpu.memory_space<vmem>>, vector<1x16xf32>,
      %get3A_522 = vector.shape_cast %get3A_521 : vector<1x16xf32> to vector<16xf32>
      %get3A_523 = arith.index_cast %scan3A_180 : i32 to index
      %get3A_524 = arith.constant 320 : index
      %get3A_525 = tpu.vector_load %arg9[%get3A_523, %get3A_524] {strides = array<i32>} : memref<48x512xf32, #tpu.memory_space<vmem>>, vector<1x16xf32>,
      %get3A_526 = vector.shape_cast %get3A_525 : vector<1x16xf32> to vector<16xf32>
      %add3A_527 = arith.addf %get3A_522, %get3A_526 : vector<16xf32>
      %mul3A_528 = arith.constant 5.000000e-01 : f32
      %mul3A_529 = vector.broadcast %mul3A_528 : f32 to vector<16xf32>
      %mul3A_530 = arith.mulf %add3A_527, %mul3A_529 : vector<16xf32>
      %swap3A_531 = arith.index_cast %scan3A_180 : i32 to index
      %swap3A_532 = arith.constant 320 : index
      %swap3A_533 = tpu.vector_load %arg8[%swap3A_531, %swap3A_532] {strides = array<i32>} : memref<48x512xf32, #tpu.memory_space<vmem>>, vector<1x16xf32>,
      %swap3A_534 = vector.shape_cast %swap3A_533 : vector<1x16xf32> to vector<16xf32>
      %swap3A_535 = vector.shape_cast %mul3A_530 : vector<16xf32> to vector<1x16xf32>
      tpu.vector_store %arg8[%swap3A_531, %swap3A_532], %swap3A_535 {strides = array<i32>} : memref<48x512xf32, #tpu.memory_space<vmem>>, vector<1x16xf32>,
      %get3A_536 = arith.index_cast %scan3A_180 : i32 to index
      %get3A_537 = arith.constant 336 : index
      %get3A_538 = tpu.vector_load %arg8[%get3A_536, %get3A_537] {strides = array<i32>} : memref<48x512xf32, #tpu.memory_space<vmem>>, vector<1x16xf32>,
      %get3A_539 = vector.shape_cast %get3A_538 : vector<1x16xf32> to vector<16xf32>
      %get3A_540 = arith.index_cast %scan3A_180 : i32 to index
      %get3A_541 = arith.constant 336 : index
      %get3A_542 = tpu.vector_load %arg9[%get3A_540, %get3A_541] {strides = array<i32>} : memref<48x512xf32, #tpu.memory_space<vmem>>, vector<1x16xf32>,
      %get3A_543 = vector.shape_cast %get3A_542 : vector<1x16xf32> to vector<16xf32>
      %add3A_544 = arith.addf %get3A_539, %get3A_543 : vector<16xf32>
      %mul3A_545 = arith.constant 5.000000e-01 : f32
      %mul3A_546 = vector.broadcast %mul3A_545 : f32 to vector<16xf32>
      %mul3A_547 = arith.mulf %add3A_544, %mul3A_546 : vector<16xf32>
      %swap3A_548 = arith.index_cast %scan3A_180 : i32 to index
      %swap3A_549 = arith.constant 336 : index
      %swap3A_550 = tpu.vector_load %arg8[%swap3A_548, %swap3A_549] {strides = array<i32>} : memref<48x512xf32, #tpu.memory_space<vmem>>, vector<1x16xf32>,
      %swap3A_551 = vector.shape_cast %swap3A_550 : vector<1x16xf32> to vector<16xf32>
      %swap3A_552 = vector.shape_cast %mul3A_547 : vector<16xf32> to vector<1x16xf32>
      tpu.vector_store %arg8[%swap3A_548, %swap3A_549], %swap3A_552 {strides = array<i32>} : memref<48x512xf32, #tpu.memory_space<vmem>>, vector<1x16xf32>,
      %get3A_553 = arith.index_cast %scan3A_180 : i32 to index
      %get3A_554 = arith.constant 352 : index
      %get3A_555 = tpu.vector_load %arg8[%get3A_553, %get3A_554] {strides = array<i32>} : memref<48x512xf32, #tpu.memory_space<vmem>>, vector<1x16xf32>,
      %get3A_556 = vector.shape_cast %get3A_555 : vector<1x16xf32> to vector<16xf32>
      %get3A_557 = arith.index_cast %scan3A_180 : i32 to index
      %get3A_558 = arith.constant 352 : index
      %get3A_559 = tpu.vector_load %arg9[%get3A_557, %get3A_558] {strides = array<i32>} : memref<48x512xf32, #tpu.memory_space<vmem>>, vector<1x16xf32>,
      %get3A_560 = vector.shape_cast %get3A_559 : vector<1x16xf32> to vector<16xf32>
      %add3A_561 = arith.addf %get3A_556, %get3A_560 : vector<16xf32>
      %mul3A_562 = arith.constant 5.000000e-01 : f32
      %mul3A_563 = vector.broadcast %mul3A_562 : f32 to vector<16xf32>
      %mul3A_564 = arith.mulf %add3A_561, %mul3A_563 : vector<16xf32>
      %swap3A_565 = arith.index_cast %scan3A_180 : i32 to index
      %swap3A_566 = arith.constant 352 : index
      %swap3A_567 = tpu.vector_load %arg8[%swap3A_565, %swap3A_566] {strides = array<i32>} : memref<48x512xf32, #tpu.memory_space<vmem>>, vector<1x16xf32>,
      %swap3A_568 = vector.shape_cast %swap3A_567 : vector<1x16xf32> to vector<16xf32>
      %swap3A_569 = vector.shape_cast %mul3A_564 : vector<16xf32> to vector<1x16xf32>
      tpu.vector_store %arg8[%swap3A_565, %swap3A_566], %swap3A_569 {strides = array<i32>} : memref<48x512xf32, #tpu.memory_space<vmem>>, vector<1x16xf32>,
      %get3A_570 = arith.index_cast %scan3A_180 : i32 to index
      %get3A_571 = arith.constant 368 : index
      %get3A_572 = tpu.vector_load %arg8[%get3A_570, %get3A_571] {strides = array<i32>} : memref<48x512xf32, #tpu.memory_space<vmem>>, vector<1x16xf32>,
      %get3A_573 = vector.shape_cast %get3A_572 : vector<1x16xf32> to vector<16xf32>
      %get3A_574 = arith.index_cast %scan3A_180 : i32 to index
      %get3A_575 = arith.constant 368 : index
      %get3A_576 = tpu.vector_load %arg9[%get3A_574, %get3A_575] {strides = array<i32>} : memref<48x512xf32, #tpu.memory_space<vmem>>, vector<1x16xf32>,
      %get3A_577 = vector.shape_cast %get3A_576 : vector<1x16xf32> to vector<16xf32>
      %add3A_578 = arith.addf %get3A_573, %get3A_577 : vector<16xf32>
      %mul3A_579 = arith.constant 5.000000e-01 : f32
      %mul3A_580 = vector.broadcast %mul3A_579 : f32 to vector<16xf32>
      %mul3A_581 = arith.mulf %add3A_578, %mul3A_580 : vector<16xf32>
      %swap3A_582 = arith.index_cast %scan3A_180 : i32 to index
      %swap3A_583 = arith.constant 368 : index
      %swap3A_584 = tpu.vector_load %arg8[%swap3A_582, %swap3A_583] {strides = array<i32>} : memref<48x512xf32, #tpu.memory_space<vmem>>, vector<1x16xf32>,
      %swap3A_585 = vector.shape_cast %swap3A_584 : vector<1x16xf32> to vector<16xf32>
      %swap3A_586 = vector.shape_cast %mul3A_581 : vector<16xf32> to vector<1x16xf32>
      tpu.vector_store %arg8[%swap3A_582, %swap3A_583], %swap3A_586 {strides = array<i32>} : memref<48x512xf32, #tpu.memory_space<vmem>>, vector<1x16xf32>,
      %get3A_587 = arith.index_cast %scan3A_180 : i32 to index
      %get3A_588 = arith.constant 384 : index
      %get3A_589 = tpu.vector_load %arg8[%get3A_587, %get3A_588] {strides = array<i32>} : memref<48x512xf32, #tpu.memory_space<vmem>>, vector<1x16xf32>,
      %get3A_590 = vector.shape_cast %get3A_589 : vector<1x16xf32> to vector<16xf32>
      %get3A_591 = arith.index_cast %scan3A_180 : i32 to index
      %get3A_592 = arith.constant 384 : index
      %get3A_593 = tpu.vector_load %arg9[%get3A_591, %get3A_592] {strides = array<i32>} : memref<48x512xf32, #tpu.memory_space<vmem>>, vector<1x16xf32>,
      %get3A_594 = vector.shape_cast %get3A_593 : vector<1x16xf32> to vector<16xf32>
      %add3A_595 = arith.addf %get3A_590, %get3A_594 : vector<16xf32>
      %mul3A_596 = arith.constant 5.000000e-01 : f32
      %mul3A_597 = vector.broadcast %mul3A_596 : f32 to vector<16xf32>
      %mul3A_598 = arith.mulf %add3A_595, %mul3A_597 : vector<16xf32>
      %swap3A_599 = arith.index_cast %scan3A_180 : i32 to index
      %swap3A_600 = arith.constant 384 : index
      %swap3A_601 = tpu.vector_load %arg8[%swap3A_599, %swap3A_600] {strides = array<i32>} : memref<48x512xf32, #tpu.memory_space<vmem>>, vector<1x16xf32>,
      %swap3A_602 = vector.shape_cast %swap3A_601 : vector<1x16xf32> to vector<16xf32>
      %swap3A_603 = vector.shape_cast %mul3A_598 : vector<16xf32> to vector<1x16xf32>
      tpu.vector_store %arg8[%swap3A_599, %swap3A_600], %swap3A_603 {strides = array<i32>} : memref<48x512xf32, #tpu.memory_space<vmem>>, vector<1x16xf32>,
      %get3A_604 = arith.index_cast %scan3A_180 : i32 to index
      %get3A_605 = arith.constant 400 : index
      %get3A_606 = tpu.vector_load %arg8[%get3A_604, %get3A_605] {strides = array<i32>} : memref<48x512xf32, #tpu.memory_space<vmem>>, vector<1x16xf32>,
      %get3A_607 = vector.shape_cast %get3A_606 : vector<1x16xf32> to vector<16xf32>
      %get3A_608 = arith.index_cast %scan3A_180 : i32 to index
      %get3A_609 = arith.constant 400 : index
      %get3A_610 = tpu.vector_load %arg9[%get3A_608, %get3A_609] {strides = array<i32>} : memref<48x512xf32, #tpu.memory_space<vmem>>, vector<1x16xf32>,
      %get3A_611 = vector.shape_cast %get3A_610 : vector<1x16xf32> to vector<16xf32>
      %add3A_612 = arith.addf %get3A_607, %get3A_611 : vector<16xf32>
      %mul3A_613 = arith.constant 5.000000e-01 : f32
      %mul3A_614 = vector.broadcast %mul3A_613 : f32 to vector<16xf32>
      %mul3A_615 = arith.mulf %add3A_612, %mul3A_614 : vector<16xf32>
      %swap3A_616 = arith.index_cast %scan3A_180 : i32 to index
      %swap3A_617 = arith.constant 400 : index
      %swap3A_618 = tpu.vector_load %arg8[%swap3A_616, %swap3A_617] {strides = array<i32>} : memref<48x512xf32, #tpu.memory_space<vmem>>, vector<1x16xf32>,
      %swap3A_619 = vector.shape_cast %swap3A_618 : vector<1x16xf32> to vector<16xf32>
      %swap3A_620 = vector.shape_cast %mul3A_615 : vector<16xf32> to vector<1x16xf32>
      tpu.vector_store %arg8[%swap3A_616, %swap3A_617], %swap3A_620 {strides = array<i32>} : memref<48x512xf32, #tpu.memory_space<vmem>>, vector<1x16xf32>,
      %get3A_621 = arith.index_cast %scan3A_180 : i32 to index
      %get3A_622 = arith.constant 416 : index
      %get3A_623 = tpu.vector_load %arg8[%get3A_621, %get3A_622] {strides = array<i32>} : memref<48x512xf32, #tpu.memory_space<vmem>>, vector<1x16xf32>,
      %get3A_624 = vector.shape_cast %get3A_623 : vector<1x16xf32> to vector<16xf32>
      %get3A_625 = arith.index_cast %scan3A_180 : i32 to index
      %get3A_626 = arith.constant 416 : index
      %get3A_627 = tpu.vector_load %arg9[%get3A_625, %get3A_626] {strides = array<i32>} : memref<48x512xf32, #tpu.memory_space<vmem>>, vector<1x16xf32>,
      %get3A_628 = vector.shape_cast %get3A_627 : vector<1x16xf32> to vector<16xf32>
      %add3A_629 = arith.addf %get3A_624, %get3A_628 : vector<16xf32>
      %mul3A_630 = arith.constant 5.000000e-01 : f32
      %mul3A_631 = vector.broadcast %mul3A_630 : f32 to vector<16xf32>
      %mul3A_632 = arith.mulf %add3A_629, %mul3A_631 : vector<16xf32>
      %swap3A_633 = arith.index_cast %scan3A_180 : i32 to index
      %swap3A_634 = arith.constant 416 : index
      %swap3A_635 = tpu.vector_load %arg8[%swap3A_633, %swap3A_634] {strides = array<i32>} : memref<48x512xf32, #tpu.memory_space<vmem>>, vector<1x16xf32>,
      %swap3A_636 = vector.shape_cast %swap3A_635 : vector<1x16xf32> to vector<16xf32>
      %swap3A_637 = vector.shape_cast %mul3A_632 : vector<16xf32> to vector<1x16xf32>
      tpu.vector_store %arg8[%swap3A_633, %swap3A_634], %swap3A_637 {strides = array<i32>} : memref<48x512xf32, #tpu.memory_space<vmem>>, vector<1x16xf32>,
      %get3A_638 = arith.index_cast %scan3A_180 : i32 to index
      %get3A_639 = arith.constant 432 : index
      %get3A_640 = tpu.vector_load %arg8[%get3A_638, %get3A_639] {strides = array<i32>} : memref<48x512xf32, #tpu.memory_space<vmem>>, vector<1x16xf32>,
      %get3A_641 = vector.shape_cast %get3A_640 : vector<1x16xf32> to vector<16xf32>
      %get3A_642 = arith.index_cast %scan3A_180 : i32 to index
      %get3A_643 = arith.constant 432 : index
      %get3A_644 = tpu.vector_load %arg9[%get3A_642, %get3A_643] {strides = array<i32>} : memref<48x512xf32, #tpu.memory_space<vmem>>, vector<1x16xf32>,
      %get3A_645 = vector.shape_cast %get3A_644 : vector<1x16xf32> to vector<16xf32>
      %add3A_646 = arith.addf %get3A_641, %get3A_645 : vector<16xf32>
      %mul3A_647 = arith.constant 5.000000e-01 : f32
      %mul3A_648 = vector.broadcast %mul3A_647 : f32 to vector<16xf32>
      %mul3A_649 = arith.mulf %add3A_646, %mul3A_648 : vector<16xf32>
      %swap3A_650 = arith.index_cast %scan3A_180 : i32 to index
      %swap3A_651 = arith.constant 432 : index
      %swap3A_652 = tpu.vector_load %arg8[%swap3A_650, %swap3A_651] {strides = array<i32>} : memref<48x512xf32, #tpu.memory_space<vmem>>, vector<1x16xf32>,
      %swap3A_653 = vector.shape_cast %swap3A_652 : vector<1x16xf32> to vector<16xf32>
      %swap3A_654 = vector.shape_cast %mul3A_649 : vector<16xf32> to vector<1x16xf32>
      tpu.vector_store %arg8[%swap3A_650, %swap3A_651], %swap3A_654 {strides = array<i32>} : memref<48x512xf32, #tpu.memory_space<vmem>>, vector<1x16xf32>,
      %get3A_655 = arith.index_cast %scan3A_180 : i32 to index
      %get3A_656 = arith.constant 448 : index
      %get3A_657 = tpu.vector_load %arg8[%get3A_655, %get3A_656] {strides = array<i32>} : memref<48x512xf32, #tpu.memory_space<vmem>>, vector<1x16xf32>,
      %get3A_658 = vector.shape_cast %get3A_657 : vector<1x16xf32> to vector<16xf32>
      %get3A_659 = arith.index_cast %scan3A_180 : i32 to index
      %get3A_660 = arith.constant 448 : index
      %get3A_661 = tpu.vector_load %arg9[%get3A_659, %get3A_660] {strides = array<i32>} : memref<48x512xf32, #tpu.memory_space<vmem>>, vector<1x16xf32>,
      %get3A_662 = vector.shape_cast %get3A_661 : vector<1x16xf32> to vector<16xf32>
      %add3A_663 = arith.addf %get3A_658, %get3A_662 : vector<16xf32>
      %mul3A_664 = arith.constant 5.000000e-01 : f32
      %mul3A_665 = vector.broadcast %mul3A_664 : f32 to vector<16xf32>
      %mul3A_666 = arith.mulf %add3A_663, %mul3A_665 : vector<16xf32>
      %swap3A_667 = arith.index_cast %scan3A_180 : i32 to index
      %swap3A_668 = arith.constant 448 : index
      %swap3A_669 = tpu.vector_load %arg8[%swap3A_667, %swap3A_668] {strides = array<i32>} : memref<48x512xf32, #tpu.memory_space<vmem>>, vector<1x16xf32>,
      %swap3A_670 = vector.shape_cast %swap3A_669 : vector<1x16xf32> to vector<16xf32>
      %swap3A_671 = vector.shape_cast %mul3A_666 : vector<16xf32> to vector<1x16xf32>
      tpu.vector_store %arg8[%swap3A_667, %swap3A_668], %swap3A_671 {strides = array<i32>} : memref<48x512xf32, #tpu.memory_space<vmem>>, vector<1x16xf32>,
      %get3A_672 = arith.index_cast %scan3A_180 : i32 to index
      %get3A_673 = arith.constant 464 : index
      %get3A_674 = tpu.vector_load %arg8[%get3A_672, %get3A_673] {strides = array<i32>} : memref<48x512xf32, #tpu.memory_space<vmem>>, vector<1x16xf32>,
      %get3A_675 = vector.shape_cast %get3A_674 : vector<1x16xf32> to vector<16xf32>
      %get3A_676 = arith.index_cast %scan3A_180 : i32 to index
      %get3A_677 = arith.constant 464 : index
      %get3A_678 = tpu.vector_load %arg9[%get3A_676, %get3A_677] {strides = array<i32>} : memref<48x512xf32, #tpu.memory_space<vmem>>, vector<1x16xf32>,
      %get3A_679 = vector.shape_cast %get3A_678 : vector<1x16xf32> to vector<16xf32>
      %add3A_680 = arith.addf %get3A_675, %get3A_679 : vector<16xf32>
      %mul3A_681 = arith.constant 5.000000e-01 : f32
      %mul3A_682 = vector.broadcast %mul3A_681 : f32 to vector<16xf32>
      %mul3A_683 = arith.mulf %add3A_680, %mul3A_682 : vector<16xf32>
      %swap3A_684 = arith.index_cast %scan3A_180 : i32 to index
      %swap3A_685 = arith.constant 464 : index
      %swap3A_686 = tpu.vector_load %arg8[%swap3A_684, %swap3A_685] {strides = array<i32>} : memref<48x512xf32, #tpu.memory_space<vmem>>, vector<1x16xf32>,
      %swap3A_687 = vector.shape_cast %swap3A_686 : vector<1x16xf32> to vector<16xf32>
      %swap3A_688 = vector.shape_cast %mul3A_683 : vector<16xf32> to vector<1x16xf32>
      tpu.vector_store %arg8[%swap3A_684, %swap3A_685], %swap3A_688 {strides = array<i32>} : memref<48x512xf32, #tpu.memory_space<vmem>>, vector<1x16xf32>,
      %get3A_689 = arith.index_cast %scan3A_180 : i32 to index
      %get3A_690 = arith.constant 480 : index
      %get3A_691 = tpu.vector_load %arg8[%get3A_689, %get3A_690] {strides = array<i32>} : memref<48x512xf32, #tpu.memory_space<vmem>>, vector<1x16xf32>,
      %get3A_692 = vector.shape_cast %get3A_691 : vector<1x16xf32> to vector<16xf32>
      %get3A_693 = arith.index_cast %scan3A_180 : i32 to index
      %get3A_694 = arith.constant 480 : index
      %get3A_695 = tpu.vector_load %arg9[%get3A_693, %get3A_694] {strides = array<i32>} : memref<48x512xf32, #tpu.memory_space<vmem>>, vector<1x16xf32>,
      %get3A_696 = vector.shape_cast %get3A_695 : vector<1x16xf32> to vector<16xf32>
      %add3A_697 = arith.addf %get3A_692, %get3A_696 : vector<16xf32>
      %mul3A_698 = arith.constant 5.000000e-01 : f32
      %mul3A_699 = vector.broadcast %mul3A_698 : f32 to vector<16xf32>
      %mul3A_700 = arith.mulf %add3A_697, %mul3A_699 : vector<16xf32>
      %swap3A_701 = arith.index_cast %scan3A_180 : i32 to index
      %swap3A_702 = arith.constant 480 : index
      %swap3A_703 = tpu.vector_load %arg8[%swap3A_701, %swap3A_702] {strides = array<i32>} : memref<48x512xf32, #tpu.memory_space<vmem>>, vector<1x16xf32>,
      %swap3A_704 = vector.shape_cast %swap3A_703 : vector<1x16xf32> to vector<16xf32>
      %swap3A_705 = vector.shape_cast %mul3A_700 : vector<16xf32> to vector<1x16xf32>
      tpu.vector_store %arg8[%swap3A_701, %swap3A_702], %swap3A_705 {strides = array<i32>} : memref<48x512xf32, #tpu.memory_space<vmem>>, vector<1x16xf32>,
      %get3A_706 = arith.index_cast %scan3A_180 : i32 to index
      %get3A_707 = arith.constant 496 : index
      %get3A_708 = tpu.vector_load %arg8[%get3A_706, %get3A_707] {strides = array<i32>} : memref<48x512xf32, #tpu.memory_space<vmem>>, vector<1x16xf32>,
      %get3A_709 = vector.shape_cast %get3A_708 : vector<1x16xf32> to vector<16xf32>
      %get3A_710 = arith.index_cast %scan3A_180 : i32 to index
      %get3A_711 = arith.constant 496 : index
      %get3A_712 = tpu.vector_load %arg9[%get3A_710, %get3A_711] {strides = array<i32>} : memref<48x512xf32, #tpu.memory_space<vmem>>, vector<1x16xf32>,
      %get3A_713 = vector.shape_cast %get3A_712 : vector<1x16xf32> to vector<16xf32>
      %add3A_714 = arith.addf %get3A_709, %get3A_713 : vector<16xf32>
      %mul3A_715 = arith.constant 5.000000e-01 : f32
      %mul3A_716 = vector.broadcast %mul3A_715 : f32 to vector<16xf32>
      %mul3A_717 = arith.mulf %add3A_714, %mul3A_716 : vector<16xf32>
      %swap3A_718 = arith.index_cast %scan3A_180 : i32 to index
      %swap3A_719 = arith.constant 496 : index
      %swap3A_720 = tpu.vector_load %arg8[%swap3A_718, %swap3A_719] {strides = array<i32>} : memref<48x512xf32, #tpu.memory_space<vmem>>, vector<1x16xf32>,
      %swap3A_721 = vector.shape_cast %swap3A_720 : vector<1x16xf32> to vector<16xf32>
      %swap3A_722 = vector.shape_cast %mul3A_717 : vector<16xf32> to vector<1x16xf32>
      tpu.vector_store %arg8[%swap3A_718, %swap3A_719], %swap3A_722 {strides = array<i32>} : memref<48x512xf32, #tpu.memory_space<vmem>>, vector<1x16xf32>,
    }
    %scan3A_63 = arith.constant 48 : i32
    %mul3A_64 = arith.constant 3840 : i32
    %mul3A_65 = arith.muli %add3A, %mul3A_64 : i32
    %add3A_66 = arith.constant 40962 : i32
    %add3A_67 = arith.addi %add3A_66, %mul3A_65 : i32
    %add3A_68 = arith.constant 0 : i32
    %add3A_69 = arith.addi %add3A_67, %add3A_68 : i32
    %dma_start3A_70 = arith.constant 0 : i32
    %dma_start3A_71 = tpu.memref_slice %arg5[%add3A_69, %dma_start3A_70] : memref<163842x512xf32, #tpu.memory_space<hbm>> -> memref<48x512xf32, #tpu.memory_space<hbm>>
    %dma_start3A_72 = arith.constant 0 : i32
    %dma_start3A_73 = tpu.memref_slice %arg5[%add3A_69, %dma_start3A_72] : memref<163842x512xf32, #tpu.memory_space<hbm>> -> memref<48x512xf32, #tpu.memory_space<hbm>>
    tpu.enqueue_dma source(%arg8 : memref<48x512xf32, #tpu.memory_space<vmem>>) target(%dma_start3A_73 : memref<48x512xf32, #tpu.memory_space<hbm>>) target_semaphore(%arg16 : memref<!tpu.dma_semaphore, #tpu.memory_space<semaphore_mem>>)
    %dma_wait3A_74 = arith.constant 0 : i32
    %dma_wait3A_75 = arith.constant 0 : i32
    %dma_wait3A_76 = tpu.memref_slice %arg2[%dma_wait3A_74, %dma_wait3A_75] : memref<40962x512xf32, #tpu.memory_space<hbm>> -> memref<16x512xf32, #tpu.memory_space<hbm>>
    %dma_wait3A_77 = arith.constant 0 : i32
    %dma_wait3A_78 = arith.constant 0 : i32
    %dma_wait3A_79 = tpu.memref_slice %arg2[%dma_wait3A_77, %dma_wait3A_78] : memref<40962x512xf32, #tpu.memory_space<hbm>> -> memref<16x512xf32, #tpu.memory_space<hbm>>
    tpu.wait_dma2 semaphore(%arg18 : memref<!tpu.dma_semaphore, #tpu.memory_space<semaphore_mem>>) src(%dma_wait3A_79 : memref<16x512xf32, #tpu.memory_space<hbm>>) dst(%arg12 : memref<16x512xf32, #tpu.memory_space<vmem>>)
    %mul3A_80 = arith.constant 1280 : i32
    %mul3A_81 = arith.muli %add3A, %mul3A_80 : i32
    %add3A_82 = arith.constant 0 : i32
    %add3A_83 = arith.addi %mul3A_81, %add3A_82 : i32
    %dma_start3A_84 = arith.constant 0 : i32
    %dma_start3A_85 = tpu.memref_slice %arg5[%add3A_83, %dma_start3A_84] : memref<163842x512xf32, #tpu.memory_space<hbm>> -> memref<16x512xf32, #tpu.memory_space<hbm>>
    %dma_start3A_86 = arith.constant 0 : i32
    %dma_start3A_87 = tpu.memref_slice %arg5[%add3A_83, %dma_start3A_86] : memref<163842x512xf32, #tpu.memory_space<hbm>> -> memref<16x512xf32, #tpu.memory_space<hbm>>
    tpu.enqueue_dma source(%arg12 : memref<16x512xf32, #tpu.memory_space<vmem>>) target(%dma_start3A_87 : memref<16x512xf32, #tpu.memory_space<hbm>>) target_semaphore(%arg20 : memref<!tpu.dma_semaphore, #tpu.memory_space<semaphore_mem>>)
    %dma_wait3A_88 = arith.constant 0 : i32
    %dma_wait3A_89 = arith.constant 0 : i32
    %dma_wait3A_90 = tpu.memref_slice %arg2[%dma_wait3A_88, %dma_wait3A_89] : memref<40962x512xf32, #tpu.memory_space<hbm>> -> memref<48x512xf32, #tpu.memory_space<hbm>>
    %dma_wait3A_91 = arith.constant 0 : i32
    %dma_wait3A_92 = arith.constant 0 : i32
    %dma_wait3A_93 = tpu.memref_slice %arg2[%dma_wait3A_91, %dma_wait3A_92] : memref<40962x512xf32, #tpu.memory_space<hbm>> -> memref<48x512xf32, #tpu.memory_space<hbm>>
    tpu.wait_dma2 semaphore(%arg16 : memref<!tpu.dma_semaphore, #tpu.memory_space<semaphore_mem>>) src(%dma_wait3A_93 : memref<48x512xf32, #tpu.memory_space<hbm>>) dst(%arg8 : memref<48x512xf32, #tpu.memory_space<vmem>>)
    %dma_wait3A_94 = arith.constant 0 : i32
    %dma_wait3A_95 = arith.constant 0 : i32
    %dma_wait3A_96 = tpu.memref_slice %arg2[%dma_wait3A_94, %dma_wait3A_95] : memref<40962x512xf32, #tpu.memory_space<hbm>> -> memref<16x512xf32, #tpu.memory_space<hbm>>
    %dma_wait3A_97 = arith.constant 0 : i32
    %dma_wait3A_98 = arith.constant 0 : i32
    %dma_wait3A_99 = tpu.memref_slice %arg2[%dma_wait3A_97, %dma_wait3A_98] : memref<40962x512xf32, #tpu.memory_space<hbm>> -> memref<16x512xf32, #tpu.memory_space<hbm>>
    tpu.wait_dma2 semaphore(%arg20 : memref<!tpu.dma_semaphore, #tpu.memory_space<semaphore_mem>>) src(%dma_wait3A_99 : memref<16x512xf32, #tpu.memory_space<hbm>>) dst(%arg12 : memref<16x512xf32, #tpu.memory_space<vmem>>)
    %dma_start3A_100 = arith.constant 96 : i32
    %dma_start3A_101 = tpu.memref_slice %arg6[%dma_start3A_100] : memref<3840xi32, #tpu.memory_space<vmem>> -> memref<48xi32, #tpu.memory_space<vmem>>
    %dma_start3A_102 = arith.constant 0 : i32
    %dma_start3A_103 = arith.constant 0 : i32
    %dma_start3A_104 = tpu.memref_slice %arg2[%dma_start3A_102, %dma_start3A_103] : memref<40962x512xf32, #tpu.memory_space<hbm>> -> memref<40962x512xf32, #tpu.memory_space<hbm>>
    tpu.enqueue_indirect_dma source(%dma_start3A_104 : memref<40962x512xf32, #tpu.memory_space<hbm>>) target(%arg8 : memref<48x512xf32, #tpu.memory_space<vmem>>) offsets(%dma_start3A_101 : memref<48xi32, #tpu.memory_space<vmem>>) semaphore(%arg14 : memref<!tpu.dma_semaphore, #tpu.memory_space<semaphore_mem>>)
    %dma_start3A_105 = arith.constant 96 : i32
    %dma_start3A_106 = tpu.memref_slice %arg7[%dma_start3A_105] : memref<3840xi32, #tpu.memory_space<vmem>> -> memref<48xi32, #tpu.memory_space<vmem>>
    %dma_start3A_107 = arith.constant 0 : i32
    %dma_start3A_108 = arith.constant 0 : i32
    %dma_start3A_109 = tpu.memref_slice %arg2[%dma_start3A_107, %dma_start3A_108] : memref<40962x512xf32, #tpu.memory_space<hbm>> -> memref<40962x512xf32, #tpu.memory_space<hbm>>
    tpu.enqueue_indirect_dma source(%dma_start3A_109 : memref<40962x512xf32, #tpu.memory_space<hbm>>) target(%arg9 : memref<48x512xf32, #tpu.memory_space<vmem>>) offsets(%dma_start3A_106 : memref<48xi32, #tpu.memory_space<vmem>>) semaphore(%arg14 : memref<!tpu.dma_semaphore, #tpu.memory_space<semaphore_mem>>)
    %mul3A_110 = arith.constant 1280 : i32
    %mul3A_111 = arith.muli %add3A, %mul3A_110 : i32
    %add3A_112 = arith.constant 32 : i32
    %add3A_113 = arith.addi %mul3A_111, %add3A_112 : i32
    %dma_start3A_114 = arith.constant 0 : i32
    %dma_start3A_115 = tpu.memref_slice %arg2[%add3A_113, %dma_start3A_114] : memref<40962x512xf32, #tpu.memory_space<hbm>> -> memref<16x512xf32, #tpu.memory_space<hbm>>
    %dma_start3A_116 = arith.constant 0 : i32
    %dma_start3A_117 = tpu.memref_slice %arg2[%add3A_113, %dma_start3A_116] : memref<40962x512xf32, #tpu.memory_space<hbm>> -> memref<16x512xf32, #tpu.memory_space<hbm>>
    tpu.enqueue_dma source(%dma_start3A_117 : memref<16x512xf32, #tpu.memory_space<hbm>>) target(%arg12 : memref<16x512xf32, #tpu.memory_space<vmem>>) target_semaphore(%arg18 : memref<!tpu.dma_semaphore, #tpu.memory_space<semaphore_mem>>)
    %dma_wait3A_118 = arith.constant 0 : i32
    %dma_wait3A_119 = arith.constant 0 : i32
    %dma_wait3A_120 = tpu.memref_slice %arg2[%dma_wait3A_118, %dma_wait3A_119] : memref<40962x512xf32, #tpu.memory_space<hbm>> -> memref<48x512xf32, #tpu.memory_space<hbm>>
    %dma_wait3A_121 = arith.constant 0 : i32
    %dma_wait3A_122 = arith.constant 0 : i32
    %dma_wait3A_123 = tpu.memref_slice %arg2[%dma_wait3A_121, %dma_wait3A_122] : memref<40962x512xf32, #tpu.memory_space<hbm>> -> memref<48x512xf32, #tpu.memory_space<hbm>>
    tpu.wait_dma2 semaphore(%arg15 : memref<!tpu.dma_semaphore, #tpu.memory_space<semaphore_mem>>) src(%dma_wait3A_123 : memref<48x512xf32, #tpu.memory_space<hbm>>) dst(%arg10 : memref<48x512xf32, #tpu.memory_space<vmem>>)
    %dma_wait3A_124 = arith.constant 0 : i32
    %dma_wait3A_125 = arith.constant 0 : i32
    %dma_wait3A_126 = tpu.memref_slice %arg2[%dma_wait3A_124, %dma_wait3A_125] : memref<40962x512xf32, #tpu.memory_space<hbm>> -> memref<48x512xf32, #tpu.memory_space<hbm>>
    %dma_wait3A_127 = arith.constant 0 : i32
    %dma_wait3A_128 = arith.constant 0 : i32
    %dma_wait3A_129 = tpu.memref_slice %arg2[%dma_wait3A_127, %dma_wait3A_128] : memref<40962x512xf32, #tpu.memory_space<hbm>> -> memref<48x512xf32, #tpu.memory_space<hbm>>
    tpu.wait_dma2 semaphore(%arg15 : memref<!tpu.dma_semaphore, #tpu.memory_space<semaphore_mem>>) src(%dma_wait3A_129 : memref<48x512xf32, #tpu.memory_space<hbm>>) dst(%arg11 : memref<48x512xf32, #tpu.memory_space<vmem>>)
    %scan3A_130 = arith.constant 0 : i32
    %scan3A_131 = arith.constant 0 : i32
    %scan3A_132 = arith.constant 48 : i32
    %scan3A_133 = arith.addi %scan3A_131, %scan3A_132 : i32
    %scan3A_134 = arith.constant 1 : i32
    scf.for %scan3A_180 = %scan3A_131 to %scan3A_133 step %scan3A_134  : i32 {
      %get3A = arith.index_cast %scan3A_180 : i32 to index
      %get3A_181 = arith.constant 0 : index
      %get3A_182 = tpu.vector_load %arg10[%get3A, %get3A_181] {strides = array<i32>} : memref<48x512xf32, #tpu.memory_space<vmem>>, vector<1x16xf32>,
      %get3A_183 = vector.shape_cast %get3A_182 : vector<1x16xf32> to vector<16xf32>
      %get3A_184 = arith.index_cast %scan3A_180 : i32 to index
      %get3A_185 = arith.constant 0 : index
      %get3A_186 = tpu.vector_load %arg11[%get3A_184, %get3A_185] {strides = array<i32>} : memref<48x512xf32, #tpu.memory_space<vmem>>, vector<1x16xf32>,
      %get3A_187 = vector.shape_cast %get3A_186 : vector<1x16xf32> to vector<16xf32>
      %add3A_188 = arith.addf %get3A_183, %get3A_187 : vector<16xf32>
      %mul3A_189 = arith.constant 5.000000e-01 : f32
      %mul3A_190 = vector.broadcast %mul3A_189 : f32 to vector<16xf32>
      %mul3A_191 = arith.mulf %add3A_188, %mul3A_190 : vector<16xf32>
      %swap3A = arith.index_cast %scan3A_180 : i32 to index
      %swap3A_192 = arith.constant 0 : index
      %swap3A_193 = tpu.vector_load %arg10[%swap3A, %swap3A_192] {strides = array<i32>} : memref<48x512xf32, #tpu.memory_space<vmem>>, vector<1x16xf32>,
      %swap3A_194 = vector.shape_cast %swap3A_193 : vector<1x16xf32> to vector<16xf32>
      %swap3A_195 = vector.shape_cast %mul3A_191 : vector<16xf32> to vector<1x16xf32>
      tpu.vector_store %arg10[%swap3A, %swap3A_192], %swap3A_195 {strides = array<i32>} : memref<48x512xf32, #tpu.memory_space<vmem>>, vector<1x16xf32>,
      %get3A_196 = arith.index_cast %scan3A_180 : i32 to index
      %get3A_197 = arith.constant 16 : index
      %get3A_198 = tpu.vector_load %arg10[%get3A_196, %get3A_197] {strides = array<i32>} : memref<48x512xf32, #tpu.memory_space<vmem>>, vector<1x16xf32>,
      %get3A_199 = vector.shape_cast %get3A_198 : vector<1x16xf32> to vector<16xf32>
      %get3A_200 = arith.index_cast %scan3A_180 : i32 to index
      %get3A_201 = arith.constant 16 : index
      %get3A_202 = tpu.vector_load %arg11[%get3A_200, %get3A_201] {strides = array<i32>} : memref<48x512xf32, #tpu.memory_space<vmem>>, vector<1x16xf32>,
      %get3A_203 = vector.shape_cast %get3A_202 : vector<1x16xf32> to vector<16xf32>
      %add3A_204 = arith.addf %get3A_199, %get3A_203 : vector<16xf32>
      %mul3A_205 = arith.constant 5.000000e-01 : f32
      %mul3A_206 = vector.broadcast %mul3A_205 : f32 to vector<16xf32>
      %mul3A_207 = arith.mulf %add3A_204, %mul3A_206 : vector<16xf32>
      %swap3A_208 = arith.index_cast %scan3A_180 : i32 to index
      %swap3A_209 = arith.constant 16 : index
      %swap3A_210 = tpu.vector_load %arg10[%swap3A_208, %swap3A_209] {strides = array<i32>} : memref<48x512xf32, #tpu.memory_space<vmem>>, vector<1x16xf32>,
      %swap3A_211 = vector.shape_cast %swap3A_210 : vector<1x16xf32> to vector<16xf32>
      %swap3A_212 = vector.shape_cast %mul3A_207 : vector<16xf32> to vector<1x16xf32>
      tpu.vector_store %arg10[%swap3A_208, %swap3A_209], %swap3A_212 {strides = array<i32>} : memref<48x512xf32, #tpu.memory_space<vmem>>, vector<1x16xf32>,
      %get3A_213 = arith.index_cast %scan3A_180 : i32 to index
      %get3A_214 = arith.constant 32 : index
      %get3A_215 = tpu.vector_load %arg10[%get3A_213, %get3A_214] {strides = array<i32>} : memref<48x512xf32, #tpu.memory_space<vmem>>, vector<1x16xf32>,
      %get3A_216 = vector.shape_cast %get3A_215 : vector<1x16xf32> to vector<16xf32>
      %get3A_217 = arith.index_cast %scan3A_180 : i32 to index
      %get3A_218 = arith.constant 32 : index
      %get3A_219 = tpu.vector_load %arg11[%get3A_217, %get3A_218] {strides = array<i32>} : memref<48x512xf32, #tpu.memory_space<vmem>>, vector<1x16xf32>,
      %get3A_220 = vector.shape_cast %get3A_219 : vector<1x16xf32> to vector<16xf32>
      %add3A_221 = arith.addf %get3A_216, %get3A_220 : vector<16xf32>
      %mul3A_222 = arith.constant 5.000000e-01 : f32
      %mul3A_223 = vector.broadcast %mul3A_222 : f32 to vector<16xf32>
      %mul3A_224 = arith.mulf %add3A_221, %mul3A_223 : vector<16xf32>
      %swap3A_225 = arith.index_cast %scan3A_180 : i32 to index
      %swap3A_226 = arith.constant 32 : index
      %swap3A_227 = tpu.vector_load %arg10[%swap3A_225, %swap3A_226] {strides = array<i32>} : memref<48x512xf32, #tpu.memory_space<vmem>>, vector<1x16xf32>,
      %swap3A_228 = vector.shape_cast %swap3A_227 : vector<1x16xf32> to vector<16xf32>
      %swap3A_229 = vector.shape_cast %mul3A_224 : vector<16xf32> to vector<1x16xf32>
      tpu.vector_store %arg10[%swap3A_225, %swap3A_226], %swap3A_229 {strides = array<i32>} : memref<48x512xf32, #tpu.memory_space<vmem>>, vector<1x16xf32>,
      %get3A_230 = arith.index_cast %scan3A_180 : i32 to index
      %get3A_231 = arith.constant 48 : index
      %get3A_232 = tpu.vector_load %arg10[%get3A_230, %get3A_231] {strides = array<i32>} : memref<48x512xf32, #tpu.memory_space<vmem>>, vector<1x16xf32>,
      %get3A_233 = vector.shape_cast %get3A_232 : vector<1x16xf32> to vector<16xf32>
      %get3A_234 = arith.index_cast %scan3A_180 : i32 to index
      %get3A_235 = arith.constant 48 : index
      %get3A_236 = tpu.vector_load %arg11[%get3A_234, %get3A_235] {strides = array<i32>} : memref<48x512xf32, #tpu.memory_space<vmem>>, vector<1x16xf32>,
      %get3A_237 = vector.shape_cast %get3A_236 : vector<1x16xf32> to vector<16xf32>
      %add3A_238 = arith.addf %get3A_233, %get3A_237 : vector<16xf32>
      %mul3A_239 = arith.constant 5.000000e-01 : f32
      %mul3A_240 = vector.broadcast %mul3A_239 : f32 to vector<16xf32>
      %mul3A_241 = arith.mulf %add3A_238, %mul3A_240 : vector<16xf32>
      %swap3A_242 = arith.index_cast %scan3A_180 : i32 to index
      %swap3A_243 = arith.constant 48 : index
      %swap3A_244 = tpu.vector_load %arg10[%swap3A_242, %swap3A_243] {strides = array<i32>} : memref<48x512xf32, #tpu.memory_space<vmem>>, vector<1x16xf32>,
      %swap3A_245 = vector.shape_cast %swap3A_244 : vector<1x16xf32> to vector<16xf32>
      %swap3A_246 = vector.shape_cast %mul3A_241 : vector<16xf32> to vector<1x16xf32>
      tpu.vector_store %arg10[%swap3A_242, %swap3A_243], %swap3A_246 {strides = array<i32>} : memref<48x512xf32, #tpu.memory_space<vmem>>, vector<1x16xf32>,
      %get3A_247 = arith.index_cast %scan3A_180 : i32 to index
      %get3A_248 = arith.constant 64 : index
      %get3A_249 = tpu.vector_load %arg10[%get3A_247, %get3A_248] {strides = array<i32>} : memref<48x512xf32, #tpu.memory_space<vmem>>, vector<1x16xf32>,
      %get3A_250 = vector.shape_cast %get3A_249 : vector<1x16xf32> to vector<16xf32>
      %get3A_251 = arith.index_cast %scan3A_180 : i32 to index
      %get3A_252 = arith.constant 64 : index
      %get3A_253 = tpu.vector_load %arg11[%get3A_251, %get3A_252] {strides = array<i32>} : memref<48x512xf32, #tpu.memory_space<vmem>>, vector<1x16xf32>,
      %get3A_254 = vector.shape_cast %get3A_253 : vector<1x16xf32> to vector<16xf32>
      %add3A_255 = arith.addf %get3A_250, %get3A_254 : vector<16xf32>
      %mul3A_256 = arith.constant 5.000000e-01 : f32
      %mul3A_257 = vector.broadcast %mul3A_256 : f32 to vector<16xf32>
      %mul3A_258 = arith.mulf %add3A_255, %mul3A_257 : vector<16xf32>
      %swap3A_259 = arith.index_cast %scan3A_180 : i32 to index
      %swap3A_260 = arith.constant 64 : index
      %swap3A_261 = tpu.vector_load %arg10[%swap3A_259, %swap3A_260] {strides = array<i32>} : memref<48x512xf32, #tpu.memory_space<vmem>>, vector<1x16xf32>,
      %swap3A_262 = vector.shape_cast %swap3A_261 : vector<1x16xf32> to vector<16xf32>
      %swap3A_263 = vector.shape_cast %mul3A_258 : vector<16xf32> to vector<1x16xf32>
      tpu.vector_store %arg10[%swap3A_259, %swap3A_260], %swap3A_263 {strides = array<i32>} : memref<48x512xf32, #tpu.memory_space<vmem>>, vector<1x16xf32>,
      %get3A_264 = arith.index_cast %scan3A_180 : i32 to index
      %get3A_265 = arith.constant 80 : index
      %get3A_266 = tpu.vector_load %arg10[%get3A_264, %get3A_265] {strides = array<i32>} : memref<48x512xf32, #tpu.memory_space<vmem>>, vector<1x16xf32>,
      %get3A_267 = vector.shape_cast %get3A_266 : vector<1x16xf32> to vector<16xf32>
      %get3A_268 = arith.index_cast %scan3A_180 : i32 to index
      %get3A_269 = arith.constant 80 : index
      %get3A_270 = tpu.vector_load %arg11[%get3A_268, %get3A_269] {strides = array<i32>} : memref<48x512xf32, #tpu.memory_space<vmem>>, vector<1x16xf32>,
      %get3A_271 = vector.shape_cast %get3A_270 : vector<1x16xf32> to vector<16xf32>
      %add3A_272 = arith.addf %get3A_267, %get3A_271 : vector<16xf32>
      %mul3A_273 = arith.constant 5.000000e-01 : f32
      %mul3A_274 = vector.broadcast %mul3A_273 : f32 to vector<16xf32>
      %mul3A_275 = arith.mulf %add3A_272, %mul3A_274 : vector<16xf32>
      %swap3A_276 = arith.index_cast %scan3A_180 : i32 to index
      %swap3A_277 = arith.constant 80 : index
      %swap3A_278 = tpu.vector_load %arg10[%swap3A_276, %swap3A_277] {strides = array<i32>} : memref<48x512xf32, #tpu.memory_space<vmem>>, vector<1x16xf32>,
      %swap3A_279 = vector.shape_cast %swap3A_278 : vector<1x16xf32> to vector<16xf32>
      %swap3A_280 = vector.shape_cast %mul3A_275 : vector<16xf32> to vector<1x16xf32>
      tpu.vector_store %arg10[%swap3A_276, %swap3A_277], %swap3A_280 {strides = array<i32>} : memref<48x512xf32, #tpu.memory_space<vmem>>, vector<1x16xf32>,
      %get3A_281 = arith.index_cast %scan3A_180 : i32 to index
      %get3A_282 = arith.constant 96 : index
      %get3A_283 = tpu.vector_load %arg10[%get3A_281, %get3A_282] {strides = array<i32>} : memref<48x512xf32, #tpu.memory_space<vmem>>, vector<1x16xf32>,
      %get3A_284 = vector.shape_cast %get3A_283 : vector<1x16xf32> to vector<16xf32>
      %get3A_285 = arith.index_cast %scan3A_180 : i32 to index
      %get3A_286 = arith.constant 96 : index
      %get3A_287 = tpu.vector_load %arg11[%get3A_285, %get3A_286] {strides = array<i32>} : memref<48x512xf32, #tpu.memory_space<vmem>>, vector<1x16xf32>,
      %get3A_288 = vector.shape_cast %get3A_287 : vector<1x16xf32> to vector<16xf32>
      %add3A_289 = arith.addf %get3A_284, %get3A_288 : vector<16xf32>
      %mul3A_290 = arith.constant 5.000000e-01 : f32
      %mul3A_291 = vector.broadcast %mul3A_290 : f32 to vector<16xf32>
      %mul3A_292 = arith.mulf %add3A_289, %mul3A_291 : vector<16xf32>
      %swap3A_293 = arith.index_cast %scan3A_180 : i32 to index
      %swap3A_294 = arith.constant 96 : index
      %swap3A_295 = tpu.vector_load %arg10[%swap3A_293, %swap3A_294] {strides = array<i32>} : memref<48x512xf32, #tpu.memory_space<vmem>>, vector<1x16xf32>,
      %swap3A_296 = vector.shape_cast %swap3A_295 : vector<1x16xf32> to vector<16xf32>
      %swap3A_297 = vector.shape_cast %mul3A_292 : vector<16xf32> to vector<1x16xf32>
      tpu.vector_store %arg10[%swap3A_293, %swap3A_294], %swap3A_297 {strides = array<i32>} : memref<48x512xf32, #tpu.memory_space<vmem>>, vector<1x16xf32>,
      %get3A_298 = arith.index_cast %scan3A_180 : i32 to index
      %get3A_299 = arith.constant 112 : index
      %get3A_300 = tpu.vector_load %arg10[%get3A_298, %get3A_299] {strides = array<i32>} : memref<48x512xf32, #tpu.memory_space<vmem>>, vector<1x16xf32>,
      %get3A_301 = vector.shape_cast %get3A_300 : vector<1x16xf32> to vector<16xf32>
      %get3A_302 = arith.index_cast %scan3A_180 : i32 to index
      %get3A_303 = arith.constant 112 : index
      %get3A_304 = tpu.vector_load %arg11[%get3A_302, %get3A_303] {strides = array<i32>} : memref<48x512xf32, #tpu.memory_space<vmem>>, vector<1x16xf32>,
      %get3A_305 = vector.shape_cast %get3A_304 : vector<1x16xf32> to vector<16xf32>
      %add3A_306 = arith.addf %get3A_301, %get3A_305 : vector<16xf32>
      %mul3A_307 = arith.constant 5.000000e-01 : f32
      %mul3A_308 = vector.broadcast %mul3A_307 : f32 to vector<16xf32>
      %mul3A_309 = arith.mulf %add3A_306, %mul3A_308 : vector<16xf32>
      %swap3A_310 = arith.index_cast %scan3A_180 : i32 to index
      %swap3A_311 = arith.constant 112 : index
      %swap3A_312 = tpu.vector_load %arg10[%swap3A_310, %swap3A_311] {strides = array<i32>} : memref<48x512xf32, #tpu.memory_space<vmem>>, vector<1x16xf32>,
      %swap3A_313 = vector.shape_cast %swap3A_312 : vector<1x16xf32> to vector<16xf32>
      %swap3A_314 = vector.shape_cast %mul3A_309 : vector<16xf32> to vector<1x16xf32>
      tpu.vector_store %arg10[%swap3A_310, %swap3A_311], %swap3A_314 {strides = array<i32>} : memref<48x512xf32, #tpu.memory_space<vmem>>, vector<1x16xf32>,
      %get3A_315 = arith.index_cast %scan3A_180 : i32 to index
      %get3A_316 = arith.constant 128 : index
      %get3A_317 = tpu.vector_load %arg10[%get3A_315, %get3A_316] {strides = array<i32>} : memref<48x512xf32, #tpu.memory_space<vmem>>, vector<1x16xf32>,
      %get3A_318 = vector.shape_cast %get3A_317 : vector<1x16xf32> to vector<16xf32>
      %get3A_319 = arith.index_cast %scan3A_180 : i32 to index
      %get3A_320 = arith.constant 128 : index
      %get3A_321 = tpu.vector_load %arg11[%get3A_319, %get3A_320] {strides = array<i32>} : memref<48x512xf32, #tpu.memory_space<vmem>>, vector<1x16xf32>,
      %get3A_322 = vector.shape_cast %get3A_321 : vector<1x16xf32> to vector<16xf32>
      %add3A_323 = arith.addf %get3A_318, %get3A_322 : vector<16xf32>
      %mul3A_324 = arith.constant 5.000000e-01 : f32
      %mul3A_325 = vector.broadcast %mul3A_324 : f32 to vector<16xf32>
      %mul3A_326 = arith.mulf %add3A_323, %mul3A_325 : vector<16xf32>
      %swap3A_327 = arith.index_cast %scan3A_180 : i32 to index
      %swap3A_328 = arith.constant 128 : index
      %swap3A_329 = tpu.vector_load %arg10[%swap3A_327, %swap3A_328] {strides = array<i32>} : memref<48x512xf32, #tpu.memory_space<vmem>>, vector<1x16xf32>,
      %swap3A_330 = vector.shape_cast %swap3A_329 : vector<1x16xf32> to vector<16xf32>
      %swap3A_331 = vector.shape_cast %mul3A_326 : vector<16xf32> to vector<1x16xf32>
      tpu.vector_store %arg10[%swap3A_327, %swap3A_328], %swap3A_331 {strides = array<i32>} : memref<48x512xf32, #tpu.memory_space<vmem>>, vector<1x16xf32>,
      %get3A_332 = arith.index_cast %scan3A_180 : i32 to index
      %get3A_333 = arith.constant 144 : index
      %get3A_334 = tpu.vector_load %arg10[%get3A_332, %get3A_333] {strides = array<i32>} : memref<48x512xf32, #tpu.memory_space<vmem>>, vector<1x16xf32>,
      %get3A_335 = vector.shape_cast %get3A_334 : vector<1x16xf32> to vector<16xf32>
      %get3A_336 = arith.index_cast %scan3A_180 : i32 to index
      %get3A_337 = arith.constant 144 : index
      %get3A_338 = tpu.vector_load %arg11[%get3A_336, %get3A_337] {strides = array<i32>} : memref<48x512xf32, #tpu.memory_space<vmem>>, vector<1x16xf32>,
      %get3A_339 = vector.shape_cast %get3A_338 : vector<1x16xf32> to vector<16xf32>
      %add3A_340 = arith.addf %get3A_335, %get3A_339 : vector<16xf32>
      %mul3A_341 = arith.constant 5.000000e-01 : f32
      %mul3A_342 = vector.broadcast %mul3A_341 : f32 to vector<16xf32>
      %mul3A_343 = arith.mulf %add3A_340, %mul3A_342 : vector<16xf32>
      %swap3A_344 = arith.index_cast %scan3A_180 : i32 to index
      %swap3A_345 = arith.constant 144 : index
      %swap3A_346 = tpu.vector_load %arg10[%swap3A_344, %swap3A_345] {strides = array<i32>} : memref<48x512xf32, #tpu.memory_space<vmem>>, vector<1x16xf32>,
      %swap3A_347 = vector.shape_cast %swap3A_346 : vector<1x16xf32> to vector<16xf32>
      %swap3A_348 = vector.shape_cast %mul3A_343 : vector<16xf32> to vector<1x16xf32>
      tpu.vector_store %arg10[%swap3A_344, %swap3A_345], %swap3A_348 {strides = array<i32>} : memref<48x512xf32, #tpu.memory_space<vmem>>, vector<1x16xf32>,
      %get3A_349 = arith.index_cast %scan3A_180 : i32 to index
      %get3A_350 = arith.constant 160 : index
      %get3A_351 = tpu.vector_load %arg10[%get3A_349, %get3A_350] {strides = array<i32>} : memref<48x512xf32, #tpu.memory_space<vmem>>, vector<1x16xf32>,
      %get3A_352 = vector.shape_cast %get3A_351 : vector<1x16xf32> to vector<16xf32>
      %get3A_353 = arith.index_cast %scan3A_180 : i32 to index
      %get3A_354 = arith.constant 160 : index
      %get3A_355 = tpu.vector_load %arg11[%get3A_353, %get3A_354] {strides = array<i32>} : memref<48x512xf32, #tpu.memory_space<vmem>>, vector<1x16xf32>,
      %get3A_356 = vector.shape_cast %get3A_355 : vector<1x16xf32> to vector<16xf32>
      %add3A_357 = arith.addf %get3A_352, %get3A_356 : vector<16xf32>
      %mul3A_358 = arith.constant 5.000000e-01 : f32
      %mul3A_359 = vector.broadcast %mul3A_358 : f32 to vector<16xf32>
      %mul3A_360 = arith.mulf %add3A_357, %mul3A_359 : vector<16xf32>
      %swap3A_361 = arith.index_cast %scan3A_180 : i32 to index
      %swap3A_362 = arith.constant 160 : index
      %swap3A_363 = tpu.vector_load %arg10[%swap3A_361, %swap3A_362] {strides = array<i32>} : memref<48x512xf32, #tpu.memory_space<vmem>>, vector<1x16xf32>,
      %swap3A_364 = vector.shape_cast %swap3A_363 : vector<1x16xf32> to vector<16xf32>
      %swap3A_365 = vector.shape_cast %mul3A_360 : vector<16xf32> to vector<1x16xf32>
      tpu.vector_store %arg10[%swap3A_361, %swap3A_362], %swap3A_365 {strides = array<i32>} : memref<48x512xf32, #tpu.memory_space<vmem>>, vector<1x16xf32>,
      %get3A_366 = arith.index_cast %scan3A_180 : i32 to index
      %get3A_367 = arith.constant 176 : index
      %get3A_368 = tpu.vector_load %arg10[%get3A_366, %get3A_367] {strides = array<i32>} : memref<48x512xf32, #tpu.memory_space<vmem>>, vector<1x16xf32>,
      %get3A_369 = vector.shape_cast %get3A_368 : vector<1x16xf32> to vector<16xf32>
      %get3A_370 = arith.index_cast %scan3A_180 : i32 to index
      %get3A_371 = arith.constant 176 : index
      %get3A_372 = tpu.vector_load %arg11[%get3A_370, %get3A_371] {strides = array<i32>} : memref<48x512xf32, #tpu.memory_space<vmem>>, vector<1x16xf32>,
      %get3A_373 = vector.shape_cast %get3A_372 : vector<1x16xf32> to vector<16xf32>
      %add3A_374 = arith.addf %get3A_369, %get3A_373 : vector<16xf32>
      %mul3A_375 = arith.constant 5.000000e-01 : f32
      %mul3A_376 = vector.broadcast %mul3A_375 : f32 to vector<16xf32>
      %mul3A_377 = arith.mulf %add3A_374, %mul3A_376 : vector<16xf32>
      %swap3A_378 = arith.index_cast %scan3A_180 : i32 to index
      %swap3A_379 = arith.constant 176 : index
      %swap3A_380 = tpu.vector_load %arg10[%swap3A_378, %swap3A_379] {strides = array<i32>} : memref<48x512xf32, #tpu.memory_space<vmem>>, vector<1x16xf32>,
      %swap3A_381 = vector.shape_cast %swap3A_380 : vector<1x16xf32> to vector<16xf32>
      %swap3A_382 = vector.shape_cast %mul3A_377 : vector<16xf32> to vector<1x16xf32>
      tpu.vector_store %arg10[%swap3A_378, %swap3A_379], %swap3A_382 {strides = array<i32>} : memref<48x512xf32, #tpu.memory_space<vmem>>, vector<1x16xf32>,
      %get3A_383 = arith.index_cast %scan3A_180 : i32 to index
      %get3A_384 = arith.constant 192 : index
      %get3A_385 = tpu.vector_load %arg10[%get3A_383, %get3A_384] {strides = array<i32>} : memref<48x512xf32, #tpu.memory_space<vmem>>, vector<1x16xf32>,
      %get3A_386 = vector.shape_cast %get3A_385 : vector<1x16xf32> to vector<16xf32>
      %get3A_387 = arith.index_cast %scan3A_180 : i32 to index
      %get3A_388 = arith.constant 192 : index
      %get3A_389 = tpu.vector_load %arg11[%get3A_387, %get3A_388] {strides = array<i32>} : memref<48x512xf32, #tpu.memory_space<vmem>>, vector<1x16xf32>,
      %get3A_390 = vector.shape_cast %get3A_389 : vector<1x16xf32> to vector<16xf32>
      %add3A_391 = arith.addf %get3A_386, %get3A_390 : vector<16xf32>
      %mul3A_392 = arith.constant 5.000000e-01 : f32
      %mul3A_393 = vector.broadcast %mul3A_392 : f32 to vector<16xf32>
      %mul3A_394 = arith.mulf %add3A_391, %mul3A_393 : vector<16xf32>
      %swap3A_395 = arith.index_cast %scan3A_180 : i32 to index
      %swap3A_396 = arith.constant 192 : index
      %swap3A_397 = tpu.vector_load %arg10[%swap3A_395, %swap3A_396] {strides = array<i32>} : memref<48x512xf32, #tpu.memory_space<vmem>>, vector<1x16xf32>,
      %swap3A_398 = vector.shape_cast %swap3A_397 : vector<1x16xf32> to vector<16xf32>
      %swap3A_399 = vector.shape_cast %mul3A_394 : vector<16xf32> to vector<1x16xf32>
      tpu.vector_store %arg10[%swap3A_395, %swap3A_396], %swap3A_399 {strides = array<i32>} : memref<48x512xf32, #tpu.memory_space<vmem>>, vector<1x16xf32>,
      %get3A_400 = arith.index_cast %scan3A_180 : i32 to index
      %get3A_401 = arith.constant 208 : index
      %get3A_402 = tpu.vector_load %arg10[%get3A_400, %get3A_401] {strides = array<i32>} : memref<48x512xf32, #tpu.memory_space<vmem>>, vector<1x16xf32>,
      %get3A_403 = vector.shape_cast %get3A_402 : vector<1x16xf32> to vector<16xf32>
      %get3A_404 = arith.index_cast %scan3A_180 : i32 to index
      %get3A_405 = arith.constant 208 : index
      %get3A_406 = tpu.vector_load %arg11[%get3A_404, %get3A_405] {strides = array<i32>} : memref<48x512xf32, #tpu.memory_space<vmem>>, vector<1x16xf32>,
      %get3A_407 = vector.shape_cast %get3A_406 : vector<1x16xf32> to vector<16xf32>
      %add3A_408 = arith.addf %get3A_403, %get3A_407 : vector<16xf32>
      %mul3A_409 = arith.constant 5.000000e-01 : f32
      %mul3A_410 = vector.broadcast %mul3A_409 : f32 to vector<16xf32>
      %mul3A_411 = arith.mulf %add3A_408, %mul3A_410 : vector<16xf32>
      %swap3A_412 = arith.index_cast %scan3A_180 : i32 to index
      %swap3A_413 = arith.constant 208 : index
      %swap3A_414 = tpu.vector_load %arg10[%swap3A_412, %swap3A_413] {strides = array<i32>} : memref<48x512xf32, #tpu.memory_space<vmem>>, vector<1x16xf32>,
      %swap3A_415 = vector.shape_cast %swap3A_414 : vector<1x16xf32> to vector<16xf32>
      %swap3A_416 = vector.shape_cast %mul3A_411 : vector<16xf32> to vector<1x16xf32>
      tpu.vector_store %arg10[%swap3A_412, %swap3A_413], %swap3A_416 {strides = array<i32>} : memref<48x512xf32, #tpu.memory_space<vmem>>, vector<1x16xf32>,
      %get3A_417 = arith.index_cast %scan3A_180 : i32 to index
      %get3A_418 = arith.constant 224 : index
      %get3A_419 = tpu.vector_load %arg10[%get3A_417, %get3A_418] {strides = array<i32>} : memref<48x512xf32, #tpu.memory_space<vmem>>, vector<1x16xf32>,
      %get3A_420 = vector.shape_cast %get3A_419 : vector<1x16xf32> to vector<16xf32>
      %get3A_421 = arith.index_cast %scan3A_180 : i32 to index
      %get3A_422 = arith.constant 224 : index
      %get3A_423 = tpu.vector_load %arg11[%get3A_421, %get3A_422] {strides = array<i32>} : memref<48x512xf32, #tpu.memory_space<vmem>>, vector<1x16xf32>,
      %get3A_424 = vector.shape_cast %get3A_423 : vector<1x16xf32> to vector<16xf32>
      %add3A_425 = arith.addf %get3A_420, %get3A_424 : vector<16xf32>
      %mul3A_426 = arith.constant 5.000000e-01 : f32
      %mul3A_427 = vector.broadcast %mul3A_426 : f32 to vector<16xf32>
      %mul3A_428 = arith.mulf %add3A_425, %mul3A_427 : vector<16xf32>
      %swap3A_429 = arith.index_cast %scan3A_180 : i32 to index
      %swap3A_430 = arith.constant 224 : index
      %swap3A_431 = tpu.vector_load %arg10[%swap3A_429, %swap3A_430] {strides = array<i32>} : memref<48x512xf32, #tpu.memory_space<vmem>>, vector<1x16xf32>,
      %swap3A_432 = vector.shape_cast %swap3A_431 : vector<1x16xf32> to vector<16xf32>
      %swap3A_433 = vector.shape_cast %mul3A_428 : vector<16xf32> to vector<1x16xf32>
      tpu.vector_store %arg10[%swap3A_429, %swap3A_430], %swap3A_433 {strides = array<i32>} : memref<48x512xf32, #tpu.memory_space<vmem>>, vector<1x16xf32>,
      %get3A_434 = arith.index_cast %scan3A_180 : i32 to index
      %get3A_435 = arith.constant 240 : index
      %get3A_436 = tpu.vector_load %arg10[%get3A_434, %get3A_435] {strides = array<i32>} : memref<48x512xf32, #tpu.memory_space<vmem>>, vector<1x16xf32>,
      %get3A_437 = vector.shape_cast %get3A_436 : vector<1x16xf32> to vector<16xf32>
      %get3A_438 = arith.index_cast %scan3A_180 : i32 to index
      %get3A_439 = arith.constant 240 : index
      %get3A_440 = tpu.vector_load %arg11[%get3A_438, %get3A_439] {strides = array<i32>} : memref<48x512xf32, #tpu.memory_space<vmem>>, vector<1x16xf32>,
      %get3A_441 = vector.shape_cast %get3A_440 : vector<1x16xf32> to vector<16xf32>
      %add3A_442 = arith.addf %get3A_437, %get3A_441 : vector<16xf32>
      %mul3A_443 = arith.constant 5.000000e-01 : f32
      %mul3A_444 = vector.broadcast %mul3A_443 : f32 to vector<16xf32>
      %mul3A_445 = arith.mulf %add3A_442, %mul3A_444 : vector<16xf32>
      %swap3A_446 = arith.index_cast %scan3A_180 : i32 to index
      %swap3A_447 = arith.constant 240 : index
      %swap3A_448 = tpu.vector_load %arg10[%swap3A_446, %swap3A_447] {strides = array<i32>} : memref<48x512xf32, #tpu.memory_space<vmem>>, vector<1x16xf32>,
      %swap3A_449 = vector.shape_cast %swap3A_448 : vector<1x16xf32> to vector<16xf32>
      %swap3A_450 = vector.shape_cast %mul3A_445 : vector<16xf32> to vector<1x16xf32>
      tpu.vector_store %arg10[%swap3A_446, %swap3A_447], %swap3A_450 {strides = array<i32>} : memref<48x512xf32, #tpu.memory_space<vmem>>, vector<1x16xf32>,
      %get3A_451 = arith.index_cast %scan3A_180 : i32 to index
      %get3A_452 = arith.constant 256 : index
      %get3A_453 = tpu.vector_load %arg10[%get3A_451, %get3A_452] {strides = array<i32>} : memref<48x512xf32, #tpu.memory_space<vmem>>, vector<1x16xf32>,
      %get3A_454 = vector.shape_cast %get3A_453 : vector<1x16xf32> to vector<16xf32>
      %get3A_455 = arith.index_cast %scan3A_180 : i32 to index
      %get3A_456 = arith.constant 256 : index
      %get3A_457 = tpu.vector_load %arg11[%get3A_455, %get3A_456] {strides = array<i32>} : memref<48x512xf32, #tpu.memory_space<vmem>>, vector<1x16xf32>,
      %get3A_458 = vector.shape_cast %get3A_457 : vector<1x16xf32> to vector<16xf32>
      %add3A_459 = arith.addf %get3A_454, %get3A_458 : vector<16xf32>
      %mul3A_460 = arith.constant 5.000000e-01 : f32
      %mul3A_461 = vector.broadcast %mul3A_460 : f32 to vector<16xf32>
      %mul3A_462 = arith.mulf %add3A_459, %mul3A_461 : vector<16xf32>
      %swap3A_463 = arith.index_cast %scan3A_180 : i32 to index
      %swap3A_464 = arith.constant 256 : index
      %swap3A_465 = tpu.vector_load %arg10[%swap3A_463, %swap3A_464] {strides = array<i32>} : memref<48x512xf32, #tpu.memory_space<vmem>>, vector<1x16xf32>,
      %swap3A_466 = vector.shape_cast %swap3A_465 : vector<1x16xf32> to vector<16xf32>
      %swap3A_467 = vector.shape_cast %mul3A_462 : vector<16xf32> to vector<1x16xf32>
      tpu.vector_store %arg10[%swap3A_463, %swap3A_464], %swap3A_467 {strides = array<i32>} : memref<48x512xf32, #tpu.memory_space<vmem>>, vector<1x16xf32>,
      %get3A_468 = arith.index_cast %scan3A_180 : i32 to index
      %get3A_469 = arith.constant 272 : index
      %get3A_470 = tpu.vector_load %arg10[%get3A_468, %get3A_469] {strides = array<i32>} : memref<48x512xf32, #tpu.memory_space<vmem>>, vector<1x16xf32>,
      %get3A_471 = vector.shape_cast %get3A_470 : vector<1x16xf32> to vector<16xf32>
      %get3A_472 = arith.index_cast %scan3A_180 : i32 to index
      %get3A_473 = arith.constant 272 : index
      %get3A_474 = tpu.vector_load %arg11[%get3A_472, %get3A_473] {strides = array<i32>} : memref<48x512xf32, #tpu.memory_space<vmem>>, vector<1x16xf32>,
      %get3A_475 = vector.shape_cast %get3A_474 : vector<1x16xf32> to vector<16xf32>
      %add3A_476 = arith.addf %get3A_471, %get3A_475 : vector<16xf32>
      %mul3A_477 = arith.constant 5.000000e-01 : f32
      %mul3A_478 = vector.broadcast %mul3A_477 : f32 to vector<16xf32>
      %mul3A_479 = arith.mulf %add3A_476, %mul3A_478 : vector<16xf32>
      %swap3A_480 = arith.index_cast %scan3A_180 : i32 to index
      %swap3A_481 = arith.constant 272 : index
      %swap3A_482 = tpu.vector_load %arg10[%swap3A_480, %swap3A_481] {strides = array<i32>} : memref<48x512xf32, #tpu.memory_space<vmem>>, vector<1x16xf32>,
      %swap3A_483 = vector.shape_cast %swap3A_482 : vector<1x16xf32> to vector<16xf32>
      %swap3A_484 = vector.shape_cast %mul3A_479 : vector<16xf32> to vector<1x16xf32>
      tpu.vector_store %arg10[%swap3A_480, %swap3A_481], %swap3A_484 {strides = array<i32>} : memref<48x512xf32, #tpu.memory_space<vmem>>, vector<1x16xf32>,
      %get3A_485 = arith.index_cast %scan3A_180 : i32 to index
      %get3A_486 = arith.constant 288 : index
      %get3A_487 = tpu.vector_load %arg10[%get3A_485, %get3A_486] {strides = array<i32>} : memref<48x512xf32, #tpu.memory_space<vmem>>, vector<1x16xf32>,
      %get3A_488 = vector.shape_cast %get3A_487 : vector<1x16xf32> to vector<16xf32>
      %get3A_489 = arith.index_cast %scan3A_180 : i32 to index
      %get3A_490 = arith.constant 288 : index
      %get3A_491 = tpu.vector_load %arg11[%get3A_489, %get3A_490] {strides = array<i32>} : memref<48x512xf32, #tpu.memory_space<vmem>>, vector<1x16xf32>,
      %get3A_492 = vector.shape_cast %get3A_491 : vector<1x16xf32> to vector<16xf32>
      %add3A_493 = arith.addf %get3A_488, %get3A_492 : vector<16xf32>
      %mul3A_494 = arith.constant 5.000000e-01 : f32
      %mul3A_495 = vector.broadcast %mul3A_494 : f32 to vector<16xf32>
      %mul3A_496 = arith.mulf %add3A_493, %mul3A_495 : vector<16xf32>
      %swap3A_497 = arith.index_cast %scan3A_180 : i32 to index
      %swap3A_498 = arith.constant 288 : index
      %swap3A_499 = tpu.vector_load %arg10[%swap3A_497, %swap3A_498] {strides = array<i32>} : memref<48x512xf32, #tpu.memory_space<vmem>>, vector<1x16xf32>,
      %swap3A_500 = vector.shape_cast %swap3A_499 : vector<1x16xf32> to vector<16xf32>
      %swap3A_501 = vector.shape_cast %mul3A_496 : vector<16xf32> to vector<1x16xf32>
      tpu.vector_store %arg10[%swap3A_497, %swap3A_498], %swap3A_501 {strides = array<i32>} : memref<48x512xf32, #tpu.memory_space<vmem>>, vector<1x16xf32>,
      %get3A_502 = arith.index_cast %scan3A_180 : i32 to index
      %get3A_503 = arith.constant 304 : index
      %get3A_504 = tpu.vector_load %arg10[%get3A_502, %get3A_503] {strides = array<i32>} : memref<48x512xf32, #tpu.memory_space<vmem>>, vector<1x16xf32>,
      %get3A_505 = vector.shape_cast %get3A_504 : vector<1x16xf32> to vector<16xf32>
      %get3A_506 = arith.index_cast %scan3A_180 : i32 to index
      %get3A_507 = arith.constant 304 : index
      %get3A_508 = tpu.vector_load %arg11[%get3A_506, %get3A_507] {strides = array<i32>} : memref<48x512xf32, #tpu.memory_space<vmem>>, vector<1x16xf32>,
      %get3A_509 = vector.shape_cast %get3A_508 : vector<1x16xf32> to vector<16xf32>
      %add3A_510 = arith.addf %get3A_505, %get3A_509 : vector<16xf32>
      %mul3A_511 = arith.constant 5.000000e-01 : f32
      %mul3A_512 = vector.broadcast %mul3A_511 : f32 to vector<16xf32>
      %mul3A_513 = arith.mulf %add3A_510, %mul3A_512 : vector<16xf32>
      %swap3A_514 = arith.index_cast %scan3A_180 : i32 to index
      %swap3A_515 = arith.constant 304 : index
      %swap3A_516 = tpu.vector_load %arg10[%swap3A_514, %swap3A_515] {strides = array<i32>} : memref<48x512xf32, #tpu.memory_space<vmem>>, vector<1x16xf32>,
      %swap3A_517 = vector.shape_cast %swap3A_516 : vector<1x16xf32> to vector<16xf32>
      %swap3A_518 = vector.shape_cast %mul3A_513 : vector<16xf32> to vector<1x16xf32>
      tpu.vector_store %arg10[%swap3A_514, %swap3A_515], %swap3A_518 {strides = array<i32>} : memref<48x512xf32, #tpu.memory_space<vmem>>, vector<1x16xf32>,
      %get3A_519 = arith.index_cast %scan3A_180 : i32 to index
      %get3A_520 = arith.constant 320 : index
      %get3A_521 = tpu.vector_load %arg10[%get3A_519, %get3A_520] {strides = array<i32>} : memref<48x512xf32, #tpu.memory_space<vmem>>, vector<1x16xf32>,
      %get3A_522 = vector.shape_cast %get3A_521 : vector<1x16xf32> to vector<16xf32>
      %get3A_523 = arith.index_cast %scan3A_180 : i32 to index
      %get3A_524 = arith.constant 320 : index
      %get3A_525 = tpu.vector_load %arg11[%get3A_523, %get3A_524] {strides = array<i32>} : memref<48x512xf32, #tpu.memory_space<vmem>>, vector<1x16xf32>,
      %get3A_526 = vector.shape_cast %get3A_525 : vector<1x16xf32> to vector<16xf32>
      %add3A_527 = arith.addf %get3A_522, %get3A_526 : vector<16xf32>
      %mul3A_528 = arith.constant 5.000000e-01 : f32
      %mul3A_529 = vector.broadcast %mul3A_528 : f32 to vector<16xf32>
      %mul3A_530 = arith.mulf %add3A_527, %mul3A_529 : vector<16xf32>
      %swap3A_531 = arith.index_cast %scan3A_180 : i32 to index
      %swap3A_532 = arith.constant 320 : index
      %swap3A_533 = tpu.vector_load %arg10[%swap3A_531, %swap3A_532] {strides = array<i32>} : memref<48x512xf32, #tpu.memory_space<vmem>>, vector<1x16xf32>,
      %swap3A_534 = vector.shape_cast %swap3A_533 : vector<1x16xf32> to vector<16xf32>
      %swap3A_535 = vector.shape_cast %mul3A_530 : vector<16xf32> to vector<1x16xf32>
      tpu.vector_store %arg10[%swap3A_531, %swap3A_532], %swap3A_535 {strides = array<i32>} : memref<48x512xf32, #tpu.memory_space<vmem>>, vector<1x16xf32>,
      %get3A_536 = arith.index_cast %scan3A_180 : i32 to index
      %get3A_537 = arith.constant 336 : index
      %get3A_538 = tpu.vector_load %arg10[%get3A_536, %get3A_537] {strides = array<i32>} : memref<48x512xf32, #tpu.memory_space<vmem>>, vector<1x16xf32>,
      %get3A_539 = vector.shape_cast %get3A_538 : vector<1x16xf32> to vector<16xf32>
      %get3A_540 = arith.index_cast %scan3A_180 : i32 to index
      %get3A_541 = arith.constant 336 : index
      %get3A_542 = tpu.vector_load %arg11[%get3A_540, %get3A_541] {strides = array<i32>} : memref<48x512xf32, #tpu.memory_space<vmem>>, vector<1x16xf32>,
      %get3A_543 = vector.shape_cast %get3A_542 : vector<1x16xf32> to vector<16xf32>
      %add3A_544 = arith.addf %get3A_539, %get3A_543 : vector<16xf32>
      %mul3A_545 = arith.constant 5.000000e-01 : f32
      %mul3A_546 = vector.broadcast %mul3A_545 : f32 to vector<16xf32>
      %mul3A_547 = arith.mulf %add3A_544, %mul3A_546 : vector<16xf32>
      %swap3A_548 = arith.index_cast %scan3A_180 : i32 to index
      %swap3A_549 = arith.constant 336 : index
      %swap3A_550 = tpu.vector_load %arg10[%swap3A_548, %swap3A_549] {strides = array<i32>} : memref<48x512xf32, #tpu.memory_space<vmem>>, vector<1x16xf32>,
      %swap3A_551 = vector.shape_cast %swap3A_550 : vector<1x16xf32> to vector<16xf32>
      %swap3A_552 = vector.shape_cast %mul3A_547 : vector<16xf32> to vector<1x16xf32>
      tpu.vector_store %arg10[%swap3A_548, %swap3A_549], %swap3A_552 {strides = array<i32>} : memref<48x512xf32, #tpu.memory_space<vmem>>, vector<1x16xf32>,
      %get3A_553 = arith.index_cast %scan3A_180 : i32 to index
      %get3A_554 = arith.constant 352 : index
      %get3A_555 = tpu.vector_load %arg10[%get3A_553, %get3A_554] {strides = array<i32>} : memref<48x512xf32, #tpu.memory_space<vmem>>, vector<1x16xf32>,
      %get3A_556 = vector.shape_cast %get3A_555 : vector<1x16xf32> to vector<16xf32>
      %get3A_557 = arith.index_cast %scan3A_180 : i32 to index
      %get3A_558 = arith.constant 352 : index
      %get3A_559 = tpu.vector_load %arg11[%get3A_557, %get3A_558] {strides = array<i32>} : memref<48x512xf32, #tpu.memory_space<vmem>>, vector<1x16xf32>,
      %get3A_560 = vector.shape_cast %get3A_559 : vector<1x16xf32> to vector<16xf32>
      %add3A_561 = arith.addf %get3A_556, %get3A_560 : vector<16xf32>
      %mul3A_562 = arith.constant 5.000000e-01 : f32
      %mul3A_563 = vector.broadcast %mul3A_562 : f32 to vector<16xf32>
      %mul3A_564 = arith.mulf %add3A_561, %mul3A_563 : vector<16xf32>
      %swap3A_565 = arith.index_cast %scan3A_180 : i32 to index
      %swap3A_566 = arith.constant 352 : index
      %swap3A_567 = tpu.vector_load %arg10[%swap3A_565, %swap3A_566] {strides = array<i32>} : memref<48x512xf32, #tpu.memory_space<vmem>>, vector<1x16xf32>,
      %swap3A_568 = vector.shape_cast %swap3A_567 : vector<1x16xf32> to vector<16xf32>
      %swap3A_569 = vector.shape_cast %mul3A_564 : vector<16xf32> to vector<1x16xf32>
      tpu.vector_store %arg10[%swap3A_565, %swap3A_566], %swap3A_569 {strides = array<i32>} : memref<48x512xf32, #tpu.memory_space<vmem>>, vector<1x16xf32>,
      %get3A_570 = arith.index_cast %scan3A_180 : i32 to index
      %get3A_571 = arith.constant 368 : index
      %get3A_572 = tpu.vector_load %arg10[%get3A_570, %get3A_571] {strides = array<i32>} : memref<48x512xf32, #tpu.memory_space<vmem>>, vector<1x16xf32>,
      %get3A_573 = vector.shape_cast %get3A_572 : vector<1x16xf32> to vector<16xf32>
      %get3A_574 = arith.index_cast %scan3A_180 : i32 to index
      %get3A_575 = arith.constant 368 : index
      %get3A_576 = tpu.vector_load %arg11[%get3A_574, %get3A_575] {strides = array<i32>} : memref<48x512xf32, #tpu.memory_space<vmem>>, vector<1x16xf32>,
      %get3A_577 = vector.shape_cast %get3A_576 : vector<1x16xf32> to vector<16xf32>
      %add3A_578 = arith.addf %get3A_573, %get3A_577 : vector<16xf32>
      %mul3A_579 = arith.constant 5.000000e-01 : f32
      %mul3A_580 = vector.broadcast %mul3A_579 : f32 to vector<16xf32>
      %mul3A_581 = arith.mulf %add3A_578, %mul3A_580 : vector<16xf32>
      %swap3A_582 = arith.index_cast %scan3A_180 : i32 to index
      %swap3A_583 = arith.constant 368 : index
      %swap3A_584 = tpu.vector_load %arg10[%swap3A_582, %swap3A_583] {strides = array<i32>} : memref<48x512xf32, #tpu.memory_space<vmem>>, vector<1x16xf32>,
      %swap3A_585 = vector.shape_cast %swap3A_584 : vector<1x16xf32> to vector<16xf32>
      %swap3A_586 = vector.shape_cast %mul3A_581 : vector<16xf32> to vector<1x16xf32>
      tpu.vector_store %arg10[%swap3A_582, %swap3A_583], %swap3A_586 {strides = array<i32>} : memref<48x512xf32, #tpu.memory_space<vmem>>, vector<1x16xf32>,
      %get3A_587 = arith.index_cast %scan3A_180 : i32 to index
      %get3A_588 = arith.constant 384 : index
      %get3A_589 = tpu.vector_load %arg10[%get3A_587, %get3A_588] {strides = array<i32>} : memref<48x512xf32, #tpu.memory_space<vmem>>, vector<1x16xf32>,
      %get3A_590 = vector.shape_cast %get3A_589 : vector<1x16xf32> to vector<16xf32>
      %get3A_591 = arith.index_cast %scan3A_180 : i32 to index
      %get3A_592 = arith.constant 384 : index
      %get3A_593 = tpu.vector_load %arg11[%get3A_591, %get3A_592] {strides = array<i32>} : memref<48x512xf32, #tpu.memory_space<vmem>>, vector<1x16xf32>,
      %get3A_594 = vector.shape_cast %get3A_593 : vector<1x16xf32> to vector<16xf32>
      %add3A_595 = arith.addf %get3A_590, %get3A_594 : vector<16xf32>
      %mul3A_596 = arith.constant 5.000000e-01 : f32
      %mul3A_597 = vector.broadcast %mul3A_596 : f32 to vector<16xf32>
      %mul3A_598 = arith.mulf %add3A_595, %mul3A_597 : vector<16xf32>
      %swap3A_599 = arith.index_cast %scan3A_180 : i32 to index
      %swap3A_600 = arith.constant 384 : index
      %swap3A_601 = tpu.vector_load %arg10[%swap3A_599, %swap3A_600] {strides = array<i32>} : memref<48x512xf32, #tpu.memory_space<vmem>>, vector<1x16xf32>,
      %swap3A_602 = vector.shape_cast %swap3A_601 : vector<1x16xf32> to vector<16xf32>
      %swap3A_603 = vector.shape_cast %mul3A_598 : vector<16xf32> to vector<1x16xf32>
      tpu.vector_store %arg10[%swap3A_599, %swap3A_600], %swap3A_603 {strides = array<i32>} : memref<48x512xf32, #tpu.memory_space<vmem>>, vector<1x16xf32>,
      %get3A_604 = arith.index_cast %scan3A_180 : i32 to index
      %get3A_605 = arith.constant 400 : index
      %get3A_606 = tpu.vector_load %arg10[%get3A_604, %get3A_605] {strides = array<i32>} : memref<48x512xf32, #tpu.memory_space<vmem>>, vector<1x16xf32>,
      %get3A_607 = vector.shape_cast %get3A_606 : vector<1x16xf32> to vector<16xf32>
      %get3A_608 = arith.index_cast %scan3A_180 : i32 to index
      %get3A_609 = arith.constant 400 : index
      %get3A_610 = tpu.vector_load %arg11[%get3A_608, %get3A_609] {strides = array<i32>} : memref<48x512xf32, #tpu.memory_space<vmem>>, vector<1x16xf32>,
      %get3A_611 = vector.shape_cast %get3A_610 : vector<1x16xf32> to vector<16xf32>
      %add3A_612 = arith.addf %get3A_607, %get3A_611 : vector<16xf32>
      %mul3A_613 = arith.constant 5.000000e-01 : f32
      %mul3A_614 = vector.broadcast %mul3A_613 : f32 to vector<16xf32>
      %mul3A_615 = arith.mulf %add3A_612, %mul3A_614 : vector<16xf32>
      %swap3A_616 = arith.index_cast %scan3A_180 : i32 to index
      %swap3A_617 = arith.constant 400 : index
      %swap3A_618 = tpu.vector_load %arg10[%swap3A_616, %swap3A_617] {strides = array<i32>} : memref<48x512xf32, #tpu.memory_space<vmem>>, vector<1x16xf32>,
      %swap3A_619 = vector.shape_cast %swap3A_618 : vector<1x16xf32> to vector<16xf32>
      %swap3A_620 = vector.shape_cast %mul3A_615 : vector<16xf32> to vector<1x16xf32>
      tpu.vector_store %arg10[%swap3A_616, %swap3A_617], %swap3A_620 {strides = array<i32>} : memref<48x512xf32, #tpu.memory_space<vmem>>, vector<1x16xf32>,
      %get3A_621 = arith.index_cast %scan3A_180 : i32 to index
      %get3A_622 = arith.constant 416 : index
      %get3A_623 = tpu.vector_load %arg10[%get3A_621, %get3A_622] {strides = array<i32>} : memref<48x512xf32, #tpu.memory_space<vmem>>, vector<1x16xf32>,
      %get3A_624 = vector.shape_cast %get3A_623 : vector<1x16xf32> to vector<16xf32>
      %get3A_625 = arith.index_cast %scan3A_180 : i32 to index
      %get3A_626 = arith.constant 416 : index
      %get3A_627 = tpu.vector_load %arg11[%get3A_625, %get3A_626] {strides = array<i32>} : memref<48x512xf32, #tpu.memory_space<vmem>>, vector<1x16xf32>,
      %get3A_628 = vector.shape_cast %get3A_627 : vector<1x16xf32> to vector<16xf32>
      %add3A_629 = arith.addf %get3A_624, %get3A_628 : vector<16xf32>
      %mul3A_630 = arith.constant 5.000000e-01 : f32
      %mul3A_631 = vector.broadcast %mul3A_630 : f32 to vector<16xf32>
      %mul3A_632 = arith.mulf %add3A_629, %mul3A_631 : vector<16xf32>
      %swap3A_633 = arith.index_cast %scan3A_180 : i32 to index
      %swap3A_634 = arith.constant 416 : index
      %swap3A_635 = tpu.vector_load %arg10[%swap3A_633, %swap3A_634] {strides = array<i32>} : memref<48x512xf32, #tpu.memory_space<vmem>>, vector<1x16xf32>,
      %swap3A_636 = vector.shape_cast %swap3A_635 : vector<1x16xf32> to vector<16xf32>
      %swap3A_637 = vector.shape_cast %mul3A_632 : vector<16xf32> to vector<1x16xf32>
      tpu.vector_store %arg10[%swap3A_633, %swap3A_634], %swap3A_637 {strides = array<i32>} : memref<48x512xf32, #tpu.memory_space<vmem>>, vector<1x16xf32>,
      %get3A_638 = arith.index_cast %scan3A_180 : i32 to index
      %get3A_639 = arith.constant 432 : index
      %get3A_640 = tpu.vector_load %arg10[%get3A_638, %get3A_639] {strides = array<i32>} : memref<48x512xf32, #tpu.memory_space<vmem>>, vector<1x16xf32>,
      %get3A_641 = vector.shape_cast %get3A_640 : vector<1x16xf32> to vector<16xf32>
      %get3A_642 = arith.index_cast %scan3A_180 : i32 to index
      %get3A_643 = arith.constant 432 : index
      %get3A_644 = tpu.vector_load %arg11[%get3A_642, %get3A_643] {strides = array<i32>} : memref<48x512xf32, #tpu.memory_space<vmem>>, vector<1x16xf32>,
      %get3A_645 = vector.shape_cast %get3A_644 : vector<1x16xf32> to vector<16xf32>
      %add3A_646 = arith.addf %get3A_641, %get3A_645 : vector<16xf32>
      %mul3A_647 = arith.constant 5.000000e-01 : f32
      %mul3A_648 = vector.broadcast %mul3A_647 : f32 to vector<16xf32>
      %mul3A_649 = arith.mulf %add3A_646, %mul3A_648 : vector<16xf32>
      %swap3A_650 = arith.index_cast %scan3A_180 : i32 to index
      %swap3A_651 = arith.constant 432 : index
      %swap3A_652 = tpu.vector_load %arg10[%swap3A_650, %swap3A_651] {strides = array<i32>} : memref<48x512xf32, #tpu.memory_space<vmem>>, vector<1x16xf32>,
      %swap3A_653 = vector.shape_cast %swap3A_652 : vector<1x16xf32> to vector<16xf32>
      %swap3A_654 = vector.shape_cast %mul3A_649 : vector<16xf32> to vector<1x16xf32>
      tpu.vector_store %arg10[%swap3A_650, %swap3A_651], %swap3A_654 {strides = array<i32>} : memref<48x512xf32, #tpu.memory_space<vmem>>, vector<1x16xf32>,
      %get3A_655 = arith.index_cast %scan3A_180 : i32 to index
      %get3A_656 = arith.constant 448 : index
      %get3A_657 = tpu.vector_load %arg10[%get3A_655, %get3A_656] {strides = array<i32>} : memref<48x512xf32, #tpu.memory_space<vmem>>, vector<1x16xf32>,
      %get3A_658 = vector.shape_cast %get3A_657 : vector<1x16xf32> to vector<16xf32>
      %get3A_659 = arith.index_cast %scan3A_180 : i32 to index
      %get3A_660 = arith.constant 448 : index
      %get3A_661 = tpu.vector_load %arg11[%get3A_659, %get3A_660] {strides = array<i32>} : memref<48x512xf32, #tpu.memory_space<vmem>>, vector<1x16xf32>,
      %get3A_662 = vector.shape_cast %get3A_661 : vector<1x16xf32> to vector<16xf32>
      %add3A_663 = arith.addf %get3A_658, %get3A_662 : vector<16xf32>
      %mul3A_664 = arith.constant 5.000000e-01 : f32
      %mul3A_665 = vector.broadcast %mul3A_664 : f32 to vector<16xf32>
      %mul3A_666 = arith.mulf %add3A_663, %mul3A_665 : vector<16xf32>
      %swap3A_667 = arith.index_cast %scan3A_180 : i32 to index
      %swap3A_668 = arith.constant 448 : index
      %swap3A_669 = tpu.vector_load %arg10[%swap3A_667, %swap3A_668] {strides = array<i32>} : memref<48x512xf32, #tpu.memory_space<vmem>>, vector<1x16xf32>,
      %swap3A_670 = vector.shape_cast %swap3A_669 : vector<1x16xf32> to vector<16xf32>
      %swap3A_671 = vector.shape_cast %mul3A_666 : vector<16xf32> to vector<1x16xf32>
      tpu.vector_store %arg10[%swap3A_667, %swap3A_668], %swap3A_671 {strides = array<i32>} : memref<48x512xf32, #tpu.memory_space<vmem>>, vector<1x16xf32>,
      %get3A_672 = arith.index_cast %scan3A_180 : i32 to index
      %get3A_673 = arith.constant 464 : index
      %get3A_674 = tpu.vector_load %arg10[%get3A_672, %get3A_673] {strides = array<i32>} : memref<48x512xf32, #tpu.memory_space<vmem>>, vector<1x16xf32>,
      %get3A_675 = vector.shape_cast %get3A_674 : vector<1x16xf32> to vector<16xf32>
      %get3A_676 = arith.index_cast %scan3A_180 : i32 to index
      %get3A_677 = arith.constant 464 : index
      %get3A_678 = tpu.vector_load %arg11[%get3A_676, %get3A_677] {strides = array<i32>} : memref<48x512xf32, #tpu.memory_space<vmem>>, vector<1x16xf32>,
      %get3A_679 = vector.shape_cast %get3A_678 : vector<1x16xf32> to vector<16xf32>
      %add3A_680 = arith.addf %get3A_675, %get3A_679 : vector<16xf32>
      %mul3A_681 = arith.constant 5.000000e-01 : f32
      %mul3A_682 = vector.broadcast %mul3A_681 : f32 to vector<16xf32>
      %mul3A_683 = arith.mulf %add3A_680, %mul3A_682 : vector<16xf32>
      %swap3A_684 = arith.index_cast %scan3A_180 : i32 to index
      %swap3A_685 = arith.constant 464 : index
      %swap3A_686 = tpu.vector_load %arg10[%swap3A_684, %swap3A_685] {strides = array<i32>} : memref<48x512xf32, #tpu.memory_space<vmem>>, vector<1x16xf32>,
      %swap3A_687 = vector.shape_cast %swap3A_686 : vector<1x16xf32> to vector<16xf32>
      %swap3A_688 = vector.shape_cast %mul3A_683 : vector<16xf32> to vector<1x16xf32>
      tpu.vector_store %arg10[%swap3A_684, %swap3A_685], %swap3A_688 {strides = array<i32>} : memref<48x512xf32, #tpu.memory_space<vmem>>, vector<1x16xf32>,
      %get3A_689 = arith.index_cast %scan3A_180 : i32 to index
      %get3A_690 = arith.constant 480 : index
      %get3A_691 = tpu.vector_load %arg10[%get3A_689, %get3A_690] {strides = array<i32>} : memref<48x512xf32, #tpu.memory_space<vmem>>, vector<1x16xf32>,
      %get3A_692 = vector.shape_cast %get3A_691 : vector<1x16xf32> to vector<16xf32>
      %get3A_693 = arith.index_cast %scan3A_180 : i32 to index
      %get3A_694 = arith.constant 480 : index
      %get3A_695 = tpu.vector_load %arg11[%get3A_693, %get3A_694] {strides = array<i32>} : memref<48x512xf32, #tpu.memory_space<vmem>>, vector<1x16xf32>,
      %get3A_696 = vector.shape_cast %get3A_695 : vector<1x16xf32> to vector<16xf32>
      %add3A_697 = arith.addf %get3A_692, %get3A_696 : vector<16xf32>
      %mul3A_698 = arith.constant 5.000000e-01 : f32
      %mul3A_699 = vector.broadcast %mul3A_698 : f32 to vector<16xf32>
      %mul3A_700 = arith.mulf %add3A_697, %mul3A_699 : vector<16xf32>
      %swap3A_701 = arith.index_cast %scan3A_180 : i32 to index
      %swap3A_702 = arith.constant 480 : index
      %swap3A_703 = tpu.vector_load %arg10[%swap3A_701, %swap3A_702] {strides = array<i32>} : memref<48x512xf32, #tpu.memory_space<vmem>>, vector<1x16xf32>,
      %swap3A_704 = vector.shape_cast %swap3A_703 : vector<1x16xf32> to vector<16xf32>
      %swap3A_705 = vector.shape_cast %mul3A_700 : vector<16xf32> to vector<1x16xf32>
      tpu.vector_store %arg10[%swap3A_701, %swap3A_702], %swap3A_705 {strides = array<i32>} : memref<48x512xf32, #tpu.memory_space<vmem>>, vector<1x16xf32>,
      %get3A_706 = arith.index_cast %scan3A_180 : i32 to index
      %get3A_707 = arith.constant 496 : index
      %get3A_708 = tpu.vector_load %arg10[%get3A_706, %get3A_707] {strides = array<i32>} : memref<48x512xf32, #tpu.memory_space<vmem>>, vector<1x16xf32>,
      %get3A_709 = vector.shape_cast %get3A_708 : vector<1x16xf32> to vector<16xf32>
      %get3A_710 = arith.index_cast %scan3A_180 : i32 to index
      %get3A_711 = arith.constant 496 : index
      %get3A_712 = tpu.vector_load %arg11[%get3A_710, %get3A_711] {strides = array<i32>} : memref<48x512xf32, #tpu.memory_space<vmem>>, vector<1x16xf32>,
      %get3A_713 = vector.shape_cast %get3A_712 : vector<1x16xf32> to vector<16xf32>
      %add3A_714 = arith.addf %get3A_709, %get3A_713 : vector<16xf32>
      %mul3A_715 = arith.constant 5.000000e-01 : f32
      %mul3A_716 = vector.broadcast %mul3A_715 : f32 to vector<16xf32>
      %mul3A_717 = arith.mulf %add3A_714, %mul3A_716 : vector<16xf32>
      %swap3A_718 = arith.index_cast %scan3A_180 : i32 to index
      %swap3A_719 = arith.constant 496 : index
      %swap3A_720 = tpu.vector_load %arg10[%swap3A_718, %swap3A_719] {strides = array<i32>} : memref<48x512xf32, #tpu.memory_space<vmem>>, vector<1x16xf32>,
      %swap3A_721 = vector.shape_cast %swap3A_720 : vector<1x16xf32> to vector<16xf32>
      %swap3A_722 = vector.shape_cast %mul3A_717 : vector<16xf32> to vector<1x16xf32>
      tpu.vector_store %arg10[%swap3A_718, %swap3A_719], %swap3A_722 {strides = array<i32>} : memref<48x512xf32, #tpu.memory_space<vmem>>, vector<1x16xf32>,
    }
    %scan3A_135 = arith.constant 48 : i32
    %mul3A_136 = arith.constant 3840 : i32
    %mul3A_137 = arith.muli %add3A, %mul3A_136 : i32
    %add3A_138 = arith.constant 40962 : i32
    %add3A_139 = arith.addi %add3A_138, %mul3A_137 : i32
    %add3A_140 = arith.constant 48 : i32
    %add3A_141 = arith.addi %add3A_139, %add3A_140 : i32
    %dma_start3A_142 = arith.constant 0 : i32
    %dma_start3A_143 = tpu.memref_slice %arg5[%add3A_141, %dma_start3A_142] : memref<163842x512xf32, #tpu.memory_space<hbm>> -> memref<48x512xf32, #tpu.memory_space<hbm>>
    %dma_start3A_144 = arith.constant 0 : i32
    %dma_start3A_145 = tpu.memref_slice %arg5[%add3A_141, %dma_start3A_144] : memref<163842x512xf32, #tpu.memory_space<hbm>> -> memref<48x512xf32, #tpu.memory_space<hbm>>
    tpu.enqueue_dma source(%arg10 : memref<48x512xf32, #tpu.memory_space<vmem>>) target(%dma_start3A_145 : memref<48x512xf32, #tpu.memory_space<hbm>>) target_semaphore(%arg17 : memref<!tpu.dma_semaphore, #tpu.memory_space<semaphore_mem>>)
    %dma_wait3A_146 = arith.constant 0 : i32
    %dma_wait3A_147 = arith.constant 0 : i32
    %dma_wait3A_148 = tpu.memref_slice %arg2[%dma_wait3A_146, %dma_wait3A_147] : memref<40962x512xf32, #tpu.memory_space<hbm>> -> memref<16x512xf32, #tpu.memory_space<hbm>>
    %dma_wait3A_149 = arith.constant 0 : i32
    %dma_wait3A_150 = arith.constant 0 : i32
    %dma_wait3A_151 = tpu.memref_slice %arg2[%dma_wait3A_149, %dma_wait3A_150] : memref<40962x512xf32, #tpu.memory_space<hbm>> -> memref<16x512xf32, #tpu.memory_space<hbm>>
    tpu.wait_dma2 semaphore(%arg19 : memref<!tpu.dma_semaphore, #tpu.memory_space<semaphore_mem>>) src(%dma_wait3A_151 : memref<16x512xf32, #tpu.memory_space<hbm>>) dst(%arg13 : memref<16x512xf32, #tpu.memory_space<vmem>>)
    %mul3A_152 = arith.constant 1280 : i32
    %mul3A_153 = arith.muli %add3A, %mul3A_152 : i32
    %add3A_154 = arith.constant 16 : i32
    %add3A_155 = arith.addi %mul3A_153, %add3A_154 : i32
    %dma_start3A_156 = arith.constant 0 : i32
    %dma_start3A_157 = tpu.memref_slice %arg5[%add3A_155, %dma_start3A_156] : memref<163842x512xf32, #tpu.memory_space<hbm>> -> memref<16x512xf32, #tpu.memory_space<hbm>>
    %dma_start3A_158 = arith.constant 0 : i32
    %dma_start3A_159 = tpu.memref_slice %arg5[%add3A_155, %dma_start3A_158] : memref<163842x512xf32, #tpu.memory_space<hbm>> -> memref<16x512xf32, #tpu.memory_space<hbm>>
    tpu.enqueue_dma source(%arg13 : memref<16x512xf32, #tpu.memory_space<vmem>>) target(%dma_start3A_159 : memref<16x512xf32, #tpu.memory_space<hbm>>) target_semaphore(%arg21 : memref<!tpu.dma_semaphore, #tpu.memory_space<semaphore_mem>>)
    %scan3A_160 = arith.constant 0 : i32
    %scan3A_161 = arith.constant 1 : i32
    %scan3A_162 = arith.constant 39 : i32
    %scan3A_163 = arith.addi %scan3A_161, %scan3A_162 : i32
    %scan3A_164 = arith.constant 1 : i32
    scf.for %scan3A_180 = %scan3A_161 to %scan3A_163 step %scan3A_164  : i32 {
      %mul3A_181 = arith.constant 2 : i32
      %mul3A_182 = arith.muli %mul3A_181, %scan3A_180 : i32
      %dma_wait3A_183 = arith.constant 0 : i32
      %dma_wait3A_184 = arith.constant 0 : i32
      %dma_wait3A_185 = tpu.memref_slice %arg2[%dma_wait3A_183, %dma_wait3A_184] : memref<40962x512xf32, #tpu.memory_space<hbm>> -> memref<48x512xf32, #tpu.memory_space<hbm>>
      %dma_wait3A_186 = arith.constant 0 : i32
      %dma_wait3A_187 = arith.constant 0 : i32
      %dma_wait3A_188 = tpu.memref_slice %arg2[%dma_wait3A_186, %dma_wait3A_187] : memref<40962x512xf32, #tpu.memory_space<hbm>> -> memref<48x512xf32, #tpu.memory_space<hbm>>
      tpu.wait_dma2 semaphore(%arg17 : memref<!tpu.dma_semaphore, #tpu.memory_space<semaphore_mem>>) src(%dma_wait3A_188 : memref<48x512xf32, #tpu.memory_space<hbm>>) dst(%arg10 : memref<48x512xf32, #tpu.memory_space<vmem>>)
      %dma_wait3A_189 = arith.constant 0 : i32
      %dma_wait3A_190 = arith.constant 0 : i32
      %dma_wait3A_191 = tpu.memref_slice %arg2[%dma_wait3A_189, %dma_wait3A_190] : memref<40962x512xf32, #tpu.memory_space<hbm>> -> memref<16x512xf32, #tpu.memory_space<hbm>>
      %dma_wait3A_192 = arith.constant 0 : i32
      %dma_wait3A_193 = arith.constant 0 : i32
      %dma_wait3A_194 = tpu.memref_slice %arg2[%dma_wait3A_192, %dma_wait3A_193] : memref<40962x512xf32, #tpu.memory_space<hbm>> -> memref<16x512xf32, #tpu.memory_space<hbm>>
      tpu.wait_dma2 semaphore(%arg21 : memref<!tpu.dma_semaphore, #tpu.memory_space<semaphore_mem>>) src(%dma_wait3A_194 : memref<16x512xf32, #tpu.memory_space<hbm>>) dst(%arg13 : memref<16x512xf32, #tpu.memory_space<vmem>>)
      %add3A_195 = arith.constant 1 : i32
      %add3A_196 = arith.addi %mul3A_182, %add3A_195 : i32
      %mul3A_197 = arith.constant 48 : i32
      %mul3A_198 = arith.muli %add3A_196, %mul3A_197 : i32
      %dma_start3A_199 = tpu.memref_slice %arg6[%mul3A_198] : memref<3840xi32, #tpu.memory_space<vmem>> -> memref<48xi32, #tpu.memory_space<vmem>>
      %dma_start3A_200 = arith.constant 0 : i32
      %dma_start3A_201 = arith.constant 0 : i32
      %dma_start3A_202 = tpu.memref_slice %arg2[%dma_start3A_200, %dma_start3A_201] : memref<40962x512xf32, #tpu.memory_space<hbm>> -> memref<40962x512xf32, #tpu.memory_space<hbm>>
      tpu.enqueue_indirect_dma source(%dma_start3A_202 : memref<40962x512xf32, #tpu.memory_space<hbm>>) target(%arg10 : memref<48x512xf32, #tpu.memory_space<vmem>>) offsets(%dma_start3A_199 : memref<48xi32, #tpu.memory_space<vmem>>) semaphore(%arg15 : memref<!tpu.dma_semaphore, #tpu.memory_space<semaphore_mem>>)
      %dma_start3A_203 = tpu.memref_slice %arg7[%mul3A_198] : memref<3840xi32, #tpu.memory_space<vmem>> -> memref<48xi32, #tpu.memory_space<vmem>>
      %dma_start3A_204 = arith.constant 0 : i32
      %dma_start3A_205 = arith.constant 0 : i32
      %dma_start3A_206 = tpu.memref_slice %arg2[%dma_start3A_204, %dma_start3A_205] : memref<40962x512xf32, #tpu.memory_space<hbm>> -> memref<40962x512xf32, #tpu.memory_space<hbm>>
      tpu.enqueue_indirect_dma source(%dma_start3A_206 : memref<40962x512xf32, #tpu.memory_space<hbm>>) target(%arg11 : memref<48x512xf32, #tpu.memory_space<vmem>>) offsets(%dma_start3A_203 : memref<48xi32, #tpu.memory_space<vmem>>) semaphore(%arg15 : memref<!tpu.dma_semaphore, #tpu.memory_space<semaphore_mem>>)
      %add3A_207 = arith.constant 1 : i32
      %add3A_208 = arith.addi %mul3A_182, %add3A_207 : i32
      %mul3A_209 = arith.constant 1280 : i32
      %mul3A_210 = arith.muli %add3A, %mul3A_209 : i32
      %mul3A_211 = arith.constant 16 : i32
      %mul3A_212 = arith.muli %add3A_208, %mul3A_211 : i32
      %add3A_213 = arith.addi %mul3A_210, %mul3A_212 : i32
      %dma_start3A_214 = arith.constant 0 : i32
      %dma_start3A_215 = tpu.memref_slice %arg2[%add3A_213, %dma_start3A_214] : memref<40962x512xf32, #tpu.memory_space<hbm>> -> memref<16x512xf32, #tpu.memory_space<hbm>>
      %dma_start3A_216 = arith.constant 0 : i32
      %dma_start3A_217 = tpu.memref_slice %arg2[%add3A_213, %dma_start3A_216] : memref<40962x512xf32, #tpu.memory_space<hbm>> -> memref<16x512xf32, #tpu.memory_space<hbm>>
      tpu.enqueue_dma source(%dma_start3A_217 : memref<16x512xf32, #tpu.memory_space<hbm>>) target(%arg13 : memref<16x512xf32, #tpu.memory_space<vmem>>) target_semaphore(%arg19 : memref<!tpu.dma_semaphore, #tpu.memory_space<semaphore_mem>>)
      %dma_wait3A_218 = arith.constant 0 : i32
      %dma_wait3A_219 = arith.constant 0 : i32
      %dma_wait3A_220 = tpu.memref_slice %arg2[%dma_wait3A_218, %dma_wait3A_219] : memref<40962x512xf32, #tpu.memory_space<hbm>> -> memref<48x512xf32, #tpu.memory_space<hbm>>
      %dma_wait3A_221 = arith.constant 0 : i32
      %dma_wait3A_222 = arith.constant 0 : i32
      %dma_wait3A_223 = tpu.memref_slice %arg2[%dma_wait3A_221, %dma_wait3A_222] : memref<40962x512xf32, #tpu.memory_space<hbm>> -> memref<48x512xf32, #tpu.memory_space<hbm>>
      tpu.wait_dma2 semaphore(%arg14 : memref<!tpu.dma_semaphore, #tpu.memory_space<semaphore_mem>>) src(%dma_wait3A_223 : memref<48x512xf32, #tpu.memory_space<hbm>>) dst(%arg8 : memref<48x512xf32, #tpu.memory_space<vmem>>)
      %dma_wait3A_224 = arith.constant 0 : i32
      %dma_wait3A_225 = arith.constant 0 : i32
      %dma_wait3A_226 = tpu.memref_slice %arg2[%dma_wait3A_224, %dma_wait3A_225] : memref<40962x512xf32, #tpu.memory_space<hbm>> -> memref<48x512xf32, #tpu.memory_space<hbm>>
      %dma_wait3A_227 = arith.constant 0 : i32
      %dma_wait3A_228 = arith.constant 0 : i32
      %dma_wait3A_229 = tpu.memref_slice %arg2[%dma_wait3A_227, %dma_wait3A_228] : memref<40962x512xf32, #tpu.memory_space<hbm>> -> memref<48x512xf32, #tpu.memory_space<hbm>>
      tpu.wait_dma2 semaphore(%arg14 : memref<!tpu.dma_semaphore, #tpu.memory_space<semaphore_mem>>) src(%dma_wait3A_229 : memref<48x512xf32, #tpu.memory_space<hbm>>) dst(%arg9 : memref<48x512xf32, #tpu.memory_space<vmem>>)
      %scan3A_230 = arith.constant 0 : i32
      %scan3A_231 = arith.constant 0 : i32
      %scan3A_232 = arith.constant 48 : i32
      %scan3A_233 = arith.addi %scan3A_231, %scan3A_232 : i32
      %scan3A_234 = arith.constant 1 : i32
      scf.for %scan3A_326 = %scan3A_231 to %scan3A_233 step %scan3A_234  : i32 {
        %get3A = arith.index_cast %scan3A_326 : i32 to index
        %get3A_327 = arith.constant 0 : index
        %get3A_328 = tpu.vector_load %arg8[%get3A, %get3A_327] {strides = array<i32>} : memref<48x512xf32, #tpu.memory_space<vmem>>, vector<1x16xf32>,
        %get3A_329 = vector.shape_cast %get3A_328 : vector<1x16xf32> to vector<16xf32>
        %get3A_330 = arith.index_cast %scan3A_326 : i32 to index
        %get3A_331 = arith.constant 0 : index
        %get3A_332 = tpu.vector_load %arg9[%get3A_330, %get3A_331] {strides = array<i32>} : memref<48x512xf32, #tpu.memory_space<vmem>>, vector<1x16xf32>,
        %get3A_333 = vector.shape_cast %get3A_332 : vector<1x16xf32> to vector<16xf32>
        %add3A_334 = arith.addf %get3A_329, %get3A_333 : vector<16xf32>
        %mul3A_335 = arith.constant 5.000000e-01 : f32
        %mul3A_336 = vector.broadcast %mul3A_335 : f32 to vector<16xf32>
        %mul3A_337 = arith.mulf %add3A_334, %mul3A_336 : vector<16xf32>
        %swap3A = arith.index_cast %scan3A_326 : i32 to index
        %swap3A_338 = arith.constant 0 : index
        %swap3A_339 = tpu.vector_load %arg8[%swap3A, %swap3A_338] {strides = array<i32>} : memref<48x512xf32, #tpu.memory_space<vmem>>, vector<1x16xf32>,
        %swap3A_340 = vector.shape_cast %swap3A_339 : vector<1x16xf32> to vector<16xf32>
        %swap3A_341 = vector.shape_cast %mul3A_337 : vector<16xf32> to vector<1x16xf32>
        tpu.vector_store %arg8[%swap3A, %swap3A_338], %swap3A_341 {strides = array<i32>} : memref<48x512xf32, #tpu.memory_space<vmem>>, vector<1x16xf32>,
        %get3A_342 = arith.index_cast %scan3A_326 : i32 to index
        %get3A_343 = arith.constant 16 : index
        %get3A_344 = tpu.vector_load %arg8[%get3A_342, %get3A_343] {strides = array<i32>} : memref<48x512xf32, #tpu.memory_space<vmem>>, vector<1x16xf32>,
        %get3A_345 = vector.shape_cast %get3A_344 : vector<1x16xf32> to vector<16xf32>
        %get3A_346 = arith.index_cast %scan3A_326 : i32 to index
        %get3A_347 = arith.constant 16 : index
        %get3A_348 = tpu.vector_load %arg9[%get3A_346, %get3A_347] {strides = array<i32>} : memref<48x512xf32, #tpu.memory_space<vmem>>, vector<1x16xf32>,
        %get3A_349 = vector.shape_cast %get3A_348 : vector<1x16xf32> to vector<16xf32>
        %add3A_350 = arith.addf %get3A_345, %get3A_349 : vector<16xf32>
        %mul3A_351 = arith.constant 5.000000e-01 : f32
        %mul3A_352 = vector.broadcast %mul3A_351 : f32 to vector<16xf32>
        %mul3A_353 = arith.mulf %add3A_350, %mul3A_352 : vector<16xf32>
        %swap3A_354 = arith.index_cast %scan3A_326 : i32 to index
        %swap3A_355 = arith.constant 16 : index
        %swap3A_356 = tpu.vector_load %arg8[%swap3A_354, %swap3A_355] {strides = array<i32>} : memref<48x512xf32, #tpu.memory_space<vmem>>, vector<1x16xf32>,
        %swap3A_357 = vector.shape_cast %swap3A_356 : vector<1x16xf32> to vector<16xf32>
        %swap3A_358 = vector.shape_cast %mul3A_353 : vector<16xf32> to vector<1x16xf32>
        tpu.vector_store %arg8[%swap3A_354, %swap3A_355], %swap3A_358 {strides = array<i32>} : memref<48x512xf32, #tpu.memory_space<vmem>>, vector<1x16xf32>,
        %get3A_359 = arith.index_cast %scan3A_326 : i32 to index
        %get3A_360 = arith.constant 32 : index
        %get3A_361 = tpu.vector_load %arg8[%get3A_359, %get3A_360] {strides = array<i32>} : memref<48x512xf32, #tpu.memory_space<vmem>>, vector<1x16xf32>,
        %get3A_362 = vector.shape_cast %get3A_361 : vector<1x16xf32> to vector<16xf32>
        %get3A_363 = arith.index_cast %scan3A_326 : i32 to index
        %get3A_364 = arith.constant 32 : index
        %get3A_365 = tpu.vector_load %arg9[%get3A_363, %get3A_364] {strides = array<i32>} : memref<48x512xf32, #tpu.memory_space<vmem>>, vector<1x16xf32>,
        %get3A_366 = vector.shape_cast %get3A_365 : vector<1x16xf32> to vector<16xf32>
        %add3A_367 = arith.addf %get3A_362, %get3A_366 : vector<16xf32>
        %mul3A_368 = arith.constant 5.000000e-01 : f32
        %mul3A_369 = vector.broadcast %mul3A_368 : f32 to vector<16xf32>
        %mul3A_370 = arith.mulf %add3A_367, %mul3A_369 : vector<16xf32>
        %swap3A_371 = arith.index_cast %scan3A_326 : i32 to index
        %swap3A_372 = arith.constant 32 : index
        %swap3A_373 = tpu.vector_load %arg8[%swap3A_371, %swap3A_372] {strides = array<i32>} : memref<48x512xf32, #tpu.memory_space<vmem>>, vector<1x16xf32>,
        %swap3A_374 = vector.shape_cast %swap3A_373 : vector<1x16xf32> to vector<16xf32>
        %swap3A_375 = vector.shape_cast %mul3A_370 : vector<16xf32> to vector<1x16xf32>
        tpu.vector_store %arg8[%swap3A_371, %swap3A_372], %swap3A_375 {strides = array<i32>} : memref<48x512xf32, #tpu.memory_space<vmem>>, vector<1x16xf32>,
        %get3A_376 = arith.index_cast %scan3A_326 : i32 to index
        %get3A_377 = arith.constant 48 : index
        %get3A_378 = tpu.vector_load %arg8[%get3A_376, %get3A_377] {strides = array<i32>} : memref<48x512xf32, #tpu.memory_space<vmem>>, vector<1x16xf32>,
        %get3A_379 = vector.shape_cast %get3A_378 : vector<1x16xf32> to vector<16xf32>
        %get3A_380 = arith.index_cast %scan3A_326 : i32 to index
        %get3A_381 = arith.constant 48 : index
        %get3A_382 = tpu.vector_load %arg9[%get3A_380, %get3A_381] {strides = array<i32>} : memref<48x512xf32, #tpu.memory_space<vmem>>, vector<1x16xf32>,
        %get3A_383 = vector.shape_cast %get3A_382 : vector<1x16xf32> to vector<16xf32>
        %add3A_384 = arith.addf %get3A_379, %get3A_383 : vector<16xf32>
        %mul3A_385 = arith.constant 5.000000e-01 : f32
        %mul3A_386 = vector.broadcast %mul3A_385 : f32 to vector<16xf32>
        %mul3A_387 = arith.mulf %add3A_384, %mul3A_386 : vector<16xf32>
        %swap3A_388 = arith.index_cast %scan3A_326 : i32 to index
        %swap3A_389 = arith.constant 48 : index
        %swap3A_390 = tpu.vector_load %arg8[%swap3A_388, %swap3A_389] {strides = array<i32>} : memref<48x512xf32, #tpu.memory_space<vmem>>, vector<1x16xf32>,
        %swap3A_391 = vector.shape_cast %swap3A_390 : vector<1x16xf32> to vector<16xf32>
        %swap3A_392 = vector.shape_cast %mul3A_387 : vector<16xf32> to vector<1x16xf32>
        tpu.vector_store %arg8[%swap3A_388, %swap3A_389], %swap3A_392 {strides = array<i32>} : memref<48x512xf32, #tpu.memory_space<vmem>>, vector<1x16xf32>,
        %get3A_393 = arith.index_cast %scan3A_326 : i32 to index
        %get3A_394 = arith.constant 64 : index
        %get3A_395 = tpu.vector_load %arg8[%get3A_393, %get3A_394] {strides = array<i32>} : memref<48x512xf32, #tpu.memory_space<vmem>>, vector<1x16xf32>,
        %get3A_396 = vector.shape_cast %get3A_395 : vector<1x16xf32> to vector<16xf32>
        %get3A_397 = arith.index_cast %scan3A_326 : i32 to index
        %get3A_398 = arith.constant 64 : index
        %get3A_399 = tpu.vector_load %arg9[%get3A_397, %get3A_398] {strides = array<i32>} : memref<48x512xf32, #tpu.memory_space<vmem>>, vector<1x16xf32>,
        %get3A_400 = vector.shape_cast %get3A_399 : vector<1x16xf32> to vector<16xf32>
        %add3A_401 = arith.addf %get3A_396, %get3A_400 : vector<16xf32>
        %mul3A_402 = arith.constant 5.000000e-01 : f32
        %mul3A_403 = vector.broadcast %mul3A_402 : f32 to vector<16xf32>
        %mul3A_404 = arith.mulf %add3A_401, %mul3A_403 : vector<16xf32>
        %swap3A_405 = arith.index_cast %scan3A_326 : i32 to index
        %swap3A_406 = arith.constant 64 : index
        %swap3A_407 = tpu.vector_load %arg8[%swap3A_405, %swap3A_406] {strides = array<i32>} : memref<48x512xf32, #tpu.memory_space<vmem>>, vector<1x16xf32>,
        %swap3A_408 = vector.shape_cast %swap3A_407 : vector<1x16xf32> to vector<16xf32>
        %swap3A_409 = vector.shape_cast %mul3A_404 : vector<16xf32> to vector<1x16xf32>
        tpu.vector_store %arg8[%swap3A_405, %swap3A_406], %swap3A_409 {strides = array<i32>} : memref<48x512xf32, #tpu.memory_space<vmem>>, vector<1x16xf32>,
        %get3A_410 = arith.index_cast %scan3A_326 : i32 to index
        %get3A_411 = arith.constant 80 : index
        %get3A_412 = tpu.vector_load %arg8[%get3A_410, %get3A_411] {strides = array<i32>} : memref<48x512xf32, #tpu.memory_space<vmem>>, vector<1x16xf32>,
        %get3A_413 = vector.shape_cast %get3A_412 : vector<1x16xf32> to vector<16xf32>
        %get3A_414 = arith.index_cast %scan3A_326 : i32 to index
        %get3A_415 = arith.constant 80 : index
        %get3A_416 = tpu.vector_load %arg9[%get3A_414, %get3A_415] {strides = array<i32>} : memref<48x512xf32, #tpu.memory_space<vmem>>, vector<1x16xf32>,
        %get3A_417 = vector.shape_cast %get3A_416 : vector<1x16xf32> to vector<16xf32>
        %add3A_418 = arith.addf %get3A_413, %get3A_417 : vector<16xf32>
        %mul3A_419 = arith.constant 5.000000e-01 : f32
        %mul3A_420 = vector.broadcast %mul3A_419 : f32 to vector<16xf32>
        %mul3A_421 = arith.mulf %add3A_418, %mul3A_420 : vector<16xf32>
        %swap3A_422 = arith.index_cast %scan3A_326 : i32 to index
        %swap3A_423 = arith.constant 80 : index
        %swap3A_424 = tpu.vector_load %arg8[%swap3A_422, %swap3A_423] {strides = array<i32>} : memref<48x512xf32, #tpu.memory_space<vmem>>, vector<1x16xf32>,
        %swap3A_425 = vector.shape_cast %swap3A_424 : vector<1x16xf32> to vector<16xf32>
        %swap3A_426 = vector.shape_cast %mul3A_421 : vector<16xf32> to vector<1x16xf32>
        tpu.vector_store %arg8[%swap3A_422, %swap3A_423], %swap3A_426 {strides = array<i32>} : memref<48x512xf32, #tpu.memory_space<vmem>>, vector<1x16xf32>,
        %get3A_427 = arith.index_cast %scan3A_326 : i32 to index
        %get3A_428 = arith.constant 96 : index
        %get3A_429 = tpu.vector_load %arg8[%get3A_427, %get3A_428] {strides = array<i32>} : memref<48x512xf32, #tpu.memory_space<vmem>>, vector<1x16xf32>,
        %get3A_430 = vector.shape_cast %get3A_429 : vector<1x16xf32> to vector<16xf32>
        %get3A_431 = arith.index_cast %scan3A_326 : i32 to index
        %get3A_432 = arith.constant 96 : index
        %get3A_433 = tpu.vector_load %arg9[%get3A_431, %get3A_432] {strides = array<i32>} : memref<48x512xf32, #tpu.memory_space<vmem>>, vector<1x16xf32>,
        %get3A_434 = vector.shape_cast %get3A_433 : vector<1x16xf32> to vector<16xf32>
        %add3A_435 = arith.addf %get3A_430, %get3A_434 : vector<16xf32>
        %mul3A_436 = arith.constant 5.000000e-01 : f32
        %mul3A_437 = vector.broadcast %mul3A_436 : f32 to vector<16xf32>
        %mul3A_438 = arith.mulf %add3A_435, %mul3A_437 : vector<16xf32>
        %swap3A_439 = arith.index_cast %scan3A_326 : i32 to index
        %swap3A_440 = arith.constant 96 : index
        %swap3A_441 = tpu.vector_load %arg8[%swap3A_439, %swap3A_440] {strides = array<i32>} : memref<48x512xf32, #tpu.memory_space<vmem>>, vector<1x16xf32>,
        %swap3A_442 = vector.shape_cast %swap3A_441 : vector<1x16xf32> to vector<16xf32>
        %swap3A_443 = vector.shape_cast %mul3A_438 : vector<16xf32> to vector<1x16xf32>
        tpu.vector_store %arg8[%swap3A_439, %swap3A_440], %swap3A_443 {strides = array<i32>} : memref<48x512xf32, #tpu.memory_space<vmem>>, vector<1x16xf32>,
        %get3A_444 = arith.index_cast %scan3A_326 : i32 to index
        %get3A_445 = arith.constant 112 : index
        %get3A_446 = tpu.vector_load %arg8[%get3A_444, %get3A_445] {strides = array<i32>} : memref<48x512xf32, #tpu.memory_space<vmem>>, vector<1x16xf32>,
        %get3A_447 = vector.shape_cast %get3A_446 : vector<1x16xf32> to vector<16xf32>
        %get3A_448 = arith.index_cast %scan3A_326 : i32 to index
        %get3A_449 = arith.constant 112 : index
        %get3A_450 = tpu.vector_load %arg9[%get3A_448, %get3A_449] {strides = array<i32>} : memref<48x512xf32, #tpu.memory_space<vmem>>, vector<1x16xf32>,
        %get3A_451 = vector.shape_cast %get3A_450 : vector<1x16xf32> to vector<16xf32>
        %add3A_452 = arith.addf %get3A_447, %get3A_451 : vector<16xf32>
        %mul3A_453 = arith.constant 5.000000e-01 : f32
        %mul3A_454 = vector.broadcast %mul3A_453 : f32 to vector<16xf32>
        %mul3A_455 = arith.mulf %add3A_452, %mul3A_454 : vector<16xf32>
        %swap3A_456 = arith.index_cast %scan3A_326 : i32 to index
        %swap3A_457 = arith.constant 112 : index
        %swap3A_458 = tpu.vector_load %arg8[%swap3A_456, %swap3A_457] {strides = array<i32>} : memref<48x512xf32, #tpu.memory_space<vmem>>, vector<1x16xf32>,
        %swap3A_459 = vector.shape_cast %swap3A_458 : vector<1x16xf32> to vector<16xf32>
        %swap3A_460 = vector.shape_cast %mul3A_455 : vector<16xf32> to vector<1x16xf32>
        tpu.vector_store %arg8[%swap3A_456, %swap3A_457], %swap3A_460 {strides = array<i32>} : memref<48x512xf32, #tpu.memory_space<vmem>>, vector<1x16xf32>,
        %get3A_461 = arith.index_cast %scan3A_326 : i32 to index
        %get3A_462 = arith.constant 128 : index
        %get3A_463 = tpu.vector_load %arg8[%get3A_461, %get3A_462] {strides = array<i32>} : memref<48x512xf32, #tpu.memory_space<vmem>>, vector<1x16xf32>,
        %get3A_464 = vector.shape_cast %get3A_463 : vector<1x16xf32> to vector<16xf32>
        %get3A_465 = arith.index_cast %scan3A_326 : i32 to index
        %get3A_466 = arith.constant 128 : index
        %get3A_467 = tpu.vector_load %arg9[%get3A_465, %get3A_466] {strides = array<i32>} : memref<48x512xf32, #tpu.memory_space<vmem>>, vector<1x16xf32>,
        %get3A_468 = vector.shape_cast %get3A_467 : vector<1x16xf32> to vector<16xf32>
        %add3A_469 = arith.addf %get3A_464, %get3A_468 : vector<16xf32>
        %mul3A_470 = arith.constant 5.000000e-01 : f32
        %mul3A_471 = vector.broadcast %mul3A_470 : f32 to vector<16xf32>
        %mul3A_472 = arith.mulf %add3A_469, %mul3A_471 : vector<16xf32>
        %swap3A_473 = arith.index_cast %scan3A_326 : i32 to index
        %swap3A_474 = arith.constant 128 : index
        %swap3A_475 = tpu.vector_load %arg8[%swap3A_473, %swap3A_474] {strides = array<i32>} : memref<48x512xf32, #tpu.memory_space<vmem>>, vector<1x16xf32>,
        %swap3A_476 = vector.shape_cast %swap3A_475 : vector<1x16xf32> to vector<16xf32>
        %swap3A_477 = vector.shape_cast %mul3A_472 : vector<16xf32> to vector<1x16xf32>
        tpu.vector_store %arg8[%swap3A_473, %swap3A_474], %swap3A_477 {strides = array<i32>} : memref<48x512xf32, #tpu.memory_space<vmem>>, vector<1x16xf32>,
        %get3A_478 = arith.index_cast %scan3A_326 : i32 to index
        %get3A_479 = arith.constant 144 : index
        %get3A_480 = tpu.vector_load %arg8[%get3A_478, %get3A_479] {strides = array<i32>} : memref<48x512xf32, #tpu.memory_space<vmem>>, vector<1x16xf32>,
        %get3A_481 = vector.shape_cast %get3A_480 : vector<1x16xf32> to vector<16xf32>
        %get3A_482 = arith.index_cast %scan3A_326 : i32 to index
        %get3A_483 = arith.constant 144 : index
        %get3A_484 = tpu.vector_load %arg9[%get3A_482, %get3A_483] {strides = array<i32>} : memref<48x512xf32, #tpu.memory_space<vmem>>, vector<1x16xf32>,
        %get3A_485 = vector.shape_cast %get3A_484 : vector<1x16xf32> to vector<16xf32>
        %add3A_486 = arith.addf %get3A_481, %get3A_485 : vector<16xf32>
        %mul3A_487 = arith.constant 5.000000e-01 : f32
        %mul3A_488 = vector.broadcast %mul3A_487 : f32 to vector<16xf32>
        %mul3A_489 = arith.mulf %add3A_486, %mul3A_488 : vector<16xf32>
        %swap3A_490 = arith.index_cast %scan3A_326 : i32 to index
        %swap3A_491 = arith.constant 144 : index
        %swap3A_492 = tpu.vector_load %arg8[%swap3A_490, %swap3A_491] {strides = array<i32>} : memref<48x512xf32, #tpu.memory_space<vmem>>, vector<1x16xf32>,
        %swap3A_493 = vector.shape_cast %swap3A_492 : vector<1x16xf32> to vector<16xf32>
        %swap3A_494 = vector.shape_cast %mul3A_489 : vector<16xf32> to vector<1x16xf32>
        tpu.vector_store %arg8[%swap3A_490, %swap3A_491], %swap3A_494 {strides = array<i32>} : memref<48x512xf32, #tpu.memory_space<vmem>>, vector<1x16xf32>,
        %get3A_495 = arith.index_cast %scan3A_326 : i32 to index
        %get3A_496 = arith.constant 160 : index
        %get3A_497 = tpu.vector_load %arg8[%get3A_495, %get3A_496] {strides = array<i32>} : memref<48x512xf32, #tpu.memory_space<vmem>>, vector<1x16xf32>,
        %get3A_498 = vector.shape_cast %get3A_497 : vector<1x16xf32> to vector<16xf32>
        %get3A_499 = arith.index_cast %scan3A_326 : i32 to index
        %get3A_500 = arith.constant 160 : index
        %get3A_501 = tpu.vector_load %arg9[%get3A_499, %get3A_500] {strides = array<i32>} : memref<48x512xf32, #tpu.memory_space<vmem>>, vector<1x16xf32>,
        %get3A_502 = vector.shape_cast %get3A_501 : vector<1x16xf32> to vector<16xf32>
        %add3A_503 = arith.addf %get3A_498, %get3A_502 : vector<16xf32>
        %mul3A_504 = arith.constant 5.000000e-01 : f32
        %mul3A_505 = vector.broadcast %mul3A_504 : f32 to vector<16xf32>
        %mul3A_506 = arith.mulf %add3A_503, %mul3A_505 : vector<16xf32>
        %swap3A_507 = arith.index_cast %scan3A_326 : i32 to index
        %swap3A_508 = arith.constant 160 : index
        %swap3A_509 = tpu.vector_load %arg8[%swap3A_507, %swap3A_508] {strides = array<i32>} : memref<48x512xf32, #tpu.memory_space<vmem>>, vector<1x16xf32>,
        %swap3A_510 = vector.shape_cast %swap3A_509 : vector<1x16xf32> to vector<16xf32>
        %swap3A_511 = vector.shape_cast %mul3A_506 : vector<16xf32> to vector<1x16xf32>
        tpu.vector_store %arg8[%swap3A_507, %swap3A_508], %swap3A_511 {strides = array<i32>} : memref<48x512xf32, #tpu.memory_space<vmem>>, vector<1x16xf32>,
        %get3A_512 = arith.index_cast %scan3A_326 : i32 to index
        %get3A_513 = arith.constant 176 : index
        %get3A_514 = tpu.vector_load %arg8[%get3A_512, %get3A_513] {strides = array<i32>} : memref<48x512xf32, #tpu.memory_space<vmem>>, vector<1x16xf32>,
        %get3A_515 = vector.shape_cast %get3A_514 : vector<1x16xf32> to vector<16xf32>
        %get3A_516 = arith.index_cast %scan3A_326 : i32 to index
        %get3A_517 = arith.constant 176 : index
        %get3A_518 = tpu.vector_load %arg9[%get3A_516, %get3A_517] {strides = array<i32>} : memref<48x512xf32, #tpu.memory_space<vmem>>, vector<1x16xf32>,
        %get3A_519 = vector.shape_cast %get3A_518 : vector<1x16xf32> to vector<16xf32>
        %add3A_520 = arith.addf %get3A_515, %get3A_519 : vector<16xf32>
        %mul3A_521 = arith.constant 5.000000e-01 : f32
        %mul3A_522 = vector.broadcast %mul3A_521 : f32 to vector<16xf32>
        %mul3A_523 = arith.mulf %add3A_520, %mul3A_522 : vector<16xf32>
        %swap3A_524 = arith.index_cast %scan3A_326 : i32 to index
        %swap3A_525 = arith.constant 176 : index
        %swap3A_526 = tpu.vector_load %arg8[%swap3A_524, %swap3A_525] {strides = array<i32>} : memref<48x512xf32, #tpu.memory_space<vmem>>, vector<1x16xf32>,
        %swap3A_527 = vector.shape_cast %swap3A_526 : vector<1x16xf32> to vector<16xf32>
        %swap3A_528 = vector.shape_cast %mul3A_523 : vector<16xf32> to vector<1x16xf32>
        tpu.vector_store %arg8[%swap3A_524, %swap3A_525], %swap3A_528 {strides = array<i32>} : memref<48x512xf32, #tpu.memory_space<vmem>>, vector<1x16xf32>,
        %get3A_529 = arith.index_cast %scan3A_326 : i32 to index
        %get3A_530 = arith.constant 192 : index
        %get3A_531 = tpu.vector_load %arg8[%get3A_529, %get3A_530] {strides = array<i32>} : memref<48x512xf32, #tpu.memory_space<vmem>>, vector<1x16xf32>,
        %get3A_532 = vector.shape_cast %get3A_531 : vector<1x16xf32> to vector<16xf32>
        %get3A_533 = arith.index_cast %scan3A_326 : i32 to index
        %get3A_534 = arith.constant 192 : index
        %get3A_535 = tpu.vector_load %arg9[%get3A_533, %get3A_534] {strides = array<i32>} : memref<48x512xf32, #tpu.memory_space<vmem>>, vector<1x16xf32>,
        %get3A_536 = vector.shape_cast %get3A_535 : vector<1x16xf32> to vector<16xf32>
        %add3A_537 = arith.addf %get3A_532, %get3A_536 : vector<16xf32>
        %mul3A_538 = arith.constant 5.000000e-01 : f32
        %mul3A_539 = vector.broadcast %mul3A_538 : f32 to vector<16xf32>
        %mul3A_540 = arith.mulf %add3A_537, %mul3A_539 : vector<16xf32>
        %swap3A_541 = arith.index_cast %scan3A_326 : i32 to index
        %swap3A_542 = arith.constant 192 : index
        %swap3A_543 = tpu.vector_load %arg8[%swap3A_541, %swap3A_542] {strides = array<i32>} : memref<48x512xf32, #tpu.memory_space<vmem>>, vector<1x16xf32>,
        %swap3A_544 = vector.shape_cast %swap3A_543 : vector<1x16xf32> to vector<16xf32>
        %swap3A_545 = vector.shape_cast %mul3A_540 : vector<16xf32> to vector<1x16xf32>
        tpu.vector_store %arg8[%swap3A_541, %swap3A_542], %swap3A_545 {strides = array<i32>} : memref<48x512xf32, #tpu.memory_space<vmem>>, vector<1x16xf32>,
        %get3A_546 = arith.index_cast %scan3A_326 : i32 to index
        %get3A_547 = arith.constant 208 : index
        %get3A_548 = tpu.vector_load %arg8[%get3A_546, %get3A_547] {strides = array<i32>} : memref<48x512xf32, #tpu.memory_space<vmem>>, vector<1x16xf32>,
        %get3A_549 = vector.shape_cast %get3A_548 : vector<1x16xf32> to vector<16xf32>
        %get3A_550 = arith.index_cast %scan3A_326 : i32 to index
        %get3A_551 = arith.constant 208 : index
        %get3A_552 = tpu.vector_load %arg9[%get3A_550, %get3A_551] {strides = array<i32>} : memref<48x512xf32, #tpu.memory_space<vmem>>, vector<1x16xf32>,
        %get3A_553 = vector.shape_cast %get3A_552 : vector<1x16xf32> to vector<16xf32>
        %add3A_554 = arith.addf %get3A_549, %get3A_553 : vector<16xf32>
        %mul3A_555 = arith.constant 5.000000e-01 : f32
        %mul3A_556 = vector.broadcast %mul3A_555 : f32 to vector<16xf32>
        %mul3A_557 = arith.mulf %add3A_554, %mul3A_556 : vector<16xf32>
        %swap3A_558 = arith.index_cast %scan3A_326 : i32 to index
        %swap3A_559 = arith.constant 208 : index
        %swap3A_560 = tpu.vector_load %arg8[%swap3A_558, %swap3A_559] {strides = array<i32>} : memref<48x512xf32, #tpu.memory_space<vmem>>, vector<1x16xf32>,
        %swap3A_561 = vector.shape_cast %swap3A_560 : vector<1x16xf32> to vector<16xf32>
        %swap3A_562 = vector.shape_cast %mul3A_557 : vector<16xf32> to vector<1x16xf32>
        tpu.vector_store %arg8[%swap3A_558, %swap3A_559], %swap3A_562 {strides = array<i32>} : memref<48x512xf32, #tpu.memory_space<vmem>>, vector<1x16xf32>,
        %get3A_563 = arith.index_cast %scan3A_326 : i32 to index
        %get3A_564 = arith.constant 224 : index
        %get3A_565 = tpu.vector_load %arg8[%get3A_563, %get3A_564] {strides = array<i32>} : memref<48x512xf32, #tpu.memory_space<vmem>>, vector<1x16xf32>,
        %get3A_566 = vector.shape_cast %get3A_565 : vector<1x16xf32> to vector<16xf32>
        %get3A_567 = arith.index_cast %scan3A_326 : i32 to index
        %get3A_568 = arith.constant 224 : index
        %get3A_569 = tpu.vector_load %arg9[%get3A_567, %get3A_568] {strides = array<i32>} : memref<48x512xf32, #tpu.memory_space<vmem>>, vector<1x16xf32>,
        %get3A_570 = vector.shape_cast %get3A_569 : vector<1x16xf32> to vector<16xf32>
        %add3A_571 = arith.addf %get3A_566, %get3A_570 : vector<16xf32>
        %mul3A_572 = arith.constant 5.000000e-01 : f32
        %mul3A_573 = vector.broadcast %mul3A_572 : f32 to vector<16xf32>
        %mul3A_574 = arith.mulf %add3A_571, %mul3A_573 : vector<16xf32>
        %swap3A_575 = arith.index_cast %scan3A_326 : i32 to index
        %swap3A_576 = arith.constant 224 : index
        %swap3A_577 = tpu.vector_load %arg8[%swap3A_575, %swap3A_576] {strides = array<i32>} : memref<48x512xf32, #tpu.memory_space<vmem>>, vector<1x16xf32>,
        %swap3A_578 = vector.shape_cast %swap3A_577 : vector<1x16xf32> to vector<16xf32>
        %swap3A_579 = vector.shape_cast %mul3A_574 : vector<16xf32> to vector<1x16xf32>
        tpu.vector_store %arg8[%swap3A_575, %swap3A_576], %swap3A_579 {strides = array<i32>} : memref<48x512xf32, #tpu.memory_space<vmem>>, vector<1x16xf32>,
        %get3A_580 = arith.index_cast %scan3A_326 : i32 to index
        %get3A_581 = arith.constant 240 : index
        %get3A_582 = tpu.vector_load %arg8[%get3A_580, %get3A_581] {strides = array<i32>} : memref<48x512xf32, #tpu.memory_space<vmem>>, vector<1x16xf32>,
        %get3A_583 = vector.shape_cast %get3A_582 : vector<1x16xf32> to vector<16xf32>
        %get3A_584 = arith.index_cast %scan3A_326 : i32 to index
        %get3A_585 = arith.constant 240 : index
        %get3A_586 = tpu.vector_load %arg9[%get3A_584, %get3A_585] {strides = array<i32>} : memref<48x512xf32, #tpu.memory_space<vmem>>, vector<1x16xf32>,
        %get3A_587 = vector.shape_cast %get3A_586 : vector<1x16xf32> to vector<16xf32>
        %add3A_588 = arith.addf %get3A_583, %get3A_587 : vector<16xf32>
        %mul3A_589 = arith.constant 5.000000e-01 : f32
        %mul3A_590 = vector.broadcast %mul3A_589 : f32 to vector<16xf32>
        %mul3A_591 = arith.mulf %add3A_588, %mul3A_590 : vector<16xf32>
        %swap3A_592 = arith.index_cast %scan3A_326 : i32 to index
        %swap3A_593 = arith.constant 240 : index
        %swap3A_594 = tpu.vector_load %arg8[%swap3A_592, %swap3A_593] {strides = array<i32>} : memref<48x512xf32, #tpu.memory_space<vmem>>, vector<1x16xf32>,
        %swap3A_595 = vector.shape_cast %swap3A_594 : vector<1x16xf32> to vector<16xf32>
        %swap3A_596 = vector.shape_cast %mul3A_591 : vector<16xf32> to vector<1x16xf32>
        tpu.vector_store %arg8[%swap3A_592, %swap3A_593], %swap3A_596 {strides = array<i32>} : memref<48x512xf32, #tpu.memory_space<vmem>>, vector<1x16xf32>,
        %get3A_597 = arith.index_cast %scan3A_326 : i32 to index
        %get3A_598 = arith.constant 256 : index
        %get3A_599 = tpu.vector_load %arg8[%get3A_597, %get3A_598] {strides = array<i32>} : memref<48x512xf32, #tpu.memory_space<vmem>>, vector<1x16xf32>,
        %get3A_600 = vector.shape_cast %get3A_599 : vector<1x16xf32> to vector<16xf32>
        %get3A_601 = arith.index_cast %scan3A_326 : i32 to index
        %get3A_602 = arith.constant 256 : index
        %get3A_603 = tpu.vector_load %arg9[%get3A_601, %get3A_602] {strides = array<i32>} : memref<48x512xf32, #tpu.memory_space<vmem>>, vector<1x16xf32>,
        %get3A_604 = vector.shape_cast %get3A_603 : vector<1x16xf32> to vector<16xf32>
        %add3A_605 = arith.addf %get3A_600, %get3A_604 : vector<16xf32>
        %mul3A_606 = arith.constant 5.000000e-01 : f32
        %mul3A_607 = vector.broadcast %mul3A_606 : f32 to vector<16xf32>
        %mul3A_608 = arith.mulf %add3A_605, %mul3A_607 : vector<16xf32>
        %swap3A_609 = arith.index_cast %scan3A_326 : i32 to index
        %swap3A_610 = arith.constant 256 : index
        %swap3A_611 = tpu.vector_load %arg8[%swap3A_609, %swap3A_610] {strides = array<i32>} : memref<48x512xf32, #tpu.memory_space<vmem>>, vector<1x16xf32>,
        %swap3A_612 = vector.shape_cast %swap3A_611 : vector<1x16xf32> to vector<16xf32>
        %swap3A_613 = vector.shape_cast %mul3A_608 : vector<16xf32> to vector<1x16xf32>
        tpu.vector_store %arg8[%swap3A_609, %swap3A_610], %swap3A_613 {strides = array<i32>} : memref<48x512xf32, #tpu.memory_space<vmem>>, vector<1x16xf32>,
        %get3A_614 = arith.index_cast %scan3A_326 : i32 to index
        %get3A_615 = arith.constant 272 : index
        %get3A_616 = tpu.vector_load %arg8[%get3A_614, %get3A_615] {strides = array<i32>} : memref<48x512xf32, #tpu.memory_space<vmem>>, vector<1x16xf32>,
        %get3A_617 = vector.shape_cast %get3A_616 : vector<1x16xf32> to vector<16xf32>
        %get3A_618 = arith.index_cast %scan3A_326 : i32 to index
        %get3A_619 = arith.constant 272 : index
        %get3A_620 = tpu.vector_load %arg9[%get3A_618, %get3A_619] {strides = array<i32>} : memref<48x512xf32, #tpu.memory_space<vmem>>, vector<1x16xf32>,
        %get3A_621 = vector.shape_cast %get3A_620 : vector<1x16xf32> to vector<16xf32>
        %add3A_622 = arith.addf %get3A_617, %get3A_621 : vector<16xf32>
        %mul3A_623 = arith.constant 5.000000e-01 : f32
        %mul3A_624 = vector.broadcast %mul3A_623 : f32 to vector<16xf32>
        %mul3A_625 = arith.mulf %add3A_622, %mul3A_624 : vector<16xf32>
        %swap3A_626 = arith.index_cast %scan3A_326 : i32 to index
        %swap3A_627 = arith.constant 272 : index
        %swap3A_628 = tpu.vector_load %arg8[%swap3A_626, %swap3A_627] {strides = array<i32>} : memref<48x512xf32, #tpu.memory_space<vmem>>, vector<1x16xf32>,
        %swap3A_629 = vector.shape_cast %swap3A_628 : vector<1x16xf32> to vector<16xf32>
        %swap3A_630 = vector.shape_cast %mul3A_625 : vector<16xf32> to vector<1x16xf32>
        tpu.vector_store %arg8[%swap3A_626, %swap3A_627], %swap3A_630 {strides = array<i32>} : memref<48x512xf32, #tpu.memory_space<vmem>>, vector<1x16xf32>,
        %get3A_631 = arith.index_cast %scan3A_326 : i32 to index
        %get3A_632 = arith.constant 288 : index
        %get3A_633 = tpu.vector_load %arg8[%get3A_631, %get3A_632] {strides = array<i32>} : memref<48x512xf32, #tpu.memory_space<vmem>>, vector<1x16xf32>,
        %get3A_634 = vector.shape_cast %get3A_633 : vector<1x16xf32> to vector<16xf32>
        %get3A_635 = arith.index_cast %scan3A_326 : i32 to index
        %get3A_636 = arith.constant 288 : index
        %get3A_637 = tpu.vector_load %arg9[%get3A_635, %get3A_636] {strides = array<i32>} : memref<48x512xf32, #tpu.memory_space<vmem>>, vector<1x16xf32>,
        %get3A_638 = vector.shape_cast %get3A_637 : vector<1x16xf32> to vector<16xf32>
        %add3A_639 = arith.addf %get3A_634, %get3A_638 : vector<16xf32>
        %mul3A_640 = arith.constant 5.000000e-01 : f32
        %mul3A_641 = vector.broadcast %mul3A_640 : f32 to vector<16xf32>
        %mul3A_642 = arith.mulf %add3A_639, %mul3A_641 : vector<16xf32>
        %swap3A_643 = arith.index_cast %scan3A_326 : i32 to index
        %swap3A_644 = arith.constant 288 : index
        %swap3A_645 = tpu.vector_load %arg8[%swap3A_643, %swap3A_644] {strides = array<i32>} : memref<48x512xf32, #tpu.memory_space<vmem>>, vector<1x16xf32>,
        %swap3A_646 = vector.shape_cast %swap3A_645 : vector<1x16xf32> to vector<16xf32>
        %swap3A_647 = vector.shape_cast %mul3A_642 : vector<16xf32> to vector<1x16xf32>
        tpu.vector_store %arg8[%swap3A_643, %swap3A_644], %swap3A_647 {strides = array<i32>} : memref<48x512xf32, #tpu.memory_space<vmem>>, vector<1x16xf32>,
        %get3A_648 = arith.index_cast %scan3A_326 : i32 to index
        %get3A_649 = arith.constant 304 : index
        %get3A_650 = tpu.vector_load %arg8[%get3A_648, %get3A_649] {strides = array<i32>} : memref<48x512xf32, #tpu.memory_space<vmem>>, vector<1x16xf32>,
        %get3A_651 = vector.shape_cast %get3A_650 : vector<1x16xf32> to vector<16xf32>
        %get3A_652 = arith.index_cast %scan3A_326 : i32 to index
        %get3A_653 = arith.constant 304 : index
        %get3A_654 = tpu.vector_load %arg9[%get3A_652, %get3A_653] {strides = array<i32>} : memref<48x512xf32, #tpu.memory_space<vmem>>, vector<1x16xf32>,
        %get3A_655 = vector.shape_cast %get3A_654 : vector<1x16xf32> to vector<16xf32>
        %add3A_656 = arith.addf %get3A_651, %get3A_655 : vector<16xf32>
        %mul3A_657 = arith.constant 5.000000e-01 : f32
        %mul3A_658 = vector.broadcast %mul3A_657 : f32 to vector<16xf32>
        %mul3A_659 = arith.mulf %add3A_656, %mul3A_658 : vector<16xf32>
        %swap3A_660 = arith.index_cast %scan3A_326 : i32 to index
        %swap3A_661 = arith.constant 304 : index
        %swap3A_662 = tpu.vector_load %arg8[%swap3A_660, %swap3A_661] {strides = array<i32>} : memref<48x512xf32, #tpu.memory_space<vmem>>, vector<1x16xf32>,
        %swap3A_663 = vector.shape_cast %swap3A_662 : vector<1x16xf32> to vector<16xf32>
        %swap3A_664 = vector.shape_cast %mul3A_659 : vector<16xf32> to vector<1x16xf32>
        tpu.vector_store %arg8[%swap3A_660, %swap3A_661], %swap3A_664 {strides = array<i32>} : memref<48x512xf32, #tpu.memory_space<vmem>>, vector<1x16xf32>,
        %get3A_665 = arith.index_cast %scan3A_326 : i32 to index
        %get3A_666 = arith.constant 320 : index
        %get3A_667 = tpu.vector_load %arg8[%get3A_665, %get3A_666] {strides = array<i32>} : memref<48x512xf32, #tpu.memory_space<vmem>>, vector<1x16xf32>,
        %get3A_668 = vector.shape_cast %get3A_667 : vector<1x16xf32> to vector<16xf32>
        %get3A_669 = arith.index_cast %scan3A_326 : i32 to index
        %get3A_670 = arith.constant 320 : index
        %get3A_671 = tpu.vector_load %arg9[%get3A_669, %get3A_670] {strides = array<i32>} : memref<48x512xf32, #tpu.memory_space<vmem>>, vector<1x16xf32>,
        %get3A_672 = vector.shape_cast %get3A_671 : vector<1x16xf32> to vector<16xf32>
        %add3A_673 = arith.addf %get3A_668, %get3A_672 : vector<16xf32>
        %mul3A_674 = arith.constant 5.000000e-01 : f32
        %mul3A_675 = vector.broadcast %mul3A_674 : f32 to vector<16xf32>
        %mul3A_676 = arith.mulf %add3A_673, %mul3A_675 : vector<16xf32>
        %swap3A_677 = arith.index_cast %scan3A_326 : i32 to index
        %swap3A_678 = arith.constant 320 : index
        %swap3A_679 = tpu.vector_load %arg8[%swap3A_677, %swap3A_678] {strides = array<i32>} : memref<48x512xf32, #tpu.memory_space<vmem>>, vector<1x16xf32>,
        %swap3A_680 = vector.shape_cast %swap3A_679 : vector<1x16xf32> to vector<16xf32>
        %swap3A_681 = vector.shape_cast %mul3A_676 : vector<16xf32> to vector<1x16xf32>
        tpu.vector_store %arg8[%swap3A_677, %swap3A_678], %swap3A_681 {strides = array<i32>} : memref<48x512xf32, #tpu.memory_space<vmem>>, vector<1x16xf32>,
        %get3A_682 = arith.index_cast %scan3A_326 : i32 to index
        %get3A_683 = arith.constant 336 : index
        %get3A_684 = tpu.vector_load %arg8[%get3A_682, %get3A_683] {strides = array<i32>} : memref<48x512xf32, #tpu.memory_space<vmem>>, vector<1x16xf32>,
        %get3A_685 = vector.shape_cast %get3A_684 : vector<1x16xf32> to vector<16xf32>
        %get3A_686 = arith.index_cast %scan3A_326 : i32 to index
        %get3A_687 = arith.constant 336 : index
        %get3A_688 = tpu.vector_load %arg9[%get3A_686, %get3A_687] {strides = array<i32>} : memref<48x512xf32, #tpu.memory_space<vmem>>, vector<1x16xf32>,
        %get3A_689 = vector.shape_cast %get3A_688 : vector<1x16xf32> to vector<16xf32>
        %add3A_690 = arith.addf %get3A_685, %get3A_689 : vector<16xf32>
        %mul3A_691 = arith.constant 5.000000e-01 : f32
        %mul3A_692 = vector.broadcast %mul3A_691 : f32 to vector<16xf32>
        %mul3A_693 = arith.mulf %add3A_690, %mul3A_692 : vector<16xf32>
        %swap3A_694 = arith.index_cast %scan3A_326 : i32 to index
        %swap3A_695 = arith.constant 336 : index
        %swap3A_696 = tpu.vector_load %arg8[%swap3A_694, %swap3A_695] {strides = array<i32>} : memref<48x512xf32, #tpu.memory_space<vmem>>, vector<1x16xf32>,
        %swap3A_697 = vector.shape_cast %swap3A_696 : vector<1x16xf32> to vector<16xf32>
        %swap3A_698 = vector.shape_cast %mul3A_693 : vector<16xf32> to vector<1x16xf32>
        tpu.vector_store %arg8[%swap3A_694, %swap3A_695], %swap3A_698 {strides = array<i32>} : memref<48x512xf32, #tpu.memory_space<vmem>>, vector<1x16xf32>,
        %get3A_699 = arith.index_cast %scan3A_326 : i32 to index
        %get3A_700 = arith.constant 352 : index
        %get3A_701 = tpu.vector_load %arg8[%get3A_699, %get3A_700] {strides = array<i32>} : memref<48x512xf32, #tpu.memory_space<vmem>>, vector<1x16xf32>,
        %get3A_702 = vector.shape_cast %get3A_701 : vector<1x16xf32> to vector<16xf32>
        %get3A_703 = arith.index_cast %scan3A_326 : i32 to index
        %get3A_704 = arith.constant 352 : index
        %get3A_705 = tpu.vector_load %arg9[%get3A_703, %get3A_704] {strides = array<i32>} : memref<48x512xf32, #tpu.memory_space<vmem>>, vector<1x16xf32>,
        %get3A_706 = vector.shape_cast %get3A_705 : vector<1x16xf32> to vector<16xf32>
        %add3A_707 = arith.addf %get3A_702, %get3A_706 : vector<16xf32>
        %mul3A_708 = arith.constant 5.000000e-01 : f32
        %mul3A_709 = vector.broadcast %mul3A_708 : f32 to vector<16xf32>
        %mul3A_710 = arith.mulf %add3A_707, %mul3A_709 : vector<16xf32>
        %swap3A_711 = arith.index_cast %scan3A_326 : i32 to index
        %swap3A_712 = arith.constant 352 : index
        %swap3A_713 = tpu.vector_load %arg8[%swap3A_711, %swap3A_712] {strides = array<i32>} : memref<48x512xf32, #tpu.memory_space<vmem>>, vector<1x16xf32>,
        %swap3A_714 = vector.shape_cast %swap3A_713 : vector<1x16xf32> to vector<16xf32>
        %swap3A_715 = vector.shape_cast %mul3A_710 : vector<16xf32> to vector<1x16xf32>
        tpu.vector_store %arg8[%swap3A_711, %swap3A_712], %swap3A_715 {strides = array<i32>} : memref<48x512xf32, #tpu.memory_space<vmem>>, vector<1x16xf32>,
        %get3A_716 = arith.index_cast %scan3A_326 : i32 to index
        %get3A_717 = arith.constant 368 : index
        %get3A_718 = tpu.vector_load %arg8[%get3A_716, %get3A_717] {strides = array<i32>} : memref<48x512xf32, #tpu.memory_space<vmem>>, vector<1x16xf32>,
        %get3A_719 = vector.shape_cast %get3A_718 : vector<1x16xf32> to vector<16xf32>
        %get3A_720 = arith.index_cast %scan3A_326 : i32 to index
        %get3A_721 = arith.constant 368 : index
        %get3A_722 = tpu.vector_load %arg9[%get3A_720, %get3A_721] {strides = array<i32>} : memref<48x512xf32, #tpu.memory_space<vmem>>, vector<1x16xf32>,
        %get3A_723 = vector.shape_cast %get3A_722 : vector<1x16xf32> to vector<16xf32>
        %add3A_724 = arith.addf %get3A_719, %get3A_723 : vector<16xf32>
        %mul3A_725 = arith.constant 5.000000e-01 : f32
        %mul3A_726 = vector.broadcast %mul3A_725 : f32 to vector<16xf32>
        %mul3A_727 = arith.mulf %add3A_724, %mul3A_726 : vector<16xf32>
        %swap3A_728 = arith.index_cast %scan3A_326 : i32 to index
        %swap3A_729 = arith.constant 368 : index
        %swap3A_730 = tpu.vector_load %arg8[%swap3A_728, %swap3A_729] {strides = array<i32>} : memref<48x512xf32, #tpu.memory_space<vmem>>, vector<1x16xf32>,
        %swap3A_731 = vector.shape_cast %swap3A_730 : vector<1x16xf32> to vector<16xf32>
        %swap3A_732 = vector.shape_cast %mul3A_727 : vector<16xf32> to vector<1x16xf32>
        tpu.vector_store %arg8[%swap3A_728, %swap3A_729], %swap3A_732 {strides = array<i32>} : memref<48x512xf32, #tpu.memory_space<vmem>>, vector<1x16xf32>,
        %get3A_733 = arith.index_cast %scan3A_326 : i32 to index
        %get3A_734 = arith.constant 384 : index
        %get3A_735 = tpu.vector_load %arg8[%get3A_733, %get3A_734] {strides = array<i32>} : memref<48x512xf32, #tpu.memory_space<vmem>>, vector<1x16xf32>,
        %get3A_736 = vector.shape_cast %get3A_735 : vector<1x16xf32> to vector<16xf32>
        %get3A_737 = arith.index_cast %scan3A_326 : i32 to index
        %get3A_738 = arith.constant 384 : index
        %get3A_739 = tpu.vector_load %arg9[%get3A_737, %get3A_738] {strides = array<i32>} : memref<48x512xf32, #tpu.memory_space<vmem>>, vector<1x16xf32>,
        %get3A_740 = vector.shape_cast %get3A_739 : vector<1x16xf32> to vector<16xf32>
        %add3A_741 = arith.addf %get3A_736, %get3A_740 : vector<16xf32>
        %mul3A_742 = arith.constant 5.000000e-01 : f32
        %mul3A_743 = vector.broadcast %mul3A_742 : f32 to vector<16xf32>
        %mul3A_744 = arith.mulf %add3A_741, %mul3A_743 : vector<16xf32>
        %swap3A_745 = arith.index_cast %scan3A_326 : i32 to index
        %swap3A_746 = arith.constant 384 : index
        %swap3A_747 = tpu.vector_load %arg8[%swap3A_745, %swap3A_746] {strides = array<i32>} : memref<48x512xf32, #tpu.memory_space<vmem>>, vector<1x16xf32>,
        %swap3A_748 = vector.shape_cast %swap3A_747 : vector<1x16xf32> to vector<16xf32>
        %swap3A_749 = vector.shape_cast %mul3A_744 : vector<16xf32> to vector<1x16xf32>
        tpu.vector_store %arg8[%swap3A_745, %swap3A_746], %swap3A_749 {strides = array<i32>} : memref<48x512xf32, #tpu.memory_space<vmem>>, vector<1x16xf32>,
        %get3A_750 = arith.index_cast %scan3A_326 : i32 to index
        %get3A_751 = arith.constant 400 : index
        %get3A_752 = tpu.vector_load %arg8[%get3A_750, %get3A_751] {strides = array<i32>} : memref<48x512xf32, #tpu.memory_space<vmem>>, vector<1x16xf32>,
        %get3A_753 = vector.shape_cast %get3A_752 : vector<1x16xf32> to vector<16xf32>
        %get3A_754 = arith.index_cast %scan3A_326 : i32 to index
        %get3A_755 = arith.constant 400 : index
        %get3A_756 = tpu.vector_load %arg9[%get3A_754, %get3A_755] {strides = array<i32>} : memref<48x512xf32, #tpu.memory_space<vmem>>, vector<1x16xf32>,
        %get3A_757 = vector.shape_cast %get3A_756 : vector<1x16xf32> to vector<16xf32>
        %add3A_758 = arith.addf %get3A_753, %get3A_757 : vector<16xf32>
        %mul3A_759 = arith.constant 5.000000e-01 : f32
        %mul3A_760 = vector.broadcast %mul3A_759 : f32 to vector<16xf32>
        %mul3A_761 = arith.mulf %add3A_758, %mul3A_760 : vector<16xf32>
        %swap3A_762 = arith.index_cast %scan3A_326 : i32 to index
        %swap3A_763 = arith.constant 400 : index
        %swap3A_764 = tpu.vector_load %arg8[%swap3A_762, %swap3A_763] {strides = array<i32>} : memref<48x512xf32, #tpu.memory_space<vmem>>, vector<1x16xf32>,
        %swap3A_765 = vector.shape_cast %swap3A_764 : vector<1x16xf32> to vector<16xf32>
        %swap3A_766 = vector.shape_cast %mul3A_761 : vector<16xf32> to vector<1x16xf32>
        tpu.vector_store %arg8[%swap3A_762, %swap3A_763], %swap3A_766 {strides = array<i32>} : memref<48x512xf32, #tpu.memory_space<vmem>>, vector<1x16xf32>,
        %get3A_767 = arith.index_cast %scan3A_326 : i32 to index
        %get3A_768 = arith.constant 416 : index
        %get3A_769 = tpu.vector_load %arg8[%get3A_767, %get3A_768] {strides = array<i32>} : memref<48x512xf32, #tpu.memory_space<vmem>>, vector<1x16xf32>,
        %get3A_770 = vector.shape_cast %get3A_769 : vector<1x16xf32> to vector<16xf32>
        %get3A_771 = arith.index_cast %scan3A_326 : i32 to index
        %get3A_772 = arith.constant 416 : index
        %get3A_773 = tpu.vector_load %arg9[%get3A_771, %get3A_772] {strides = array<i32>} : memref<48x512xf32, #tpu.memory_space<vmem>>, vector<1x16xf32>,
        %get3A_774 = vector.shape_cast %get3A_773 : vector<1x16xf32> to vector<16xf32>
        %add3A_775 = arith.addf %get3A_770, %get3A_774 : vector<16xf32>
        %mul3A_776 = arith.constant 5.000000e-01 : f32
        %mul3A_777 = vector.broadcast %mul3A_776 : f32 to vector<16xf32>
        %mul3A_778 = arith.mulf %add3A_775, %mul3A_777 : vector<16xf32>
        %swap3A_779 = arith.index_cast %scan3A_326 : i32 to index
        %swap3A_780 = arith.constant 416 : index
        %swap3A_781 = tpu.vector_load %arg8[%swap3A_779, %swap3A_780] {strides = array<i32>} : memref<48x512xf32, #tpu.memory_space<vmem>>, vector<1x16xf32>,
        %swap3A_782 = vector.shape_cast %swap3A_781 : vector<1x16xf32> to vector<16xf32>
        %swap3A_783 = vector.shape_cast %mul3A_778 : vector<16xf32> to vector<1x16xf32>
        tpu.vector_store %arg8[%swap3A_779, %swap3A_780], %swap3A_783 {strides = array<i32>} : memref<48x512xf32, #tpu.memory_space<vmem>>, vector<1x16xf32>,
        %get3A_784 = arith.index_cast %scan3A_326 : i32 to index
        %get3A_785 = arith.constant 432 : index
        %get3A_786 = tpu.vector_load %arg8[%get3A_784, %get3A_785] {strides = array<i32>} : memref<48x512xf32, #tpu.memory_space<vmem>>, vector<1x16xf32>,
        %get3A_787 = vector.shape_cast %get3A_786 : vector<1x16xf32> to vector<16xf32>
        %get3A_788 = arith.index_cast %scan3A_326 : i32 to index
        %get3A_789 = arith.constant 432 : index
        %get3A_790 = tpu.vector_load %arg9[%get3A_788, %get3A_789] {strides = array<i32>} : memref<48x512xf32, #tpu.memory_space<vmem>>, vector<1x16xf32>,
        %get3A_791 = vector.shape_cast %get3A_790 : vector<1x16xf32> to vector<16xf32>
        %add3A_792 = arith.addf %get3A_787, %get3A_791 : vector<16xf32>
        %mul3A_793 = arith.constant 5.000000e-01 : f32
        %mul3A_794 = vector.broadcast %mul3A_793 : f32 to vector<16xf32>
        %mul3A_795 = arith.mulf %add3A_792, %mul3A_794 : vector<16xf32>
        %swap3A_796 = arith.index_cast %scan3A_326 : i32 to index
        %swap3A_797 = arith.constant 432 : index
        %swap3A_798 = tpu.vector_load %arg8[%swap3A_796, %swap3A_797] {strides = array<i32>} : memref<48x512xf32, #tpu.memory_space<vmem>>, vector<1x16xf32>,
        %swap3A_799 = vector.shape_cast %swap3A_798 : vector<1x16xf32> to vector<16xf32>
        %swap3A_800 = vector.shape_cast %mul3A_795 : vector<16xf32> to vector<1x16xf32>
        tpu.vector_store %arg8[%swap3A_796, %swap3A_797], %swap3A_800 {strides = array<i32>} : memref<48x512xf32, #tpu.memory_space<vmem>>, vector<1x16xf32>,
        %get3A_801 = arith.index_cast %scan3A_326 : i32 to index
        %get3A_802 = arith.constant 448 : index
        %get3A_803 = tpu.vector_load %arg8[%get3A_801, %get3A_802] {strides = array<i32>} : memref<48x512xf32, #tpu.memory_space<vmem>>, vector<1x16xf32>,
        %get3A_804 = vector.shape_cast %get3A_803 : vector<1x16xf32> to vector<16xf32>
        %get3A_805 = arith.index_cast %scan3A_326 : i32 to index
        %get3A_806 = arith.constant 448 : index
        %get3A_807 = tpu.vector_load %arg9[%get3A_805, %get3A_806] {strides = array<i32>} : memref<48x512xf32, #tpu.memory_space<vmem>>, vector<1x16xf32>,
        %get3A_808 = vector.shape_cast %get3A_807 : vector<1x16xf32> to vector<16xf32>
        %add3A_809 = arith.addf %get3A_804, %get3A_808 : vector<16xf32>
        %mul3A_810 = arith.constant 5.000000e-01 : f32
        %mul3A_811 = vector.broadcast %mul3A_810 : f32 to vector<16xf32>
        %mul3A_812 = arith.mulf %add3A_809, %mul3A_811 : vector<16xf32>
        %swap3A_813 = arith.index_cast %scan3A_326 : i32 to index
        %swap3A_814 = arith.constant 448 : index
        %swap3A_815 = tpu.vector_load %arg8[%swap3A_813, %swap3A_814] {strides = array<i32>} : memref<48x512xf32, #tpu.memory_space<vmem>>, vector<1x16xf32>,
        %swap3A_816 = vector.shape_cast %swap3A_815 : vector<1x16xf32> to vector<16xf32>
        %swap3A_817 = vector.shape_cast %mul3A_812 : vector<16xf32> to vector<1x16xf32>
        tpu.vector_store %arg8[%swap3A_813, %swap3A_814], %swap3A_817 {strides = array<i32>} : memref<48x512xf32, #tpu.memory_space<vmem>>, vector<1x16xf32>,
        %get3A_818 = arith.index_cast %scan3A_326 : i32 to index
        %get3A_819 = arith.constant 464 : index
        %get3A_820 = tpu.vector_load %arg8[%get3A_818, %get3A_819] {strides = array<i32>} : memref<48x512xf32, #tpu.memory_space<vmem>>, vector<1x16xf32>,
        %get3A_821 = vector.shape_cast %get3A_820 : vector<1x16xf32> to vector<16xf32>
        %get3A_822 = arith.index_cast %scan3A_326 : i32 to index
        %get3A_823 = arith.constant 464 : index
        %get3A_824 = tpu.vector_load %arg9[%get3A_822, %get3A_823] {strides = array<i32>} : memref<48x512xf32, #tpu.memory_space<vmem>>, vector<1x16xf32>,
        %get3A_825 = vector.shape_cast %get3A_824 : vector<1x16xf32> to vector<16xf32>
        %add3A_826 = arith.addf %get3A_821, %get3A_825 : vector<16xf32>
        %mul3A_827 = arith.constant 5.000000e-01 : f32
        %mul3A_828 = vector.broadcast %mul3A_827 : f32 to vector<16xf32>
        %mul3A_829 = arith.mulf %add3A_826, %mul3A_828 : vector<16xf32>
        %swap3A_830 = arith.index_cast %scan3A_326 : i32 to index
        %swap3A_831 = arith.constant 464 : index
        %swap3A_832 = tpu.vector_load %arg8[%swap3A_830, %swap3A_831] {strides = array<i32>} : memref<48x512xf32, #tpu.memory_space<vmem>>, vector<1x16xf32>,
        %swap3A_833 = vector.shape_cast %swap3A_832 : vector<1x16xf32> to vector<16xf32>
        %swap3A_834 = vector.shape_cast %mul3A_829 : vector<16xf32> to vector<1x16xf32>
        tpu.vector_store %arg8[%swap3A_830, %swap3A_831], %swap3A_834 {strides = array<i32>} : memref<48x512xf32, #tpu.memory_space<vmem>>, vector<1x16xf32>,
        %get3A_835 = arith.index_cast %scan3A_326 : i32 to index
        %get3A_836 = arith.constant 480 : index
        %get3A_837 = tpu.vector_load %arg8[%get3A_835, %get3A_836] {strides = array<i32>} : memref<48x512xf32, #tpu.memory_space<vmem>>, vector<1x16xf32>,
        %get3A_838 = vector.shape_cast %get3A_837 : vector<1x16xf32> to vector<16xf32>
        %get3A_839 = arith.index_cast %scan3A_326 : i32 to index
        %get3A_840 = arith.constant 480 : index
        %get3A_841 = tpu.vector_load %arg9[%get3A_839, %get3A_840] {strides = array<i32>} : memref<48x512xf32, #tpu.memory_space<vmem>>, vector<1x16xf32>,
        %get3A_842 = vector.shape_cast %get3A_841 : vector<1x16xf32> to vector<16xf32>
        %add3A_843 = arith.addf %get3A_838, %get3A_842 : vector<16xf32>
        %mul3A_844 = arith.constant 5.000000e-01 : f32
        %mul3A_845 = vector.broadcast %mul3A_844 : f32 to vector<16xf32>
        %mul3A_846 = arith.mulf %add3A_843, %mul3A_845 : vector<16xf32>
        %swap3A_847 = arith.index_cast %scan3A_326 : i32 to index
        %swap3A_848 = arith.constant 480 : index
        %swap3A_849 = tpu.vector_load %arg8[%swap3A_847, %swap3A_848] {strides = array<i32>} : memref<48x512xf32, #tpu.memory_space<vmem>>, vector<1x16xf32>,
        %swap3A_850 = vector.shape_cast %swap3A_849 : vector<1x16xf32> to vector<16xf32>
        %swap3A_851 = vector.shape_cast %mul3A_846 : vector<16xf32> to vector<1x16xf32>
        tpu.vector_store %arg8[%swap3A_847, %swap3A_848], %swap3A_851 {strides = array<i32>} : memref<48x512xf32, #tpu.memory_space<vmem>>, vector<1x16xf32>,
        %get3A_852 = arith.index_cast %scan3A_326 : i32 to index
        %get3A_853 = arith.constant 496 : index
        %get3A_854 = tpu.vector_load %arg8[%get3A_852, %get3A_853] {strides = array<i32>} : memref<48x512xf32, #tpu.memory_space<vmem>>, vector<1x16xf32>,
        %get3A_855 = vector.shape_cast %get3A_854 : vector<1x16xf32> to vector<16xf32>
        %get3A_856 = arith.index_cast %scan3A_326 : i32 to index
        %get3A_857 = arith.constant 496 : index
        %get3A_858 = tpu.vector_load %arg9[%get3A_856, %get3A_857] {strides = array<i32>} : memref<48x512xf32, #tpu.memory_space<vmem>>, vector<1x16xf32>,
        %get3A_859 = vector.shape_cast %get3A_858 : vector<1x16xf32> to vector<16xf32>
        %add3A_860 = arith.addf %get3A_855, %get3A_859 : vector<16xf32>
        %mul3A_861 = arith.constant 5.000000e-01 : f32
        %mul3A_862 = vector.broadcast %mul3A_861 : f32 to vector<16xf32>
        %mul3A_863 = arith.mulf %add3A_860, %mul3A_862 : vector<16xf32>
        %swap3A_864 = arith.index_cast %scan3A_326 : i32 to index
        %swap3A_865 = arith.constant 496 : index
        %swap3A_866 = tpu.vector_load %arg8[%swap3A_864, %swap3A_865] {strides = array<i32>} : memref<48x512xf32, #tpu.memory_space<vmem>>, vector<1x16xf32>,
        %swap3A_867 = vector.shape_cast %swap3A_866 : vector<1x16xf32> to vector<16xf32>
        %swap3A_868 = vector.shape_cast %mul3A_863 : vector<16xf32> to vector<1x16xf32>
        tpu.vector_store %arg8[%swap3A_864, %swap3A_865], %swap3A_868 {strides = array<i32>} : memref<48x512xf32, #tpu.memory_space<vmem>>, vector<1x16xf32>,
      }
      %scan3A_235 = arith.constant 48 : i32
      %mul3A_236 = arith.constant 3840 : i32
      %mul3A_237 = arith.muli %add3A, %mul3A_236 : i32
      %add3A_238 = arith.constant 40962 : i32
      %add3A_239 = arith.addi %add3A_238, %mul3A_237 : i32
      %mul3A_240 = arith.constant 48 : i32
      %mul3A_241 = arith.muli %mul3A_182, %mul3A_240 : i32
      %add3A_242 = arith.addi %add3A_239, %mul3A_241 : i32
      %dma_start3A_243 = arith.constant 0 : i32
      %dma_start3A_244 = tpu.memref_slice %arg5[%add3A_242, %dma_start3A_243] : memref<163842x512xf32, #tpu.memory_space<hbm>> -> memref<48x512xf32, #tpu.memory_space<hbm>>
      %dma_start3A_245 = arith.constant 0 : i32
      %dma_start3A_246 = tpu.memref_slice %arg5[%add3A_242, %dma_start3A_245] : memref<163842x512xf32, #tpu.memory_space<hbm>> -> memref<48x512xf32, #tpu.memory_space<hbm>>
      tpu.enqueue_dma source(%arg8 : memref<48x512xf32, #tpu.memory_space<vmem>>) target(%dma_start3A_246 : memref<48x512xf32, #tpu.memory_space<hbm>>) target_semaphore(%arg16 : memref<!tpu.dma_semaphore, #tpu.memory_space<semaphore_mem>>)
      %dma_wait3A_247 = arith.constant 0 : i32
      %dma_wait3A_248 = arith.constant 0 : i32
      %dma_wait3A_249 = tpu.memref_slice %arg2[%dma_wait3A_247, %dma_wait3A_248] : memref<40962x512xf32, #tpu.memory_space<hbm>> -> memref<16x512xf32, #tpu.memory_space<hbm>>
      %dma_wait3A_250 = arith.constant 0 : i32
      %dma_wait3A_251 = arith.constant 0 : i32
      %dma_wait3A_252 = tpu.memref_slice %arg2[%dma_wait3A_250, %dma_wait3A_251] : memref<40962x512xf32, #tpu.memory_space<hbm>> -> memref<16x512xf32, #tpu.memory_space<hbm>>
      tpu.wait_dma2 semaphore(%arg18 : memref<!tpu.dma_semaphore, #tpu.memory_space<semaphore_mem>>) src(%dma_wait3A_252 : memref<16x512xf32, #tpu.memory_space<hbm>>) dst(%arg12 : memref<16x512xf32, #tpu.memory_space<vmem>>)
      %mul3A_253 = arith.constant 1280 : i32
      %mul3A_254 = arith.muli %add3A, %mul3A_253 : i32
      %mul3A_255 = arith.constant 16 : i32
      %mul3A_256 = arith.muli %mul3A_182, %mul3A_255 : i32
      %add3A_257 = arith.addi %mul3A_254, %mul3A_256 : i32
      %dma_start3A_258 = arith.constant 0 : i32
      %dma_start3A_259 = tpu.memref_slice %arg5[%add3A_257, %dma_start3A_258] : memref<163842x512xf32, #tpu.memory_space<hbm>> -> memref<16x512xf32, #tpu.memory_space<hbm>>
      %dma_start3A_260 = arith.constant 0 : i32
      %dma_start3A_261 = tpu.memref_slice %arg5[%add3A_257, %dma_start3A_260] : memref<163842x512xf32, #tpu.memory_space<hbm>> -> memref<16x512xf32, #tpu.memory_space<hbm>>
      tpu.enqueue_dma source(%arg12 : memref<16x512xf32, #tpu.memory_space<vmem>>) target(%dma_start3A_261 : memref<16x512xf32, #tpu.memory_space<hbm>>) target_semaphore(%arg20 : memref<!tpu.dma_semaphore, #tpu.memory_space<semaphore_mem>>)
      %add3A_262 = arith.constant 1 : i32
      %add3A_263 = arith.addi %mul3A_182, %add3A_262 : i32
      %eq3A_264 = arith.constant 39 : i32
      %eq3A_265 = arith.cmpi eq, %scan3A_180, %eq3A_264 : i32
      %dma_wait3A_266 = arith.constant 0 : i32
      %dma_wait3A_267 = arith.constant 0 : i32
      %dma_wait3A_268 = tpu.memref_slice %arg2[%dma_wait3A_266, %dma_wait3A_267] : memref<40962x512xf32, #tpu.memory_space<hbm>> -> memref<48x512xf32, #tpu.memory_space<hbm>>
      %dma_wait3A_269 = arith.constant 0 : i32
      %dma_wait3A_270 = arith.constant 0 : i32
      %dma_wait3A_271 = tpu.memref_slice %arg2[%dma_wait3A_269, %dma_wait3A_270] : memref<40962x512xf32, #tpu.memory_space<hbm>> -> memref<48x512xf32, #tpu.memory_space<hbm>>
      tpu.wait_dma2 semaphore(%arg16 : memref<!tpu.dma_semaphore, #tpu.memory_space<semaphore_mem>>) src(%dma_wait3A_271 : memref<48x512xf32, #tpu.memory_space<hbm>>) dst(%arg8 : memref<48x512xf32, #tpu.memory_space<vmem>>)
      %dma_wait3A_272 = arith.constant 0 : i32
      %dma_wait3A_273 = arith.constant 0 : i32
      %dma_wait3A_274 = tpu.memref_slice %arg2[%dma_wait3A_272, %dma_wait3A_273] : memref<40962x512xf32, #tpu.memory_space<hbm>> -> memref<16x512xf32, #tpu.memory_space<hbm>>
      %dma_wait3A_275 = arith.constant 0 : i32
      %dma_wait3A_276 = arith.constant 0 : i32
      %dma_wait3A_277 = tpu.memref_slice %arg2[%dma_wait3A_275, %dma_wait3A_276] : memref<40962x512xf32, #tpu.memory_space<hbm>> -> memref<16x512xf32, #tpu.memory_space<hbm>>
      tpu.wait_dma2 semaphore(%arg20 : memref<!tpu.dma_semaphore, #tpu.memory_space<semaphore_mem>>) src(%dma_wait3A_277 : memref<16x512xf32, #tpu.memory_space<hbm>>) dst(%arg12 : memref<16x512xf32, #tpu.memory_space<vmem>>)
      %not3A = arith.constant true
      %not3A_278 = arith.xori %eq3A_265, %not3A : i1
      %convert_element_type3A_279 = arith.extui %not3A_278 : i1 to i32
      %cond3A_280 = arith.constant 0 : i32
      %cond3A_281 = arith.cmpi ne, %convert_element_type3A_279, %cond3A_280 : i32
      scf.if %cond3A_281 {
        %add3A_326 = arith.constant 1 : i32
        %add3A_327 = arith.addi %add3A_263, %add3A_326 : i32
        %mul3A_328 = arith.constant 48 : i32
        %mul3A_329 = arith.muli %add3A_327, %mul3A_328 : i32
        %dma_start3A_330 = tpu.memref_slice %arg6[%mul3A_329] : memref<3840xi32, #tpu.memory_space<vmem>> -> memref<48xi32, #tpu.memory_space<vmem>>
        %dma_start3A_331 = arith.constant 0 : i32
        %dma_start3A_332 = arith.constant 0 : i32
        %dma_start3A_333 = tpu.memref_slice %arg2[%dma_start3A_331, %dma_start3A_332] : memref<40962x512xf32, #tpu.memory_space<hbm>> -> memref<40962x512xf32, #tpu.memory_space<hbm>>
        tpu.enqueue_indirect_dma source(%dma_start3A_333 : memref<40962x512xf32, #tpu.memory_space<hbm>>) target(%arg8 : memref<48x512xf32, #tpu.memory_space<vmem>>) offsets(%dma_start3A_330 : memref<48xi32, #tpu.memory_space<vmem>>) semaphore(%arg14 : memref<!tpu.dma_semaphore, #tpu.memory_space<semaphore_mem>>)
        %dma_start3A_334 = tpu.memref_slice %arg7[%mul3A_329] : memref<3840xi32, #tpu.memory_space<vmem>> -> memref<48xi32, #tpu.memory_space<vmem>>
        %dma_start3A_335 = arith.constant 0 : i32
        %dma_start3A_336 = arith.constant 0 : i32
        %dma_start3A_337 = tpu.memref_slice %arg2[%dma_start3A_335, %dma_start3A_336] : memref<40962x512xf32, #tpu.memory_space<hbm>> -> memref<40962x512xf32, #tpu.memory_space<hbm>>
        tpu.enqueue_indirect_dma source(%dma_start3A_337 : memref<40962x512xf32, #tpu.memory_space<hbm>>) target(%arg9 : memref<48x512xf32, #tpu.memory_space<vmem>>) offsets(%dma_start3A_334 : memref<48xi32, #tpu.memory_space<vmem>>) semaphore(%arg14 : memref<!tpu.dma_semaphore, #tpu.memory_space<semaphore_mem>>)
        %add3A_338 = arith.constant 1 : i32
        %add3A_339 = arith.addi %add3A_263, %add3A_338 : i32
        %mul3A_340 = arith.constant 1280 : i32
        %mul3A_341 = arith.muli %add3A, %mul3A_340 : i32
        %mul3A_342 = arith.constant 16 : i32
        %mul3A_343 = arith.muli %add3A_339, %mul3A_342 : i32
        %add3A_344 = arith.addi %mul3A_341, %mul3A_343 : i32
        %dma_start3A_345 = arith.constant 0 : i32
        %dma_start3A_346 = tpu.memref_slice %arg2[%add3A_344, %dma_start3A_345] : memref<40962x512xf32, #tpu.memory_space<hbm>> -> memref<16x512xf32, #tpu.memory_space<hbm>>
        %dma_start3A_347 = arith.constant 0 : i32
        %dma_start3A_348 = tpu.memref_slice %arg2[%add3A_344, %dma_start3A_347] : memref<40962x512xf32, #tpu.memory_space<hbm>> -> memref<16x512xf32, #tpu.memory_space<hbm>>
        tpu.enqueue_dma source(%dma_start3A_348 : memref<16x512xf32, #tpu.memory_space<hbm>>) target(%arg12 : memref<16x512xf32, #tpu.memory_space<vmem>>) target_semaphore(%arg18 : memref<!tpu.dma_semaphore, #tpu.memory_space<semaphore_mem>>)
      } else {
      }
      %dma_wait3A_282 = arith.constant 0 : i32
      %dma_wait3A_283 = arith.constant 0 : i32
      %dma_wait3A_284 = tpu.memref_slice %arg2[%dma_wait3A_282, %dma_wait3A_283] : memref<40962x512xf32, #tpu.memory_space<hbm>> -> memref<48x512xf32, #tpu.memory_space<hbm>>
      %dma_wait3A_285 = arith.constant 0 : i32
      %dma_wait3A_286 = arith.constant 0 : i32
      %dma_wait3A_287 = tpu.memref_slice %arg2[%dma_wait3A_285, %dma_wait3A_286] : memref<40962x512xf32, #tpu.memory_space<hbm>> -> memref<48x512xf32, #tpu.memory_space<hbm>>
      tpu.wait_dma2 semaphore(%arg15 : memref<!tpu.dma_semaphore, #tpu.memory_space<semaphore_mem>>) src(%dma_wait3A_287 : memref<48x512xf32, #tpu.memory_space<hbm>>) dst(%arg10 : memref<48x512xf32, #tpu.memory_space<vmem>>)
      %dma_wait3A_288 = arith.constant 0 : i32
      %dma_wait3A_289 = arith.constant 0 : i32
      %dma_wait3A_290 = tpu.memref_slice %arg2[%dma_wait3A_288, %dma_wait3A_289] : memref<40962x512xf32, #tpu.memory_space<hbm>> -> memref<48x512xf32, #tpu.memory_space<hbm>>
      %dma_wait3A_291 = arith.constant 0 : i32
      %dma_wait3A_292 = arith.constant 0 : i32
      %dma_wait3A_293 = tpu.memref_slice %arg2[%dma_wait3A_291, %dma_wait3A_292] : memref<40962x512xf32, #tpu.memory_space<hbm>> -> memref<48x512xf32, #tpu.memory_space<hbm>>
      tpu.wait_dma2 semaphore(%arg15 : memref<!tpu.dma_semaphore, #tpu.memory_space<semaphore_mem>>) src(%dma_wait3A_293 : memref<48x512xf32, #tpu.memory_space<hbm>>) dst(%arg11 : memref<48x512xf32, #tpu.memory_space<vmem>>)
      %scan3A_294 = arith.constant 0 : i32
      %scan3A_295 = arith.constant 0 : i32
      %scan3A_296 = arith.constant 48 : i32
      %scan3A_297 = arith.addi %scan3A_295, %scan3A_296 : i32
      %scan3A_298 = arith.constant 1 : i32
      scf.for %scan3A_326 = %scan3A_295 to %scan3A_297 step %scan3A_298  : i32 {
        %get3A = arith.index_cast %scan3A_326 : i32 to index
        %get3A_327 = arith.constant 0 : index
        %get3A_328 = tpu.vector_load %arg10[%get3A, %get3A_327] {strides = array<i32>} : memref<48x512xf32, #tpu.memory_space<vmem>>, vector<1x16xf32>,
        %get3A_329 = vector.shape_cast %get3A_328 : vector<1x16xf32> to vector<16xf32>
        %get3A_330 = arith.index_cast %scan3A_326 : i32 to index
        %get3A_331 = arith.constant 0 : index
        %get3A_332 = tpu.vector_load %arg11[%get3A_330, %get3A_331] {strides = array<i32>} : memref<48x512xf32, #tpu.memory_space<vmem>>, vector<1x16xf32>,
        %get3A_333 = vector.shape_cast %get3A_332 : vector<1x16xf32> to vector<16xf32>
        %add3A_334 = arith.addf %get3A_329, %get3A_333 : vector<16xf32>
        %mul3A_335 = arith.constant 5.000000e-01 : f32
        %mul3A_336 = vector.broadcast %mul3A_335 : f32 to vector<16xf32>
        %mul3A_337 = arith.mulf %add3A_334, %mul3A_336 : vector<16xf32>
        %swap3A = arith.index_cast %scan3A_326 : i32 to index
        %swap3A_338 = arith.constant 0 : index
        %swap3A_339 = tpu.vector_load %arg10[%swap3A, %swap3A_338] {strides = array<i32>} : memref<48x512xf32, #tpu.memory_space<vmem>>, vector<1x16xf32>,
        %swap3A_340 = vector.shape_cast %swap3A_339 : vector<1x16xf32> to vector<16xf32>
        %swap3A_341 = vector.shape_cast %mul3A_337 : vector<16xf32> to vector<1x16xf32>
        tpu.vector_store %arg10[%swap3A, %swap3A_338], %swap3A_341 {strides = array<i32>} : memref<48x512xf32, #tpu.memory_space<vmem>>, vector<1x16xf32>,
        %get3A_342 = arith.index_cast %scan3A_326 : i32 to index
        %get3A_343 = arith.constant 16 : index
        %get3A_344 = tpu.vector_load %arg10[%get3A_342, %get3A_343] {strides = array<i32>} : memref<48x512xf32, #tpu.memory_space<vmem>>, vector<1x16xf32>,
        %get3A_345 = vector.shape_cast %get3A_344 : vector<1x16xf32> to vector<16xf32>
        %get3A_346 = arith.index_cast %scan3A_326 : i32 to index
        %get3A_347 = arith.constant 16 : index
        %get3A_348 = tpu.vector_load %arg11[%get3A_346, %get3A_347] {strides = array<i32>} : memref<48x512xf32, #tpu.memory_space<vmem>>, vector<1x16xf32>,
        %get3A_349 = vector.shape_cast %get3A_348 : vector<1x16xf32> to vector<16xf32>
        %add3A_350 = arith.addf %get3A_345, %get3A_349 : vector<16xf32>
        %mul3A_351 = arith.constant 5.000000e-01 : f32
        %mul3A_352 = vector.broadcast %mul3A_351 : f32 to vector<16xf32>
        %mul3A_353 = arith.mulf %add3A_350, %mul3A_352 : vector<16xf32>
        %swap3A_354 = arith.index_cast %scan3A_326 : i32 to index
        %swap3A_355 = arith.constant 16 : index
        %swap3A_356 = tpu.vector_load %arg10[%swap3A_354, %swap3A_355] {strides = array<i32>} : memref<48x512xf32, #tpu.memory_space<vmem>>, vector<1x16xf32>,
        %swap3A_357 = vector.shape_cast %swap3A_356 : vector<1x16xf32> to vector<16xf32>
        %swap3A_358 = vector.shape_cast %mul3A_353 : vector<16xf32> to vector<1x16xf32>
        tpu.vector_store %arg10[%swap3A_354, %swap3A_355], %swap3A_358 {strides = array<i32>} : memref<48x512xf32, #tpu.memory_space<vmem>>, vector<1x16xf32>,
        %get3A_359 = arith.index_cast %scan3A_326 : i32 to index
        %get3A_360 = arith.constant 32 : index
        %get3A_361 = tpu.vector_load %arg10[%get3A_359, %get3A_360] {strides = array<i32>} : memref<48x512xf32, #tpu.memory_space<vmem>>, vector<1x16xf32>,
        %get3A_362 = vector.shape_cast %get3A_361 : vector<1x16xf32> to vector<16xf32>
        %get3A_363 = arith.index_cast %scan3A_326 : i32 to index
        %get3A_364 = arith.constant 32 : index
        %get3A_365 = tpu.vector_load %arg11[%get3A_363, %get3A_364] {strides = array<i32>} : memref<48x512xf32, #tpu.memory_space<vmem>>, vector<1x16xf32>,
        %get3A_366 = vector.shape_cast %get3A_365 : vector<1x16xf32> to vector<16xf32>
        %add3A_367 = arith.addf %get3A_362, %get3A_366 : vector<16xf32>
        %mul3A_368 = arith.constant 5.000000e-01 : f32
        %mul3A_369 = vector.broadcast %mul3A_368 : f32 to vector<16xf32>
        %mul3A_370 = arith.mulf %add3A_367, %mul3A_369 : vector<16xf32>
        %swap3A_371 = arith.index_cast %scan3A_326 : i32 to index
        %swap3A_372 = arith.constant 32 : index
        %swap3A_373 = tpu.vector_load %arg10[%swap3A_371, %swap3A_372] {strides = array<i32>} : memref<48x512xf32, #tpu.memory_space<vmem>>, vector<1x16xf32>,
        %swap3A_374 = vector.shape_cast %swap3A_373 : vector<1x16xf32> to vector<16xf32>
        %swap3A_375 = vector.shape_cast %mul3A_370 : vector<16xf32> to vector<1x16xf32>
        tpu.vector_store %arg10[%swap3A_371, %swap3A_372], %swap3A_375 {strides = array<i32>} : memref<48x512xf32, #tpu.memory_space<vmem>>, vector<1x16xf32>,
        %get3A_376 = arith.index_cast %scan3A_326 : i32 to index
        %get3A_377 = arith.constant 48 : index
        %get3A_378 = tpu.vector_load %arg10[%get3A_376, %get3A_377] {strides = array<i32>} : memref<48x512xf32, #tpu.memory_space<vmem>>, vector<1x16xf32>,
        %get3A_379 = vector.shape_cast %get3A_378 : vector<1x16xf32> to vector<16xf32>
        %get3A_380 = arith.index_cast %scan3A_326 : i32 to index
        %get3A_381 = arith.constant 48 : index
        %get3A_382 = tpu.vector_load %arg11[%get3A_380, %get3A_381] {strides = array<i32>} : memref<48x512xf32, #tpu.memory_space<vmem>>, vector<1x16xf32>,
        %get3A_383 = vector.shape_cast %get3A_382 : vector<1x16xf32> to vector<16xf32>
        %add3A_384 = arith.addf %get3A_379, %get3A_383 : vector<16xf32>
        %mul3A_385 = arith.constant 5.000000e-01 : f32
        %mul3A_386 = vector.broadcast %mul3A_385 : f32 to vector<16xf32>
        %mul3A_387 = arith.mulf %add3A_384, %mul3A_386 : vector<16xf32>
        %swap3A_388 = arith.index_cast %scan3A_326 : i32 to index
        %swap3A_389 = arith.constant 48 : index
        %swap3A_390 = tpu.vector_load %arg10[%swap3A_388, %swap3A_389] {strides = array<i32>} : memref<48x512xf32, #tpu.memory_space<vmem>>, vector<1x16xf32>,
        %swap3A_391 = vector.shape_cast %swap3A_390 : vector<1x16xf32> to vector<16xf32>
        %swap3A_392 = vector.shape_cast %mul3A_387 : vector<16xf32> to vector<1x16xf32>
        tpu.vector_store %arg10[%swap3A_388, %swap3A_389], %swap3A_392 {strides = array<i32>} : memref<48x512xf32, #tpu.memory_space<vmem>>, vector<1x16xf32>,
        %get3A_393 = arith.index_cast %scan3A_326 : i32 to index
        %get3A_394 = arith.constant 64 : index
        %get3A_395 = tpu.vector_load %arg10[%get3A_393, %get3A_394] {strides = array<i32>} : memref<48x512xf32, #tpu.memory_space<vmem>>, vector<1x16xf32>,
        %get3A_396 = vector.shape_cast %get3A_395 : vector<1x16xf32> to vector<16xf32>
        %get3A_397 = arith.index_cast %scan3A_326 : i32 to index
        %get3A_398 = arith.constant 64 : index
        %get3A_399 = tpu.vector_load %arg11[%get3A_397, %get3A_398] {strides = array<i32>} : memref<48x512xf32, #tpu.memory_space<vmem>>, vector<1x16xf32>,
        %get3A_400 = vector.shape_cast %get3A_399 : vector<1x16xf32> to vector<16xf32>
        %add3A_401 = arith.addf %get3A_396, %get3A_400 : vector<16xf32>
        %mul3A_402 = arith.constant 5.000000e-01 : f32
        %mul3A_403 = vector.broadcast %mul3A_402 : f32 to vector<16xf32>
        %mul3A_404 = arith.mulf %add3A_401, %mul3A_403 : vector<16xf32>
        %swap3A_405 = arith.index_cast %scan3A_326 : i32 to index
        %swap3A_406 = arith.constant 64 : index
        %swap3A_407 = tpu.vector_load %arg10[%swap3A_405, %swap3A_406] {strides = array<i32>} : memref<48x512xf32, #tpu.memory_space<vmem>>, vector<1x16xf32>,
        %swap3A_408 = vector.shape_cast %swap3A_407 : vector<1x16xf32> to vector<16xf32>
        %swap3A_409 = vector.shape_cast %mul3A_404 : vector<16xf32> to vector<1x16xf32>
        tpu.vector_store %arg10[%swap3A_405, %swap3A_406], %swap3A_409 {strides = array<i32>} : memref<48x512xf32, #tpu.memory_space<vmem>>, vector<1x16xf32>,
        %get3A_410 = arith.index_cast %scan3A_326 : i32 to index
        %get3A_411 = arith.constant 80 : index
        %get3A_412 = tpu.vector_load %arg10[%get3A_410, %get3A_411] {strides = array<i32>} : memref<48x512xf32, #tpu.memory_space<vmem>>, vector<1x16xf32>,
        %get3A_413 = vector.shape_cast %get3A_412 : vector<1x16xf32> to vector<16xf32>
        %get3A_414 = arith.index_cast %scan3A_326 : i32 to index
        %get3A_415 = arith.constant 80 : index
        %get3A_416 = tpu.vector_load %arg11[%get3A_414, %get3A_415] {strides = array<i32>} : memref<48x512xf32, #tpu.memory_space<vmem>>, vector<1x16xf32>,
        %get3A_417 = vector.shape_cast %get3A_416 : vector<1x16xf32> to vector<16xf32>
        %add3A_418 = arith.addf %get3A_413, %get3A_417 : vector<16xf32>
        %mul3A_419 = arith.constant 5.000000e-01 : f32
        %mul3A_420 = vector.broadcast %mul3A_419 : f32 to vector<16xf32>
        %mul3A_421 = arith.mulf %add3A_418, %mul3A_420 : vector<16xf32>
        %swap3A_422 = arith.index_cast %scan3A_326 : i32 to index
        %swap3A_423 = arith.constant 80 : index
        %swap3A_424 = tpu.vector_load %arg10[%swap3A_422, %swap3A_423] {strides = array<i32>} : memref<48x512xf32, #tpu.memory_space<vmem>>, vector<1x16xf32>,
        %swap3A_425 = vector.shape_cast %swap3A_424 : vector<1x16xf32> to vector<16xf32>
        %swap3A_426 = vector.shape_cast %mul3A_421 : vector<16xf32> to vector<1x16xf32>
        tpu.vector_store %arg10[%swap3A_422, %swap3A_423], %swap3A_426 {strides = array<i32>} : memref<48x512xf32, #tpu.memory_space<vmem>>, vector<1x16xf32>,
        %get3A_427 = arith.index_cast %scan3A_326 : i32 to index
        %get3A_428 = arith.constant 96 : index
        %get3A_429 = tpu.vector_load %arg10[%get3A_427, %get3A_428] {strides = array<i32>} : memref<48x512xf32, #tpu.memory_space<vmem>>, vector<1x16xf32>,
        %get3A_430 = vector.shape_cast %get3A_429 : vector<1x16xf32> to vector<16xf32>
        %get3A_431 = arith.index_cast %scan3A_326 : i32 to index
        %get3A_432 = arith.constant 96 : index
        %get3A_433 = tpu.vector_load %arg11[%get3A_431, %get3A_432] {strides = array<i32>} : memref<48x512xf32, #tpu.memory_space<vmem>>, vector<1x16xf32>,
        %get3A_434 = vector.shape_cast %get3A_433 : vector<1x16xf32> to vector<16xf32>
        %add3A_435 = arith.addf %get3A_430, %get3A_434 : vector<16xf32>
        %mul3A_436 = arith.constant 5.000000e-01 : f32
        %mul3A_437 = vector.broadcast %mul3A_436 : f32 to vector<16xf32>
        %mul3A_438 = arith.mulf %add3A_435, %mul3A_437 : vector<16xf32>
        %swap3A_439 = arith.index_cast %scan3A_326 : i32 to index
        %swap3A_440 = arith.constant 96 : index
        %swap3A_441 = tpu.vector_load %arg10[%swap3A_439, %swap3A_440] {strides = array<i32>} : memref<48x512xf32, #tpu.memory_space<vmem>>, vector<1x16xf32>,
        %swap3A_442 = vector.shape_cast %swap3A_441 : vector<1x16xf32> to vector<16xf32>
        %swap3A_443 = vector.shape_cast %mul3A_438 : vector<16xf32> to vector<1x16xf32>
        tpu.vector_store %arg10[%swap3A_439, %swap3A_440], %swap3A_443 {strides = array<i32>} : memref<48x512xf32, #tpu.memory_space<vmem>>, vector<1x16xf32>,
        %get3A_444 = arith.index_cast %scan3A_326 : i32 to index
        %get3A_445 = arith.constant 112 : index
        %get3A_446 = tpu.vector_load %arg10[%get3A_444, %get3A_445] {strides = array<i32>} : memref<48x512xf32, #tpu.memory_space<vmem>>, vector<1x16xf32>,
        %get3A_447 = vector.shape_cast %get3A_446 : vector<1x16xf32> to vector<16xf32>
        %get3A_448 = arith.index_cast %scan3A_326 : i32 to index
        %get3A_449 = arith.constant 112 : index
        %get3A_450 = tpu.vector_load %arg11[%get3A_448, %get3A_449] {strides = array<i32>} : memref<48x512xf32, #tpu.memory_space<vmem>>, vector<1x16xf32>,
        %get3A_451 = vector.shape_cast %get3A_450 : vector<1x16xf32> to vector<16xf32>
        %add3A_452 = arith.addf %get3A_447, %get3A_451 : vector<16xf32>
        %mul3A_453 = arith.constant 5.000000e-01 : f32
        %mul3A_454 = vector.broadcast %mul3A_453 : f32 to vector<16xf32>
        %mul3A_455 = arith.mulf %add3A_452, %mul3A_454 : vector<16xf32>
        %swap3A_456 = arith.index_cast %scan3A_326 : i32 to index
        %swap3A_457 = arith.constant 112 : index
        %swap3A_458 = tpu.vector_load %arg10[%swap3A_456, %swap3A_457] {strides = array<i32>} : memref<48x512xf32, #tpu.memory_space<vmem>>, vector<1x16xf32>,
        %swap3A_459 = vector.shape_cast %swap3A_458 : vector<1x16xf32> to vector<16xf32>
        %swap3A_460 = vector.shape_cast %mul3A_455 : vector<16xf32> to vector<1x16xf32>
        tpu.vector_store %arg10[%swap3A_456, %swap3A_457], %swap3A_460 {strides = array<i32>} : memref<48x512xf32, #tpu.memory_space<vmem>>, vector<1x16xf32>,
        %get3A_461 = arith.index_cast %scan3A_326 : i32 to index
        %get3A_462 = arith.constant 128 : index
        %get3A_463 = tpu.vector_load %arg10[%get3A_461, %get3A_462] {strides = array<i32>} : memref<48x512xf32, #tpu.memory_space<vmem>>, vector<1x16xf32>,
        %get3A_464 = vector.shape_cast %get3A_463 : vector<1x16xf32> to vector<16xf32>
        %get3A_465 = arith.index_cast %scan3A_326 : i32 to index
        %get3A_466 = arith.constant 128 : index
        %get3A_467 = tpu.vector_load %arg11[%get3A_465, %get3A_466] {strides = array<i32>} : memref<48x512xf32, #tpu.memory_space<vmem>>, vector<1x16xf32>,
        %get3A_468 = vector.shape_cast %get3A_467 : vector<1x16xf32> to vector<16xf32>
        %add3A_469 = arith.addf %get3A_464, %get3A_468 : vector<16xf32>
        %mul3A_470 = arith.constant 5.000000e-01 : f32
        %mul3A_471 = vector.broadcast %mul3A_470 : f32 to vector<16xf32>
        %mul3A_472 = arith.mulf %add3A_469, %mul3A_471 : vector<16xf32>
        %swap3A_473 = arith.index_cast %scan3A_326 : i32 to index
        %swap3A_474 = arith.constant 128 : index
        %swap3A_475 = tpu.vector_load %arg10[%swap3A_473, %swap3A_474] {strides = array<i32>} : memref<48x512xf32, #tpu.memory_space<vmem>>, vector<1x16xf32>,
        %swap3A_476 = vector.shape_cast %swap3A_475 : vector<1x16xf32> to vector<16xf32>
        %swap3A_477 = vector.shape_cast %mul3A_472 : vector<16xf32> to vector<1x16xf32>
        tpu.vector_store %arg10[%swap3A_473, %swap3A_474], %swap3A_477 {strides = array<i32>} : memref<48x512xf32, #tpu.memory_space<vmem>>, vector<1x16xf32>,
        %get3A_478 = arith.index_cast %scan3A_326 : i32 to index
        %get3A_479 = arith.constant 144 : index
        %get3A_480 = tpu.vector_load %arg10[%get3A_478, %get3A_479] {strides = array<i32>} : memref<48x512xf32, #tpu.memory_space<vmem>>, vector<1x16xf32>,
        %get3A_481 = vector.shape_cast %get3A_480 : vector<1x16xf32> to vector<16xf32>
        %get3A_482 = arith.index_cast %scan3A_326 : i32 to index
        %get3A_483 = arith.constant 144 : index
        %get3A_484 = tpu.vector_load %arg11[%get3A_482, %get3A_483] {strides = array<i32>} : memref<48x512xf32, #tpu.memory_space<vmem>>, vector<1x16xf32>,
        %get3A_485 = vector.shape_cast %get3A_484 : vector<1x16xf32> to vector<16xf32>
        %add3A_486 = arith.addf %get3A_481, %get3A_485 : vector<16xf32>
        %mul3A_487 = arith.constant 5.000000e-01 : f32
        %mul3A_488 = vector.broadcast %mul3A_487 : f32 to vector<16xf32>
        %mul3A_489 = arith.mulf %add3A_486, %mul3A_488 : vector<16xf32>
        %swap3A_490 = arith.index_cast %scan3A_326 : i32 to index
        %swap3A_491 = arith.constant 144 : index
        %swap3A_492 = tpu.vector_load %arg10[%swap3A_490, %swap3A_491] {strides = array<i32>} : memref<48x512xf32, #tpu.memory_space<vmem>>, vector<1x16xf32>,
        %swap3A_493 = vector.shape_cast %swap3A_492 : vector<1x16xf32> to vector<16xf32>
        %swap3A_494 = vector.shape_cast %mul3A_489 : vector<16xf32> to vector<1x16xf32>
        tpu.vector_store %arg10[%swap3A_490, %swap3A_491], %swap3A_494 {strides = array<i32>} : memref<48x512xf32, #tpu.memory_space<vmem>>, vector<1x16xf32>,
        %get3A_495 = arith.index_cast %scan3A_326 : i32 to index
        %get3A_496 = arith.constant 160 : index
        %get3A_497 = tpu.vector_load %arg10[%get3A_495, %get3A_496] {strides = array<i32>} : memref<48x512xf32, #tpu.memory_space<vmem>>, vector<1x16xf32>,
        %get3A_498 = vector.shape_cast %get3A_497 : vector<1x16xf32> to vector<16xf32>
        %get3A_499 = arith.index_cast %scan3A_326 : i32 to index
        %get3A_500 = arith.constant 160 : index
        %get3A_501 = tpu.vector_load %arg11[%get3A_499, %get3A_500] {strides = array<i32>} : memref<48x512xf32, #tpu.memory_space<vmem>>, vector<1x16xf32>,
        %get3A_502 = vector.shape_cast %get3A_501 : vector<1x16xf32> to vector<16xf32>
        %add3A_503 = arith.addf %get3A_498, %get3A_502 : vector<16xf32>
        %mul3A_504 = arith.constant 5.000000e-01 : f32
        %mul3A_505 = vector.broadcast %mul3A_504 : f32 to vector<16xf32>
        %mul3A_506 = arith.mulf %add3A_503, %mul3A_505 : vector<16xf32>
        %swap3A_507 = arith.index_cast %scan3A_326 : i32 to index
        %swap3A_508 = arith.constant 160 : index
        %swap3A_509 = tpu.vector_load %arg10[%swap3A_507, %swap3A_508] {strides = array<i32>} : memref<48x512xf32, #tpu.memory_space<vmem>>, vector<1x16xf32>,
        %swap3A_510 = vector.shape_cast %swap3A_509 : vector<1x16xf32> to vector<16xf32>
        %swap3A_511 = vector.shape_cast %mul3A_506 : vector<16xf32> to vector<1x16xf32>
        tpu.vector_store %arg10[%swap3A_507, %swap3A_508], %swap3A_511 {strides = array<i32>} : memref<48x512xf32, #tpu.memory_space<vmem>>, vector<1x16xf32>,
        %get3A_512 = arith.index_cast %scan3A_326 : i32 to index
        %get3A_513 = arith.constant 176 : index
        %get3A_514 = tpu.vector_load %arg10[%get3A_512, %get3A_513] {strides = array<i32>} : memref<48x512xf32, #tpu.memory_space<vmem>>, vector<1x16xf32>,
        %get3A_515 = vector.shape_cast %get3A_514 : vector<1x16xf32> to vector<16xf32>
        %get3A_516 = arith.index_cast %scan3A_326 : i32 to index
        %get3A_517 = arith.constant 176 : index
        %get3A_518 = tpu.vector_load %arg11[%get3A_516, %get3A_517] {strides = array<i32>} : memref<48x512xf32, #tpu.memory_space<vmem>>, vector<1x16xf32>,
        %get3A_519 = vector.shape_cast %get3A_518 : vector<1x16xf32> to vector<16xf32>
        %add3A_520 = arith.addf %get3A_515, %get3A_519 : vector<16xf32>
        %mul3A_521 = arith.constant 5.000000e-01 : f32
        %mul3A_522 = vector.broadcast %mul3A_521 : f32 to vector<16xf32>
        %mul3A_523 = arith.mulf %add3A_520, %mul3A_522 : vector<16xf32>
        %swap3A_524 = arith.index_cast %scan3A_326 : i32 to index
        %swap3A_525 = arith.constant 176 : index
        %swap3A_526 = tpu.vector_load %arg10[%swap3A_524, %swap3A_525] {strides = array<i32>} : memref<48x512xf32, #tpu.memory_space<vmem>>, vector<1x16xf32>,
        %swap3A_527 = vector.shape_cast %swap3A_526 : vector<1x16xf32> to vector<16xf32>
        %swap3A_528 = vector.shape_cast %mul3A_523 : vector<16xf32> to vector<1x16xf32>
        tpu.vector_store %arg10[%swap3A_524, %swap3A_525], %swap3A_528 {strides = array<i32>} : memref<48x512xf32, #tpu.memory_space<vmem>>, vector<1x16xf32>,
        %get3A_529 = arith.index_cast %scan3A_326 : i32 to index
        %get3A_530 = arith.constant 192 : index
        %get3A_531 = tpu.vector_load %arg10[%get3A_529, %get3A_530] {strides = array<i32>} : memref<48x512xf32, #tpu.memory_space<vmem>>, vector<1x16xf32>,
        %get3A_532 = vector.shape_cast %get3A_531 : vector<1x16xf32> to vector<16xf32>
        %get3A_533 = arith.index_cast %scan3A_326 : i32 to index
        %get3A_534 = arith.constant 192 : index
        %get3A_535 = tpu.vector_load %arg11[%get3A_533, %get3A_534] {strides = array<i32>} : memref<48x512xf32, #tpu.memory_space<vmem>>, vector<1x16xf32>,
        %get3A_536 = vector.shape_cast %get3A_535 : vector<1x16xf32> to vector<16xf32>
        %add3A_537 = arith.addf %get3A_532, %get3A_536 : vector<16xf32>
        %mul3A_538 = arith.constant 5.000000e-01 : f32
        %mul3A_539 = vector.broadcast %mul3A_538 : f32 to vector<16xf32>
        %mul3A_540 = arith.mulf %add3A_537, %mul3A_539 : vector<16xf32>
        %swap3A_541 = arith.index_cast %scan3A_326 : i32 to index
        %swap3A_542 = arith.constant 192 : index
        %swap3A_543 = tpu.vector_load %arg10[%swap3A_541, %swap3A_542] {strides = array<i32>} : memref<48x512xf32, #tpu.memory_space<vmem>>, vector<1x16xf32>,
        %swap3A_544 = vector.shape_cast %swap3A_543 : vector<1x16xf32> to vector<16xf32>
        %swap3A_545 = vector.shape_cast %mul3A_540 : vector<16xf32> to vector<1x16xf32>
        tpu.vector_store %arg10[%swap3A_541, %swap3A_542], %swap3A_545 {strides = array<i32>} : memref<48x512xf32, #tpu.memory_space<vmem>>, vector<1x16xf32>,
        %get3A_546 = arith.index_cast %scan3A_326 : i32 to index
        %get3A_547 = arith.constant 208 : index
        %get3A_548 = tpu.vector_load %arg10[%get3A_546, %get3A_547] {strides = array<i32>} : memref<48x512xf32, #tpu.memory_space<vmem>>, vector<1x16xf32>,
        %get3A_549 = vector.shape_cast %get3A_548 : vector<1x16xf32> to vector<16xf32>
        %get3A_550 = arith.index_cast %scan3A_326 : i32 to index
        %get3A_551 = arith.constant 208 : index
        %get3A_552 = tpu.vector_load %arg11[%get3A_550, %get3A_551] {strides = array<i32>} : memref<48x512xf32, #tpu.memory_space<vmem>>, vector<1x16xf32>,
        %get3A_553 = vector.shape_cast %get3A_552 : vector<1x16xf32> to vector<16xf32>
        %add3A_554 = arith.addf %get3A_549, %get3A_553 : vector<16xf32>
        %mul3A_555 = arith.constant 5.000000e-01 : f32
        %mul3A_556 = vector.broadcast %mul3A_555 : f32 to vector<16xf32>
        %mul3A_557 = arith.mulf %add3A_554, %mul3A_556 : vector<16xf32>
        %swap3A_558 = arith.index_cast %scan3A_326 : i32 to index
        %swap3A_559 = arith.constant 208 : index
        %swap3A_560 = tpu.vector_load %arg10[%swap3A_558, %swap3A_559] {strides = array<i32>} : memref<48x512xf32, #tpu.memory_space<vmem>>, vector<1x16xf32>,
        %swap3A_561 = vector.shape_cast %swap3A_560 : vector<1x16xf32> to vector<16xf32>
        %swap3A_562 = vector.shape_cast %mul3A_557 : vector<16xf32> to vector<1x16xf32>
        tpu.vector_store %arg10[%swap3A_558, %swap3A_559], %swap3A_562 {strides = array<i32>} : memref<48x512xf32, #tpu.memory_space<vmem>>, vector<1x16xf32>,
        %get3A_563 = arith.index_cast %scan3A_326 : i32 to index
        %get3A_564 = arith.constant 224 : index
        %get3A_565 = tpu.vector_load %arg10[%get3A_563, %get3A_564] {strides = array<i32>} : memref<48x512xf32, #tpu.memory_space<vmem>>, vector<1x16xf32>,
        %get3A_566 = vector.shape_cast %get3A_565 : vector<1x16xf32> to vector<16xf32>
        %get3A_567 = arith.index_cast %scan3A_326 : i32 to index
        %get3A_568 = arith.constant 224 : index
        %get3A_569 = tpu.vector_load %arg11[%get3A_567, %get3A_568] {strides = array<i32>} : memref<48x512xf32, #tpu.memory_space<vmem>>, vector<1x16xf32>,
        %get3A_570 = vector.shape_cast %get3A_569 : vector<1x16xf32> to vector<16xf32>
        %add3A_571 = arith.addf %get3A_566, %get3A_570 : vector<16xf32>
        %mul3A_572 = arith.constant 5.000000e-01 : f32
        %mul3A_573 = vector.broadcast %mul3A_572 : f32 to vector<16xf32>
        %mul3A_574 = arith.mulf %add3A_571, %mul3A_573 : vector<16xf32>
        %swap3A_575 = arith.index_cast %scan3A_326 : i32 to index
        %swap3A_576 = arith.constant 224 : index
        %swap3A_577 = tpu.vector_load %arg10[%swap3A_575, %swap3A_576] {strides = array<i32>} : memref<48x512xf32, #tpu.memory_space<vmem>>, vector<1x16xf32>,
        %swap3A_578 = vector.shape_cast %swap3A_577 : vector<1x16xf32> to vector<16xf32>
        %swap3A_579 = vector.shape_cast %mul3A_574 : vector<16xf32> to vector<1x16xf32>
        tpu.vector_store %arg10[%swap3A_575, %swap3A_576], %swap3A_579 {strides = array<i32>} : memref<48x512xf32, #tpu.memory_space<vmem>>, vector<1x16xf32>,
        %get3A_580 = arith.index_cast %scan3A_326 : i32 to index
        %get3A_581 = arith.constant 240 : index
        %get3A_582 = tpu.vector_load %arg10[%get3A_580, %get3A_581] {strides = array<i32>} : memref<48x512xf32, #tpu.memory_space<vmem>>, vector<1x16xf32>,
        %get3A_583 = vector.shape_cast %get3A_582 : vector<1x16xf32> to vector<16xf32>
        %get3A_584 = arith.index_cast %scan3A_326 : i32 to index
        %get3A_585 = arith.constant 240 : index
        %get3A_586 = tpu.vector_load %arg11[%get3A_584, %get3A_585] {strides = array<i32>} : memref<48x512xf32, #tpu.memory_space<vmem>>, vector<1x16xf32>,
        %get3A_587 = vector.shape_cast %get3A_586 : vector<1x16xf32> to vector<16xf32>
        %add3A_588 = arith.addf %get3A_583, %get3A_587 : vector<16xf32>
        %mul3A_589 = arith.constant 5.000000e-01 : f32
        %mul3A_590 = vector.broadcast %mul3A_589 : f32 to vector<16xf32>
        %mul3A_591 = arith.mulf %add3A_588, %mul3A_590 : vector<16xf32>
        %swap3A_592 = arith.index_cast %scan3A_326 : i32 to index
        %swap3A_593 = arith.constant 240 : index
        %swap3A_594 = tpu.vector_load %arg10[%swap3A_592, %swap3A_593] {strides = array<i32>} : memref<48x512xf32, #tpu.memory_space<vmem>>, vector<1x16xf32>,
        %swap3A_595 = vector.shape_cast %swap3A_594 : vector<1x16xf32> to vector<16xf32>
        %swap3A_596 = vector.shape_cast %mul3A_591 : vector<16xf32> to vector<1x16xf32>
        tpu.vector_store %arg10[%swap3A_592, %swap3A_593], %swap3A_596 {strides = array<i32>} : memref<48x512xf32, #tpu.memory_space<vmem>>, vector<1x16xf32>,
        %get3A_597 = arith.index_cast %scan3A_326 : i32 to index
        %get3A_598 = arith.constant 256 : index
        %get3A_599 = tpu.vector_load %arg10[%get3A_597, %get3A_598] {strides = array<i32>} : memref<48x512xf32, #tpu.memory_space<vmem>>, vector<1x16xf32>,
        %get3A_600 = vector.shape_cast %get3A_599 : vector<1x16xf32> to vector<16xf32>
        %get3A_601 = arith.index_cast %scan3A_326 : i32 to index
        %get3A_602 = arith.constant 256 : index
        %get3A_603 = tpu.vector_load %arg11[%get3A_601, %get3A_602] {strides = array<i32>} : memref<48x512xf32, #tpu.memory_space<vmem>>, vector<1x16xf32>,
        %get3A_604 = vector.shape_cast %get3A_603 : vector<1x16xf32> to vector<16xf32>
        %add3A_605 = arith.addf %get3A_600, %get3A_604 : vector<16xf32>
        %mul3A_606 = arith.constant 5.000000e-01 : f32
        %mul3A_607 = vector.broadcast %mul3A_606 : f32 to vector<16xf32>
        %mul3A_608 = arith.mulf %add3A_605, %mul3A_607 : vector<16xf32>
        %swap3A_609 = arith.index_cast %scan3A_326 : i32 to index
        %swap3A_610 = arith.constant 256 : index
        %swap3A_611 = tpu.vector_load %arg10[%swap3A_609, %swap3A_610] {strides = array<i32>} : memref<48x512xf32, #tpu.memory_space<vmem>>, vector<1x16xf32>,
        %swap3A_612 = vector.shape_cast %swap3A_611 : vector<1x16xf32> to vector<16xf32>
        %swap3A_613 = vector.shape_cast %mul3A_608 : vector<16xf32> to vector<1x16xf32>
        tpu.vector_store %arg10[%swap3A_609, %swap3A_610], %swap3A_613 {strides = array<i32>} : memref<48x512xf32, #tpu.memory_space<vmem>>, vector<1x16xf32>,
        %get3A_614 = arith.index_cast %scan3A_326 : i32 to index
        %get3A_615 = arith.constant 272 : index
        %get3A_616 = tpu.vector_load %arg10[%get3A_614, %get3A_615] {strides = array<i32>} : memref<48x512xf32, #tpu.memory_space<vmem>>, vector<1x16xf32>,
        %get3A_617 = vector.shape_cast %get3A_616 : vector<1x16xf32> to vector<16xf32>
        %get3A_618 = arith.index_cast %scan3A_326 : i32 to index
        %get3A_619 = arith.constant 272 : index
        %get3A_620 = tpu.vector_load %arg11[%get3A_618, %get3A_619] {strides = array<i32>} : memref<48x512xf32, #tpu.memory_space<vmem>>, vector<1x16xf32>,
        %get3A_621 = vector.shape_cast %get3A_620 : vector<1x16xf32> to vector<16xf32>
        %add3A_622 = arith.addf %get3A_617, %get3A_621 : vector<16xf32>
        %mul3A_623 = arith.constant 5.000000e-01 : f32
        %mul3A_624 = vector.broadcast %mul3A_623 : f32 to vector<16xf32>
        %mul3A_625 = arith.mulf %add3A_622, %mul3A_624 : vector<16xf32>
        %swap3A_626 = arith.index_cast %scan3A_326 : i32 to index
        %swap3A_627 = arith.constant 272 : index
        %swap3A_628 = tpu.vector_load %arg10[%swap3A_626, %swap3A_627] {strides = array<i32>} : memref<48x512xf32, #tpu.memory_space<vmem>>, vector<1x16xf32>,
        %swap3A_629 = vector.shape_cast %swap3A_628 : vector<1x16xf32> to vector<16xf32>
        %swap3A_630 = vector.shape_cast %mul3A_625 : vector<16xf32> to vector<1x16xf32>
        tpu.vector_store %arg10[%swap3A_626, %swap3A_627], %swap3A_630 {strides = array<i32>} : memref<48x512xf32, #tpu.memory_space<vmem>>, vector<1x16xf32>,
        %get3A_631 = arith.index_cast %scan3A_326 : i32 to index
        %get3A_632 = arith.constant 288 : index
        %get3A_633 = tpu.vector_load %arg10[%get3A_631, %get3A_632] {strides = array<i32>} : memref<48x512xf32, #tpu.memory_space<vmem>>, vector<1x16xf32>,
        %get3A_634 = vector.shape_cast %get3A_633 : vector<1x16xf32> to vector<16xf32>
        %get3A_635 = arith.index_cast %scan3A_326 : i32 to index
        %get3A_636 = arith.constant 288 : index
        %get3A_637 = tpu.vector_load %arg11[%get3A_635, %get3A_636] {strides = array<i32>} : memref<48x512xf32, #tpu.memory_space<vmem>>, vector<1x16xf32>,
        %get3A_638 = vector.shape_cast %get3A_637 : vector<1x16xf32> to vector<16xf32>
        %add3A_639 = arith.addf %get3A_634, %get3A_638 : vector<16xf32>
        %mul3A_640 = arith.constant 5.000000e-01 : f32
        %mul3A_641 = vector.broadcast %mul3A_640 : f32 to vector<16xf32>
        %mul3A_642 = arith.mulf %add3A_639, %mul3A_641 : vector<16xf32>
        %swap3A_643 = arith.index_cast %scan3A_326 : i32 to index
        %swap3A_644 = arith.constant 288 : index
        %swap3A_645 = tpu.vector_load %arg10[%swap3A_643, %swap3A_644] {strides = array<i32>} : memref<48x512xf32, #tpu.memory_space<vmem>>, vector<1x16xf32>,
        %swap3A_646 = vector.shape_cast %swap3A_645 : vector<1x16xf32> to vector<16xf32>
        %swap3A_647 = vector.shape_cast %mul3A_642 : vector<16xf32> to vector<1x16xf32>
        tpu.vector_store %arg10[%swap3A_643, %swap3A_644], %swap3A_647 {strides = array<i32>} : memref<48x512xf32, #tpu.memory_space<vmem>>, vector<1x16xf32>,
        %get3A_648 = arith.index_cast %scan3A_326 : i32 to index
        %get3A_649 = arith.constant 304 : index
        %get3A_650 = tpu.vector_load %arg10[%get3A_648, %get3A_649] {strides = array<i32>} : memref<48x512xf32, #tpu.memory_space<vmem>>, vector<1x16xf32>,
        %get3A_651 = vector.shape_cast %get3A_650 : vector<1x16xf32> to vector<16xf32>
        %get3A_652 = arith.index_cast %scan3A_326 : i32 to index
        %get3A_653 = arith.constant 304 : index
        %get3A_654 = tpu.vector_load %arg11[%get3A_652, %get3A_653] {strides = array<i32>} : memref<48x512xf32, #tpu.memory_space<vmem>>, vector<1x16xf32>,
        %get3A_655 = vector.shape_cast %get3A_654 : vector<1x16xf32> to vector<16xf32>
        %add3A_656 = arith.addf %get3A_651, %get3A_655 : vector<16xf32>
        %mul3A_657 = arith.constant 5.000000e-01 : f32
        %mul3A_658 = vector.broadcast %mul3A_657 : f32 to vector<16xf32>
        %mul3A_659 = arith.mulf %add3A_656, %mul3A_658 : vector<16xf32>
        %swap3A_660 = arith.index_cast %scan3A_326 : i32 to index
        %swap3A_661 = arith.constant 304 : index
        %swap3A_662 = tpu.vector_load %arg10[%swap3A_660, %swap3A_661] {strides = array<i32>} : memref<48x512xf32, #tpu.memory_space<vmem>>, vector<1x16xf32>,
        %swap3A_663 = vector.shape_cast %swap3A_662 : vector<1x16xf32> to vector<16xf32>
        %swap3A_664 = vector.shape_cast %mul3A_659 : vector<16xf32> to vector<1x16xf32>
        tpu.vector_store %arg10[%swap3A_660, %swap3A_661], %swap3A_664 {strides = array<i32>} : memref<48x512xf32, #tpu.memory_space<vmem>>, vector<1x16xf32>,
        %get3A_665 = arith.index_cast %scan3A_326 : i32 to index
        %get3A_666 = arith.constant 320 : index
        %get3A_667 = tpu.vector_load %arg10[%get3A_665, %get3A_666] {strides = array<i32>} : memref<48x512xf32, #tpu.memory_space<vmem>>, vector<1x16xf32>,
        %get3A_668 = vector.shape_cast %get3A_667 : vector<1x16xf32> to vector<16xf32>
        %get3A_669 = arith.index_cast %scan3A_326 : i32 to index
        %get3A_670 = arith.constant 320 : index
        %get3A_671 = tpu.vector_load %arg11[%get3A_669, %get3A_670] {strides = array<i32>} : memref<48x512xf32, #tpu.memory_space<vmem>>, vector<1x16xf32>,
        %get3A_672 = vector.shape_cast %get3A_671 : vector<1x16xf32> to vector<16xf32>
        %add3A_673 = arith.addf %get3A_668, %get3A_672 : vector<16xf32>
        %mul3A_674 = arith.constant 5.000000e-01 : f32
        %mul3A_675 = vector.broadcast %mul3A_674 : f32 to vector<16xf32>
        %mul3A_676 = arith.mulf %add3A_673, %mul3A_675 : vector<16xf32>
        %swap3A_677 = arith.index_cast %scan3A_326 : i32 to index
        %swap3A_678 = arith.constant 320 : index
        %swap3A_679 = tpu.vector_load %arg10[%swap3A_677, %swap3A_678] {strides = array<i32>} : memref<48x512xf32, #tpu.memory_space<vmem>>, vector<1x16xf32>,
        %swap3A_680 = vector.shape_cast %swap3A_679 : vector<1x16xf32> to vector<16xf32>
        %swap3A_681 = vector.shape_cast %mul3A_676 : vector<16xf32> to vector<1x16xf32>
        tpu.vector_store %arg10[%swap3A_677, %swap3A_678], %swap3A_681 {strides = array<i32>} : memref<48x512xf32, #tpu.memory_space<vmem>>, vector<1x16xf32>,
        %get3A_682 = arith.index_cast %scan3A_326 : i32 to index
        %get3A_683 = arith.constant 336 : index
        %get3A_684 = tpu.vector_load %arg10[%get3A_682, %get3A_683] {strides = array<i32>} : memref<48x512xf32, #tpu.memory_space<vmem>>, vector<1x16xf32>,
        %get3A_685 = vector.shape_cast %get3A_684 : vector<1x16xf32> to vector<16xf32>
        %get3A_686 = arith.index_cast %scan3A_326 : i32 to index
        %get3A_687 = arith.constant 336 : index
        %get3A_688 = tpu.vector_load %arg11[%get3A_686, %get3A_687] {strides = array<i32>} : memref<48x512xf32, #tpu.memory_space<vmem>>, vector<1x16xf32>,
        %get3A_689 = vector.shape_cast %get3A_688 : vector<1x16xf32> to vector<16xf32>
        %add3A_690 = arith.addf %get3A_685, %get3A_689 : vector<16xf32>
        %mul3A_691 = arith.constant 5.000000e-01 : f32
        %mul3A_692 = vector.broadcast %mul3A_691 : f32 to vector<16xf32>
        %mul3A_693 = arith.mulf %add3A_690, %mul3A_692 : vector<16xf32>
        %swap3A_694 = arith.index_cast %scan3A_326 : i32 to index
        %swap3A_695 = arith.constant 336 : index
        %swap3A_696 = tpu.vector_load %arg10[%swap3A_694, %swap3A_695] {strides = array<i32>} : memref<48x512xf32, #tpu.memory_space<vmem>>, vector<1x16xf32>,
        %swap3A_697 = vector.shape_cast %swap3A_696 : vector<1x16xf32> to vector<16xf32>
        %swap3A_698 = vector.shape_cast %mul3A_693 : vector<16xf32> to vector<1x16xf32>
        tpu.vector_store %arg10[%swap3A_694, %swap3A_695], %swap3A_698 {strides = array<i32>} : memref<48x512xf32, #tpu.memory_space<vmem>>, vector<1x16xf32>,
        %get3A_699 = arith.index_cast %scan3A_326 : i32 to index
        %get3A_700 = arith.constant 352 : index
        %get3A_701 = tpu.vector_load %arg10[%get3A_699, %get3A_700] {strides = array<i32>} : memref<48x512xf32, #tpu.memory_space<vmem>>, vector<1x16xf32>,
        %get3A_702 = vector.shape_cast %get3A_701 : vector<1x16xf32> to vector<16xf32>
        %get3A_703 = arith.index_cast %scan3A_326 : i32 to index
        %get3A_704 = arith.constant 352 : index
        %get3A_705 = tpu.vector_load %arg11[%get3A_703, %get3A_704] {strides = array<i32>} : memref<48x512xf32, #tpu.memory_space<vmem>>, vector<1x16xf32>,
        %get3A_706 = vector.shape_cast %get3A_705 : vector<1x16xf32> to vector<16xf32>
        %add3A_707 = arith.addf %get3A_702, %get3A_706 : vector<16xf32>
        %mul3A_708 = arith.constant 5.000000e-01 : f32
        %mul3A_709 = vector.broadcast %mul3A_708 : f32 to vector<16xf32>
        %mul3A_710 = arith.mulf %add3A_707, %mul3A_709 : vector<16xf32>
        %swap3A_711 = arith.index_cast %scan3A_326 : i32 to index
        %swap3A_712 = arith.constant 352 : index
        %swap3A_713 = tpu.vector_load %arg10[%swap3A_711, %swap3A_712] {strides = array<i32>} : memref<48x512xf32, #tpu.memory_space<vmem>>, vector<1x16xf32>,
        %swap3A_714 = vector.shape_cast %swap3A_713 : vector<1x16xf32> to vector<16xf32>
        %swap3A_715 = vector.shape_cast %mul3A_710 : vector<16xf32> to vector<1x16xf32>
        tpu.vector_store %arg10[%swap3A_711, %swap3A_712], %swap3A_715 {strides = array<i32>} : memref<48x512xf32, #tpu.memory_space<vmem>>, vector<1x16xf32>,
        %get3A_716 = arith.index_cast %scan3A_326 : i32 to index
        %get3A_717 = arith.constant 368 : index
        %get3A_718 = tpu.vector_load %arg10[%get3A_716, %get3A_717] {strides = array<i32>} : memref<48x512xf32, #tpu.memory_space<vmem>>, vector<1x16xf32>,
        %get3A_719 = vector.shape_cast %get3A_718 : vector<1x16xf32> to vector<16xf32>
        %get3A_720 = arith.index_cast %scan3A_326 : i32 to index
        %get3A_721 = arith.constant 368 : index
        %get3A_722 = tpu.vector_load %arg11[%get3A_720, %get3A_721] {strides = array<i32>} : memref<48x512xf32, #tpu.memory_space<vmem>>, vector<1x16xf32>,
        %get3A_723 = vector.shape_cast %get3A_722 : vector<1x16xf32> to vector<16xf32>
        %add3A_724 = arith.addf %get3A_719, %get3A_723 : vector<16xf32>
        %mul3A_725 = arith.constant 5.000000e-01 : f32
        %mul3A_726 = vector.broadcast %mul3A_725 : f32 to vector<16xf32>
        %mul3A_727 = arith.mulf %add3A_724, %mul3A_726 : vector<16xf32>
        %swap3A_728 = arith.index_cast %scan3A_326 : i32 to index
        %swap3A_729 = arith.constant 368 : index
        %swap3A_730 = tpu.vector_load %arg10[%swap3A_728, %swap3A_729] {strides = array<i32>} : memref<48x512xf32, #tpu.memory_space<vmem>>, vector<1x16xf32>,
        %swap3A_731 = vector.shape_cast %swap3A_730 : vector<1x16xf32> to vector<16xf32>
        %swap3A_732 = vector.shape_cast %mul3A_727 : vector<16xf32> to vector<1x16xf32>
        tpu.vector_store %arg10[%swap3A_728, %swap3A_729], %swap3A_732 {strides = array<i32>} : memref<48x512xf32, #tpu.memory_space<vmem>>, vector<1x16xf32>,
        %get3A_733 = arith.index_cast %scan3A_326 : i32 to index
        %get3A_734 = arith.constant 384 : index
        %get3A_735 = tpu.vector_load %arg10[%get3A_733, %get3A_734] {strides = array<i32>} : memref<48x512xf32, #tpu.memory_space<vmem>>, vector<1x16xf32>,
        %get3A_736 = vector.shape_cast %get3A_735 : vector<1x16xf32> to vector<16xf32>
        %get3A_737 = arith.index_cast %scan3A_326 : i32 to index
        %get3A_738 = arith.constant 384 : index
        %get3A_739 = tpu.vector_load %arg11[%get3A_737, %get3A_738] {strides = array<i32>} : memref<48x512xf32, #tpu.memory_space<vmem>>, vector<1x16xf32>,
        %get3A_740 = vector.shape_cast %get3A_739 : vector<1x16xf32> to vector<16xf32>
        %add3A_741 = arith.addf %get3A_736, %get3A_740 : vector<16xf32>
        %mul3A_742 = arith.constant 5.000000e-01 : f32
        %mul3A_743 = vector.broadcast %mul3A_742 : f32 to vector<16xf32>
        %mul3A_744 = arith.mulf %add3A_741, %mul3A_743 : vector<16xf32>
        %swap3A_745 = arith.index_cast %scan3A_326 : i32 to index
        %swap3A_746 = arith.constant 384 : index
        %swap3A_747 = tpu.vector_load %arg10[%swap3A_745, %swap3A_746] {strides = array<i32>} : memref<48x512xf32, #tpu.memory_space<vmem>>, vector<1x16xf32>,
        %swap3A_748 = vector.shape_cast %swap3A_747 : vector<1x16xf32> to vector<16xf32>
        %swap3A_749 = vector.shape_cast %mul3A_744 : vector<16xf32> to vector<1x16xf32>
        tpu.vector_store %arg10[%swap3A_745, %swap3A_746], %swap3A_749 {strides = array<i32>} : memref<48x512xf32, #tpu.memory_space<vmem>>, vector<1x16xf32>,
        %get3A_750 = arith.index_cast %scan3A_326 : i32 to index
        %get3A_751 = arith.constant 400 : index
        %get3A_752 = tpu.vector_load %arg10[%get3A_750, %get3A_751] {strides = array<i32>} : memref<48x512xf32, #tpu.memory_space<vmem>>, vector<1x16xf32>,
        %get3A_753 = vector.shape_cast %get3A_752 : vector<1x16xf32> to vector<16xf32>
        %get3A_754 = arith.index_cast %scan3A_326 : i32 to index
        %get3A_755 = arith.constant 400 : index
        %get3A_756 = tpu.vector_load %arg11[%get3A_754, %get3A_755] {strides = array<i32>} : memref<48x512xf32, #tpu.memory_space<vmem>>, vector<1x16xf32>,
        %get3A_757 = vector.shape_cast %get3A_756 : vector<1x16xf32> to vector<16xf32>
        %add3A_758 = arith.addf %get3A_753, %get3A_757 : vector<16xf32>
        %mul3A_759 = arith.constant 5.000000e-01 : f32
        %mul3A_760 = vector.broadcast %mul3A_759 : f32 to vector<16xf32>
        %mul3A_761 = arith.mulf %add3A_758, %mul3A_760 : vector<16xf32>
        %swap3A_762 = arith.index_cast %scan3A_326 : i32 to index
        %swap3A_763 = arith.constant 400 : index
        %swap3A_764 = tpu.vector_load %arg10[%swap3A_762, %swap3A_763] {strides = array<i32>} : memref<48x512xf32, #tpu.memory_space<vmem>>, vector<1x16xf32>,
        %swap3A_765 = vector.shape_cast %swap3A_764 : vector<1x16xf32> to vector<16xf32>
        %swap3A_766 = vector.shape_cast %mul3A_761 : vector<16xf32> to vector<1x16xf32>
        tpu.vector_store %arg10[%swap3A_762, %swap3A_763], %swap3A_766 {strides = array<i32>} : memref<48x512xf32, #tpu.memory_space<vmem>>, vector<1x16xf32>,
        %get3A_767 = arith.index_cast %scan3A_326 : i32 to index
        %get3A_768 = arith.constant 416 : index
        %get3A_769 = tpu.vector_load %arg10[%get3A_767, %get3A_768] {strides = array<i32>} : memref<48x512xf32, #tpu.memory_space<vmem>>, vector<1x16xf32>,
        %get3A_770 = vector.shape_cast %get3A_769 : vector<1x16xf32> to vector<16xf32>
        %get3A_771 = arith.index_cast %scan3A_326 : i32 to index
        %get3A_772 = arith.constant 416 : index
        %get3A_773 = tpu.vector_load %arg11[%get3A_771, %get3A_772] {strides = array<i32>} : memref<48x512xf32, #tpu.memory_space<vmem>>, vector<1x16xf32>,
        %get3A_774 = vector.shape_cast %get3A_773 : vector<1x16xf32> to vector<16xf32>
        %add3A_775 = arith.addf %get3A_770, %get3A_774 : vector<16xf32>
        %mul3A_776 = arith.constant 5.000000e-01 : f32
        %mul3A_777 = vector.broadcast %mul3A_776 : f32 to vector<16xf32>
        %mul3A_778 = arith.mulf %add3A_775, %mul3A_777 : vector<16xf32>
        %swap3A_779 = arith.index_cast %scan3A_326 : i32 to index
        %swap3A_780 = arith.constant 416 : index
        %swap3A_781 = tpu.vector_load %arg10[%swap3A_779, %swap3A_780] {strides = array<i32>} : memref<48x512xf32, #tpu.memory_space<vmem>>, vector<1x16xf32>,
        %swap3A_782 = vector.shape_cast %swap3A_781 : vector<1x16xf32> to vector<16xf32>
        %swap3A_783 = vector.shape_cast %mul3A_778 : vector<16xf32> to vector<1x16xf32>
        tpu.vector_store %arg10[%swap3A_779, %swap3A_780], %swap3A_783 {strides = array<i32>} : memref<48x512xf32, #tpu.memory_space<vmem>>, vector<1x16xf32>,
        %get3A_784 = arith.index_cast %scan3A_326 : i32 to index
        %get3A_785 = arith.constant 432 : index
        %get3A_786 = tpu.vector_load %arg10[%get3A_784, %get3A_785] {strides = array<i32>} : memref<48x512xf32, #tpu.memory_space<vmem>>, vector<1x16xf32>,
        %get3A_787 = vector.shape_cast %get3A_786 : vector<1x16xf32> to vector<16xf32>
        %get3A_788 = arith.index_cast %scan3A_326 : i32 to index
        %get3A_789 = arith.constant 432 : index
        %get3A_790 = tpu.vector_load %arg11[%get3A_788, %get3A_789] {strides = array<i32>} : memref<48x512xf32, #tpu.memory_space<vmem>>, vector<1x16xf32>,
        %get3A_791 = vector.shape_cast %get3A_790 : vector<1x16xf32> to vector<16xf32>
        %add3A_792 = arith.addf %get3A_787, %get3A_791 : vector<16xf32>
        %mul3A_793 = arith.constant 5.000000e-01 : f32
        %mul3A_794 = vector.broadcast %mul3A_793 : f32 to vector<16xf32>
        %mul3A_795 = arith.mulf %add3A_792, %mul3A_794 : vector<16xf32>
        %swap3A_796 = arith.index_cast %scan3A_326 : i32 to index
        %swap3A_797 = arith.constant 432 : index
        %swap3A_798 = tpu.vector_load %arg10[%swap3A_796, %swap3A_797] {strides = array<i32>} : memref<48x512xf32, #tpu.memory_space<vmem>>, vector<1x16xf32>,
        %swap3A_799 = vector.shape_cast %swap3A_798 : vector<1x16xf32> to vector<16xf32>
        %swap3A_800 = vector.shape_cast %mul3A_795 : vector<16xf32> to vector<1x16xf32>
        tpu.vector_store %arg10[%swap3A_796, %swap3A_797], %swap3A_800 {strides = array<i32>} : memref<48x512xf32, #tpu.memory_space<vmem>>, vector<1x16xf32>,
        %get3A_801 = arith.index_cast %scan3A_326 : i32 to index
        %get3A_802 = arith.constant 448 : index
        %get3A_803 = tpu.vector_load %arg10[%get3A_801, %get3A_802] {strides = array<i32>} : memref<48x512xf32, #tpu.memory_space<vmem>>, vector<1x16xf32>,
        %get3A_804 = vector.shape_cast %get3A_803 : vector<1x16xf32> to vector<16xf32>
        %get3A_805 = arith.index_cast %scan3A_326 : i32 to index
        %get3A_806 = arith.constant 448 : index
        %get3A_807 = tpu.vector_load %arg11[%get3A_805, %get3A_806] {strides = array<i32>} : memref<48x512xf32, #tpu.memory_space<vmem>>, vector<1x16xf32>,
        %get3A_808 = vector.shape_cast %get3A_807 : vector<1x16xf32> to vector<16xf32>
        %add3A_809 = arith.addf %get3A_804, %get3A_808 : vector<16xf32>
        %mul3A_810 = arith.constant 5.000000e-01 : f32
        %mul3A_811 = vector.broadcast %mul3A_810 : f32 to vector<16xf32>
        %mul3A_812 = arith.mulf %add3A_809, %mul3A_811 : vector<16xf32>
        %swap3A_813 = arith.index_cast %scan3A_326 : i32 to index
        %swap3A_814 = arith.constant 448 : index
        %swap3A_815 = tpu.vector_load %arg10[%swap3A_813, %swap3A_814] {strides = array<i32>} : memref<48x512xf32, #tpu.memory_space<vmem>>, vector<1x16xf32>,
        %swap3A_816 = vector.shape_cast %swap3A_815 : vector<1x16xf32> to vector<16xf32>
        %swap3A_817 = vector.shape_cast %mul3A_812 : vector<16xf32> to vector<1x16xf32>
        tpu.vector_store %arg10[%swap3A_813, %swap3A_814], %swap3A_817 {strides = array<i32>} : memref<48x512xf32, #tpu.memory_space<vmem>>, vector<1x16xf32>,
        %get3A_818 = arith.index_cast %scan3A_326 : i32 to index
        %get3A_819 = arith.constant 464 : index
        %get3A_820 = tpu.vector_load %arg10[%get3A_818, %get3A_819] {strides = array<i32>} : memref<48x512xf32, #tpu.memory_space<vmem>>, vector<1x16xf32>,
        %get3A_821 = vector.shape_cast %get3A_820 : vector<1x16xf32> to vector<16xf32>
        %get3A_822 = arith.index_cast %scan3A_326 : i32 to index
        %get3A_823 = arith.constant 464 : index
        %get3A_824 = tpu.vector_load %arg11[%get3A_822, %get3A_823] {strides = array<i32>} : memref<48x512xf32, #tpu.memory_space<vmem>>, vector<1x16xf32>,
        %get3A_825 = vector.shape_cast %get3A_824 : vector<1x16xf32> to vector<16xf32>
        %add3A_826 = arith.addf %get3A_821, %get3A_825 : vector<16xf32>
        %mul3A_827 = arith.constant 5.000000e-01 : f32
        %mul3A_828 = vector.broadcast %mul3A_827 : f32 to vector<16xf32>
        %mul3A_829 = arith.mulf %add3A_826, %mul3A_828 : vector<16xf32>
        %swap3A_830 = arith.index_cast %scan3A_326 : i32 to index
        %swap3A_831 = arith.constant 464 : index
        %swap3A_832 = tpu.vector_load %arg10[%swap3A_830, %swap3A_831] {strides = array<i32>} : memref<48x512xf32, #tpu.memory_space<vmem>>, vector<1x16xf32>,
        %swap3A_833 = vector.shape_cast %swap3A_832 : vector<1x16xf32> to vector<16xf32>
        %swap3A_834 = vector.shape_cast %mul3A_829 : vector<16xf32> to vector<1x16xf32>
        tpu.vector_store %arg10[%swap3A_830, %swap3A_831], %swap3A_834 {strides = array<i32>} : memref<48x512xf32, #tpu.memory_space<vmem>>, vector<1x16xf32>,
        %get3A_835 = arith.index_cast %scan3A_326 : i32 to index
        %get3A_836 = arith.constant 480 : index
        %get3A_837 = tpu.vector_load %arg10[%get3A_835, %get3A_836] {strides = array<i32>} : memref<48x512xf32, #tpu.memory_space<vmem>>, vector<1x16xf32>,
        %get3A_838 = vector.shape_cast %get3A_837 : vector<1x16xf32> to vector<16xf32>
        %get3A_839 = arith.index_cast %scan3A_326 : i32 to index
        %get3A_840 = arith.constant 480 : index
        %get3A_841 = tpu.vector_load %arg11[%get3A_839, %get3A_840] {strides = array<i32>} : memref<48x512xf32, #tpu.memory_space<vmem>>, vector<1x16xf32>,
        %get3A_842 = vector.shape_cast %get3A_841 : vector<1x16xf32> to vector<16xf32>
        %add3A_843 = arith.addf %get3A_838, %get3A_842 : vector<16xf32>
        %mul3A_844 = arith.constant 5.000000e-01 : f32
        %mul3A_845 = vector.broadcast %mul3A_844 : f32 to vector<16xf32>
        %mul3A_846 = arith.mulf %add3A_843, %mul3A_845 : vector<16xf32>
        %swap3A_847 = arith.index_cast %scan3A_326 : i32 to index
        %swap3A_848 = arith.constant 480 : index
        %swap3A_849 = tpu.vector_load %arg10[%swap3A_847, %swap3A_848] {strides = array<i32>} : memref<48x512xf32, #tpu.memory_space<vmem>>, vector<1x16xf32>,
        %swap3A_850 = vector.shape_cast %swap3A_849 : vector<1x16xf32> to vector<16xf32>
        %swap3A_851 = vector.shape_cast %mul3A_846 : vector<16xf32> to vector<1x16xf32>
        tpu.vector_store %arg10[%swap3A_847, %swap3A_848], %swap3A_851 {strides = array<i32>} : memref<48x512xf32, #tpu.memory_space<vmem>>, vector<1x16xf32>,
        %get3A_852 = arith.index_cast %scan3A_326 : i32 to index
        %get3A_853 = arith.constant 496 : index
        %get3A_854 = tpu.vector_load %arg10[%get3A_852, %get3A_853] {strides = array<i32>} : memref<48x512xf32, #tpu.memory_space<vmem>>, vector<1x16xf32>,
        %get3A_855 = vector.shape_cast %get3A_854 : vector<1x16xf32> to vector<16xf32>
        %get3A_856 = arith.index_cast %scan3A_326 : i32 to index
        %get3A_857 = arith.constant 496 : index
        %get3A_858 = tpu.vector_load %arg11[%get3A_856, %get3A_857] {strides = array<i32>} : memref<48x512xf32, #tpu.memory_space<vmem>>, vector<1x16xf32>,
        %get3A_859 = vector.shape_cast %get3A_858 : vector<1x16xf32> to vector<16xf32>
        %add3A_860 = arith.addf %get3A_855, %get3A_859 : vector<16xf32>
        %mul3A_861 = arith.constant 5.000000e-01 : f32
        %mul3A_862 = vector.broadcast %mul3A_861 : f32 to vector<16xf32>
        %mul3A_863 = arith.mulf %add3A_860, %mul3A_862 : vector<16xf32>
        %swap3A_864 = arith.index_cast %scan3A_326 : i32 to index
        %swap3A_865 = arith.constant 496 : index
        %swap3A_866 = tpu.vector_load %arg10[%swap3A_864, %swap3A_865] {strides = array<i32>} : memref<48x512xf32, #tpu.memory_space<vmem>>, vector<1x16xf32>,
        %swap3A_867 = vector.shape_cast %swap3A_866 : vector<1x16xf32> to vector<16xf32>
        %swap3A_868 = vector.shape_cast %mul3A_863 : vector<16xf32> to vector<1x16xf32>
        tpu.vector_store %arg10[%swap3A_864, %swap3A_865], %swap3A_868 {strides = array<i32>} : memref<48x512xf32, #tpu.memory_space<vmem>>, vector<1x16xf32>,
      }
      %scan3A_299 = arith.constant 48 : i32
      %mul3A_300 = arith.constant 3840 : i32
      %mul3A_301 = arith.muli %add3A, %mul3A_300 : i32
      %add3A_302 = arith.constant 40962 : i32
      %add3A_303 = arith.addi %add3A_302, %mul3A_301 : i32
      %mul3A_304 = arith.constant 48 : i32
      %mul3A_305 = arith.muli %add3A_263, %mul3A_304 : i32
      %add3A_306 = arith.addi %add3A_303, %mul3A_305 : i32
      %dma_start3A_307 = arith.constant 0 : i32
      %dma_start3A_308 = tpu.memref_slice %arg5[%add3A_306, %dma_start3A_307] : memref<163842x512xf32, #tpu.memory_space<hbm>> -> memref<48x512xf32, #tpu.memory_space<hbm>>
      %dma_start3A_309 = arith.constant 0 : i32
      %dma_start3A_310 = tpu.memref_slice %arg5[%add3A_306, %dma_start3A_309] : memref<163842x512xf32, #tpu.memory_space<hbm>> -> memref<48x512xf32, #tpu.memory_space<hbm>>
      tpu.enqueue_dma source(%arg10 : memref<48x512xf32, #tpu.memory_space<vmem>>) target(%dma_start3A_310 : memref<48x512xf32, #tpu.memory_space<hbm>>) target_semaphore(%arg17 : memref<!tpu.dma_semaphore, #tpu.memory_space<semaphore_mem>>)
      %dma_wait3A_311 = arith.constant 0 : i32
      %dma_wait3A_312 = arith.constant 0 : i32
      %dma_wait3A_313 = tpu.memref_slice %arg2[%dma_wait3A_311, %dma_wait3A_312] : memref<40962x512xf32, #tpu.memory_space<hbm>> -> memref<16x512xf32, #tpu.memory_space<hbm>>
      %dma_wait3A_314 = arith.constant 0 : i32
      %dma_wait3A_315 = arith.constant 0 : i32
      %dma_wait3A_316 = tpu.memref_slice %arg2[%dma_wait3A_314, %dma_wait3A_315] : memref<40962x512xf32, #tpu.memory_space<hbm>> -> memref<16x512xf32, #tpu.memory_space<hbm>>
      tpu.wait_dma2 semaphore(%arg19 : memref<!tpu.dma_semaphore, #tpu.memory_space<semaphore_mem>>) src(%dma_wait3A_316 : memref<16x512xf32, #tpu.memory_space<hbm>>) dst(%arg13 : memref<16x512xf32, #tpu.memory_space<vmem>>)
      %mul3A_317 = arith.constant 1280 : i32
      %mul3A_318 = arith.muli %add3A, %mul3A_317 : i32
      %mul3A_319 = arith.constant 16 : i32
      %mul3A_320 = arith.muli %add3A_263, %mul3A_319 : i32
      %add3A_321 = arith.addi %mul3A_318, %mul3A_320 : i32
      %dma_start3A_322 = arith.constant 0 : i32
      %dma_start3A_323 = tpu.memref_slice %arg5[%add3A_321, %dma_start3A_322] : memref<163842x512xf32, #tpu.memory_space<hbm>> -> memref<16x512xf32, #tpu.memory_space<hbm>>
      %dma_start3A_324 = arith.constant 0 : i32
      %dma_start3A_325 = tpu.memref_slice %arg5[%add3A_321, %dma_start3A_324] : memref<163842x512xf32, #tpu.memory_space<hbm>> -> memref<16x512xf32, #tpu.memory_space<hbm>>
      tpu.enqueue_dma source(%arg13 : memref<16x512xf32, #tpu.memory_space<vmem>>) target(%dma_start3A_325 : memref<16x512xf32, #tpu.memory_space<hbm>>) target_semaphore(%arg21 : memref<!tpu.dma_semaphore, #tpu.memory_space<semaphore_mem>>)
    }
    %scan3A_165 = arith.constant 39 : i32
    %dma_wait3A_166 = arith.constant 0 : i32
    %dma_wait3A_167 = arith.constant 0 : i32
    %dma_wait3A_168 = tpu.memref_slice %arg2[%dma_wait3A_166, %dma_wait3A_167] : memref<40962x512xf32, #tpu.memory_space<hbm>> -> memref<48x512xf32, #tpu.memory_space<hbm>>
    %dma_wait3A_169 = arith.constant 0 : i32
    %dma_wait3A_170 = arith.constant 0 : i32
    %dma_wait3A_171 = tpu.memref_slice %arg2[%dma_wait3A_169, %dma_wait3A_170] : memref<40962x512xf32, #tpu.memory_space<hbm>> -> memref<48x512xf32, #tpu.memory_space<hbm>>
    tpu.wait_dma2 semaphore(%arg17 : memref<!tpu.dma_semaphore, #tpu.memory_space<semaphore_mem>>) src(%dma_wait3A_171 : memref<48x512xf32, #tpu.memory_space<hbm>>) dst(%arg10 : memref<48x512xf32, #tpu.memory_space<vmem>>)
    %dma_wait3A_172 = arith.constant 0 : i32
    %dma_wait3A_173 = arith.constant 0 : i32
    %dma_wait3A_174 = tpu.memref_slice %arg2[%dma_wait3A_172, %dma_wait3A_173] : memref<40962x512xf32, #tpu.memory_space<hbm>> -> memref<16x512xf32, #tpu.memory_space<hbm>>
    %dma_wait3A_175 = arith.constant 0 : i32
    %dma_wait3A_176 = arith.constant 0 : i32
    %dma_wait3A_177 = tpu.memref_slice %arg2[%dma_wait3A_175, %dma_wait3A_176] : memref<40962x512xf32, #tpu.memory_space<hbm>> -> memref<16x512xf32, #tpu.memory_space<hbm>>
    tpu.wait_dma2 semaphore(%arg21 : memref<!tpu.dma_semaphore, #tpu.memory_space<semaphore_mem>>) src(%dma_wait3A_177 : memref<16x512xf32, #tpu.memory_space<hbm>>) dst(%arg13 : memref<16x512xf32, #tpu.memory_space<vmem>>)
    %eq3A = arith.constant 0 : i32
    %eq3A_178 = arith.cmpi eq, %add3A, %eq3A : i32
    %convert_element_type3A = arith.extui %eq3A_178 : i1 to i32
    %cond3A = arith.constant 0 : i32
    %cond3A_179 = arith.cmpi ne, %convert_element_type3A, %cond3A : i32
    scf.if %cond3A_179 {
      "tpu.region"() ({
        %run_scoped3A = tpu.sem_alloc : memref<!tpu.dma_semaphore, #tpu.memory_space<semaphore_mem>>
        %dma_start3A_180 = arith.constant 0 : i32
        %dma_start3A_181 = arith.constant 0 : i32
        %dma_start3A_182 = tpu.memref_slice %arg12[%dma_start3A_180, %dma_start3A_181] : memref<16x512xf32, #tpu.memory_space<vmem>> -> memref<2x512xf32, #tpu.memory_space<vmem>>
        %dma_start3A_183 = arith.constant 40960 : i32
        %dma_start3A_184 = arith.constant 0 : i32
        %dma_start3A_185 = tpu.memref_slice %arg2[%dma_start3A_183, %dma_start3A_184] : memref<40962x512xf32, #tpu.memory_space<hbm>> -> memref<2x512xf32, #tpu.memory_space<hbm>>
        %dma_start3A_186 = arith.constant 0 : i32
        %dma_start3A_187 = arith.constant 0 : i32
        %dma_start3A_188 = tpu.memref_slice %arg12[%dma_start3A_186, %dma_start3A_187] : memref<16x512xf32, #tpu.memory_space<vmem>> -> memref<2x512xf32, #tpu.memory_space<vmem>>
        %dma_start3A_189 = arith.constant 40960 : i32
        %dma_start3A_190 = arith.constant 0 : i32
        %dma_start3A_191 = tpu.memref_slice %arg2[%dma_start3A_189, %dma_start3A_190] : memref<40962x512xf32, #tpu.memory_space<hbm>> -> memref<2x512xf32, #tpu.memory_space<hbm>>
        tpu.enqueue_dma source(%dma_start3A_191 : memref<2x512xf32, #tpu.memory_space<hbm>>) target(%dma_start3A_188 : memref<2x512xf32, #tpu.memory_space<vmem>>) target_semaphore(%run_scoped3A : memref<!tpu.dma_semaphore, #tpu.memory_space<semaphore_mem>>)
        %dma_wait3A_192 = arith.constant 0 : i32
        %dma_wait3A_193 = arith.constant 0 : i32
        %dma_wait3A_194 = tpu.memref_slice %arg12[%dma_wait3A_192, %dma_wait3A_193] : memref<16x512xf32, #tpu.memory_space<vmem>> -> memref<2x512xf32, #tpu.memory_space<vmem>>
        %dma_wait3A_195 = arith.constant 40960 : i32
        %dma_wait3A_196 = arith.constant 0 : i32
        %dma_wait3A_197 = tpu.memref_slice %arg2[%dma_wait3A_195, %dma_wait3A_196] : memref<40962x512xf32, #tpu.memory_space<hbm>> -> memref<2x512xf32, #tpu.memory_space<hbm>>
        %dma_wait3A_198 = arith.constant 0 : i32
        %dma_wait3A_199 = arith.constant 0 : i32
        %dma_wait3A_200 = tpu.memref_slice %arg12[%dma_wait3A_198, %dma_wait3A_199] : memref<16x512xf32, #tpu.memory_space<vmem>> -> memref<2x512xf32, #tpu.memory_space<vmem>>
        %dma_wait3A_201 = arith.constant 40960 : i32
        %dma_wait3A_202 = arith.constant 0 : i32
        %dma_wait3A_203 = tpu.memref_slice %arg2[%dma_wait3A_201, %dma_wait3A_202] : memref<40962x512xf32, #tpu.memory_space<hbm>> -> memref<2x512xf32, #tpu.memory_space<hbm>>
        tpu.wait_dma2 semaphore(%run_scoped3A : memref<!tpu.dma_semaphore, #tpu.memory_space<semaphore_mem>>) src(%dma_wait3A_203 : memref<2x512xf32, #tpu.memory_space<hbm>>) dst(%dma_wait3A_200 : memref<2x512xf32, #tpu.memory_space<vmem>>)
        tpu.yield
      }) : () -> ()
      "tpu.region"() ({
        %run_scoped3A = tpu.sem_alloc : memref<!tpu.dma_semaphore, #tpu.memory_space<semaphore_mem>>
        %dma_start3A_180 = arith.constant 0 : i32
        %dma_start3A_181 = arith.constant 0 : i32
        %dma_start3A_182 = tpu.memref_slice %arg12[%dma_start3A_180, %dma_start3A_181] : memref<16x512xf32, #tpu.memory_space<vmem>> -> memref<2x512xf32, #tpu.memory_space<vmem>>
        %dma_start3A_183 = arith.constant 40960 : i32
        %dma_start3A_184 = arith.constant 0 : i32
        %dma_start3A_185 = tpu.memref_slice %arg5[%dma_start3A_183, %dma_start3A_184] : memref<163842x512xf32, #tpu.memory_space<hbm>> -> memref<2x512xf32, #tpu.memory_space<hbm>>
        %dma_start3A_186 = arith.constant 40960 : i32
        %dma_start3A_187 = arith.constant 0 : i32
        %dma_start3A_188 = tpu.memref_slice %arg5[%dma_start3A_186, %dma_start3A_187] : memref<163842x512xf32, #tpu.memory_space<hbm>> -> memref<2x512xf32, #tpu.memory_space<hbm>>
        %dma_start3A_189 = arith.constant 0 : i32
        %dma_start3A_190 = arith.constant 0 : i32
        %dma_start3A_191 = tpu.memref_slice %arg12[%dma_start3A_189, %dma_start3A_190] : memref<16x512xf32, #tpu.memory_space<vmem>> -> memref<2x512xf32, #tpu.memory_space<vmem>>
        tpu.enqueue_dma source(%dma_start3A_191 : memref<2x512xf32, #tpu.memory_space<vmem>>) target(%dma_start3A_188 : memref<2x512xf32, #tpu.memory_space<hbm>>) target_semaphore(%run_scoped3A : memref<!tpu.dma_semaphore, #tpu.memory_space<semaphore_mem>>)
        %dma_wait3A_192 = arith.constant 0 : i32
        %dma_wait3A_193 = arith.constant 0 : i32
        %dma_wait3A_194 = tpu.memref_slice %arg12[%dma_wait3A_192, %dma_wait3A_193] : memref<16x512xf32, #tpu.memory_space<vmem>> -> memref<2x512xf32, #tpu.memory_space<vmem>>
        %dma_wait3A_195 = arith.constant 40960 : i32
        %dma_wait3A_196 = arith.constant 0 : i32
        %dma_wait3A_197 = tpu.memref_slice %arg5[%dma_wait3A_195, %dma_wait3A_196] : memref<163842x512xf32, #tpu.memory_space<hbm>> -> memref<2x512xf32, #tpu.memory_space<hbm>>
        %dma_wait3A_198 = arith.constant 40960 : i32
        %dma_wait3A_199 = arith.constant 0 : i32
        %dma_wait3A_200 = tpu.memref_slice %arg5[%dma_wait3A_198, %dma_wait3A_199] : memref<163842x512xf32, #tpu.memory_space<hbm>> -> memref<2x512xf32, #tpu.memory_space<hbm>>
        %dma_wait3A_201 = arith.constant 0 : i32
        %dma_wait3A_202 = arith.constant 0 : i32
        %dma_wait3A_203 = tpu.memref_slice %arg12[%dma_wait3A_201, %dma_wait3A_202] : memref<16x512xf32, #tpu.memory_space<vmem>> -> memref<2x512xf32, #tpu.memory_space<vmem>>
        tpu.wait_dma2 semaphore(%run_scoped3A : memref<!tpu.dma_semaphore, #tpu.memory_space<semaphore_mem>>) src(%dma_wait3A_203 : memref<2x512xf32, #tpu.memory_space<vmem>>) dst(%dma_wait3A_200 : memref<2x512xf32, #tpu.memory_space<hbm>>)
        tpu.yield
      }) : () -> ()
    } else {
    }
    return
  }
}

</mosaic_0001>

<sc_bundles>
// kernel: kernel.3.cloned.1.call-start
scs
__scs_entry_jumppad:
0x0: {  	(pc) =	sbr.rel $0x88, $3  }
0x1: {  	(tag) =	ssettag $0x0;
	lr =	simm.s32 $0x1  }
0x2: {  	[smem:$0x3F9E] =	sst lr;
	_ =	strace $0xD0000000  }
0x3: {  	_ = 	snop  }
0x4: {  	_ = 	snop  }
0x5: {  	_ = 	snop  }
0x6: {  	_ = 	snop  }
0x7: {  	_ = 	snop  }
__scs_overlays_trampoline_lowered:
0x8: {  	[smem:$0x3FAD] =	sst s0  }
0x9: {  	[smem:$0x3FAE] =	sst s1  }
0xa: {  	[smem:$0x3FAF] =	sst s2  }
0xb: {  	[smem:$0x3FB0] =	sst s3  }
0xc: {  	[smem:$0x3FB1] =	sst s4  }
0xd: {  	[smem:$0x3FB2] =	sst s5  }
0xe: {  	[smem:$0x3FB3] =	sst s6  }
0xf: {  	[smem:$0x3FB4] =	sst s7  }
0x10: {  	[smem:$0x3FB5] =	sst s8  }
0x11: {  	[smem:$0x3FB6] =	sst s9;
	s0 =	simm.s32 @!p0 $0x0  }
0x12: {  	s1 =	sld [smem:$0x3F9C];
	s0 =	simm.s32 @p0 $0x1  }
0x13: {  	[smem:$0x3FB7] =	sst s0;
	s0 =	simm.s32 @!p1 $0x0  }
0x14: {  	s2 =	sld [smem:$0x3F9B];
	s0 =	simm.s32 @p1 $0x1  }
0x15: {  	[smem:$0x3FB8] =	sst s0;
	s0 =	simm.s32 @!p2 $0x0  }
0x16: {  	s3 =	sld [smem:$0x3FDB];
	s0 =	simm.s32 @p2 $0x1  }
0x17: {  	s4 =	simm.s32 $0x1BF5;
	[smem:$0x3FBA] =	sst s0  }
0x18: {  	s0 =	sld [smem:$0x3F9D];
	_ =	swait.ge [sflag:s4], $0x0  }
0x19: {  	s7 =	sld [smem:$0x3F9E]  }
0x1a: {  	s8 =	sadd.s32 $0xFFFFE003, lr  }
0x1b: {  	s9 =	sadd.s32 $0xFFFFFEF7, lr;
	s5 =	simm.s32 $0xFFFFFFFF;
	p2 =	slt.u32 s8, $0xFFFFF086  }
0x1c: {  	p1 =	slt.u32 s9, $0xF7A;
	s5 =	simm.s32 @!p2 $0x0  }
0x1d: {  	s5 =	simm.s32 @p1 $0x1;
	p0 =	seq.s32 s7, s2  }
0x1e: {  	s7 =	smul.u32 @!p0 $0xF7A, s2;
	p2 =	seq.s32 @!p0 s5, $0x0  }
0x1f: {  	s9 =	smul.u32 $0xF7A, s1;
	s8 =	simm.s32 @!p0 $0x1BF5;
	p2 =	por !p2, p0  }
0x20: {  	[sflag:s8] =	ssyncset.s32 @!p0 $0xFFFFF086;
	s6 =	sadd.s32 @!p0 s3, s7;
	s7 =	simm.s32 @!p0 $0x108  }
0x21: {  	s3 =	sadd.s32 s3, s9;
	s6 =	sadd.s32 @!p0 $0x88, s6;
	s7 =	simm.s32 @p2 $0x1082  }
0x22: {  	[simem:s7], [sflag:s8] =	dma.local @!p0 [hbm:s6], $0xF7A  }
0x23: {  	s9 =	sor.u32 $0xD0000000, s2;
	s6 =	simm.s32 $0x108;
	_ =	swait.ge @!p0 [sflag:s8], $0x0  }
0x24: {  	s3 =	sadd.s32 $0x88, s3;
	s6 =	simm.s32 @!p1 $0x1082;
	[sflag:s4] =	ssyncset.s32 $0xFFFFF086  }
0x25: {  	[simem:s6], [sflag:s4] =	dma.local [hbm:s3], $0xF7A  }
0x26: {  	[smem:$0x3F9E] =	sst s1;
	(tag) =	ssettag s2;
	_ =	strace s9  }
0x27: {  	s1 =	sld [smem:$0x3FAE]  }
0x28: {  	s2 =	sld [smem:$0x3FAF]  }
0x29: {  	s4 =	sld [smem:$0x3FB1]  }
0x2a: {  	p0 =	seq.s32 s5, $0x0;
	s5 =	sld [smem:$0x3FB2]  }
0x2b: {  	s6 =	sld [smem:$0x3FB3]  }
0x2c: {  	s7 =	sld [smem:$0x3FB4]  }
0x2d: {  	s3 =	simm.s32 $0x108;
	s8 =	sld [smem:$0x3FB5]  }
0x2e: {  	s3 =	simm.s32 @!p0 $0x1082;
	s9 =	sld [smem:$0x3FB6]  }
0x2f: {  	lr =	sadd.s32 s0, s3;
	s0 =	sld [smem:$0x3FAD]  }
0x30: {  	s3 =	sld [smem:$0x3FB0]  }
0x31: {  	[smem:$0x3FB9] =	sst s10  }
0x32: {  	s10 =	sld [smem:$0x3FB7];
	_ =	sdelay $0x3  }
0x33: {  	p0 =	seq.s32 s10, $0x1;
	s10 =	sld [smem:$0x3FB9];
	_ =	sdelay $0x3  }
0x34: {  	[smem:$0x3FB9] =	sst s10  }
0x35: {  	s10 =	sld [smem:$0x3FB8];
	_ =	sdelay $0x3  }
0x36: {  	p1 =	seq.s32 s10, $0x1;
	s10 =	sld [smem:$0x3FB9];
	_ =	sdelay $0x3  }
0x37: {  	[smem:$0x3FB9] =	sst s10  }
0x38: {  	s10 =	sld [smem:$0x3FBA]  }
0x39: {  	_ = 	snop;
	(pc) =	sbr.ind lr, $3  }
0x3a: {  	_ = 	snop  }
0x3b: {  	_ = 	snop  }
0x3c: {  	p2 =	seq.s32 s10, $0x1;
	s10 =	sld [smem:$0x3FB9]  }
0x3d: {  	_ =	shalt  }
0x3e: {  	_ =	shalt  }
0x3f: {  	_ =	shalt  }
0x40: {  	_ =	shalt  }
0x41: {  	_ =	shalt  }
0x42: {  	_ =	shalt  }
0x43: {  	_ =	shalt  }
0x44: {  	_ =	shalt  }
0x45: {  	_ =	shalt  }
0x46: {  	_ =	shalt  }
0x47: {  	_ =	shalt  }
0x48: {  	_ =	shalt  }
0x49: {  	_ =	shalt  }
0x4a: {  	_ =	shalt  }
0x4b: {  	_ =	shalt  }
0x4c: {  	_ =	shalt  }
0x4d: {  	_ =	shalt  }
0x4e: {  	_ =	shalt  }
0x4f: {  	_ =	shalt  }
0x50: {  	_ =	shalt  }
0x51: {  	_ =	shalt  }
0x52: {  	_ =	shalt  }
0x53: {  	_ =	shalt  }
0x54: {  	_ =	shalt  }
0x55: {  	_ =	shalt  }
0x56: {  	_ =	shalt  }
0x57: {  	_ =	shalt  }
0x58: {  	_ =	shalt  }
0x59: {  	_ =	shalt  }
0x5a: {  	_ =	shalt  }
0x5b: {  	_ =	shalt  }
0x5c: {  	_ =	shalt  }
0x5d: {  	_ =	shalt  }
0x5e: {  	_ =	shalt  }
0x5f: {  	_ =	shalt  }
0x60: {  	_ =	shalt  }
0x61: {  	_ =	shalt  }
0x62: {  	_ =	shalt  }
0x63: {  	_ =	shalt  }
0x64: {  	_ =	shalt  }
0x65: {  	_ =	shalt  }
0x66: {  	_ =	shalt  }
0x67: {  	_ =	shalt  }
0x68: {  	_ =	shalt  }
0x69: {  	_ =	shalt  }
0x6a: {  	_ =	shalt  }
0x6b: {  	_ =	shalt  }
0x6c: {  	_ =	shalt  }
0x6d: {  	_ =	shalt  }
0x6e: {  	_ =	shalt  }
0x6f: {  	_ =	shalt  }
0x70: {  	_ =	shalt  }
0x71: {  	_ =	shalt  }
0x72: {  	_ =	shalt  }
0x73: {  	_ =	shalt  }
0x74: {  	_ =	shalt  }
0x75: {  	_ =	shalt  }
0x76: {  	_ =	shalt  }
0x77: {  	_ =	shalt  }
0x78: {  	_ =	shalt  }
0x79: {  	_ =	shalt  }
0x7a: {  	_ =	shalt  }
0x7b: {  	_ =	shalt  }
0x7c: {  	_ =	shalt  }
0x7d: {  	_ =	shalt  }
0x7e: {  	_ =	shalt  }
0x7f: {  	_ =	shalt  }
0x80: {  	_ =	shalt  }
0x81: {  	_ =	shalt  }
0x82: {  	_ =	shalt  }
0x83: {  	_ =	shalt  }
0x84: {  	_ =	shalt  }
0x85: {  	_ =	shalt  }
0x86: {  	_ =	shalt  }
0x87: {  	_ =	shalt  }
.Lfunc_end0:
.L_simem_size_0:
called_computation_lowered:
.L_overlay_start_0:
0x88: {  	s2 =	sld [smem:$0x3FD9]  }
0x89: {  	s3 =	sld [smem:$0x3FFE];
	_ =	sdelay $0x1  }
0x8a: {  	s1 =	srdreg.scid  }
0x8b: {  	s0 =	sand.u32 $0x1, s1  }
0x8c: {  	s17 =	sshll.u32 s0, $0xA;
	s2 =	sadd.s32 s3, s2  }
0x8d: {  	s2 =	sadd.s32 s2, s17  }
0x8e: {  	[smem:$0x3FC5] =	sst s2  }
0x8f: {  	_ = 	snop  }
0x90: {  	s2 =	sld [smem:$0x3FC9]  }
0x91: {  	s18 =	sld [smem:$0x3FD0];
	(tm) =	ssettm $0x1  }
0x92: {  	s4 =	sld [smem:$0x3FFB];
	_ =	sdelay $0x3  }
0x93: {  	_ =	strace s4  }
0x94: {  	s4 =	sld [smem:$0x3FFC];
	_ =	sdelay $0x3  }
0x95: {  	_ =	strace s4  }
0x96: {  	s4 =	sld [smem:$0x3FFD];
	_ =	sdelay $0x3  }
0x97: {  	_ =	strace s4  }
0x98: {  	_ =	strace $0x8FFFFFFF  }
0x99: {  	s19 =	sld [smem:$0x3FDB];
	_ =	sdelay $0x1  }
0x9a: {  	s5 =	simm.s32 $_scs_section_size  }
0x9b: {  	s6 =	simm.s32 $_size__tile_overlayer_lowered;
	s7 =	simm.s32 $_tile_overlayer_lowered  }
0x9c: {  	s22 =	simm.s32 $0x1BFF;
	s21 =	sshll.u32 s7, $0x1;
	s4 =	sadd.s32 s5, s19  }
0x9d: {  	s8 =	simm.s32 $0x0;
	s20 =	sshll.u32 s6, $0x1;
	s6 =	sadd.s32 s21, s4  }
0x9e: {  	[timem:s8], [sflag:s22] =	dma.local [hbm:s6], s20  }
0x9f: {  	_ =	swait.ge [sflag:s22], s20  }
0xa0: {  	s5 =	ssub.s32 $0x0, s20;
	[sflag:s22] =	ssyncset.done $0x0  }
0xa1: {  	[sflag:s22] =	ssyncadd.s32 s5;
	_ =	sdelay $0x1  }
0xa2: {  	s23 =	simm.s32 $0x1B8B  }
0xa3: {  	_ =	swait.ge [sflag:s23], $0x1  }
0xa4: {  	[sflag:s23] =	ssyncset.done $0x0  }
0xa5: {  	s25 =	simm.s32 $0x1B8E;
	s24 =	sld [smem:$0x3FFE];
	[sflag:s23] =	ssyncadd.s32 $0xFFFFFFFF  }
0xa6: {  	s26 =	simm.s32 $execute0_lowered;
	[smem:$0x3FD2] =	sst s25  }
0xa7: {  	s6 =	sshll.u32 s26, $0x1;
	_ =	strace $0x80000046;
	[dreg:$0x1] =	wrdreg $0xFFFFFFFF  }
0xa8: {  	s28 =	simm.s32 $_size_execute0_lowered;
	s4 =	sadd.s32 s4, s6;
	[dreg:$0x0] =	wrdreg $0x0  }
0xa9: {  	s6 =	sshll.u32 s28, $0x1;
	[dreg:$0x2] =	wrdreg s4  }
0xaa: {  	[dreg:$0x3] =	wrdreg s6  }
0xab: {  	[dreg:$0x4] =	wrdreg $0xC0  }
0xac: {  	_ =	task [dreg:s8], $0x5FFFF  }
0xad: {  	[dreg:$0x1] =	wrdreg $0xFFFFFFFF  }
0xae: {  	[dreg:$0x0] =	wrdreg $0x60  }
0xaf: {  	[dreg:$0x2] =	wrdreg s2  }
0xb0: {  	[dreg:$0x3] =	wrdreg s24  }
0xb1: {  	[dreg:$0x4] =	wrdreg s18  }
0xb2: {  	[dreg:$0x5] =	wrdreg $0x9  }
0xb3: {  	_ =	task.clear_ibuf [dreg:s8], $0x6FFFF;
	_ =	strace $0x90000046  }
0xb4: {  	s29 =	simm.s32 $0x9;
	_ =	strace $0x80000048  }
0xb5: {  	_ =	swait.ge [sflag:s29], $0x1  }
0xb6: {  	[sflag:s29] =	ssyncadd.s32 $0xFFFFFFFF  }
0xb7: {  	_ =	strace $0x90000048  }
0xb8: {  	_ =	sfence  }
0xb9: {  	s30 =	sld [smem:$0x0];
	_ =	sdelay $0x2  }
0xba: {  	s31 =	sshll.u32 s1, $0xD;
	s1 =	sshrl.u32 s1, $0x2  }
0xbb: {  	s3 =	sand.u32 $0x4000, s31;
	s1 =	sadd.s32 s1, s30  }
0xbc: {  	s0 =	sor.u32 s3, s0;
	s1 =	sshll.u32 s1, $0x11  }
0xbd: {  	s0 =	sor.u32 s1, s0  }
0xbe: {  	s0 =	sadd.s32 $0x8F2B, s0  }
0xbf: {  	[sflag:s0] =	ssyncadd.remote.s32 $0x1  }
0xc0: {  	_ =	sfence.sel $0xFFFF  }
0xc1: {  	[dreg:$0x0] =	wrdreg $0xFFFFFFFF;
	(pc) =	sbr.abs _section_cstart, $3  }
0xc2: {  	[dreg:$0x1] =	wrdreg $0xFFFFFFFF  }
0xc3: {  	_ =	task.clear_ibuf [dreg:s8], $0x2FFFF;
	_ =	strace $0x9FFFFFFF  }
0xc4: {  	(tm) =	ssettm $0x7FFFFFFF  }
0xc5: {  	_ =	shalt  }
tec
execute0_lowered:
.L_overlay_start_1:
0x0: {  	(tag) =	ssettag $0x1  }
0x1: {  	s1 =	rddreg [dreg:$0x0]  }
0x2: {  	s0 =	srdreg.scid;
	s5 =	rddreg [dreg:$0x1]  }
0x3: {  	s2 =	stileid.u32;
	s3 =	rddreg [dreg:$0x2]  }
0x4: {  	s4 =	simm.s32 $0x0;
	s20 =	simm.s32 $0x1;
	s29 =	simm.s32 $0x13E00  }
0x5: {  	s30 =	simm.s32 $0x1BE00;
	s0 =	sand.u32 $0x1, s0;
	s2 =	sshll.u32 s2, $0x1  }
0x6: {  	s31 =	simm.s32 $0x5;
	s28 =	simm.s32 $0x6;
	s2 =	sor.u32 s0, s2  }
0x7: {  	s19 =	simm.s32 $0x4;
	[smem:$0x7FF] =	sst s4;
	s6 =	smul.u32 $0xF00, s2  }
0x8: {  	s16 =	sadd.s32 $0x280000, s1;
	s17 =	sadd.s32 $0x280000, s3;
	s9 =	smul.u32 $0x14000, s2  }
0x9: {  	s0 =	ssub.s32 $0x2, s0;
	_ =	strace $0x80000047;
	s23 =	smul.u32 $0x1E0000, s2  }
0xa: {  	s21 =	sshrl.u32 s0, $0x1;
	s15 =	smul.u32 $0xA0000, s2;
	p0 =	sne.s32 s2, $0x0  }
0xb: {  	s2 =	simm.s32 $0x3;
	s0 =	ssub.s32 s0, s21;
	s21 =	simm.s32 $0x2  }
0xc: {  	s7 =	sshrl.u32 s6, $0x3;
	s8 =	sadd.s32 s1, s9;
	s24 =	sor.u32 $0x400, s9  }
0xd: {  	s9 =	sadd.s32 s3, s9;
	s18 =	smax.u32 s0, $0x1;
	s0 =	simm.s32 $0x7  }
0xe: {  	s5 =	sadd.s32 s7, s5;
	s7 =	sadd.s32 $0xA002, s6;
	s11 =	sadd.s32 s1, s24  }
0xf: {  	[dreg:$0x8] =	wrdreg s9;
	s25 =	sadd.s32 $0x800, s8;
	s26 =	sadd.s32 s3, s24  }
0x10: {  	s24 =	simm.s32 $0x8;
	s22 =	sadd.s32 $0x400, s5;
	[dreg:$0x6] =	wrdreg s11  }
0x11: {  	s5 =	sadd.s32 $0x4000, s5;
	s10 =	sshll.u32 s7, $0x6;
	[dreg:$0x9] =	wrdreg s25  }
0x12: {  	[dreg:$0xb] =	wrdreg s26;
	s11 =	simm.s32 $0x7E00;
	s25 =	simm.s32 $0x19E00  }
0x13: {  	s26 =	simm.s32 $0xDE00;
	[dreg:$0x5] =	wrdreg s5;
	s5 =	sshrl.u32 s23, $0x3  }
0x14: {  	[dreg:$0x4] =	wrdreg s22;
	s10 =	sadd.s32 s3, s10;
	s5 =	sadd.s32 s3, s5  }
0x15: {  	s22 =	simm.s32 $0x30;
	[dreg:$0x7] =	wrdreg s10;
	s5 =	sadd.s32 $0x280C80, s5  }
0x16: {  	s23 =	simm.s32 $0x1E00;
	[dreg:$0xa] =	wrdreg s5;
	s5 =	simm.s32 $0x0  }
.LBB2_1:
0x17: {  	s6 =	rddreg [dreg:$0x4]  }
0x18: {  	[tilespmem:s4], [sflag:$0x1] =	stream.linear.gather [hbm4b:s6+s4], $0xF00, $0x38;
	[tilespmem:$0x1DE00] =	vst v63  }
0x19: {  	s12 =	rddreg [dreg:$0x5];
	s9 =	simm.s32 $0xF00  }
0x1a: {  	[tilespmem:s9], [sflag:$0x2] =	stream.linear.gather [hbm4b:s12+s4], $0xF00, $0x38;
	[tilespmem:$0x1DE00] =	vst v63  }
0x1b: {  	_ =	swait.ge [sflag:s20], $0xF00  }
0x1c: {  	[sflag:s20] =	ssyncset.done $0x0  }
0x1d: {  	[sflag:s20] =	ssyncadd.s32 $0xFFFFF100  }
0x1e: {  	_ =	swait.ge [sflag:s21], $0xF00  }
0x1f: {  	[sflag:s21] =	ssyncset.done $0x0  }
0x20: {  	[sflag:s21] =	ssyncadd.s32 $0xFFFFF100  }
0x21: {  	[tilespmem:s23], [sflag:$0x1] =	stream.indirect.gather [hbm4b:s1+s22], $0x200, s4, s22, $0xb8;
	[tilespmem:$0x1DE00] =	vst v63  }
0x22: {  	_ = 	snop  }
0x23: {  	[tilespmem:s11], [sflag:$0x1] =	stream.indirect.gather [hbm4b:s1+s22], $0x200, s9, s22, $0xb8;
	[tilespmem:$0x1DE00] =	vst v63  }
0x24: {  	_ = 	snop  }
0x25: {  	[tilespmem:s25], [sflag:$0x5] =	stream.linear.gather [hbm4b:s8+s4], $0x2000, $0x38;
	[tilespmem:$0x1DE00] =	vst v63  }
0x26: {  	_ = 	snop  }
0x27: {  	[tilespmem:s26], [sflag:$0x2] =	stream.indirect.gather [hbm4b:s1+s22], $0x200, s22, s22, $0xb8;
	[tilespmem:$0x1DE00] =	vst v63  }
0x28: {  	s13 =	simm.s32 $0xF30  }
0x29: {  	[tilespmem:s29], [sflag:$0x2] =	stream.indirect.gather [hbm4b:s1+s22], $0x200, s13, s22, $0xb8;
	[tilespmem:$0x1DE00] =	vst v63  }
0x2a: {  	s14 =	rddreg [dreg:$0x6]  }
0x2b: {  	[tilespmem:s30], [sflag:$0x6] =	stream.linear.gather [hbm4b:s14+s4], $0x2000, $0x38;
	[tilespmem:$0x1DE00] =	vst v63  }
0x2c: {  	_ =	swait.ge [sflag:s20], $0x6000  }
0x2d: {  	[sflag:s20] =	ssyncset.done $0x0  }
0x2e: {  	[sflag:s20] =	ssyncadd.s32 $0xFFFFA000  }
0x2f: {  	_ =	swait.ge [sflag:s20], $0x6000  }
0x30: {  	[sflag:s20] =	ssyncset.done $0x0  }
0x31: {  	s6 =	simm.s32 $0x0;
	[sflag:s20] =	ssyncadd.s32 $0xFFFFA000  }
0x32: {  	v6 =	vld [tilespmem:s6+$0x7E00]  }
0x33: {  	v7 =	vld [tilespmem:s6+$0x7E10]  }
0x34: {  	v8 =	vld [tilespmem:s6+$0x7E20]  }
0x35: {  	v9 =	vld [tilespmem:s6+$0x7E30]  }
0x36: {  	v10 =	vld [tilespmem:s6+$0x7E40]  }
0x37: {  	v11 =	vld [tilespmem:s6+$0x7E50]  }
0x38: {  	v12 =	vld [tilespmem:s6+$0x7E60]  }
0x39: {  	v13 =	vld [tilespmem:s6+$0x7E70]  }
0x3a: {  	v14 =	vld [tilespmem:s6+$0x7E80]  }
0x3b: {  	v15 =	vld [tilespmem:s6+$0x7E90]  }
0x3c: {  	v16 =	vld [tilespmem:s6+$0x7EA0]  }
0x3d: {  	v17 =	vld [tilespmem:s6+$0x7EB0]  }
0x3e: {  	v18 =	vld [tilespmem:s6+$0x7EC0]  }
0x3f: {  	v19 =	vld [tilespmem:s6+$0x7ED0]  }
0x40: {  	v20 =	vld [tilespmem:s6+$0x7EE0]  }
0x41: {  	v21 =	vld [tilespmem:s6+$0x7EF0]  }
0x42: {  	v22 =	vld [tilespmem:s6+$0x7F00]  }
0x43: {  	v23 =	vld [tilespmem:s6+$0x7F10]  }
0x44: {  	v24 =	vld [tilespmem:s6+$0x7F20]  }
0x45: {  	v25 =	vld [tilespmem:s6+$0x7F30]  }
0x46: {  	v26 =	vld [tilespmem:s6+$0x7F40]  }
0x47: {  	v27 =	vld [tilespmem:s6+$0x7F50]  }
0x48: {  	v28 =	vld [tilespmem:s6+$0x7F60]  }
0x49: {  	v29 =	vld [tilespmem:s6+$0x7F70]  }
0x4a: {  	v30 =	vld [tilespmem:s6+$0x7F80]  }
0x4b: {  	v31 =	vld [tilespmem:s6+$0x7F90]  }
0x4c: {  	v5 =	vld [tilespmem:s6+$0x7FA0]  }
0x4d: {  	v4 =	vld [tilespmem:s6+$0x7FB0]  }
0x4e: {  	v3 =	vld [tilespmem:s6+$0x7FC0]  }
0x4f: {  	v2 =	vld [tilespmem:s6+$0x7FD0]  }
0x50: {  	v1 =	vld [tilespmem:s6+$0x7FE0]  }
0x51: {  	v32 =	vld [tilespmem:s6+$0x1E00]  }
0x52: {  	v33 =	vld [tilespmem:s6+$0x1E10]  }
0x53: {  	v34 =	vld [tilespmem:s6+$0x1E20]  }
0x54: {  	v35 =	vld [tilespmem:s6+$0x1E30]  }
0x55: {  	v36 =	vld [tilespmem:s6+$0x1E40]  }
0x56: {  	v61 =	vld [tilespmem:s6+$0x1E50];
	v6 =	vadd.f32 v6, v32  }
0x57: {  	v37 =	vld [tilespmem:s6+$0x1E60];
	v7 =	vadd.f32 v7, v33  }
0x58: {  	v62 =	vld [tilespmem:s6+$0x1E70];
	v8 =	vadd.f32 v8, v34;
	v6 =	vmul.f32 $5.000000000e-01, v6  }
0x59: {  	v38 =	vld [tilespmem:s6+$0x1E80];
	v9 =	vadd.f32 v9, v35;
	v7 =	vmul.f32 $5.000000000e-01, v7  }
0x5a: {  	v10 =	vadd.f32 v10, v36;
	v8 =	vmul.f32 $5.000000000e-01, v8;
	[tilespmem:s6+$0x1E00] =	vst v6;
	v6 =	vld [tilespmem:s6+$0x1E90]  }
0x5b: {  	v11 =	vadd.f32 v11, v61;
	v9 =	vmul.f32 $5.000000000e-01, v9;
	[tilespmem:s6+$0x1E10] =	vst v7;
	v7 =	vld [tilespmem:s6+$0x1EA0]  }
0x5c: {  	v12 =	vadd.f32 v12, v37;
	v10 =	vmul.f32 $5.000000000e-01, v10;
	[tilespmem:s6+$0x1E20] =	vst v8;
	v8 =	vld [tilespmem:s6+$0x1EB0]  }
0x5d: {  	v13 =	vadd.f32 v13, v62;
	v11 =	vmul.f32 $5.000000000e-01, v11;
	[tilespmem:s6+$0x1E30] =	vst v9;
	v9 =	vld [tilespmem:s6+$0x1EC0]  }
0x5e: {  	v14 =	vadd.f32 v14, v38;
	v12 =	vmul.f32 $5.000000000e-01, v12;
	[tilespmem:s6+$0x1E40] =	vst v10;
	v10 =	vld [tilespmem:s6+$0x1ED0]  }
0x5f: {  	v0 =	vld [tilespmem:s6+$0x7FF0];
	v13 =	vmul.f32 $5.000000000e-01, v13;
	[tilespmem:s6+$0x1E50] =	vst v11;
	v6 =	vadd.f32 v15, v6  }
0x60: {  	v14 =	vmul.f32 $5.000000000e-01, v14;
	v11 =	vld [tilespmem:s6+$0x1EE0];
	[tilespmem:s6+$0x1E60] =	vst v12;
	v7 =	vadd.f32 v16, v7  }
0x61: {  	v12 =	vld [tilespmem:s6+$0x1EF0];
	[tilespmem:s6+$0x1E70] =	vst v13;
	v8 =	vadd.f32 v17, v8;
	v6 =	vmul.f32 $5.000000000e-01, v6  }
0x62: {  	v13 =	vld [tilespmem:s6+$0x1F00];
	[tilespmem:s6+$0x1E80] =	vst v14;
	v9 =	vadd.f32 v18, v9;
	v7 =	vmul.f32 $5.000000000e-01, v7  }
0x63: {  	v10 =	vadd.f32 v19, v10;
	v8 =	vmul.f32 $5.000000000e-01, v8;
	[tilespmem:s6+$0x1E90] =	vst v6;
	v6 =	vld [tilespmem:s6+$0x1F20]  }
0x64: {  	v14 =	vld [tilespmem:s6+$0x1F10];
	v9 =	vmul.f32 $5.000000000e-01, v9;
	[tilespmem:s6+$0x1EA0] =	vst v7  }
0x65: {  	v11 =	vadd.f32 v20, v11;
	v10 =	vmul.f32 $5.000000000e-01, v10;
	v7 =	vld [tilespmem:s6+$0x1F30];
	[tilespmem:s6+$0x1EB0] =	vst v8  }
0x66: {  	v8 =	vld [tilespmem:s6+$0x1F40];
	[tilespmem:s6+$0x1EC0] =	vst v9;
	v9 =	vadd.f32 v21, v12  }
0x67: {  	v15 =	vld [tilespmem:s6+$0x1F50];
	v11 =	vmul.f32 $5.000000000e-01, v11;
	[tilespmem:s6+$0x1ED0] =	vst v10;
	v10 =	vadd.f32 v22, v13  }
0x68: {  	v12 =	vld [tilespmem:s6+$0x1F60];
	v9 =	vmul.f32 $5.000000000e-01, v9;
	v6 =	vadd.f32 v24, v6  }
0x69: {  	[tilespmem:s6+$0x1EE0] =	vst v11;
	v11 =	vld [tilespmem:s6+$0x1F70];
	v13 =	vadd.f32 v23, v14;
	v10 =	vmul.f32 $5.000000000e-01, v10  }
0x6a: {  	v14 =	vld [tilespmem:s6+$0x1F80];
	[tilespmem:s6+$0x1EF0] =	vst v9;
	v7 =	vadd.f32 v25, v7;
	v6 =	vmul.f32 $5.000000000e-01, v6  }
0x6b: {  	v63 =	vld [tilespmem:s6+$0x1F90];
	v9 =	vmul.f32 $5.000000000e-01, v13;
	[tilespmem:s6+$0x1F00] =	vst v10;
	v8 =	vadd.f32 v26, v8  }
0x6c: {  	v10 =	vld [tilespmem:s6+$0x1FA0];
	v7 =	vmul.f32 $5.000000000e-01, v7;
	[tilespmem:s6+$0x1F20] =	vst v6;
	v6 =	vadd.f32 v27, v15  }
0x6d: {  	v12 =	vadd.f32 v28, v12;
	[tilespmem:s6+$0x1F10] =	vst v9;
	v9 =	vld [tilespmem:s6+$0x1FB0];
	v13 =	vmul.f32 $5.000000000e-01, v8  }
0x6e: {  	v11 =	vadd.f32 v29, v11;
	v8 =	vld [tilespmem:s6+$0x1FC0];
	[tilespmem:s6+$0x1F30] =	vst v7;
	v6 =	vmul.f32 $5.000000000e-01, v6  }
0x6f: {  	v14 =	vadd.f32 v30, v14;
	[tilespmem:s6+$0x1F40] =	vst v13;
	v7 =	vld [tilespmem:s6+$0x1FD0];
	v13 =	vmul.f32 $5.000000000e-01, v12  }
0x70: {  	s9 =	simm.s32 $0x800;
	v11 =	vmul.f32 $5.000000000e-01, v11;
	v12 =	vadd.f32 v31, v63;
	[tilespmem:s6+$0x1F50] =	vst v6;
	v6 =	vld [tilespmem:s6+$0x1FE0]  }
.LBB2_2:
0x71: {  	s10 =	sshra.s32 s9, $0x2;
	p1 =	sne.s32 s9, $0x17800;
	[tilespmem:s6+$0x1F60] =	vst v13;
	v13 =	vmul.f32 $5.000000000e-01, v14;
	v5 =	vadd.f32 v5, v10;
	v10 =	vld [tilespmem:s6+$0x1FF0]  }
0x72: {  	v14 =	vld [tilespmem:s10+$0x7E00];
	[tilespmem:s6+$0x1F70] =	vst v11;
	v11 =	vmul.f32 $5.000000000e-01, v12;
	v4 =	vadd.f32 v4, v9  }
0x73: {  	v12 =	vld [tilespmem:s10+$0x7E10];
	[tilespmem:s6+$0x1F80] =	vst v13;
	v5 =	vmul.f32 $5.000000000e-01, v5;
	v3 =	vadd.f32 v3, v8  }
0x74: {  	v13 =	vld [tilespmem:s10+$0x7E20];
	[tilespmem:s6+$0x1F90] =	vst v11;
	v4 =	vmul.f32 $5.000000000e-01, v4;
	v2 =	vadd.f32 v2, v7  }
0x75: {  	v15 =	vld [tilespmem:s10+$0x7E30];
	[tilespmem:s6+$0x1FA0] =	vst v5;
	v3 =	vmul.f32 $5.000000000e-01, v3;
	v1 =	vadd.f32 v1, v6  }
0x76: {  	v16 =	vld [tilespmem:s10+$0x7E40];
	[tilespmem:s6+$0x1FB0] =	vst v4;
	v2 =	vmul.f32 $5.000000000e-01, v2;
	v0 =	vadd.f32 v0, v10  }
0x77: {  	v17 =	vld [tilespmem:s10+$0x7E50];
	[tilespmem:s6+$0x1FC0] =	vst v3;
	v1 =	vmul.f32 $5.000000000e-01, v1  }
0x78: {  	v18 =	vld [tilespmem:s10+$0x7E60];
	[tilespmem:s6+$0x1FD0] =	vst v2;
	v0 =	vmul.f32 $5.000000000e-01, v0  }
0x79: {  	v19 =	vld [tilespmem:s10+$0x7E70];
	[tilespmem:s6+$0x1FE0] =	vst v1  }
0x7a: {  	v20 =	vld [tilespmem:s10+$0x7E80];
	[tilespmem:s6+$0x1FF0] =	vst v0;
	s6 =	smov.u32 s10  }
0x7b: {  	v21 =	vld [tilespmem:s6+$0x7E90]  }
0x7c: {  	v22 =	vld [tilespmem:s6+$0x7EA0]  }
0x7d: {  	v23 =	vld [tilespmem:s6+$0x7EB0]  }
0x7e: {  	v24 =	vld [tilespmem:s6+$0x7EC0]  }
0x7f: {  	v25 =	vld [tilespmem:s6+$0x7ED0]  }
0x80: {  	v26 =	vld [tilespmem:s6+$0x7EE0]  }
0x81: {  	v27 =	vld [tilespmem:s6+$0x7EF0]  }
0x82: {  	v28 =	vld [tilespmem:s6+$0x7F00]  }
0x83: {  	v29 =	vld [tilespmem:s6+$0x7F10]  }
0x84: {  	v30 =	vld [tilespmem:s6+$0x7F20]  }
0x85: {  	v31 =	vld [tilespmem:s6+$0x7F30]  }
0x86: {  	v11 =	vld [tilespmem:s6+$0x7F40]  }
0x87: {  	v10 =	vld [tilespmem:s6+$0x7F50]  }
0x88: {  	v9 =	vld [tilespmem:s6+$0x7F60]  }
0x89: {  	v8 =	vld [tilespmem:s6+$0x7F70]  }
0x8a: {  	v7 =	vld [tilespmem:s6+$0x7F80]  }
0x8b: {  	v6 =	vld [tilespmem:s6+$0x7F90]  }
0x8c: {  	v5 =	vld [tilespmem:s6+$0x7FA0]  }
0x8d: {  	v4 =	vld [tilespmem:s6+$0x7FB0]  }
0x8e: {  	v3 =	vld [tilespmem:s6+$0x7FC0]  }
0x8f: {  	v2 =	vld [tilespmem:s6+$0x7FD0]  }
0x90: {  	v1 =	vld [tilespmem:s6+$0x7FE0]  }
0x91: {  	v0 =	vld [tilespmem:s6+$0x7FF0]  }
0x92: {  	v32 =	vld [tilespmem:s6+$0x1E00]  }
0x93: {  	v33 =	vld [tilespmem:s6+$0x1E10]  }
0x94: {  	v34 =	vld [tilespmem:s6+$0x1E20]  }
0x95: {  	v35 =	vld [tilespmem:s6+$0x1E30]  }
0x96: {  	v36 =	vld [tilespmem:s6+$0x1E40]  }
0x97: {  	v14 =	vadd.f32 v14, v32;
	v32 =	vld [tilespmem:s6+$0x1E50]  }
0x98: {  	v12 =	vadd.f32 v12, v33;
	v33 =	vld [tilespmem:s6+$0x1E60]  }
0x99: {  	v14 =	vmul.f32 $5.000000000e-01, v14;
	v13 =	vadd.f32 v13, v34;
	v34 =	vld [tilespmem:s6+$0x1E70]  }
0x9a: {  	v12 =	vmul.f32 $5.000000000e-01, v12;
	v15 =	vadd.f32 v15, v35;
	v35 =	vld [tilespmem:s6+$0x1E80]  }
0x9b: {  	[tilespmem:s6+$0x1E00] =	vst v14;
	v13 =	vmul.f32 $5.000000000e-01, v13;
	v14 =	vadd.f32 v16, v36;
	v16 =	vld [tilespmem:s6+$0x1E90]  }
0x9c: {  	[tilespmem:s6+$0x1E10] =	vst v12;
	v12 =	vmul.f32 $5.000000000e-01, v15;
	v15 =	vadd.f32 v17, v32;
	v17 =	vld [tilespmem:s6+$0x1EA0]  }
0x9d: {  	[tilespmem:s6+$0x1E20] =	vst v13;
	v13 =	vmul.f32 $5.000000000e-01, v14;
	v14 =	vadd.f32 v18, v33;
	v18 =	vld [tilespmem:s6+$0x1EB0]  }
0x9e: {  	[tilespmem:s6+$0x1E30] =	vst v12;
	v12 =	vmul.f32 $5.000000000e-01, v15;
	v15 =	vadd.f32 v19, v34;
	v19 =	vld [tilespmem:s6+$0x1EC0]  }
0x9f: {  	[tilespmem:s6+$0x1E40] =	vst v13;
	v13 =	vmul.f32 $5.000000000e-01, v14;
	v14 =	vadd.f32 v20, v35;
	v20 =	vld [tilespmem:s6+$0x1ED0]  }
0xa0: {  	[tilespmem:s6+$0x1E50] =	vst v12;
	v12 =	vmul.f32 $5.000000000e-01, v15;
	v15 =	vadd.f32 v21, v16;
	v16 =	vld [tilespmem:s6+$0x1EE0]  }
0xa1: {  	[tilespmem:s6+$0x1E60] =	vst v13;
	v13 =	vmul.f32 $5.000000000e-01, v14;
	v14 =	vadd.f32 v22, v17;
	v17 =	vld [tilespmem:s6+$0x1EF0]  }
0xa2: {  	[tilespmem:s6+$0x1E70] =	vst v12;
	v12 =	vmul.f32 $5.000000000e-01, v15;
	v15 =	vadd.f32 v23, v18;
	v18 =	vld [tilespmem:s6+$0x1F00]  }
0xa3: {  	[tilespmem:s6+$0x1E80] =	vst v13;
	v13 =	vmul.f32 $5.000000000e-01, v14;
	v14 =	vadd.f32 v24, v19;
	v19 =	vld [tilespmem:s6+$0x1F10]  }
0xa4: {  	[tilespmem:s6+$0x1E90] =	vst v12;
	v12 =	vmul.f32 $5.000000000e-01, v15;
	v15 =	vadd.f32 v25, v20;
	v20 =	vld [tilespmem:s6+$0x1F20]  }
0xa5: {  	[tilespmem:s6+$0x1EA0] =	vst v13;
	v13 =	vmul.f32 $5.000000000e-01, v14;
	v14 =	vadd.f32 v26, v16;
	v16 =	vld [tilespmem:s6+$0x1F30]  }
0xa6: {  	[tilespmem:s6+$0x1EB0] =	vst v12;
	v12 =	vmul.f32 $5.000000000e-01, v15;
	v15 =	vadd.f32 v27, v17;
	v17 =	vld [tilespmem:s6+$0x1F40]  }
0xa7: {  	[tilespmem:s6+$0x1EC0] =	vst v13;
	v13 =	vmul.f32 $5.000000000e-01, v14;
	v14 =	vadd.f32 v28, v18;
	v18 =	vld [tilespmem:s6+$0x1F50]  }
0xa8: {  	[tilespmem:s6+$0x1ED0] =	vst v12;
	v12 =	vmul.f32 $5.000000000e-01, v15;
	v15 =	vadd.f32 v29, v19;
	v19 =	vld [tilespmem:s6+$0x1F60]  }
0xa9: {  	[tilespmem:s6+$0x1EE0] =	vst v13;
	v13 =	vmul.f32 $5.000000000e-01, v14;
	v14 =	vadd.f32 v30, v20;
	v20 =	vld [tilespmem:s6+$0x1F70]  }
0xaa: {  	[tilespmem:s6+$0x1EF0] =	vst v12;
	v12 =	vmul.f32 $5.000000000e-01, v15;
	v15 =	vadd.f32 v31, v16;
	v16 =	vld [tilespmem:s6+$0x1F80]  }
0xab: {  	[tilespmem:s6+$0x1F00] =	vst v13;
	v13 =	vmul.f32 $5.000000000e-01, v14;
	v11 =	vadd.f32 v11, v17;
	v17 =	vld [tilespmem:s6+$0x1F90]  }
.Ltmp0:
0xac: {  	[tilespmem:s6+$0x1F10] =	vst v12;
	v12 =	vmul.f32 $5.000000000e-01, v15;
	v14 =	vadd.f32 v10, v18;
	v10 =	vld [tilespmem:s6+$0x1FA0];
	(pc) =	sbr.rel @p1 .LBB2_2-.Ltmp0, $4  }
0xad: {  	[tilespmem:s6+$0x1F20] =	vst v13;
	v11 =	vmul.f32 $5.000000000e-01, v11;
	v13 =	vadd.f32 v9, v19;
	v9 =	vld [tilespmem:s6+$0x1FB0]  }
0xae: {  	[tilespmem:s6+$0x1F30] =	vst v12;
	v12 =	vmul.f32 $5.000000000e-01, v14;
	v15 =	vadd.f32 v8, v20;
	v8 =	vld [tilespmem:s6+$0x1FC0]  }
0xaf: {  	[tilespmem:s6+$0x1F40] =	vst v11;
	v13 =	vmul.f32 $5.000000000e-01, v13;
	v14 =	vadd.f32 v7, v16;
	v7 =	vld [tilespmem:s6+$0x1FD0]  }
0xb0: {  	s9 =	sadd.s32 $0x800, s9;
	[tilespmem:s6+$0x1F50] =	vst v12;
	v11 =	vmul.f32 $5.000000000e-01, v15;
	v12 =	vadd.f32 v6, v17;
	v6 =	vld [tilespmem:s6+$0x1FE0]  }
0xb1: {  	[tilespmem:s6+$0x1F60] =	vst v13;
	v13 =	vmul.f32 $5.000000000e-01, v14;
	v5 =	vadd.f32 v5, v10;
	v10 =	vld [tilespmem:s6+$0x1FF0]  }
0xb2: {  	[tilespmem:s6+$0x1F70] =	vst v11;
	v11 =	vmul.f32 $5.000000000e-01, v12;
	v4 =	vadd.f32 v4, v9  }
0xb3: {  	[tilespmem:s6+$0x1F80] =	vst v13;
	v5 =	vmul.f32 $5.000000000e-01, v5;
	v3 =	vadd.f32 v3, v8  }
0xb4: {  	[tilespmem:s6+$0x1F90] =	vst v11;
	v4 =	vmul.f32 $5.000000000e-01, v4;
	v2 =	vadd.f32 v2, v7  }
0xb5: {  	[tilespmem:s6+$0x1FA0] =	vst v5;
	v3 =	vmul.f32 $5.000000000e-01, v3;
	v1 =	vadd.f32 v1, v6  }
0xb6: {  	[tilespmem:s6+$0x1FB0] =	vst v4;
	v2 =	vmul.f32 $5.000000000e-01, v2;
	v0 =	vadd.f32 v0, v10  }
0xb7: {  	[tilespmem:s6+$0x1FC0] =	vst v3;
	v1 =	vmul.f32 $5.000000000e-01, v1  }
0xb8: {  	[tilespmem:s6+$0x1FD0] =	vst v2;
	v0 =	vmul.f32 $5.000000000e-01, v0  }
0xb9: {  	[tilespmem:s6+$0x1FE0] =	vst v1  }
0xba: {  	s9 =	rddreg [dreg:$0x7];
	[tilespmem:s6+$0x1FF0] =	vst v0;
	s6 =	simm.s32 $0x0  }
0xbb: {  	[hbm4b:s9+s6] =	stream.linear.scatter [tilespmem:s23], [sflag:$0x3], $0x6000, $0x38;
	[tilespmem:$0x1DE00] =	vst v63  }
0xbc: {  	_ =	swait.ge [sflag:s31], $0x2000  }
0xbd: {  	[sflag:s31] =	ssyncset.done $0x0  }
0xbe: {  	s10 =	rddreg [dreg:$0x8];
	[sflag:s31] =	ssyncadd.s32 $0xFFFFE000  }
0xbf: {  	[hbm4b:s10+s6] =	stream.linear.scatter [tilespmem:s25], [sflag:$0x7], $0x2000, $0x38;
	[tilespmem:$0x1DE00] =	vst v63  }
0xc0: {  	_ =	swait.ge [sflag:s2], $0x6000  }
0xc1: {  	[sflag:s2] =	ssyncset.done $0x0  }
0xc2: {  	[sflag:s2] =	ssyncadd.s32 $0xFFFFA000  }
0xc3: {  	_ =	swait.ge [sflag:s0], $0x2000  }
0xc4: {  	[sflag:s0] =	ssyncset.done $0x0  }
0xc5: {  	s12 =	simm.s32 $0x60;
	[sflag:s0] =	ssyncadd.s32 $0xFFFFE000  }
0xc6: {  	[tilespmem:s23], [sflag:$0x1] =	stream.indirect.gather [hbm4b:s1+s22], $0x200, s12, s22, $0xb8;
	[tilespmem:$0x1DE00] =	vst v63  }
0xc7: {  	s13 =	simm.s32 $0xF60  }
0xc8: {  	[tilespmem:s11], [sflag:$0x1] =	stream.indirect.gather [hbm4b:s1+s22], $0x200, s13, s22, $0xb8;
	[tilespmem:$0x1DE00] =	vst v63  }
0xc9: {  	s14 =	rddreg [dreg:$0x9]  }
0xca: {  	[tilespmem:s25], [sflag:$0x5] =	stream.linear.gather [hbm4b:s14+s6], $0x2000, $0x38;
	[tilespmem:$0x1DE00] =	vst v63  }
0xcb: {  	_ =	swait.ge [sflag:s21], $0x6000  }
0xcc: {  	[sflag:s21] =	ssyncset.done $0x0  }
0xcd: {  	[sflag:s21] =	ssyncadd.s32 $0xFFFFA000  }
0xce: {  	_ =	swait.ge [sflag:s21], $0x6000  }
0xcf: {  	[sflag:s21] =	ssyncset.done $0x0  }
0xd0: {  	s6 =	simm.s32 $0x0;
	[sflag:s21] =	ssyncadd.s32 $0xFFFFA000  }
0xd1: {  	v6 =	vld [tilespmem:s6+$0x13E00]  }
0xd2: {  	v7 =	vld [tilespmem:s6+$0x13E10]  }
0xd3: {  	v8 =	vld [tilespmem:s6+$0x13E20]  }
0xd4: {  	v9 =	vld [tilespmem:s6+$0x13E30]  }
0xd5: {  	v10 =	vld [tilespmem:s6+$0x13E40]  }
0xd6: {  	v11 =	vld [tilespmem:s6+$0x13E50]  }
0xd7: {  	v12 =	vld [tilespmem:s6+$0x13E60]  }
0xd8: {  	v13 =	vld [tilespmem:s6+$0x13E70]  }
0xd9: {  	v14 =	vld [tilespmem:s6+$0x13E80]  }
0xda: {  	v15 =	vld [tilespmem:s6+$0x13E90]  }
0xdb: {  	v16 =	vld [tilespmem:s6+$0x13EA0]  }
0xdc: {  	v17 =	vld [tilespmem:s6+$0x13EB0]  }
0xdd: {  	v18 =	vld [tilespmem:s6+$0x13EC0]  }
0xde: {  	v19 =	vld [tilespmem:s6+$0x13ED0]  }
0xdf: {  	v20 =	vld [tilespmem:s6+$0x13EE0]  }
0xe0: {  	v21 =	vld [tilespmem:s6+$0x13EF0]  }
0xe1: {  	v22 =	vld [tilespmem:s6+$0x13F00]  }
0xe2: {  	v23 =	vld [tilespmem:s6+$0x13F10]  }
0xe3: {  	v24 =	vld [tilespmem:s6+$0x13F20]  }
0xe4: {  	v25 =	vld [tilespmem:s6+$0x13F30]  }
0xe5: {  	v26 =	vld [tilespmem:s6+$0x13F40]  }
0xe6: {  	v27 =	vld [tilespmem:s6+$0x13F50]  }
0xe7: {  	v28 =	vld [tilespmem:s6+$0x13F60]  }
0xe8: {  	v29 =	vld [tilespmem:s6+$0x13F70]  }
0xe9: {  	v30 =	vld [tilespmem:s6+$0x13F80]  }
0xea: {  	v31 =	vld [tilespmem:s6+$0x13F90]  }
0xeb: {  	v5 =	vld [tilespmem:s6+$0x13FA0]  }
0xec: {  	v4 =	vld [tilespmem:s6+$0x13FB0]  }
0xed: {  	v3 =	vld [tilespmem:s6+$0x13FC0]  }
0xee: {  	v2 =	vld [tilespmem:s6+$0x13FD0]  }
0xef: {  	v1 =	vld [tilespmem:s6+$0x13FE0]  }
0xf0: {  	v32 =	vld [tilespmem:s6+$0xDE00]  }
0xf1: {  	v33 =	vld [tilespmem:s6+$0xDE10]  }
0xf2: {  	v34 =	vld [tilespmem:s6+$0xDE20]  }
0xf3: {  	v35 =	vld [tilespmem:s6+$0xDE30]  }
0xf4: {  	v36 =	vld [tilespmem:s6+$0xDE40]  }
0xf5: {  	v61 =	vld [tilespmem:s6+$0xDE50];
	v6 =	vadd.f32 v6, v32  }
0xf6: {  	v37 =	vld [tilespmem:s6+$0xDE60];
	v7 =	vadd.f32 v7, v33  }
0xf7: {  	v62 =	vld [tilespmem:s6+$0xDE70];
	v8 =	vadd.f32 v8, v34;
	v6 =	vmul.f32 $5.000000000e-01, v6  }
0xf8: {  	v38 =	vld [tilespmem:s6+$0xDE80];
	v9 =	vadd.f32 v9, v35;
	v7 =	vmul.f32 $5.000000000e-01, v7  }
0xf9: {  	v10 =	vadd.f32 v10, v36;
	v8 =	vmul.f32 $5.000000000e-01, v8;
	[tilespmem:s6+$0xDE00] =	vst v6;
	v6 =	vld [tilespmem:s6+$0xDE90]  }
0xfa: {  	v11 =	vadd.f32 v11, v61;
	v9 =	vmul.f32 $5.000000000e-01, v9;
	[tilespmem:s6+$0xDE10] =	vst v7;
	v7 =	vld [tilespmem:s6+$0xDEA0]  }
0xfb: {  	v12 =	vadd.f32 v12, v37;
	v10 =	vmul.f32 $5.000000000e-01, v10;
	[tilespmem:s6+$0xDE20] =	vst v8;
	v8 =	vld [tilespmem:s6+$0xDEB0]  }
0xfc: {  	v13 =	vadd.f32 v13, v62;
	v11 =	vmul.f32 $5.000000000e-01, v11;
	[tilespmem:s6+$0xDE30] =	vst v9;
	v9 =	vld [tilespmem:s6+$0xDEC0]  }
0xfd: {  	v14 =	vadd.f32 v14, v38;
	v12 =	vmul.f32 $5.000000000e-01, v12;
	[tilespmem:s6+$0xDE40] =	vst v10;
	v10 =	vld [tilespmem:s6+$0xDED0]  }
0xfe: {  	v0 =	vld [tilespmem:s6+$0x13FF0];
	v13 =	vmul.f32 $5.000000000e-01, v13;
	[tilespmem:s6+$0xDE50] =	vst v11;
	v6 =	vadd.f32 v15, v6  }
0xff: {  	v14 =	vmul.f32 $5.000000000e-01, v14;
	v11 =	vld [tilespmem:s6+$0xDEE0];
	[tilespmem:s6+$0xDE60] =	vst v12;
	v7 =	vadd.f32 v16, v7  }
0x100: {  	v12 =	vld [tilespmem:s6+$0xDEF0];
	[tilespmem:s6+$0xDE70] =	vst v13;
	v8 =	vadd.f32 v17, v8;
	v6 =	vmul.f32 $5.000000000e-01, v6  }
0x101: {  	v13 =	vld [tilespmem:s6+$0xDF00];
	[tilespmem:s6+$0xDE80] =	vst v14;
	v9 =	vadd.f32 v18, v9;
	v7 =	vmul.f32 $5.000000000e-01, v7  }
0x102: {  	v10 =	vadd.f32 v19, v10;
	v8 =	vmul.f32 $5.000000000e-01, v8;
	[tilespmem:s6+$0xDE90] =	vst v6;
	v6 =	vld [tilespmem:s6+$0xDF20]  }
0x103: {  	v14 =	vld [tilespmem:s6+$0xDF10];
	v9 =	vmul.f32 $5.000000000e-01, v9;
	[tilespmem:s6+$0xDEA0] =	vst v7  }
0x104: {  	v11 =	vadd.f32 v20, v11;
	v10 =	vmul.f32 $5.000000000e-01, v10;
	v7 =	vld [tilespmem:s6+$0xDF30];
	[tilespmem:s6+$0xDEB0] =	vst v8  }
0x105: {  	v8 =	vld [tilespmem:s6+$0xDF40];
	[tilespmem:s6+$0xDEC0] =	vst v9;
	v9 =	vadd.f32 v21, v12  }
0x106: {  	v15 =	vld [tilespmem:s6+$0xDF50];
	v11 =	vmul.f32 $5.000000000e-01, v11;
	[tilespmem:s6+$0xDED0] =	vst v10;
	v10 =	vadd.f32 v22, v13  }
0x107: {  	v12 =	vld [tilespmem:s6+$0xDF60];
	v9 =	vmul.f32 $5.000000000e-01, v9;
	v6 =	vadd.f32 v24, v6  }
0x108: {  	[tilespmem:s6+$0xDEE0] =	vst v11;
	v11 =	vld [tilespmem:s6+$0xDF70];
	v13 =	vadd.f32 v23, v14;
	v10 =	vmul.f32 $5.000000000e-01, v10  }
0x109: {  	v14 =	vld [tilespmem:s6+$0xDF80];
	[tilespmem:s6+$0xDEF0] =	vst v9;
	v7 =	vadd.f32 v25, v7;
	v6 =	vmul.f32 $5.000000000e-01, v6  }
0x10a: {  	v63 =	vld [tilespmem:s6+$0xDF90];
	v9 =	vmul.f32 $5.000000000e-01, v13;
	[tilespmem:s6+$0xDF00] =	vst v10;
	v8 =	vadd.f32 v26, v8  }
0x10b: {  	v10 =	vld [tilespmem:s6+$0xDFA0];
	v7 =	vmul.f32 $5.000000000e-01, v7;
	[tilespmem:s6+$0xDF20] =	vst v6;
	v6 =	vadd.f32 v27, v15  }
0x10c: {  	v12 =	vadd.f32 v28, v12;
	[tilespmem:s6+$0xDF10] =	vst v9;
	v9 =	vld [tilespmem:s6+$0xDFB0];
	v13 =	vmul.f32 $5.000000000e-01, v8  }
0x10d: {  	v11 =	vadd.f32 v29, v11;
	v8 =	vld [tilespmem:s6+$0xDFC0];
	[tilespmem:s6+$0xDF30] =	vst v7;
	v6 =	vmul.f32 $5.000000000e-01, v6  }
0x10e: {  	v14 =	vadd.f32 v30, v14;
	[tilespmem:s6+$0xDF40] =	vst v13;
	v7 =	vld [tilespmem:s6+$0xDFD0];
	v13 =	vmul.f32 $5.000000000e-01, v12  }
0x10f: {  	s9 =	simm.s32 $0x800;
	v11 =	vmul.f32 $5.000000000e-01, v11;
	v12 =	vadd.f32 v31, v63;
	[tilespmem:s6+$0xDF50] =	vst v6;
	v6 =	vld [tilespmem:s6+$0xDFE0]  }
.LBB2_4:
0x110: {  	s10 =	sshra.s32 s9, $0x2;
	p1 =	sne.s32 s9, $0x17800;
	[tilespmem:s6+$0xDF60] =	vst v13;
	v13 =	vmul.f32 $5.000000000e-01, v14;
	v5 =	vadd.f32 v5, v10;
	v10 =	vld [tilespmem:s6+$0xDFF0]  }
0x111: {  	v14 =	vld [tilespmem:s10+$0x13E00];
	[tilespmem:s6+$0xDF70] =	vst v11;
	v11 =	vmul.f32 $5.000000000e-01, v12;
	v4 =	vadd.f32 v4, v9  }
0x112: {  	v12 =	vld [tilespmem:s10+$0x13E10];
	[tilespmem:s6+$0xDF80] =	vst v13;
	v5 =	vmul.f32 $5.000000000e-01, v5;
	v3 =	vadd.f32 v3, v8  }
0x113: {  	v13 =	vld [tilespmem:s10+$0x13E20];
	[tilespmem:s6+$0xDF90] =	vst v11;
	v4 =	vmul.f32 $5.000000000e-01, v4;
	v2 =	vadd.f32 v2, v7  }
0x114: {  	v15 =	vld [tilespmem:s10+$0x13E30];
	[tilespmem:s6+$0xDFA0] =	vst v5;
	v3 =	vmul.f32 $5.000000000e-01, v3;
	v1 =	vadd.f32 v1, v6  }
0x115: {  	v16 =	vld [tilespmem:s10+$0x13E40];
	[tilespmem:s6+$0xDFB0] =	vst v4;
	v2 =	vmul.f32 $5.000000000e-01, v2;
	v0 =	vadd.f32 v0, v10  }
0x116: {  	v17 =	vld [tilespmem:s10+$0x13E50];
	[tilespmem:s6+$0xDFC0] =	vst v3;
	v1 =	vmul.f32 $5.000000000e-01, v1  }
0x117: {  	v18 =	vld [tilespmem:s10+$0x13E60];
	[tilespmem:s6+$0xDFD0] =	vst v2;
	v0 =	vmul.f32 $5.000000000e-01, v0  }
0x118: {  	v19 =	vld [tilespmem:s10+$0x13E70];
	[tilespmem:s6+$0xDFE0] =	vst v1  }
0x119: {  	v20 =	vld [tilespmem:s10+$0x13E80];
	[tilespmem:s6+$0xDFF0] =	vst v0;
	s6 =	smov.u32 s10  }
0x11a: {  	v21 =	vld [tilespmem:s6+$0x13E90]  }
0x11b: {  	v22 =	vld [tilespmem:s6+$0x13EA0]  }
0x11c: {  	v23 =	vld [tilespmem:s6+$0x13EB0]  }
0x11d: {  	v24 =	vld [tilespmem:s6+$0x13EC0]  }
0x11e: {  	v25 =	vld [tilespmem:s6+$0x13ED0]  }
0x11f: {  	v26 =	vld [tilespmem:s6+$0x13EE0]  }
0x120: {  	v27 =	vld [tilespmem:s6+$0x13EF0]  }
0x121: {  	v28 =	vld [tilespmem:s6+$0x13F00]  }
0x122: {  	v29 =	vld [tilespmem:s6+$0x13F10]  }
0x123: {  	v30 =	vld [tilespmem:s6+$0x13F20]  }
0x124: {  	v31 =	vld [tilespmem:s6+$0x13F30]  }
0x125: {  	v11 =	vld [tilespmem:s6+$0x13F40]  }
0x126: {  	v10 =	vld [tilespmem:s6+$0x13F50]  }
0x127: {  	v9 =	vld [tilespmem:s6+$0x13F60]  }
0x128: {  	v8 =	vld [tilespmem:s6+$0x13F70]  }
0x129: {  	v7 =	vld [tilespmem:s6+$0x13F80]  }
0x12a: {  	v6 =	vld [tilespmem:s6+$0x13F90]  }
0x12b: {  	v5 =	vld [tilespmem:s6+$0x13FA0]  }
0x12c: {  	v4 =	vld [tilespmem:s6+$0x13FB0]  }
0x12d: {  	v3 =	vld [tilespmem:s6+$0x13FC0]  }
0x12e: {  	v2 =	vld [tilespmem:s6+$0x13FD0]  }
0x12f: {  	v1 =	vld [tilespmem:s6+$0x13FE0]  }
0x130: {  	v0 =	vld [tilespmem:s6+$0x13FF0]  }
0x131: {  	v32 =	vld [tilespmem:s6+$0xDE00]  }
0x132: {  	v33 =	vld [tilespmem:s6+$0xDE10]  }
0x133: {  	v34 =	vld [tilespmem:s6+$0xDE20]  }
0x134: {  	v35 =	vld [tilespmem:s6+$0xDE30]  }
0x135: {  	v36 =	vld [tilespmem:s6+$0xDE40]  }
0x136: {  	v14 =	vadd.f32 v14, v32;
	v32 =	vld [tilespmem:s6+$0xDE50]  }
0x137: {  	v12 =	vadd.f32 v12, v33;
	v33 =	vld [tilespmem:s6+$0xDE60]  }
0x138: {  	v14 =	vmul.f32 $5.000000000e-01, v14;
	v13 =	vadd.f32 v13, v34;
	v34 =	vld [tilespmem:s6+$0xDE70]  }
0x139: {  	v12 =	vmul.f32 $5.000000000e-01, v12;
	v15 =	vadd.f32 v15, v35;
	v35 =	vld [tilespmem:s6+$0xDE80]  }
0x13a: {  	[tilespmem:s6+$0xDE00] =	vst v14;
	v13 =	vmul.f32 $5.000000000e-01, v13;
	v14 =	vadd.f32 v16, v36;
	v16 =	vld [tilespmem:s6+$0xDE90]  }
0x13b: {  	[tilespmem:s6+$0xDE10] =	vst v12;
	v12 =	vmul.f32 $5.000000000e-01, v15;
	v15 =	vadd.f32 v17, v32;
	v17 =	vld [tilespmem:s6+$0xDEA0]  }
0x13c: {  	[tilespmem:s6+$0xDE20] =	vst v13;
	v13 =	vmul.f32 $5.000000000e-01, v14;
	v14 =	vadd.f32 v18, v33;
	v18 =	vld [tilespmem:s6+$0xDEB0]  }
0x13d: {  	[tilespmem:s6+$0xDE30] =	vst v12;
	v12 =	vmul.f32 $5.000000000e-01, v15;
	v15 =	vadd.f32 v19, v34;
	v19 =	vld [tilespmem:s6+$0xDEC0]  }
0x13e: {  	[tilespmem:s6+$0xDE40] =	vst v13;
	v13 =	vmul.f32 $5.000000000e-01, v14;
	v14 =	vadd.f32 v20, v35;
	v20 =	vld [tilespmem:s6+$0xDED0]  }
0x13f: {  	[tilespmem:s6+$0xDE50] =	vst v12;
	v12 =	vmul.f32 $5.000000000e-01, v15;
	v15 =	vadd.f32 v21, v16;
	v16 =	vld [tilespmem:s6+$0xDEE0]  }
0x140: {  	[tilespmem:s6+$0xDE60] =	vst v13;
	v13 =	vmul.f32 $5.000000000e-01, v14;
	v14 =	vadd.f32 v22, v17;
	v17 =	vld [tilespmem:s6+$0xDEF0]  }
0x141: {  	[tilespmem:s6+$0xDE70] =	vst v12;
	v12 =	vmul.f32 $5.000000000e-01, v15;
	v15 =	vadd.f32 v23, v18;
	v18 =	vld [tilespmem:s6+$0xDF00]  }
0x142: {  	[tilespmem:s6+$0xDE80] =	vst v13;
	v13 =	vmul.f32 $5.000000000e-01, v14;
	v14 =	vadd.f32 v24, v19;
	v19 =	vld [tilespmem:s6+$0xDF10]  }
0x143: {  	[tilespmem:s6+$0xDE90] =	vst v12;
	v12 =	vmul.f32 $5.000000000e-01, v15;
	v15 =	vadd.f32 v25, v20;
	v20 =	vld [tilespmem:s6+$0xDF20]  }
0x144: {  	[tilespmem:s6+$0xDEA0] =	vst v13;
	v13 =	vmul.f32 $5.000000000e-01, v14;
	v14 =	vadd.f32 v26, v16;
	v16 =	vld [tilespmem:s6+$0xDF30]  }
0x145: {  	[tilespmem:s6+$0xDEB0] =	vst v12;
	v12 =	vmul.f32 $5.000000000e-01, v15;
	v15 =	vadd.f32 v27, v17;
	v17 =	vld [tilespmem:s6+$0xDF40]  }
0x146: {  	[tilespmem:s6+$0xDEC0] =	vst v13;
	v13 =	vmul.f32 $5.000000000e-01, v14;
	v14 =	vadd.f32 v28, v18;
	v18 =	vld [tilespmem:s6+$0xDF50]  }
0x147: {  	[tilespmem:s6+$0xDED0] =	vst v12;
	v12 =	vmul.f32 $5.000000000e-01, v15;
	v15 =	vadd.f32 v29, v19;
	v19 =	vld [tilespmem:s6+$0xDF60]  }
0x148: {  	[tilespmem:s6+$0xDEE0] =	vst v13;
	v13 =	vmul.f32 $5.000000000e-01, v14;
	v14 =	vadd.f32 v30, v20;
	v20 =	vld [tilespmem:s6+$0xDF70]  }
0x149: {  	[tilespmem:s6+$0xDEF0] =	vst v12;
	v12 =	vmul.f32 $5.000000000e-01, v15;
	v15 =	vadd.f32 v31, v16;
	v16 =	vld [tilespmem:s6+$0xDF80]  }
0x14a: {  	[tilespmem:s6+$0xDF00] =	vst v13;
	v13 =	vmul.f32 $5.000000000e-01, v14;
	v11 =	vadd.f32 v11, v17;
	v17 =	vld [tilespmem:s6+$0xDF90]  }
.Ltmp1:
0x14b: {  	[tilespmem:s6+$0xDF10] =	vst v12;
	v12 =	vmul.f32 $5.000000000e-01, v15;
	v14 =	vadd.f32 v10, v18;
	v10 =	vld [tilespmem:s6+$0xDFA0];
	(pc) =	sbr.rel @p1 .LBB2_4-.Ltmp1, $4  }
0x14c: {  	[tilespmem:s6+$0xDF20] =	vst v13;
	v11 =	vmul.f32 $5.000000000e-01, v11;
	v13 =	vadd.f32 v9, v19;
	v9 =	vld [tilespmem:s6+$0xDFB0]  }
0x14d: {  	[tilespmem:s6+$0xDF30] =	vst v12;
	v12 =	vmul.f32 $5.000000000e-01, v14;
	v15 =	vadd.f32 v8, v20;
	v8 =	vld [tilespmem:s6+$0xDFC0]  }
0x14e: {  	[tilespmem:s6+$0xDF40] =	vst v11;
	v13 =	vmul.f32 $5.000000000e-01, v13;
	v14 =	vadd.f32 v7, v16;
	v7 =	vld [tilespmem:s6+$0xDFD0]  }
0x14f: {  	s9 =	sadd.s32 $0x800, s9;
	[tilespmem:s6+$0xDF50] =	vst v12;
	v11 =	vmul.f32 $5.000000000e-01, v15;
	v12 =	vadd.f32 v6, v17;
	v6 =	vld [tilespmem:s6+$0xDFE0]  }
0x150: {  	[tilespmem:s6+$0xDF60] =	vst v13;
	v61 =	vmul.f32 $5.000000000e-01, v14;
	v5 =	vadd.f32 v5, v10;
	v62 =	vld [tilespmem:s6+$0xDFF0]  }
0x151: {  	[tilespmem:s6+$0xDF70] =	vst v11;
	v63 =	vmul.f32 $5.000000000e-01, v12;
	v4 =	vadd.f32 v4, v9  }
0x152: {  	[tilespmem:s6+$0xDF80] =	vst v61;
	v5 =	vmul.f32 $5.000000000e-01, v5;
	v3 =	vadd.f32 v3, v8  }
0x153: {  	[tilespmem:s6+$0xDF90] =	vst v63;
	v4 =	vmul.f32 $5.000000000e-01, v4;
	v2 =	vadd.f32 v2, v7  }
0x154: {  	[tilespmem:s6+$0xDFA0] =	vst v5;
	v3 =	vmul.f32 $5.000000000e-01, v3;
	v1 =	vadd.f32 v1, v6  }
0x155: {  	[tilespmem:s6+$0xDFB0] =	vst v4;
	v2 =	vmul.f32 $5.000000000e-01, v2;
	v0 =	vadd.f32 v0, v62  }
0x156: {  	[tilespmem:s6+$0xDFC0] =	vst v3;
	v1 =	vmul.f32 $5.000000000e-01, v1  }
0x157: {  	[tilespmem:s6+$0xDFD0] =	vst v2;
	v0 =	vmul.f32 $5.000000000e-01, v0  }
0x158: {  	[tilespmem:s6+$0xDFE0] =	vst v1  }
0x159: {  	s13 =	rddreg [dreg:$0xa];
	[tilespmem:s6+$0xDFF0] =	vst v0  }
0x15a: {  	[hbm4b:s13+s4] =	stream.linear.scatter [tilespmem:s26], [sflag:$0x4], $0x6000, $0x38;
	[tilespmem:$0x1DE00] =	vst v63  }
0x15b: {  	_ =	swait.ge [sflag:s28], $0x2000  }
0x15c: {  	[sflag:s28] =	ssyncset.done $0x0  }
0x15d: {  	s6 =	simm.s32 $0x1;
	s14 =	rddreg [dreg:$0xb];
	[sflag:s28] =	ssyncadd.s32 $0xFFFFE000  }
0x15e: {  	[hbm4b:s14+s4] =	stream.linear.scatter [tilespmem:s30], [sflag:$0x8], $0x2000, $0x38;
	[tilespmem:$0x1DE00] =	vst v63  }
.LBB2_6:
0x15f: {  	_ =	swait.ge [sflag:s19], $0x6000  }
0x160: {  	[sflag:s19] =	ssyncset.done $0x0  }
0x161: {  	[sflag:s19] =	ssyncadd.s32 $0xFFFFA000  }
0x162: {  	s9 =	sshllo.u32 s6, $0x1;
	_ =	swait.ge [sflag:s24], $0x2000  }
0x163: {  	s10 =	smul.u32 $0x30, s9;
	s9 =	sshll.u32 s9, $0xD;
	[sflag:s24] =	ssyncset.done $0x0  }
0x164: {  	s9 =	sadd.s32 s15, s9;
	[sflag:s24] =	ssyncadd.s32 $0xFFFFE000  }
0x165: {  	[tilespmem:s26], [sflag:$0x2] =	stream.indirect.gather [hbm4b:s1+s22], $0x200, s10, s22, $0xb8;
	[tilespmem:$0x1DE00] =	vst v63  }
0x166: {  	s11 =	sadd.s32 $0xF00, s10;
	s9 =	sshrl.u32 s9, $0x3  }
0x167: {  	[tilespmem:s29], [sflag:$0x2] =	stream.indirect.gather [hbm4b:s1+s22], $0x200, s11, s22, $0xb8;
	[tilespmem:$0x1DE00] =	vst v63  }
0x168: {  	s12 =	simm.s32 $0x0;
	s14 =	sadd.s32 s1, s9  }
0x169: {  	[tilespmem:s30], [sflag:$0x6] =	stream.linear.gather [hbm4b:s14+s12], $0x2000, $0x38;
	[tilespmem:$0x1DE00] =	vst v63  }
0x16a: {  	_ =	swait.ge [sflag:s20], $0x6000  }
0x16b: {  	[sflag:s20] =	ssyncset.done $0x0  }
0x16c: {  	[sflag:s20] =	ssyncadd.s32 $0xFFFFA000  }
0x16d: {  	_ =	swait.ge [sflag:s20], $0x6000  }
0x16e: {  	[sflag:s20] =	ssyncset.done $0x0  }
0x16f: {  	s11 =	simm.s32 $0x0;
	[sflag:s20] =	ssyncadd.s32 $0xFFFFA000  }
0x170: {  	v6 =	vld [tilespmem:s11+$0x7E00]  }
0x171: {  	v7 =	vld [tilespmem:s11+$0x7E10]  }
0x172: {  	v8 =	vld [tilespmem:s11+$0x7E20]  }
0x173: {  	v9 =	vld [tilespmem:s11+$0x7E30]  }
0x174: {  	v10 =	vld [tilespmem:s11+$0x7E40]  }
0x175: {  	v11 =	vld [tilespmem:s11+$0x7E50]  }
0x176: {  	v12 =	vld [tilespmem:s11+$0x7E60]  }
0x177: {  	v13 =	vld [tilespmem:s11+$0x7E70]  }
0x178: {  	v14 =	vld [tilespmem:s11+$0x7E80]  }
0x179: {  	v15 =	vld [tilespmem:s11+$0x7E90]  }
0x17a: {  	v16 =	vld [tilespmem:s11+$0x7EA0]  }
0x17b: {  	v17 =	vld [tilespmem:s11+$0x7EB0]  }
0x17c: {  	v18 =	vld [tilespmem:s11+$0x7EC0]  }
0x17d: {  	v19 =	vld [tilespmem:s11+$0x7ED0]  }
0x17e: {  	v20 =	vld [tilespmem:s11+$0x7EE0]  }
0x17f: {  	v21 =	vld [tilespmem:s11+$0x7EF0]  }
0x180: {  	v22 =	vld [tilespmem:s11+$0x7F00]  }
0x181: {  	v23 =	vld [tilespmem:s11+$0x7F10]  }
0x182: {  	v24 =	vld [tilespmem:s11+$0x7F20]  }
0x183: {  	v25 =	vld [tilespmem:s11+$0x7F30]  }
0x184: {  	v26 =	vld [tilespmem:s11+$0x7F40]  }
0x185: {  	v27 =	vld [tilespmem:s11+$0x7F50]  }
0x186: {  	v28 =	vld [tilespmem:s11+$0x7F60]  }
0x187: {  	v29 =	vld [tilespmem:s11+$0x7F70]  }
0x188: {  	v30 =	vld [tilespmem:s11+$0x7F80]  }
0x189: {  	v31 =	vld [tilespmem:s11+$0x7F90]  }
0x18a: {  	v5 =	vld [tilespmem:s11+$0x7FA0]  }
0x18b: {  	v4 =	vld [tilespmem:s11+$0x7FB0]  }
0x18c: {  	v3 =	vld [tilespmem:s11+$0x7FC0]  }
0x18d: {  	v2 =	vld [tilespmem:s11+$0x7FD0]  }
0x18e: {  	v1 =	vld [tilespmem:s11+$0x7FE0]  }
0x18f: {  	v32 =	vld [tilespmem:s11+$0x1E00]  }
0x190: {  	v33 =	vld [tilespmem:s11+$0x1E10]  }
0x191: {  	v34 =	vld [tilespmem:s11+$0x1E20]  }
0x192: {  	v35 =	vld [tilespmem:s11+$0x1E30]  }
0x193: {  	v36 =	vld [tilespmem:s11+$0x1E40]  }
0x194: {  	v61 =	vld [tilespmem:s11+$0x1E50];
	v6 =	vadd.f32 v6, v32  }
0x195: {  	v37 =	vld [tilespmem:s11+$0x1E60];
	v7 =	vadd.f32 v7, v33  }
0x196: {  	v62 =	vld [tilespmem:s11+$0x1E70];
	v8 =	vadd.f32 v8, v34;
	v6 =	vmul.f32 $5.000000000e-01, v6  }
0x197: {  	v38 =	vld [tilespmem:s11+$0x1E80];
	v9 =	vadd.f32 v9, v35;
	v7 =	vmul.f32 $5.000000000e-01, v7  }
0x198: {  	v10 =	vadd.f32 v10, v36;
	v8 =	vmul.f32 $5.000000000e-01, v8;
	[tilespmem:s11+$0x1E00] =	vst v6;
	v6 =	vld [tilespmem:s11+$0x1E90]  }
0x199: {  	v11 =	vadd.f32 v11, v61;
	v9 =	vmul.f32 $5.000000000e-01, v9;
	[tilespmem:s11+$0x1E10] =	vst v7;
	v7 =	vld [tilespmem:s11+$0x1EA0]  }
0x19a: {  	v12 =	vadd.f32 v12, v37;
	v10 =	vmul.f32 $5.000000000e-01, v10;
	[tilespmem:s11+$0x1E20] =	vst v8;
	v8 =	vld [tilespmem:s11+$0x1EB0]  }
0x19b: {  	v13 =	vadd.f32 v13, v62;
	v11 =	vmul.f32 $5.000000000e-01, v11;
	[tilespmem:s11+$0x1E30] =	vst v9;
	v9 =	vld [tilespmem:s11+$0x1EC0]  }
0x19c: {  	v14 =	vadd.f32 v14, v38;
	v12 =	vmul.f32 $5.000000000e-01, v12;
	[tilespmem:s11+$0x1E40] =	vst v10;
	v10 =	vld [tilespmem:s11+$0x1ED0]  }
0x19d: {  	v0 =	vld [tilespmem:s11+$0x7FF0];
	v13 =	vmul.f32 $5.000000000e-01, v13;
	[tilespmem:s11+$0x1E50] =	vst v11;
	v6 =	vadd.f32 v15, v6  }
0x19e: {  	v14 =	vmul.f32 $5.000000000e-01, v14;
	v11 =	vld [tilespmem:s11+$0x1EE0];
	[tilespmem:s11+$0x1E60] =	vst v12;
	v7 =	vadd.f32 v16, v7  }
0x19f: {  	v12 =	vld [tilespmem:s11+$0x1EF0];
	[tilespmem:s11+$0x1E70] =	vst v13;
	v8 =	vadd.f32 v17, v8;
	v6 =	vmul.f32 $5.000000000e-01, v6  }
0x1a0: {  	v13 =	vld [tilespmem:s11+$0x1F00];
	[tilespmem:s11+$0x1E80] =	vst v14;
	v9 =	vadd.f32 v18, v9;
	v7 =	vmul.f32 $5.000000000e-01, v7  }
0x1a1: {  	v10 =	vadd.f32 v19, v10;
	v8 =	vmul.f32 $5.000000000e-01, v8;
	[tilespmem:s11+$0x1E90] =	vst v6;
	v6 =	vld [tilespmem:s11+$0x1F20]  }
0x1a2: {  	v14 =	vld [tilespmem:s11+$0x1F10];
	v9 =	vmul.f32 $5.000000000e-01, v9;
	[tilespmem:s11+$0x1EA0] =	vst v7  }
0x1a3: {  	v11 =	vadd.f32 v20, v11;
	v10 =	vmul.f32 $5.000000000e-01, v10;
	v7 =	vld [tilespmem:s11+$0x1F30];
	[tilespmem:s11+$0x1EB0] =	vst v8  }
0x1a4: {  	v8 =	vld [tilespmem:s11+$0x1F40];
	[tilespmem:s11+$0x1EC0] =	vst v9;
	v9 =	vadd.f32 v21, v12  }
0x1a5: {  	v15 =	vld [tilespmem:s11+$0x1F50];
	v11 =	vmul.f32 $5.000000000e-01, v11;
	[tilespmem:s11+$0x1ED0] =	vst v10;
	v10 =	vadd.f32 v22, v13  }
0x1a6: {  	v12 =	vld [tilespmem:s11+$0x1F60];
	v9 =	vmul.f32 $5.000000000e-01, v9;
	v6 =	vadd.f32 v24, v6  }
0x1a7: {  	[tilespmem:s11+$0x1EE0] =	vst v11;
	v11 =	vld [tilespmem:s11+$0x1F70];
	v13 =	vadd.f32 v23, v14;
	v10 =	vmul.f32 $5.000000000e-01, v10  }
0x1a8: {  	v14 =	vld [tilespmem:s11+$0x1F80];
	[tilespmem:s11+$0x1EF0] =	vst v9;
	v7 =	vadd.f32 v25, v7;
	v6 =	vmul.f32 $5.000000000e-01, v6  }
0x1a9: {  	v63 =	vld [tilespmem:s11+$0x1F90];
	v9 =	vmul.f32 $5.000000000e-01, v13;
	[tilespmem:s11+$0x1F00] =	vst v10;
	v8 =	vadd.f32 v26, v8  }
0x1aa: {  	v10 =	vld [tilespmem:s11+$0x1FA0];
	v7 =	vmul.f32 $5.000000000e-01, v7;
	[tilespmem:s11+$0x1F20] =	vst v6;
	v6 =	vadd.f32 v27, v15  }
0x1ab: {  	v12 =	vadd.f32 v28, v12;
	[tilespmem:s11+$0x1F10] =	vst v9;
	v9 =	vld [tilespmem:s11+$0x1FB0];
	v13 =	vmul.f32 $5.000000000e-01, v8  }
0x1ac: {  	v11 =	vadd.f32 v29, v11;
	v8 =	vld [tilespmem:s11+$0x1FC0];
	[tilespmem:s11+$0x1F30] =	vst v7;
	v6 =	vmul.f32 $5.000000000e-01, v6  }
0x1ad: {  	v14 =	vadd.f32 v30, v14;
	[tilespmem:s11+$0x1F40] =	vst v13;
	v7 =	vld [tilespmem:s11+$0x1FD0];
	v13 =	vmul.f32 $5.000000000e-01, v12  }
0x1ae: {  	s13 =	simm.s32 $0x800;
	s12 =	sshll.u32 s6, $0x1;
	v11 =	vmul.f32 $5.000000000e-01, v11;
	v12 =	vadd.f32 v31, v63;
	[tilespmem:s11+$0x1F50] =	vst v6;
	v6 =	vld [tilespmem:s11+$0x1FE0]  }
.LBB2_7:
0x1af: {  	s14 =	sshra.s32 s13, $0x2;
	p1 =	sne.s32 s13, $0x17800;
	[tilespmem:s11+$0x1F60] =	vst v13;
	v13 =	vmul.f32 $5.000000000e-01, v14;
	v5 =	vadd.f32 v5, v10;
	v10 =	vld [tilespmem:s11+$0x1FF0]  }
0x1b0: {  	v14 =	vld [tilespmem:s14+$0x7E00];
	[tilespmem:s11+$0x1F70] =	vst v11;
	v11 =	vmul.f32 $5.000000000e-01, v12;
	v4 =	vadd.f32 v4, v9  }
0x1b1: {  	v12 =	vld [tilespmem:s14+$0x7E10];
	[tilespmem:s11+$0x1F80] =	vst v13;
	v5 =	vmul.f32 $5.000000000e-01, v5;
	v3 =	vadd.f32 v3, v8  }
0x1b2: {  	v13 =	vld [tilespmem:s14+$0x7E20];
	[tilespmem:s11+$0x1F90] =	vst v11;
	v4 =	vmul.f32 $5.000000000e-01, v4;
	v2 =	vadd.f32 v2, v7  }
0x1b3: {  	v15 =	vld [tilespmem:s14+$0x7E30];
	[tilespmem:s11+$0x1FA0] =	vst v5;
	v3 =	vmul.f32 $5.000000000e-01, v3;
	v1 =	vadd.f32 v1, v6  }
0x1b4: {  	v16 =	vld [tilespmem:s14+$0x7E40];
	[tilespmem:s11+$0x1FB0] =	vst v4;
	v2 =	vmul.f32 $5.000000000e-01, v2;
	v0 =	vadd.f32 v0, v10  }
0x1b5: {  	v17 =	vld [tilespmem:s14+$0x7E50];
	[tilespmem:s11+$0x1FC0] =	vst v3;
	v1 =	vmul.f32 $5.000000000e-01, v1  }
0x1b6: {  	v18 =	vld [tilespmem:s14+$0x7E60];
	[tilespmem:s11+$0x1FD0] =	vst v2;
	v0 =	vmul.f32 $5.000000000e-01, v0  }
0x1b7: {  	v19 =	vld [tilespmem:s14+$0x7E70];
	[tilespmem:s11+$0x1FE0] =	vst v1  }
0x1b8: {  	v20 =	vld [tilespmem:s14+$0x7E80];
	[tilespmem:s11+$0x1FF0] =	vst v0;
	s11 =	smov.u32 s14  }
0x1b9: {  	v21 =	vld [tilespmem:s11+$0x7E90]  }
0x1ba: {  	v22 =	vld [tilespmem:s11+$0x7EA0]  }
0x1bb: {  	v23 =	vld [tilespmem:s11+$0x7EB0]  }
0x1bc: {  	v24 =	vld [tilespmem:s11+$0x7EC0]  }
0x1bd: {  	v25 =	vld [tilespmem:s11+$0x7ED0]  }
0x1be: {  	v26 =	vld [tilespmem:s11+$0x7EE0]  }
0x1bf: {  	v27 =	vld [tilespmem:s11+$0x7EF0]  }
0x1c0: {  	v28 =	vld [tilespmem:s11+$0x7F00]  }
0x1c1: {  	v29 =	vld [tilespmem:s11+$0x7F10]  }
0x1c2: {  	v30 =	vld [tilespmem:s11+$0x7F20]  }
0x1c3: {  	v31 =	vld [tilespmem:s11+$0x7F30]  }
0x1c4: {  	v11 =	vld [tilespmem:s11+$0x7F40]  }
0x1c5: {  	v10 =	vld [tilespmem:s11+$0x7F50]  }
0x1c6: {  	v9 =	vld [tilespmem:s11+$0x7F60]  }
0x1c7: {  	v8 =	vld [tilespmem:s11+$0x7F70]  }
0x1c8: {  	v7 =	vld [tilespmem:s11+$0x7F80]  }
0x1c9: {  	v6 =	vld [tilespmem:s11+$0x7F90]  }
0x1ca: {  	v5 =	vld [tilespmem:s11+$0x7FA0]  }
0x1cb: {  	v4 =	vld [tilespmem:s11+$0x7FB0]  }
0x1cc: {  	v3 =	vld [tilespmem:s11+$0x7FC0]  }
0x1cd: {  	v2 =	vld [tilespmem:s11+$0x7FD0]  }
0x1ce: {  	v1 =	vld [tilespmem:s11+$0x7FE0]  }
0x1cf: {  	v0 =	vld [tilespmem:s11+$0x7FF0]  }
0x1d0: {  	v32 =	vld [tilespmem:s11+$0x1E00]  }
0x1d1: {  	v33 =	vld [tilespmem:s11+$0x1E10]  }
0x1d2: {  	v34 =	vld [tilespmem:s11+$0x1E20]  }
0x1d3: {  	v35 =	vld [tilespmem:s11+$0x1E30]  }
0x1d4: {  	v36 =	vld [tilespmem:s11+$0x1E40]  }
0x1d5: {  	v14 =	vadd.f32 v14, v32;
	v32 =	vld [tilespmem:s11+$0x1E50]  }
0x1d6: {  	v12 =	vadd.f32 v12, v33;
	v33 =	vld [tilespmem:s11+$0x1E60]  }
0x1d7: {  	v14 =	vmul.f32 $5.000000000e-01, v14;
	v13 =	vadd.f32 v13, v34;
	v34 =	vld [tilespmem:s11+$0x1E70]  }
0x1d8: {  	v12 =	vmul.f32 $5.000000000e-01, v12;
	v15 =	vadd.f32 v15, v35;
	v35 =	vld [tilespmem:s11+$0x1E80]  }
0x1d9: {  	[tilespmem:s11+$0x1E00] =	vst v14;
	v13 =	vmul.f32 $5.000000000e-01, v13;
	v14 =	vadd.f32 v16, v36;
	v16 =	vld [tilespmem:s11+$0x1E90]  }
0x1da: {  	[tilespmem:s11+$0x1E10] =	vst v12;
	v12 =	vmul.f32 $5.000000000e-01, v15;
	v15 =	vadd.f32 v17, v32;
	v17 =	vld [tilespmem:s11+$0x1EA0]  }
0x1db: {  	[tilespmem:s11+$0x1E20] =	vst v13;
	v13 =	vmul.f32 $5.000000000e-01, v14;
	v14 =	vadd.f32 v18, v33;
	v18 =	vld [tilespmem:s11+$0x1EB0]  }
0x1dc: {  	[tilespmem:s11+$0x1E30] =	vst v12;
	v12 =	vmul.f32 $5.000000000e-01, v15;
	v15 =	vadd.f32 v19, v34;
	v19 =	vld [tilespmem:s11+$0x1EC0]  }
0x1dd: {  	[tilespmem:s11+$0x1E40] =	vst v13;
	v13 =	vmul.f32 $5.000000000e-01, v14;
	v14 =	vadd.f32 v20, v35;
	v20 =	vld [tilespmem:s11+$0x1ED0]  }
0x1de: {  	[tilespmem:s11+$0x1E50] =	vst v12;
	v12 =	vmul.f32 $5.000000000e-01, v15;
	v15 =	vadd.f32 v21, v16;
	v16 =	vld [tilespmem:s11+$0x1EE0]  }
0x1df: {  	[tilespmem:s11+$0x1E60] =	vst v13;
	v13 =	vmul.f32 $5.000000000e-01, v14;
	v14 =	vadd.f32 v22, v17;
	v17 =	vld [tilespmem:s11+$0x1EF0]  }
0x1e0: {  	[tilespmem:s11+$0x1E70] =	vst v12;
	v12 =	vmul.f32 $5.000000000e-01, v15;
	v15 =	vadd.f32 v23, v18;
	v18 =	vld [tilespmem:s11+$0x1F00]  }
0x1e1: {  	[tilespmem:s11+$0x1E80] =	vst v13;
	v13 =	vmul.f32 $5.000000000e-01, v14;
	v14 =	vadd.f32 v24, v19;
	v19 =	vld [tilespmem:s11+$0x1F10]  }
0x1e2: {  	[tilespmem:s11+$0x1E90] =	vst v12;
	v12 =	vmul.f32 $5.000000000e-01, v15;
	v15 =	vadd.f32 v25, v20;
	v20 =	vld [tilespmem:s11+$0x1F20]  }
0x1e3: {  	[tilespmem:s11+$0x1EA0] =	vst v13;
	v13 =	vmul.f32 $5.000000000e-01, v14;
	v14 =	vadd.f32 v26, v16;
	v16 =	vld [tilespmem:s11+$0x1F30]  }
0x1e4: {  	[tilespmem:s11+$0x1EB0] =	vst v12;
	v12 =	vmul.f32 $5.000000000e-01, v15;
	v15 =	vadd.f32 v27, v17;
	v17 =	vld [tilespmem:s11+$0x1F40]  }
0x1e5: {  	[tilespmem:s11+$0x1EC0] =	vst v13;
	v13 =	vmul.f32 $5.000000000e-01, v14;
	v14 =	vadd.f32 v28, v18;
	v18 =	vld [tilespmem:s11+$0x1F50]  }
0x1e6: {  	[tilespmem:s11+$0x1ED0] =	vst v12;
	v12 =	vmul.f32 $5.000000000e-01, v15;
	v15 =	vadd.f32 v29, v19;
	v19 =	vld [tilespmem:s11+$0x1F60]  }
0x1e7: {  	[tilespmem:s11+$0x1EE0] =	vst v13;
	v13 =	vmul.f32 $5.000000000e-01, v14;
	v14 =	vadd.f32 v30, v20;
	v20 =	vld [tilespmem:s11+$0x1F70]  }
0x1e8: {  	[tilespmem:s11+$0x1EF0] =	vst v12;
	v12 =	vmul.f32 $5.000000000e-01, v15;
	v15 =	vadd.f32 v31, v16;
	v16 =	vld [tilespmem:s11+$0x1F80]  }
0x1e9: {  	[tilespmem:s11+$0x1F00] =	vst v13;
	v13 =	vmul.f32 $5.000000000e-01, v14;
	v11 =	vadd.f32 v11, v17;
	v17 =	vld [tilespmem:s11+$0x1F90]  }
.Ltmp2:
0x1ea: {  	[tilespmem:s11+$0x1F10] =	vst v12;
	v12 =	vmul.f32 $5.000000000e-01, v15;
	v14 =	vadd.f32 v10, v18;
	v10 =	vld [tilespmem:s11+$0x1FA0];
	(pc) =	sbr.rel @p1 .LBB2_7-.Ltmp2, $4  }
0x1eb: {  	[tilespmem:s11+$0x1F20] =	vst v13;
	v11 =	vmul.f32 $5.000000000e-01, v11;
	v13 =	vadd.f32 v9, v19;
	v9 =	vld [tilespmem:s11+$0x1FB0]  }
0x1ec: {  	[tilespmem:s11+$0x1F30] =	vst v12;
	v12 =	vmul.f32 $5.000000000e-01, v14;
	v15 =	vadd.f32 v8, v20;
	v8 =	vld [tilespmem:s11+$0x1FC0]  }
0x1ed: {  	[tilespmem:s11+$0x1F40] =	vst v11;
	v13 =	vmul.f32 $5.000000000e-01, v13;
	v14 =	vadd.f32 v7, v16;
	v7 =	vld [tilespmem:s11+$0x1FD0]  }
0x1ee: {  	s13 =	sadd.s32 $0x800, s13;
	[tilespmem:s11+$0x1F50] =	vst v12;
	v11 =	vmul.f32 $5.000000000e-01, v15;
	v12 =	vadd.f32 v6, v17;
	v6 =	vld [tilespmem:s11+$0x1FE0]  }
0x1ef: {  	[tilespmem:s11+$0x1F60] =	vst v13;
	v13 =	vmul.f32 $5.000000000e-01, v14;
	v5 =	vadd.f32 v5, v10;
	v10 =	vld [tilespmem:s11+$0x1FF0]  }
0x1f0: {  	[tilespmem:s11+$0x1F70] =	vst v11;
	v11 =	vmul.f32 $5.000000000e-01, v12;
	v4 =	vadd.f32 v4, v9  }
0x1f1: {  	[tilespmem:s11+$0x1F80] =	vst v13;
	v5 =	vmul.f32 $5.000000000e-01, v5;
	v3 =	vadd.f32 v3, v8  }
0x1f2: {  	[tilespmem:s11+$0x1F90] =	vst v11;
	v4 =	vmul.f32 $5.000000000e-01, v4;
	v2 =	vadd.f32 v2, v7  }
0x1f3: {  	s13 =	smul.u32 $0x60, s6;
	[tilespmem:s11+$0x1FA0] =	vst v5;
	v3 =	vmul.f32 $5.000000000e-01, v3;
	v1 =	vadd.f32 v1, v6  }
0x1f4: {  	[tilespmem:s11+$0x1FB0] =	vst v4;
	v2 =	vmul.f32 $5.000000000e-01, v2;
	v0 =	vadd.f32 v0, v10  }
0x1f5: {  	s13 =	sadd.s32 s7, s13;
	[tilespmem:s11+$0x1FC0] =	vst v3;
	v1 =	vmul.f32 $5.000000000e-01, v1  }
0x1f6: {  	s13 =	sshll.u32 s13, $0x6;
	[tilespmem:s11+$0x1FD0] =	vst v2;
	v0 =	vmul.f32 $5.000000000e-01, v0  }
0x1f7: {  	s13 =	sand.u32 $0x1FFFF880, s13;
	[tilespmem:s11+$0x1FE0] =	vst v1  }
0x1f8: {  	s14 =	sshll.u32 s6, $0xE;
	s13 =	sadd.s32 s3, s13;
	[tilespmem:s11+$0x1FF0] =	vst v0  }
0x1f9: {  	[hbm4b:s13+s4] =	stream.linear.scatter [tilespmem:s23], [sflag:$0x3], $0x6000, $0x38;
	[tilespmem:$0x1DE00] =	vst v63  }
0x1fa: {  	s11 =	sadd.s32 s15, s14;
	_ =	swait.ge [sflag:s31], $0x2000  }
0x1fb: {  	s11 =	sshrl.u32 s11, $0x3;
	[sflag:s31] =	ssyncset.done $0x0  }
0x1fc: {  	s11 =	sadd.s32 s3, s11;
	[sflag:s31] =	ssyncadd.s32 $0xFFFFE000  }
0x1fd: {  	[hbm4b:s11+s4] =	stream.linear.scatter [tilespmem:s25], [sflag:$0x7], $0x2000, $0x38;
	[tilespmem:$0x1DE00] =	vst v63  }
0x1fe: {  	_ =	swait.ge [sflag:s2], $0x6000  }
0x1ff: {  	[sflag:s2] =	ssyncset.done $0x0  }
0x200: {  	p1 =	seq.s32 s6, $0x27;
	[sflag:s2] =	ssyncadd.s32 $0xFFFFA000  }
0x201: {  	s14 =	simm.s32 @!p1 $0x1E00;
	s11 =	sadd.s32 @!p1 $0x2, s12;
	_ =	swait.ge [sflag:s0], $0x2000  }
0x202: {  	s12 =	smul.u32 @!p1 $0x30, s11;
	s11 =	sshll.u32 @!p1 s11, $0xD;
	[sflag:s0] =	ssyncset.done $0x0  }
0x203: {  	s13 =	simm.s32 @!p1 $0x30;
	s11 =	sadd.s32 @!p1 s15, s11;
	[sflag:s0] =	ssyncadd.s32 $0xFFFFE000  }
0x204: {  	[tilespmem:s14], [sflag:$0x1] =	stream.indirect.gather @!p1 [hbm4b:s1+s13], $0x200, s12, s13, $0xb8;
	[tilespmem:$0x1DE00] =	vst v63  }
0x205: {  	s11 =	sshrl.u32 @!p1 s11, $0x3;
	s12 =	sadd.s32 @!p1 $0xF00, s12;
	s14 =	simm.s32 @!p1 $0x7E00  }
0x206: {  	[tilespmem:s14], [sflag:$0x1] =	stream.indirect.gather @!p1 [hbm4b:s1+s13], $0x200, s12, s13, $0xb8;
	[tilespmem:$0x1DE00] =	vst v63  }
0x207: {  	s11 =	sadd.s32 @!p1 s1, s11;
	s12 =	simm.s32 @!p1 $0x0;
	s13 =	simm.s32 @!p1 $0x19E00  }
0x208: {  	[tilespmem:s13], [sflag:$0x5] =	stream.linear.gather @!p1 [hbm4b:s11+s12], $0x2000, $0x38;
	[tilespmem:$0x1DE00] =	vst v63  }
0x209: {  	_ =	swait.ge [sflag:s21], $0x6000  }
0x20a: {  	[sflag:s21] =	ssyncset.done $0x0  }
0x20b: {  	[sflag:s21] =	ssyncadd.s32 $0xFFFFA000  }
0x20c: {  	_ =	swait.ge [sflag:s21], $0x6000  }
0x20d: {  	[sflag:s21] =	ssyncset.done $0x0  }
0x20e: {  	s11 =	simm.s32 $0x0;
	[sflag:s21] =	ssyncadd.s32 $0xFFFFA000  }
0x20f: {  	v6 =	vld [tilespmem:s11+$0x13E00]  }
0x210: {  	v7 =	vld [tilespmem:s11+$0x13E10]  }
0x211: {  	v8 =	vld [tilespmem:s11+$0x13E20]  }
0x212: {  	v9 =	vld [tilespmem:s11+$0x13E30]  }
0x213: {  	v10 =	vld [tilespmem:s11+$0x13E40]  }
0x214: {  	v11 =	vld [tilespmem:s11+$0x13E50]  }
0x215: {  	v12 =	vld [tilespmem:s11+$0x13E60]  }
0x216: {  	v13 =	vld [tilespmem:s11+$0x13E70]  }
0x217: {  	v14 =	vld [tilespmem:s11+$0x13E80]  }
0x218: {  	v15 =	vld [tilespmem:s11+$0x13E90]  }
0x219: {  	v16 =	vld [tilespmem:s11+$0x13EA0]  }
0x21a: {  	v17 =	vld [tilespmem:s11+$0x13EB0]  }
0x21b: {  	v18 =	vld [tilespmem:s11+$0x13EC0]  }
0x21c: {  	v19 =	vld [tilespmem:s11+$0x13ED0]  }
0x21d: {  	v20 =	vld [tilespmem:s11+$0x13EE0]  }
0x21e: {  	v21 =	vld [tilespmem:s11+$0x13EF0]  }
0x21f: {  	v22 =	vld [tilespmem:s11+$0x13F00]  }
0x220: {  	v23 =	vld [tilespmem:s11+$0x13F10]  }
0x221: {  	v24 =	vld [tilespmem:s11+$0x13F20]  }
0x222: {  	v25 =	vld [tilespmem:s11+$0x13F30]  }
0x223: {  	v26 =	vld [tilespmem:s11+$0x13F40]  }
0x224: {  	v27 =	vld [tilespmem:s11+$0x13F50]  }
0x225: {  	v28 =	vld [tilespmem:s11+$0x13F60]  }
0x226: {  	v29 =	vld [tilespmem:s11+$0x13F70]  }
0x227: {  	v30 =	vld [tilespmem:s11+$0x13F80]  }
0x228: {  	v31 =	vld [tilespmem:s11+$0x13F90]  }
0x229: {  	v5 =	vld [tilespmem:s11+$0x13FA0]  }
0x22a: {  	v4 =	vld [tilespmem:s11+$0x13FB0]  }
0x22b: {  	v3 =	vld [tilespmem:s11+$0x13FC0]  }
0x22c: {  	v2 =	vld [tilespmem:s11+$0x13FD0]  }
0x22d: {  	v1 =	vld [tilespmem:s11+$0x13FE0]  }
0x22e: {  	v32 =	vld [tilespmem:s11+$0xDE00]  }
0x22f: {  	v33 =	vld [tilespmem:s11+$0xDE10]  }
0x230: {  	v34 =	vld [tilespmem:s11+$0xDE20]  }
0x231: {  	v35 =	vld [tilespmem:s11+$0xDE30]  }
0x232: {  	v36 =	vld [tilespmem:s11+$0xDE40]  }
0x233: {  	v61 =	vld [tilespmem:s11+$0xDE50];
	v6 =	vadd.f32 v6, v32  }
0x234: {  	v37 =	vld [tilespmem:s11+$0xDE60];
	v7 =	vadd.f32 v7, v33  }
0x235: {  	v62 =	vld [tilespmem:s11+$0xDE70];
	v8 =	vadd.f32 v8, v34;
	v6 =	vmul.f32 $5.000000000e-01, v6  }
0x236: {  	v38 =	vld [tilespmem:s11+$0xDE80];
	v9 =	vadd.f32 v9, v35;
	v7 =	vmul.f32 $5.000000000e-01, v7  }
0x237: {  	v10 =	vadd.f32 v10, v36;
	v8 =	vmul.f32 $5.000000000e-01, v8;
	[tilespmem:s11+$0xDE00] =	vst v6;
	v6 =	vld [tilespmem:s11+$0xDE90]  }
0x238: {  	v11 =	vadd.f32 v11, v61;
	v9 =	vmul.f32 $5.000000000e-01, v9;
	[tilespmem:s11+$0xDE10] =	vst v7;
	v7 =	vld [tilespmem:s11+$0xDEA0]  }
0x239: {  	v12 =	vadd.f32 v12, v37;
	v10 =	vmul.f32 $5.000000000e-01, v10;
	[tilespmem:s11+$0xDE20] =	vst v8;
	v8 =	vld [tilespmem:s11+$0xDEB0]  }
0x23a: {  	v13 =	vadd.f32 v13, v62;
	v11 =	vmul.f32 $5.000000000e-01, v11;
	[tilespmem:s11+$0xDE30] =	vst v9;
	v9 =	vld [tilespmem:s11+$0xDEC0]  }
0x23b: {  	v14 =	vadd.f32 v14, v38;
	v12 =	vmul.f32 $5.000000000e-01, v12;
	[tilespmem:s11+$0xDE40] =	vst v10;
	v10 =	vld [tilespmem:s11+$0xDED0]  }
0x23c: {  	v0 =	vld [tilespmem:s11+$0x13FF0];
	v13 =	vmul.f32 $5.000000000e-01, v13;
	[tilespmem:s11+$0xDE50] =	vst v11;
	v6 =	vadd.f32 v15, v6  }
0x23d: {  	v14 =	vmul.f32 $5.000000000e-01, v14;
	v11 =	vld [tilespmem:s11+$0xDEE0];
	[tilespmem:s11+$0xDE60] =	vst v12;
	v7 =	vadd.f32 v16, v7  }
0x23e: {  	v12 =	vld [tilespmem:s11+$0xDEF0];
	[tilespmem:s11+$0xDE70] =	vst v13;
	v8 =	vadd.f32 v17, v8;
	v6 =	vmul.f32 $5.000000000e-01, v6  }
0x23f: {  	v13 =	vld [tilespmem:s11+$0xDF00];
	[tilespmem:s11+$0xDE80] =	vst v14;
	v9 =	vadd.f32 v18, v9;
	v7 =	vmul.f32 $5.000000000e-01, v7  }
0x240: {  	v10 =	vadd.f32 v19, v10;
	v8 =	vmul.f32 $5.000000000e-01, v8;
	[tilespmem:s11+$0xDE90] =	vst v6;
	v6 =	vld [tilespmem:s11+$0xDF20]  }
0x241: {  	v14 =	vld [tilespmem:s11+$0xDF10];
	v9 =	vmul.f32 $5.000000000e-01, v9;
	[tilespmem:s11+$0xDEA0] =	vst v7  }
0x242: {  	v11 =	vadd.f32 v20, v11;
	v10 =	vmul.f32 $5.000000000e-01, v10;
	v7 =	vld [tilespmem:s11+$0xDF30];
	[tilespmem:s11+$0xDEB0] =	vst v8  }
0x243: {  	v8 =	vld [tilespmem:s11+$0xDF40];
	[tilespmem:s11+$0xDEC0] =	vst v9;
	v9 =	vadd.f32 v21, v12  }
0x244: {  	v15 =	vld [tilespmem:s11+$0xDF50];
	v11 =	vmul.f32 $5.000000000e-01, v11;
	[tilespmem:s11+$0xDED0] =	vst v10;
	v10 =	vadd.f32 v22, v13  }
0x245: {  	v12 =	vld [tilespmem:s11+$0xDF60];
	v9 =	vmul.f32 $5.000000000e-01, v9;
	v6 =	vadd.f32 v24, v6  }
0x246: {  	[tilespmem:s11+$0xDEE0] =	vst v11;
	v11 =	vld [tilespmem:s11+$0xDF70];
	v13 =	vadd.f32 v23, v14;
	v10 =	vmul.f32 $5.000000000e-01, v10  }
0x247: {  	v14 =	vld [tilespmem:s11+$0xDF80];
	[tilespmem:s11+$0xDEF0] =	vst v9;
	v7 =	vadd.f32 v25, v7;
	v6 =	vmul.f32 $5.000000000e-01, v6  }
0x248: {  	v63 =	vld [tilespmem:s11+$0xDF90];
	v9 =	vmul.f32 $5.000000000e-01, v13;
	[tilespmem:s11+$0xDF00] =	vst v10;
	v8 =	vadd.f32 v26, v8  }
0x249: {  	v10 =	vld [tilespmem:s11+$0xDFA0];
	v7 =	vmul.f32 $5.000000000e-01, v7;
	[tilespmem:s11+$0xDF20] =	vst v6;
	v6 =	vadd.f32 v27, v15  }
0x24a: {  	v12 =	vadd.f32 v28, v12;
	[tilespmem:s11+$0xDF10] =	vst v9;
	v9 =	vld [tilespmem:s11+$0xDFB0];
	v13 =	vmul.f32 $5.000000000e-01, v8  }
0x24b: {  	v11 =	vadd.f32 v29, v11;
	v8 =	vld [tilespmem:s11+$0xDFC0];
	[tilespmem:s11+$0xDF30] =	vst v7;
	v6 =	vmul.f32 $5.000000000e-01, v6  }
0x24c: {  	v14 =	vadd.f32 v30, v14;
	[tilespmem:s11+$0xDF40] =	vst v13;
	v7 =	vld [tilespmem:s11+$0xDFD0];
	v13 =	vmul.f32 $5.000000000e-01, v12  }
0x24d: {  	s12 =	simm.s32 $0x800;
	v11 =	vmul.f32 $5.000000000e-01, v11;
	v12 =	vadd.f32 v31, v63;
	[tilespmem:s11+$0xDF50] =	vst v6;
	v6 =	vld [tilespmem:s11+$0xDFE0]  }
.LBB2_9:
0x24e: {  	s13 =	sshra.s32 s12, $0x2;
	p1 =	sne.s32 s12, $0x17800;
	[tilespmem:s11+$0xDF60] =	vst v13;
	v13 =	vmul.f32 $5.000000000e-01, v14;
	v5 =	vadd.f32 v5, v10;
	v10 =	vld [tilespmem:s11+$0xDFF0]  }
0x24f: {  	v14 =	vld [tilespmem:s13+$0x13E00];
	[tilespmem:s11+$0xDF70] =	vst v11;
	v11 =	vmul.f32 $5.000000000e-01, v12;
	v4 =	vadd.f32 v4, v9  }
0x250: {  	v12 =	vld [tilespmem:s13+$0x13E10];
	[tilespmem:s11+$0xDF80] =	vst v13;
	v5 =	vmul.f32 $5.000000000e-01, v5;
	v3 =	vadd.f32 v3, v8  }
0x251: {  	v13 =	vld [tilespmem:s13+$0x13E20];
	[tilespmem:s11+$0xDF90] =	vst v11;
	v4 =	vmul.f32 $5.000000000e-01, v4;
	v2 =	vadd.f32 v2, v7  }
0x252: {  	v15 =	vld [tilespmem:s13+$0x13E30];
	[tilespmem:s11+$0xDFA0] =	vst v5;
	v3 =	vmul.f32 $5.000000000e-01, v3;
	v1 =	vadd.f32 v1, v6  }
0x253: {  	v16 =	vld [tilespmem:s13+$0x13E40];
	[tilespmem:s11+$0xDFB0] =	vst v4;
	v2 =	vmul.f32 $5.000000000e-01, v2;
	v0 =	vadd.f32 v0, v10  }
0x254: {  	v17 =	vld [tilespmem:s13+$0x13E50];
	[tilespmem:s11+$0xDFC0] =	vst v3;
	v1 =	vmul.f32 $5.000000000e-01, v1  }
0x255: {  	v18 =	vld [tilespmem:s13+$0x13E60];
	[tilespmem:s11+$0xDFD0] =	vst v2;
	v0 =	vmul.f32 $5.000000000e-01, v0  }
0x256: {  	v19 =	vld [tilespmem:s13+$0x13E70];
	[tilespmem:s11+$0xDFE0] =	vst v1  }
0x257: {  	v20 =	vld [tilespmem:s13+$0x13E80];
	[tilespmem:s11+$0xDFF0] =	vst v0;
	s11 =	smov.u32 s13  }
0x258: {  	v21 =	vld [tilespmem:s11+$0x13E90]  }
0x259: {  	v22 =	vld [tilespmem:s11+$0x13EA0]  }
0x25a: {  	v23 =	vld [tilespmem:s11+$0x13EB0]  }
0x25b: {  	v24 =	vld [tilespmem:s11+$0x13EC0]  }
0x25c: {  	v25 =	vld [tilespmem:s11+$0x13ED0]  }
0x25d: {  	v26 =	vld [tilespmem:s11+$0x13EE0]  }
0x25e: {  	v27 =	vld [tilespmem:s11+$0x13EF0]  }
0x25f: {  	v28 =	vld [tilespmem:s11+$0x13F00]  }
0x260: {  	v29 =	vld [tilespmem:s11+$0x13F10]  }
0x261: {  	v30 =	vld [tilespmem:s11+$0x13F20]  }
0x262: {  	v31 =	vld [tilespmem:s11+$0x13F30]  }
0x263: {  	v11 =	vld [tilespmem:s11+$0x13F40]  }
0x264: {  	v10 =	vld [tilespmem:s11+$0x13F50]  }
0x265: {  	v9 =	vld [tilespmem:s11+$0x13F60]  }
0x266: {  	v8 =	vld [tilespmem:s11+$0x13F70]  }
0x267: {  	v7 =	vld [tilespmem:s11+$0x13F80]  }
0x268: {  	v6 =	vld [tilespmem:s11+$0x13F90]  }
0x269: {  	v5 =	vld [tilespmem:s11+$0x13FA0]  }
0x26a: {  	v4 =	vld [tilespmem:s11+$0x13FB0]  }
0x26b: {  	v3 =	vld [tilespmem:s11+$0x13FC0]  }
0x26c: {  	v2 =	vld [tilespmem:s11+$0x13FD0]  }
0x26d: {  	v1 =	vld [tilespmem:s11+$0x13FE0]  }
0x26e: {  	v0 =	vld [tilespmem:s11+$0x13FF0]  }
0x26f: {  	v32 =	vld [tilespmem:s11+$0xDE00]  }
0x270: {  	v33 =	vld [tilespmem:s11+$0xDE10]  }
0x271: {  	v34 =	vld [tilespmem:s11+$0xDE20]  }
0x272: {  	v35 =	vld [tilespmem:s11+$0xDE30]  }
0x273: {  	v36 =	vld [tilespmem:s11+$0xDE40]  }
0x274: {  	v14 =	vadd.f32 v14, v32;
	v32 =	vld [tilespmem:s11+$0xDE50]  }
0x275: {  	v12 =	vadd.f32 v12, v33;
	v33 =	vld [tilespmem:s11+$0xDE60]  }
0x276: {  	v14 =	vmul.f32 $5.000000000e-01, v14;
	v13 =	vadd.f32 v13, v34;
	v34 =	vld [tilespmem:s11+$0xDE70]  }
0x277: {  	v12 =	vmul.f32 $5.000000000e-01, v12;
	v15 =	vadd.f32 v15, v35;
	v35 =	vld [tilespmem:s11+$0xDE80]  }
0x278: {  	[tilespmem:s11+$0xDE00] =	vst v14;
	v13 =	vmul.f32 $5.000000000e-01, v13;
	v14 =	vadd.f32 v16, v36;
	v16 =	vld [tilespmem:s11+$0xDE90]  }
0x279: {  	[tilespmem:s11+$0xDE10] =	vst v12;
	v12 =	vmul.f32 $5.000000000e-01, v15;
	v15 =	vadd.f32 v17, v32;
	v17 =	vld [tilespmem:s11+$0xDEA0]  }
0x27a: {  	[tilespmem:s11+$0xDE20] =	vst v13;
	v13 =	vmul.f32 $5.000000000e-01, v14;
	v14 =	vadd.f32 v18, v33;
	v18 =	vld [tilespmem:s11+$0xDEB0]  }
0x27b: {  	[tilespmem:s11+$0xDE30] =	vst v12;
	v12 =	vmul.f32 $5.000000000e-01, v15;
	v15 =	vadd.f32 v19, v34;
	v19 =	vld [tilespmem:s11+$0xDEC0]  }
0x27c: {  	[tilespmem:s11+$0xDE40] =	vst v13;
	v13 =	vmul.f32 $5.000000000e-01, v14;
	v14 =	vadd.f32 v20, v35;
	v20 =	vld [tilespmem:s11+$0xDED0]  }
0x27d: {  	[tilespmem:s11+$0xDE50] =	vst v12;
	v12 =	vmul.f32 $5.000000000e-01, v15;
	v15 =	vadd.f32 v21, v16;
	v16 =	vld [tilespmem:s11+$0xDEE0]  }
0x27e: {  	[tilespmem:s11+$0xDE60] =	vst v13;
	v13 =	vmul.f32 $5.000000000e-01, v14;
	v14 =	vadd.f32 v22, v17;
	v17 =	vld [tilespmem:s11+$0xDEF0]  }
0x27f: {  	[tilespmem:s11+$0xDE70] =	vst v12;
	v12 =	vmul.f32 $5.000000000e-01, v15;
	v15 =	vadd.f32 v23, v18;
	v18 =	vld [tilespmem:s11+$0xDF00]  }
0x280: {  	[tilespmem:s11+$0xDE80] =	vst v13;
	v13 =	vmul.f32 $5.000000000e-01, v14;
	v14 =	vadd.f32 v24, v19;
	v19 =	vld [tilespmem:s11+$0xDF10]  }
0x281: {  	[tilespmem:s11+$0xDE90] =	vst v12;
	v12 =	vmul.f32 $5.000000000e-01, v15;
	v15 =	vadd.f32 v25, v20;
	v20 =	vld [tilespmem:s11+$0xDF20]  }
0x282: {  	[tilespmem:s11+$0xDEA0] =	vst v13;
	v13 =	vmul.f32 $5.000000000e-01, v14;
	v14 =	vadd.f32 v26, v16;
	v16 =	vld [tilespmem:s11+$0xDF30]  }
0x283: {  	[tilespmem:s11+$0xDEB0] =	vst v12;
	v12 =	vmul.f32 $5.000000000e-01, v15;
	v15 =	vadd.f32 v27, v17;
	v17 =	vld [tilespmem:s11+$0xDF40]  }
0x284: {  	[tilespmem:s11+$0xDEC0] =	vst v13;
	v13 =	vmul.f32 $5.000000000e-01, v14;
	v14 =	vadd.f32 v28, v18;
	v18 =	vld [tilespmem:s11+$0xDF50]  }
0x285: {  	[tilespmem:s11+$0xDED0] =	vst v12;
	v12 =	vmul.f32 $5.000000000e-01, v15;
	v15 =	vadd.f32 v29, v19;
	v19 =	vld [tilespmem:s11+$0xDF60]  }
0x286: {  	[tilespmem:s11+$0xDEE0] =	vst v13;
	v13 =	vmul.f32 $5.000000000e-01, v14;
	v14 =	vadd.f32 v30, v20;
	v20 =	vld [tilespmem:s11+$0xDF70]  }
0x287: {  	[tilespmem:s11+$0xDEF0] =	vst v12;
	v12 =	vmul.f32 $5.000000000e-01, v15;
	v15 =	vadd.f32 v31, v16;
	v16 =	vld [tilespmem:s11+$0xDF80]  }
0x288: {  	[tilespmem:s11+$0xDF00] =	vst v13;
	v13 =	vmul.f32 $5.000000000e-01, v14;
	v11 =	vadd.f32 v11, v17;
	v17 =	vld [tilespmem:s11+$0xDF90]  }
.Ltmp3:
0x289: {  	[tilespmem:s11+$0xDF10] =	vst v12;
	v12 =	vmul.f32 $5.000000000e-01, v15;
	v14 =	vadd.f32 v10, v18;
	v10 =	vld [tilespmem:s11+$0xDFA0];
	(pc) =	sbr.rel @p1 .LBB2_9-.Ltmp3, $4  }
0x28a: {  	[tilespmem:s11+$0xDF20] =	vst v13;
	v11 =	vmul.f32 $5.000000000e-01, v11;
	v13 =	vadd.f32 v9, v19;
	v9 =	vld [tilespmem:s11+$0xDFB0]  }
0x28b: {  	[tilespmem:s11+$0xDF30] =	vst v12;
	v12 =	vmul.f32 $5.000000000e-01, v14;
	v15 =	vadd.f32 v8, v20;
	v8 =	vld [tilespmem:s11+$0xDFC0]  }
0x28c: {  	[tilespmem:s11+$0xDF40] =	vst v11;
	v13 =	vmul.f32 $5.000000000e-01, v13;
	v14 =	vadd.f32 v7, v16;
	v7 =	vld [tilespmem:s11+$0xDFD0]  }
0x28d: {  	s12 =	sadd.s32 $0x800, s12;
	[tilespmem:s11+$0xDF50] =	vst v12;
	v11 =	vmul.f32 $5.000000000e-01, v15;
	v12 =	vadd.f32 v6, v17;
	v6 =	vld [tilespmem:s11+$0xDFE0]  }
0x28e: {  	[tilespmem:s11+$0xDF60] =	vst v13;
	v61 =	vmul.f32 $5.000000000e-01, v14;
	v5 =	vadd.f32 v5, v10;
	v62 =	vld [tilespmem:s11+$0xDFF0]  }
0x28f: {  	[tilespmem:s11+$0xDF70] =	vst v11;
	v63 =	vmul.f32 $5.000000000e-01, v12;
	v4 =	vadd.f32 v4, v9  }
0x290: {  	[tilespmem:s11+$0xDF80] =	vst v61;
	v5 =	vmul.f32 $5.000000000e-01, v5;
	v3 =	vadd.f32 v3, v8  }
0x291: {  	[tilespmem:s11+$0xDF90] =	vst v63;
	v4 =	vmul.f32 $5.000000000e-01, v4;
	v2 =	vadd.f32 v2, v7  }
0x292: {  	[tilespmem:s11+$0xDFA0] =	vst v5;
	v3 =	vmul.f32 $5.000000000e-01, v3;
	v1 =	vadd.f32 v1, v6  }
0x293: {  	[tilespmem:s11+$0xDFB0] =	vst v4;
	v2 =	vmul.f32 $5.000000000e-01, v2;
	v0 =	vadd.f32 v0, v62  }
0x294: {  	s10 =	sadd.s32 s7, s10;
	[tilespmem:s11+$0xDFC0] =	vst v3;
	v1 =	vmul.f32 $5.000000000e-01, v1  }
0x295: {  	s10 =	sshll.u32 s10, $0x6;
	[tilespmem:s11+$0xDFD0] =	vst v2;
	v0 =	vmul.f32 $5.000000000e-01, v0  }
0x296: {  	s6 =	sadd.s32 $0x1, s6;
	s10 =	sand.u32 $0x1FFFFC80, s10;
	[tilespmem:s11+$0xDFE0] =	vst v1  }
0x297: {  	p1 =	sne.s32 s6, $0x28;
	s10 =	sadd.s32 s3, s10;
	[tilespmem:s11+$0xDFF0] =	vst v0  }
0x298: {  	[hbm4b:s10+s4] =	stream.linear.scatter [tilespmem:s26], [sflag:$0x4], $0x6000, $0x38;
	[tilespmem:$0x1DE00] =	vst v63  }
.Ltmp4:
0x299: {  	_ = 	snop;
	(pc) =	sbr.rel @p1 .LBB2_6-.Ltmp4, $4  }
0x29a: {  	_ =	swait.ge [sflag:s28], $0x2000  }
0x29b: {  	[sflag:s28] =	ssyncset.done $0x0  }
0x29c: {  	s9 =	sadd.s32 s3, s9;
	[sflag:s28] =	ssyncadd.s32 $0xFFFFE000  }
0x29d: {  	[hbm4b:s9+s4] =	stream.linear.scatter [tilespmem:s30], [sflag:$0x8], $0x2000, $0x38;
	[tilespmem:$0x1DE00] =	vst v63  }
0x29e: {  	_ =	swait.ge [sflag:s19], $0x6000  }
0x29f: {  	[sflag:s19] =	ssyncset.done $0x0  }
0x2a0: {  	[sflag:s19] =	ssyncadd.s32 $0xFFFFA000  }
0x2a1: {  	_ =	swait.ge [sflag:s24], $0x2000  }
0x2a2: {  	s6 =	simm.s32 @!p0 $0x0;
	[sflag:s24] =	ssyncset.done $0x0  }
0x2a3: {  	s9 =	simm.s32 @!p0 $0x19E00;
	s10 =	simm.s32 @!p0 $0x9;
	[sflag:s24] =	ssyncadd.s32 $0xFFFFE000  }
0x2a4: {  	[tilespmem:s9], [sflag:$0x9] =	stream.linear.gather @!p0 [hbm4b:s16+s6], $0x400, $0x38;
	[tilespmem:$0x1DE00] =	vst v63  }
0x2a5: {  	s5 =	sadd.s32 $0x1, s5;
	_ =	swait.ge @!p0 [sflag:s10], $0x400  }
0x2a6: {  	p1 =	sne.s32 s5, s18;
	[sflag:s10] =	ssyncset.done @!p0 $0x0  }
.Ltmp5:
0x2a7: {  	[sflag:s10] =	ssyncadd.s32 @!p0 $0xFFFFFC00;
	(pc) =	sbr.rel @p1 .LBB2_1-.Ltmp5, $4  }
0x2a8: {  	[hbm4b:s17+s6] =	stream.linear.scatter @!p0 [tilespmem:s9], [sflag:$0x9], $0x400, $0x38;
	[tilespmem:$0x1DE00] =	vst v63  }
0x2a9: {  	_ =	swait.ge @!p0 [sflag:s10], $0x400  }
0x2aa: {  	[sflag:s10] =	ssyncset.done @!p0 $0x0  }
0x2ab: {  	s11 =	simm.s32 $0x7E00;
	[sflag:s10] =	ssyncadd.s32 @!p0 $0xFFFFFC00  }
0x2ac: {  	_ =	sfence.sel $0x180000  }
0x2ad: {  	[bflag:$0x0] =	sbarrier.arrive $0xFFFF  }
0x2ae: {  	_ =	strace $0x90000047  }
0x2af: {  	s0 =	stileid.u32;
	[bflag:$0x2] =	sbarrier.arrive $0xFFFF  }
0x2b0: {  	p0 =	sne.s32 s0, $0x0;
	s0 =	rddreg [dreg:$0x3]  }
0x2b1: {  	s0 =	sadd.s32 @!p0 $0x100000, s0  }
0x2b2: {  	[sflag:s0] =	ssyncadd.tile.s32 @!p0 $0x1;
	_ =	shalt  }
.Lfunc_end2:
_tile_overlayer_lowered:
.L_overlay_start_2:
0x2b3: {  	(tag) =	ssettag $0x2  }
0x2b4: {  	s0 =	rddreg [dreg:$0x0];
	s2 =	stileid.u32  }
0x2b5: {  	s1 =	rddreg [dreg:$0x1];
	p0 =	sne.s32 s2, $0x0  }
0x2b6: {  	s3 =	rddreg [dreg:$0x2];
	[bflag:$0x3] =	sbarrier.arrive $0xFFFF;
	s2 =	simm.s32 @!p0 $0x1C09  }
0x2b7: {  	[timem:s3], [sflag:s2] =	dma.local @!p0 [hbm:s0], s1  }
0x2b8: {  	s0 =	simm.s32 @!p0 $0x9  }
0x2b9: {  	_ =	swait.ge @!p0 [sflag:s0], s1  }
0x2ba: {  	s1 =	ssub.s32 @!p0 $0x0, s1;
	[sflag:s0] =	ssyncset.done @!p0 $0x0  }
0x2bb: {  	[sflag:s0] =	ssyncadd.s32 @!p0 s1  }
0x2bc: {  	[bflag:$0x3] =	sbarrier.arrive $0xFFFF  }
0x2bd: {  	_ =	shalt  }

</sc_bundles>
